<compile_context>
chip_gen: v7x
topology: tpu7x:2x2x1
jax: 0.10.2.dev20260603
libtpu: 0.0.44.dev20260713+nightly
codegen_flags: <defaults>
</compile_context>

<pallas_src>
import functools

import jax
import jax.numpy as jnp
from jax import lax
from jax.experimental import pallas as pl
from jax.experimental.pallas import tpu as pltpu
from jax.experimental.pallas import tpu_sc as plsc

_EPS = 1e-7
_ROWS = 128
_COLS = 32768
_LANES = 16
_NBLK = _COLS // _LANES
_NWORKERS = 32
_ROWS_PER_W = _ROWS // _NWORKERS
_NEG_INF = float("-inf")


def _sortd(v):
    k, _ = plsc.sort_key_val(v, v, descending=True)
    return k


def _tophalf(a, b):
    return _sortd(jnp.maximum(a, lax.rev(b, (0,))))


def _bothhalves(a, b):
    br = lax.rev(b, (0,))
    return _sortd(jnp.maximum(a, br)), _sortd(jnp.minimum(a, br))


_GATHER_DN = lax.GatherDimensionNumbers(
    offset_dims=(), collapsed_slice_dims=(0,), start_index_map=(0,))


def _bcast_last(v):
    idx = jnp.full((_LANES, 1), _LANES - 1, jnp.int32)
    return lax.gather(v, idx, _GATHER_DN, (1,),
                      mode=lax.GatherScatterMode.PROMISE_IN_BOUNDS)


_SG = 8
_NSG = _NBLK // _SG


def _merge_block(x, s0, s1):
    h = _tophalf(x, s1)
    return _bothhalves(s0, h)


@functools.partial(
    pl.kernel,
    out_type=jax.ShapeDtypeStruct((_ROWS, _COLS), jnp.float32),
    mesh=plsc.VectorSubcoreMesh(core_axis_name="c", subcore_axis_name="s"),
    compiler_params=pltpu.CompilerParams(needs_layout_passes=False),
    scratch_types=[
        pltpu.VMEM((_COLS,), jnp.float32),
        pltpu.VMEM((_COLS,), jnp.float32),
        pltpu.VMEM((_COLS + _LANES,), jnp.float32),
        pltpu.VMEM((_NSG + _LANES,), jnp.float32),
        pltpu.VMEM((_NSG + _LANES,), jnp.int32),
        pltpu.SemaphoreType.DMA,
        pltpu.SemaphoreType.DMA,
        pltpu.SemaphoreType.DMA,
        pltpu.SemaphoreType.DMA,
    ],
)
def _sc_topk_norm(x_hbm, o_hbm, row_a, row_b, cand_buf, sgmax_buf, wl_buf,
                  sem_a, sem_b, sem_oa, sem_ob):
    wid = lax.axis_index("s") * 2 + lax.axis_index("c")
    lane_iota = lax.iota(jnp.int32, _LANES)
    row0 = wid * _ROWS_PER_W
    bufs = [row_a, row_b]
    sems = [sem_a, sem_b]
    osems = [sem_oa, sem_ob]
    ninf = jnp.full((_LANES,), _NEG_INF, jnp.float32)
    zero = jnp.zeros((_LANES,), jnp.int32)

    def process(row, row_buf, osem):
        def pass_a(i, ms):
            m0, m1 = ms
            base = i * (_SG * _LANES)
            v = [row_buf[pl.ds(base + j * _LANES, _LANES)]
                 for j in range(_SG)]
            e = jnp.maximum(jnp.maximum(v[0], v[2]), jnp.maximum(v[4], v[6]))
            o = jnp.maximum(jnp.maximum(v[1], v[3]), jnp.maximum(v[5], v[7]))
            sm = plsc.cummax(jnp.maximum(e, o))
            plsc.store_scatter(sgmax_buf,
                               [jnp.full((_LANES,), i, jnp.int32)], sm,
                               mask=lane_iota == _LANES - 1)
            return jnp.maximum(m0, e), jnp.maximum(m1, o)

        m0, m1 = lax.fori_loop(0, _NSG, pass_a, (ninf, ninf))
        g = _bcast_last(_sortd(jnp.minimum(m0, m1)))

        woff = zero
        for v in range(_NSG // _LANES):
            sgm = sgmax_buf[pl.ds(v * _LANES, _LANES)]
            m = sgm >= g
            pos = plsc.cumsum(jnp.where(m, 1, 0).astype(jnp.int32))
            plsc.store_scatter(wl_buf, [woff + pos - 1],
                               lane_iota + v * _LANES, mask=m)
            woff = woff + plsc.all_reduce_population_count(m)
        n_sg = jnp.max(woff)

        def pass_b(i, st):
            coff, base = st
            nbase = wl_buf[pl.ds(i + 1, _LANES)][0] * (_SG * _LANES)
            for j in range(_SG):
                x = row_buf[pl.ds(base + j * _LANES, _LANES)]
                m = x >= g
                pos = plsc.cumsum(jnp.where(m, 1, 0).astype(jnp.int32))
                plsc.store_scatter(cand_buf, [coff + pos - 1], x, mask=m)
                coff = coff + plsc.all_reduce_population_count(m)
            return coff, nbase

        base0 = wl_buf[pl.ds(0, _LANES)][0] * (_SG * _LANES)
        coff, _ = lax.fori_loop(0, n_sg, pass_b, (zero, base0))
        ncand = jnp.max(coff)
        nfull = ncand // _LANES

        def pass_c(k, st):
            s0, s1 = st
            x = _sortd(cand_buf[pl.ds(k * _LANES, _LANES)])
            return _merge_block(x, s0, s1)

        s0, s1 = lax.fori_loop(0, nfull, pass_c, (ninf, ninf))
        xt = cand_buf[pl.ds(nfull * _LANES, _LANES)]
        xt = jnp.where(lane_iota < (ncand - nfull * _LANES), xt, ninf)
        s0, s1 = _merge_block(_sortd(xt), s0, s1)

        dv = _bcast_last(s1) + jnp.full((_LANES,), _EPS, jnp.float32)

        def sum_c(k, acc):
            c = cand_buf[pl.ds(k * _LANES, _LANES)]
            return acc + jnp.maximum(c - dv, 0.0)

        acc = lax.fori_loop(0, nfull, sum_c,
                            jnp.zeros((_LANES,), jnp.float32))
        acc = acc + jnp.maximum(xt - dv, 0.0)
        tot = _bcast_last(plsc.cumsum(acc))
        inv = jnp.full((_LANES,), 1.0, jnp.float32) / (
            tot + jnp.full((_LANES,), _EPS, jnp.float32))

        def pass_d(i, carry):
            base = i * (_SG * _LANES)
            for j in range(_SG):
                sl = pl.ds(base + j * _LANES, _LANES)
                row_buf[sl] = jnp.maximum(row_buf[sl] - dv, 0.0) * inv
            return carry

        lax.fori_loop(0, _NSG, pass_d, 0)
        return pltpu.async_copy(row_buf, o_hbm.at[row], osem)

    out_cps = [None, None]
    cp = pltpu.async_copy(x_hbm.at[row0], bufs[0], sems[0])
    for r in range(_ROWS_PER_W):
        nxt = None
        if r + 1 < _ROWS_PER_W:
            b = (r + 1) % 2
            if out_cps[b] is not None:
                out_cps[b].wait()
                out_cps[b] = None
            nxt = pltpu.async_copy(x_hbm.at[row0 + r + 1], bufs[b], sems[b])
        cp.wait()
        out_cps[r % 2] = process(row0 + r, bufs[r % 2], osems[r % 2])
        cp = nxt
    for ocp in out_cps:
        if ocp is not None:
            ocp.wait()


def kernel(attn_raw):
    return _sc_topk_norm(attn_raw)

# --- scband reference (transcript-rebuilt; emitter-appended) ---
"""Pipeline reference for scband-sparse-attention-48172353192714 (READ-ONLY COPY).

The authoritative reference and input builder live on the scoring server;
editing this copy changes nothing except your own understanding.
"""

import jax, jax.numpy as jnp
import numpy as np

TOP_K = 32

def setup_inputs(seed: int = 0) -> dict:
    key = jax.random.key(seed)
    attn_raw = jax.random.normal(key, (128, 32768), dtype=jnp.float32)
    return {"attn_raw": attn_raw}

def reference(attn_raw):
    eps = 1e-07
    cur_mem_size = attn_raw.shape[1]
    if cur_mem_size <= TOP_K:
        delta = jnp.min(attn_raw, axis=1, keepdims=True) + eps
    else:
        topv, _ = jax.lax.top_k(attn_raw, TOP_K)
        delta = topv[:, -1:] + eps
    attn_w = attn_raw - delta
    attn_w = jnp.clip(attn_w, 0.0)
    attn_w_sum = jnp.sum(attn_w, axis=1, keepdims=True) + eps
    attn_w_normalize = attn_w / attn_w_sum
    return attn_w_normalize

if __name__ == "__main__":
    import jax
    _d = setup_inputs()
    print(jax.jit(kernel)(*tuple(_d.values())))

</pallas_src>

<mosaic_0001>
#map = affine_map<(d0, d1) -> (0, 0)>
module attributes {stable_mosaic.version = 14 : i64} {
  func.func @_sc_topk_norm(%arg0: i32, %arg1: i32, %arg2: memref<128x32768xf32, #tpu.memory_space<hbm>>, %arg3: memref<128x32768xf32, #tpu.memory_space<hbm>>, %arg4: memref<32768xf32, #tpu.memory_space<vmem>>, %arg5: memref<32768xf32, #tpu.memory_space<vmem>>, %arg6: memref<32784xf32, #tpu.memory_space<vmem>>, %arg7: memref<272xf32, #tpu.memory_space<vmem>>, %arg8: memref<272xi32, #tpu.memory_space<vmem>>, %arg9: memref<!tpu.dma_semaphore, #tpu.memory_space<semaphore_mem>>, %arg10: memref<!tpu.dma_semaphore, #tpu.memory_space<semaphore_mem>>, %arg11: memref<!tpu.dma_semaphore, #tpu.memory_space<semaphore_mem>>, %arg12: memref<!tpu.dma_semaphore, #tpu.memory_space<semaphore_mem>>) attributes {dimension_semantics = [#tpu.dimension_semantics<core_parallel>, #tpu.dimension_semantics<subcore_parallel>], iteration_bounds = array<i64: 2, 16>, scalar_prefetch = 0 : i64, scratch_operands = 9 : i64, tpu.core_type = #tpu.core_type<sc_vector_subcore>, window_params = [{transform_indices = #map}, {transform_indices = #map}]} {
    %mul3A = arith.constant 2 : i32
    %mul3A_0 = arith.muli %arg1, %mul3A : i32
    %add3A = arith.addi %mul3A_0, %arg0 : i32
    %iota3A = tpu.iota {dimensions = array<i32: 0>} : vector<16xi32>
    %mul3A_1 = arith.constant 4 : i32
    %mul3A_2 = arith.muli %add3A, %mul3A_1 : i32
    %broadcast_in_dim3A = arith.constant 0xFF800000 : f32
    %broadcast_in_dim3A_3 = vector.broadcast %broadcast_in_dim3A : f32 to vector<16xf32>
    %broadcast_in_dim3A_4 = arith.constant 0 : i32
    %broadcast_in_dim3A_5 = vector.broadcast %broadcast_in_dim3A_4 : i32 to vector<16xi32>
    %dma_start3A = arith.constant 0 : i32
    %dma_start3A_6 = tpu.memref_slice %arg2[%mul3A_2, %dma_start3A] : memref<128x32768xf32, #tpu.memory_space<hbm>> -> memref<1x32768xf32, #tpu.memory_space<hbm>>
    %dma_start3A_7 = tpu.memref_squeeze %dma_start3A_6 : memref<1x32768xf32, #tpu.memory_space<hbm>> -> memref<32768xf32, #tpu.memory_space<hbm>>
    %dma_start3A_8 = arith.constant 0 : i32
    %dma_start3A_9 = tpu.memref_slice %arg2[%mul3A_2, %dma_start3A_8] : memref<128x32768xf32, #tpu.memory_space<hbm>> -> memref<1x32768xf32, #tpu.memory_space<hbm>>
    %dma_start3A_10 = tpu.memref_squeeze %dma_start3A_9 : memref<1x32768xf32, #tpu.memory_space<hbm>> -> memref<32768xf32, #tpu.memory_space<hbm>>
    tpu.enqueue_dma source(%dma_start3A_10 : memref<32768xf32, #tpu.memory_space<hbm>>) target(%arg4 : memref<32768xf32, #tpu.memory_space<vmem>>) target_semaphore(%arg9 : memref<!tpu.dma_semaphore, #tpu.memory_space<semaphore_mem>>)
    %add3A_11 = arith.constant 0 : i32
    %add3A_12 = arith.addi %mul3A_2, %add3A_11 : i32
    %add3A_13 = arith.constant 1 : i32
    %add3A_14 = arith.addi %add3A_12, %add3A_13 : i32
    %dma_start3A_15 = arith.constant 0 : i32
    %dma_start3A_16 = tpu.memref_slice %arg2[%add3A_14, %dma_start3A_15] : memref<128x32768xf32, #tpu.memory_space<hbm>> -> memref<1x32768xf32, #tpu.memory_space<hbm>>
    %dma_start3A_17 = tpu.memref_squeeze %dma_start3A_16 : memref<1x32768xf32, #tpu.memory_space<hbm>> -> memref<32768xf32, #tpu.memory_space<hbm>>
    %dma_start3A_18 = arith.constant 0 : i32
    %dma_start3A_19 = tpu.memref_slice %arg2[%add3A_14, %dma_start3A_18] : memref<128x32768xf32, #tpu.memory_space<hbm>> -> memref<1x32768xf32, #tpu.memory_space<hbm>>
    %dma_start3A_20 = tpu.memref_squeeze %dma_start3A_19 : memref<1x32768xf32, #tpu.memory_space<hbm>> -> memref<32768xf32, #tpu.memory_space<hbm>>
    tpu.enqueue_dma source(%dma_start3A_20 : memref<32768xf32, #tpu.memory_space<hbm>>) target(%arg5 : memref<32768xf32, #tpu.memory_space<vmem>>) target_semaphore(%arg10 : memref<!tpu.dma_semaphore, #tpu.memory_space<semaphore_mem>>)
    %dma_wait3A = arith.constant 0 : i32
    %dma_wait3A_21 = tpu.memref_slice %arg2[%mul3A_2, %dma_wait3A] : memref<128x32768xf32, #tpu.memory_space<hbm>> -> memref<1x32768xf32, #tpu.memory_space<hbm>>
    %dma_wait3A_22 = tpu.memref_squeeze %dma_wait3A_21 : memref<1x32768xf32, #tpu.memory_space<hbm>> -> memref<32768xf32, #tpu.memory_space<hbm>>
    %dma_wait3A_23 = arith.constant 0 : i32
    %dma_wait3A_24 = tpu.memref_slice %arg2[%mul3A_2, %dma_wait3A_23] : memref<128x32768xf32, #tpu.memory_space<hbm>> -> memref<1x32768xf32, #tpu.memory_space<hbm>>
    %dma_wait3A_25 = tpu.memref_squeeze %dma_wait3A_24 : memref<1x32768xf32, #tpu.memory_space<hbm>> -> memref<32768xf32, #tpu.memory_space<hbm>>
    tpu.wait_dma2 semaphore(%arg9 : memref<!tpu.dma_semaphore, #tpu.memory_space<semaphore_mem>>) src(%dma_wait3A_25 : memref<32768xf32, #tpu.memory_space<hbm>>) dst(%arg4 : memref<32768xf32, #tpu.memory_space<vmem>>)
    %add3A_26 = arith.constant 0 : i32
    %add3A_27 = arith.addi %mul3A_2, %add3A_26 : i32
    %scan3A = arith.constant 0 : i32
    %scan3A_28 = arith.constant 256 : i32
    %scan3A_29 = arith.addi %scan3A, %scan3A_28 : i32
    %scan3A_30 = arith.constant 1 : i32
    %scan3A_31:2 = scf.for %scan3A_2041 = %scan3A to %scan3A_29 step %scan3A_30 iter_args(%scan3A_2042 = %broadcast_in_dim3A_3, %scan3A_2043 = %broadcast_in_dim3A_3) -> (vector<16xf32>, vector<16xf32>)  : i32 {
      %mul3A_2044 = arith.constant 128 : i32
      %mul3A_2045 = arith.muli %scan3A_2041, %mul3A_2044 : i32
      %add3A_2046 = arith.constant 0 : i32
      %add3A_2047 = arith.addi %mul3A_2045, %add3A_2046 : i32
      %get3A_2048 = arith.index_cast %add3A_2047 : i32 to index
      %get3A_2049 = tpu.vector_load %arg4[%get3A_2048] {strides = array<i32>} : memref<32768xf32, #tpu.memory_space<vmem>>, vector<16xf32>,
      %add3A_2050 = arith.constant 16 : i32
      %add3A_2051 = arith.addi %mul3A_2045, %add3A_2050 : i32
      %get3A_2052 = arith.index_cast %add3A_2051 : i32 to index
      %get3A_2053 = tpu.vector_load %arg4[%get3A_2052] {strides = array<i32>} : memref<32768xf32, #tpu.memory_space<vmem>>, vector<16xf32>,
      %add3A_2054 = arith.constant 32 : i32
      %add3A_2055 = arith.addi %mul3A_2045, %add3A_2054 : i32
      %get3A_2056 = arith.index_cast %add3A_2055 : i32 to index
      %get3A_2057 = tpu.vector_load %arg4[%get3A_2056] {strides = array<i32>} : memref<32768xf32, #tpu.memory_space<vmem>>, vector<16xf32>,
      %add3A_2058 = arith.constant 48 : i32
      %add3A_2059 = arith.addi %mul3A_2045, %add3A_2058 : i32
      %get3A_2060 = arith.index_cast %add3A_2059 : i32 to index
      %get3A_2061 = tpu.vector_load %arg4[%get3A_2060] {strides = array<i32>} : memref<32768xf32, #tpu.memory_space<vmem>>, vector<16xf32>,
      %add3A_2062 = arith.constant 64 : i32
      %add3A_2063 = arith.addi %mul3A_2045, %add3A_2062 : i32
      %get3A_2064 = arith.index_cast %add3A_2063 : i32 to index
      %get3A_2065 = tpu.vector_load %arg4[%get3A_2064] {strides = array<i32>} : memref<32768xf32, #tpu.memory_space<vmem>>, vector<16xf32>,
      %add3A_2066 = arith.constant 80 : i32
      %add3A_2067 = arith.addi %mul3A_2045, %add3A_2066 : i32
      %get3A_2068 = arith.index_cast %add3A_2067 : i32 to index
      %get3A_2069 = tpu.vector_load %arg4[%get3A_2068] {strides = array<i32>} : memref<32768xf32, #tpu.memory_space<vmem>>, vector<16xf32>,
      %add3A_2070 = arith.constant 96 : i32
      %add3A_2071 = arith.addi %mul3A_2045, %add3A_2070 : i32
      %get3A_2072 = arith.index_cast %add3A_2071 : i32 to index
      %get3A_2073 = tpu.vector_load %arg4[%get3A_2072] {strides = array<i32>} : memref<32768xf32, #tpu.memory_space<vmem>>, vector<16xf32>,
      %add3A_2074 = arith.constant 112 : i32
      %add3A_2075 = arith.addi %mul3A_2045, %add3A_2074 : i32
      %get3A_2076 = arith.index_cast %add3A_2075 : i32 to index
      %get3A_2077 = tpu.vector_load %arg4[%get3A_2076] {strides = array<i32>} : memref<32768xf32, #tpu.memory_space<vmem>>, vector<16xf32>,
      %max3A_2078 = arith.maximumf %get3A_2049, %get3A_2057 : vector<16xf32>
      %max3A_2079 = arith.maximumf %get3A_2065, %get3A_2073 : vector<16xf32>
      %max3A_2080 = arith.maximumf %max3A_2078, %max3A_2079 : vector<16xf32>
      %max3A_2081 = arith.maximumf %get3A_2053, %get3A_2061 : vector<16xf32>
      %max3A_2082 = arith.maximumf %get3A_2069, %get3A_2077 : vector<16xf32>
      %max3A_2083 = arith.maximumf %max3A_2081, %max3A_2082 : vector<16xf32>
      %max3A_2084 = arith.maximumf %max3A_2080, %max3A_2083 : vector<16xf32>
      %broadcast_in_dim3A_2085 = arith.constant true
      %broadcast_in_dim3A_2086 = vector.broadcast %broadcast_in_dim3A_2085 : i1 to vector<16xi1>
      %masked_cummax3A = tpu.scan <max>, %max3A_2084 masked %broadcast_in_dim3A_2086 : vector<16xf32>, vector<16xi1> -> vector<16xf32>
      %broadcast_in_dim3A_2087 = vector.broadcast %scan3A_2041 : i32 to vector<16xi32>
      %eq3A = arith.constant 15 : i32
      %eq3A_2088 = vector.broadcast %eq3A : i32 to vector<16xi32>
      %eq3A_2089 = arith.cmpi eq, %iota3A, %eq3A_2088 : vector<16xi32>
      tpu.vector_store_idx %arg7[%broadcast_in_dim3A_2087], %masked_cummax3A masked %eq3A_2089 : memref<272xf32, #tpu.memory_space<vmem>>[vector<16xi32>], vector<16xf32>, vector<16xi1>
      %max3A_2090 = arith.maximumf %scan3A_2042, %max3A_2080 : vector<16xf32>
      %max3A_2091 = arith.maximumf %scan3A_2043, %max3A_2083 : vector<16xf32>
      scf.yield %max3A_2090, %max3A_2091 : vector<16xf32>, vector<16xf32>
    }
    %scan3A_32 = arith.constant 256 : i32
    %min3A = arith.minimumf %scan3A_31#0, %scan3A_31#1 : vector<16xf32>
    %masked_sort3A = arith.constant dense<true> : vector<16xi1>
    %masked_sort3A_33, %masked_sort3A_34, %masked_sort3A_35 = tpu.sort %min3A, %min3A masked %masked_sort3A {descending = true} : (vector<16xf32>, vector<16xf32>, vector<16xi1>) -> (vector<16xi1>, vector<16xf32>, vector<16xf32>)
    %broadcast_in_dim3A_36 = arith.constant 15 : i32
    %broadcast_in_dim3A_37 = vector.broadcast %broadcast_in_dim3A_36 : i32 to vector<16x1xi32>
    %gather3A = vector.shape_cast %broadcast_in_dim3A_37 : vector<16x1xi32> to vector<16xi32>
    %gather3A_38 = tpu.dynamic_gather %masked_sort3A_34[%gather3A] in [0] : vector<16xf32>, vector<16xi32> -> vector<16xf32>
    %get3A = arith.constant 0 : index
    %get3A_39 = tpu.vector_load %arg7[%get3A] {strides = array<i32>} : memref<272xf32, #tpu.memory_space<vmem>>, vector<16xf32>,
    %ge3A = arith.cmpf oge, %get3A_39, %gather3A_38 : vector<16xf32>
    %jit3A = arith.constant 1 : i32
    %jit3A_40 = arith.constant 0 : i32
    %broadcast_in_dim3A_41 = vector.broadcast %jit3A : i32 to vector<16xi32>
    %broadcast_in_dim3A_42 = vector.broadcast %jit3A_40 : i32 to vector<16xi32>
    %select_n3A = arith.select %ge3A, %broadcast_in_dim3A_41, %broadcast_in_dim3A_42 : vector<16xi1>, vector<16xi32>
    %broadcast_in_dim3A_43 = arith.constant true
    %broadcast_in_dim3A_44 = vector.broadcast %broadcast_in_dim3A_43 : i1 to vector<16xi1>
    %masked_cumsum3A = tpu.scan <sum>, %select_n3A masked %broadcast_in_dim3A_44 : vector<16xi32>, vector<16xi1> -> vector<16xi32>
    %add3A_45 = arith.addi %broadcast_in_dim3A_5, %masked_cumsum3A : vector<16xi32>
    %sub3A = arith.constant 1 : i32
    %sub3A_46 = vector.broadcast %sub3A : i32 to vector<16xi32>
    %sub3A_47 = arith.subi %add3A_45, %sub3A_46 : vector<16xi32>
    %add3A_48 = arith.constant 0 : i32
    %add3A_49 = vector.broadcast %add3A_48 : i32 to vector<16xi32>
    %add3A_50 = arith.addi %iota3A, %add3A_49 : vector<16xi32>
    tpu.vector_store_idx %arg8[%sub3A_47], %add3A_50 masked %ge3A : memref<272xi32, #tpu.memory_space<vmem>>[vector<16xi32>], vector<16xi32>, vector<16xi1>
    %all_reduce_population_count3A = tpu.all_reduce %ge3A {dim = 0 : i64, kind = #tpu.reduction_kind<sum>} : vector<16xi1> -> vector<16xi32>
    %add3A_51 = arith.addi %broadcast_in_dim3A_5, %all_reduce_population_count3A : vector<16xi32>
    %get3A_52 = arith.constant 16 : index
    %get3A_53 = tpu.vector_load %arg7[%get3A_52] {strides = array<i32>} : memref<272xf32, #tpu.memory_space<vmem>>, vector<16xf32>,
    %ge3A_54 = arith.cmpf oge, %get3A_53, %gather3A_38 : vector<16xf32>
    %jit3A_55 = arith.constant 1 : i32
    %jit3A_56 = arith.constant 0 : i32
    %broadcast_in_dim3A_57 = vector.broadcast %jit3A_55 : i32 to vector<16xi32>
    %broadcast_in_dim3A_58 = vector.broadcast %jit3A_56 : i32 to vector<16xi32>
    %select_n3A_59 = arith.select %ge3A_54, %broadcast_in_dim3A_57, %broadcast_in_dim3A_58 : vector<16xi1>, vector<16xi32>
    %broadcast_in_dim3A_60 = arith.constant true
    %broadcast_in_dim3A_61 = vector.broadcast %broadcast_in_dim3A_60 : i1 to vector<16xi1>
    %masked_cumsum3A_62 = tpu.scan <sum>, %select_n3A_59 masked %broadcast_in_dim3A_61 : vector<16xi32>, vector<16xi1> -> vector<16xi32>
    %add3A_63 = arith.addi %add3A_51, %masked_cumsum3A_62 : vector<16xi32>
    %sub3A_64 = arith.constant 1 : i32
    %sub3A_65 = vector.broadcast %sub3A_64 : i32 to vector<16xi32>
    %sub3A_66 = arith.subi %add3A_63, %sub3A_65 : vector<16xi32>
    %add3A_67 = arith.constant 16 : i32
    %add3A_68 = vector.broadcast %add3A_67 : i32 to vector<16xi32>
    %add3A_69 = arith.addi %iota3A, %add3A_68 : vector<16xi32>
    tpu.vector_store_idx %arg8[%sub3A_66], %add3A_69 masked %ge3A_54 : memref<272xi32, #tpu.memory_space<vmem>>[vector<16xi32>], vector<16xi32>, vector<16xi1>
    %all_reduce_population_count3A_70 = tpu.all_reduce %ge3A_54 {dim = 0 : i64, kind = #tpu.reduction_kind<sum>} : vector<16xi1> -> vector<16xi32>
    %add3A_71 = arith.addi %add3A_51, %all_reduce_population_count3A_70 : vector<16xi32>
    %get3A_72 = arith.constant 32 : index
    %get3A_73 = tpu.vector_load %arg7[%get3A_72] {strides = array<i32>} : memref<272xf32, #tpu.memory_space<vmem>>, vector<16xf32>,
    %ge3A_74 = arith.cmpf oge, %get3A_73, %gather3A_38 : vector<16xf32>
    %jit3A_75 = arith.constant 1 : i32
    %jit3A_76 = arith.constant 0 : i32
    %broadcast_in_dim3A_77 = vector.broadcast %jit3A_75 : i32 to vector<16xi32>
    %broadcast_in_dim3A_78 = vector.broadcast %jit3A_76 : i32 to vector<16xi32>
    %select_n3A_79 = arith.select %ge3A_74, %broadcast_in_dim3A_77, %broadcast_in_dim3A_78 : vector<16xi1>, vector<16xi32>
    %broadcast_in_dim3A_80 = arith.constant true
    %broadcast_in_dim3A_81 = vector.broadcast %broadcast_in_dim3A_80 : i1 to vector<16xi1>
    %masked_cumsum3A_82 = tpu.scan <sum>, %select_n3A_79 masked %broadcast_in_dim3A_81 : vector<16xi32>, vector<16xi1> -> vector<16xi32>
    %add3A_83 = arith.addi %add3A_71, %masked_cumsum3A_82 : vector<16xi32>
    %sub3A_84 = arith.constant 1 : i32
    %sub3A_85 = vector.broadcast %sub3A_84 : i32 to vector<16xi32>
    %sub3A_86 = arith.subi %add3A_83, %sub3A_85 : vector<16xi32>
    %add3A_87 = arith.constant 32 : i32
    %add3A_88 = vector.broadcast %add3A_87 : i32 to vector<16xi32>
    %add3A_89 = arith.addi %iota3A, %add3A_88 : vector<16xi32>
    tpu.vector_store_idx %arg8[%sub3A_86], %add3A_89 masked %ge3A_74 : memref<272xi32, #tpu.memory_space<vmem>>[vector<16xi32>], vector<16xi32>, vector<16xi1>
    %all_reduce_population_count3A_90 = tpu.all_reduce %ge3A_74 {dim = 0 : i64, kind = #tpu.reduction_kind<sum>} : vector<16xi1> -> vector<16xi32>
    %add3A_91 = arith.addi %add3A_71, %all_reduce_population_count3A_90 : vector<16xi32>
    %get3A_92 = arith.constant 48 : index
    %get3A_93 = tpu.vector_load %arg7[%get3A_92] {strides = array<i32>} : memref<272xf32, #tpu.memory_space<vmem>>, vector<16xf32>,
    %ge3A_94 = arith.cmpf oge, %get3A_93, %gather3A_38 : vector<16xf32>
    %jit3A_95 = arith.constant 1 : i32
    %jit3A_96 = arith.constant 0 : i32
    %broadcast_in_dim3A_97 = vector.broadcast %jit3A_95 : i32 to vector<16xi32>
    %broadcast_in_dim3A_98 = vector.broadcast %jit3A_96 : i32 to vector<16xi32>
    %select_n3A_99 = arith.select %ge3A_94, %broadcast_in_dim3A_97, %broadcast_in_dim3A_98 : vector<16xi1>, vector<16xi32>
    %broadcast_in_dim3A_100 = arith.constant true
    %broadcast_in_dim3A_101 = vector.broadcast %broadcast_in_dim3A_100 : i1 to vector<16xi1>
    %masked_cumsum3A_102 = tpu.scan <sum>, %select_n3A_99 masked %broadcast_in_dim3A_101 : vector<16xi32>, vector<16xi1> -> vector<16xi32>
    %add3A_103 = arith.addi %add3A_91, %masked_cumsum3A_102 : vector<16xi32>
    %sub3A_104 = arith.constant 1 : i32
    %sub3A_105 = vector.broadcast %sub3A_104 : i32 to vector<16xi32>
    %sub3A_106 = arith.subi %add3A_103, %sub3A_105 : vector<16xi32>
    %add3A_107 = arith.constant 48 : i32
    %add3A_108 = vector.broadcast %add3A_107 : i32 to vector<16xi32>
    %add3A_109 = arith.addi %iota3A, %add3A_108 : vector<16xi32>
    tpu.vector_store_idx %arg8[%sub3A_106], %add3A_109 masked %ge3A_94 : memref<272xi32, #tpu.memory_space<vmem>>[vector<16xi32>], vector<16xi32>, vector<16xi1>
    %all_reduce_population_count3A_110 = tpu.all_reduce %ge3A_94 {dim = 0 : i64, kind = #tpu.reduction_kind<sum>} : vector<16xi1> -> vector<16xi32>
    %add3A_111 = arith.addi %add3A_91, %all_reduce_population_count3A_110 : vector<16xi32>
    %get3A_112 = arith.constant 64 : index
    %get3A_113 = tpu.vector_load %arg7[%get3A_112] {strides = array<i32>} : memref<272xf32, #tpu.memory_space<vmem>>, vector<16xf32>,
    %ge3A_114 = arith.cmpf oge, %get3A_113, %gather3A_38 : vector<16xf32>
    %jit3A_115 = arith.constant 1 : i32
    %jit3A_116 = arith.constant 0 : i32
    %broadcast_in_dim3A_117 = vector.broadcast %jit3A_115 : i32 to vector<16xi32>
    %broadcast_in_dim3A_118 = vector.broadcast %jit3A_116 : i32 to vector<16xi32>
    %select_n3A_119 = arith.select %ge3A_114, %broadcast_in_dim3A_117, %broadcast_in_dim3A_118 : vector<16xi1>, vector<16xi32>
    %broadcast_in_dim3A_120 = arith.constant true
    %broadcast_in_dim3A_121 = vector.broadcast %broadcast_in_dim3A_120 : i1 to vector<16xi1>
    %masked_cumsum3A_122 = tpu.scan <sum>, %select_n3A_119 masked %broadcast_in_dim3A_121 : vector<16xi32>, vector<16xi1> -> vector<16xi32>
    %add3A_123 = arith.addi %add3A_111, %masked_cumsum3A_122 : vector<16xi32>
    %sub3A_124 = arith.constant 1 : i32
    %sub3A_125 = vector.broadcast %sub3A_124 : i32 to vector<16xi32>
    %sub3A_126 = arith.subi %add3A_123, %sub3A_125 : vector<16xi32>
    %add3A_127 = arith.constant 64 : i32
    %add3A_128 = vector.broadcast %add3A_127 : i32 to vector<16xi32>
    %add3A_129 = arith.addi %iota3A, %add3A_128 : vector<16xi32>
    tpu.vector_store_idx %arg8[%sub3A_126], %add3A_129 masked %ge3A_114 : memref<272xi32, #tpu.memory_space<vmem>>[vector<16xi32>], vector<16xi32>, vector<16xi1>
    %all_reduce_population_count3A_130 = tpu.all_reduce %ge3A_114 {dim = 0 : i64, kind = #tpu.reduction_kind<sum>} : vector<16xi1> -> vector<16xi32>
    %add3A_131 = arith.addi %add3A_111, %all_reduce_population_count3A_130 : vector<16xi32>
    %get3A_132 = arith.constant 80 : index
    %get3A_133 = tpu.vector_load %arg7[%get3A_132] {strides = array<i32>} : memref<272xf32, #tpu.memory_space<vmem>>, vector<16xf32>,
    %ge3A_134 = arith.cmpf oge, %get3A_133, %gather3A_38 : vector<16xf32>
    %jit3A_135 = arith.constant 1 : i32
    %jit3A_136 = arith.constant 0 : i32
    %broadcast_in_dim3A_137 = vector.broadcast %jit3A_135 : i32 to vector<16xi32>
    %broadcast_in_dim3A_138 = vector.broadcast %jit3A_136 : i32 to vector<16xi32>
    %select_n3A_139 = arith.select %ge3A_134, %broadcast_in_dim3A_137, %broadcast_in_dim3A_138 : vector<16xi1>, vector<16xi32>
    %broadcast_in_dim3A_140 = arith.constant true
    %broadcast_in_dim3A_141 = vector.broadcast %broadcast_in_dim3A_140 : i1 to vector<16xi1>
    %masked_cumsum3A_142 = tpu.scan <sum>, %select_n3A_139 masked %broadcast_in_dim3A_141 : vector<16xi32>, vector<16xi1> -> vector<16xi32>
    %add3A_143 = arith.addi %add3A_131, %masked_cumsum3A_142 : vector<16xi32>
    %sub3A_144 = arith.constant 1 : i32
    %sub3A_145 = vector.broadcast %sub3A_144 : i32 to vector<16xi32>
    %sub3A_146 = arith.subi %add3A_143, %sub3A_145 : vector<16xi32>
    %add3A_147 = arith.constant 80 : i32
    %add3A_148 = vector.broadcast %add3A_147 : i32 to vector<16xi32>
    %add3A_149 = arith.addi %iota3A, %add3A_148 : vector<16xi32>
    tpu.vector_store_idx %arg8[%sub3A_146], %add3A_149 masked %ge3A_134 : memref<272xi32, #tpu.memory_space<vmem>>[vector<16xi32>], vector<16xi32>, vector<16xi1>
    %all_reduce_population_count3A_150 = tpu.all_reduce %ge3A_134 {dim = 0 : i64, kind = #tpu.reduction_kind<sum>} : vector<16xi1> -> vector<16xi32>
    %add3A_151 = arith.addi %add3A_131, %all_reduce_population_count3A_150 : vector<16xi32>
    %get3A_152 = arith.constant 96 : index
    %get3A_153 = tpu.vector_load %arg7[%get3A_152] {strides = array<i32>} : memref<272xf32, #tpu.memory_space<vmem>>, vector<16xf32>,
    %ge3A_154 = arith.cmpf oge, %get3A_153, %gather3A_38 : vector<16xf32>
    %jit3A_155 = arith.constant 1 : i32
    %jit3A_156 = arith.constant 0 : i32
    %broadcast_in_dim3A_157 = vector.broadcast %jit3A_155 : i32 to vector<16xi32>
    %broadcast_in_dim3A_158 = vector.broadcast %jit3A_156 : i32 to vector<16xi32>
    %select_n3A_159 = arith.select %ge3A_154, %broadcast_in_dim3A_157, %broadcast_in_dim3A_158 : vector<16xi1>, vector<16xi32>
    %broadcast_in_dim3A_160 = arith.constant true
    %broadcast_in_dim3A_161 = vector.broadcast %broadcast_in_dim3A_160 : i1 to vector<16xi1>
    %masked_cumsum3A_162 = tpu.scan <sum>, %select_n3A_159 masked %broadcast_in_dim3A_161 : vector<16xi32>, vector<16xi1> -> vector<16xi32>
    %add3A_163 = arith.addi %add3A_151, %masked_cumsum3A_162 : vector<16xi32>
    %sub3A_164 = arith.constant 1 : i32
    %sub3A_165 = vector.broadcast %sub3A_164 : i32 to vector<16xi32>
    %sub3A_166 = arith.subi %add3A_163, %sub3A_165 : vector<16xi32>
    %add3A_167 = arith.constant 96 : i32
    %add3A_168 = vector.broadcast %add3A_167 : i32 to vector<16xi32>
    %add3A_169 = arith.addi %iota3A, %add3A_168 : vector<16xi32>
    tpu.vector_store_idx %arg8[%sub3A_166], %add3A_169 masked %ge3A_154 : memref<272xi32, #tpu.memory_space<vmem>>[vector<16xi32>], vector<16xi32>, vector<16xi1>
    %all_reduce_population_count3A_170 = tpu.all_reduce %ge3A_154 {dim = 0 : i64, kind = #tpu.reduction_kind<sum>} : vector<16xi1> -> vector<16xi32>
    %add3A_171 = arith.addi %add3A_151, %all_reduce_population_count3A_170 : vector<16xi32>
    %get3A_172 = arith.constant 112 : index
    %get3A_173 = tpu.vector_load %arg7[%get3A_172] {strides = array<i32>} : memref<272xf32, #tpu.memory_space<vmem>>, vector<16xf32>,
    %ge3A_174 = arith.cmpf oge, %get3A_173, %gather3A_38 : vector<16xf32>
    %jit3A_175 = arith.constant 1 : i32
    %jit3A_176 = arith.constant 0 : i32
    %broadcast_in_dim3A_177 = vector.broadcast %jit3A_175 : i32 to vector<16xi32>
    %broadcast_in_dim3A_178 = vector.broadcast %jit3A_176 : i32 to vector<16xi32>
    %select_n3A_179 = arith.select %ge3A_174, %broadcast_in_dim3A_177, %broadcast_in_dim3A_178 : vector<16xi1>, vector<16xi32>
    %broadcast_in_dim3A_180 = arith.constant true
    %broadcast_in_dim3A_181 = vector.broadcast %broadcast_in_dim3A_180 : i1 to vector<16xi1>
    %masked_cumsum3A_182 = tpu.scan <sum>, %select_n3A_179 masked %broadcast_in_dim3A_181 : vector<16xi32>, vector<16xi1> -> vector<16xi32>
    %add3A_183 = arith.addi %add3A_171, %masked_cumsum3A_182 : vector<16xi32>
    %sub3A_184 = arith.constant 1 : i32
    %sub3A_185 = vector.broadcast %sub3A_184 : i32 to vector<16xi32>
    %sub3A_186 = arith.subi %add3A_183, %sub3A_185 : vector<16xi32>
    %add3A_187 = arith.constant 112 : i32
    %add3A_188 = vector.broadcast %add3A_187 : i32 to vector<16xi32>
    %add3A_189 = arith.addi %iota3A, %add3A_188 : vector<16xi32>
    tpu.vector_store_idx %arg8[%sub3A_186], %add3A_189 masked %ge3A_174 : memref<272xi32, #tpu.memory_space<vmem>>[vector<16xi32>], vector<16xi32>, vector<16xi1>
    %all_reduce_population_count3A_190 = tpu.all_reduce %ge3A_174 {dim = 0 : i64, kind = #tpu.reduction_kind<sum>} : vector<16xi1> -> vector<16xi32>
    %add3A_191 = arith.addi %add3A_171, %all_reduce_population_count3A_190 : vector<16xi32>
    %get3A_192 = arith.constant 128 : index
    %get3A_193 = tpu.vector_load %arg7[%get3A_192] {strides = array<i32>} : memref<272xf32, #tpu.memory_space<vmem>>, vector<16xf32>,
    %ge3A_194 = arith.cmpf oge, %get3A_193, %gather3A_38 : vector<16xf32>
    %jit3A_195 = arith.constant 1 : i32
    %jit3A_196 = arith.constant 0 : i32
    %broadcast_in_dim3A_197 = vector.broadcast %jit3A_195 : i32 to vector<16xi32>
    %broadcast_in_dim3A_198 = vector.broadcast %jit3A_196 : i32 to vector<16xi32>
    %select_n3A_199 = arith.select %ge3A_194, %broadcast_in_dim3A_197, %broadcast_in_dim3A_198 : vector<16xi1>, vector<16xi32>
    %broadcast_in_dim3A_200 = arith.constant true
    %broadcast_in_dim3A_201 = vector.broadcast %broadcast_in_dim3A_200 : i1 to vector<16xi1>
    %masked_cumsum3A_202 = tpu.scan <sum>, %select_n3A_199 masked %broadcast_in_dim3A_201 : vector<16xi32>, vector<16xi1> -> vector<16xi32>
    %add3A_203 = arith.addi %add3A_191, %masked_cumsum3A_202 : vector<16xi32>
    %sub3A_204 = arith.constant 1 : i32
    %sub3A_205 = vector.broadcast %sub3A_204 : i32 to vector<16xi32>
    %sub3A_206 = arith.subi %add3A_203, %sub3A_205 : vector<16xi32>
    %add3A_207 = arith.constant 128 : i32
    %add3A_208 = vector.broadcast %add3A_207 : i32 to vector<16xi32>
    %add3A_209 = arith.addi %iota3A, %add3A_208 : vector<16xi32>
    tpu.vector_store_idx %arg8[%sub3A_206], %add3A_209 masked %ge3A_194 : memref<272xi32, #tpu.memory_space<vmem>>[vector<16xi32>], vector<16xi32>, vector<16xi1>
    %all_reduce_population_count3A_210 = tpu.all_reduce %ge3A_194 {dim = 0 : i64, kind = #tpu.reduction_kind<sum>} : vector<16xi1> -> vector<16xi32>
    %add3A_211 = arith.addi %add3A_191, %all_reduce_population_count3A_210 : vector<16xi32>
    %get3A_212 = arith.constant 144 : index
    %get3A_213 = tpu.vector_load %arg7[%get3A_212] {strides = array<i32>} : memref<272xf32, #tpu.memory_space<vmem>>, vector<16xf32>,
    %ge3A_214 = arith.cmpf oge, %get3A_213, %gather3A_38 : vector<16xf32>
    %jit3A_215 = arith.constant 1 : i32
    %jit3A_216 = arith.constant 0 : i32
    %broadcast_in_dim3A_217 = vector.broadcast %jit3A_215 : i32 to vector<16xi32>
    %broadcast_in_dim3A_218 = vector.broadcast %jit3A_216 : i32 to vector<16xi32>
    %select_n3A_219 = arith.select %ge3A_214, %broadcast_in_dim3A_217, %broadcast_in_dim3A_218 : vector<16xi1>, vector<16xi32>
    %broadcast_in_dim3A_220 = arith.constant true
    %broadcast_in_dim3A_221 = vector.broadcast %broadcast_in_dim3A_220 : i1 to vector<16xi1>
    %masked_cumsum3A_222 = tpu.scan <sum>, %select_n3A_219 masked %broadcast_in_dim3A_221 : vector<16xi32>, vector<16xi1> -> vector<16xi32>
    %add3A_223 = arith.addi %add3A_211, %masked_cumsum3A_222 : vector<16xi32>
    %sub3A_224 = arith.constant 1 : i32
    %sub3A_225 = vector.broadcast %sub3A_224 : i32 to vector<16xi32>
    %sub3A_226 = arith.subi %add3A_223, %sub3A_225 : vector<16xi32>
    %add3A_227 = arith.constant 144 : i32
    %add3A_228 = vector.broadcast %add3A_227 : i32 to vector<16xi32>
    %add3A_229 = arith.addi %iota3A, %add3A_228 : vector<16xi32>
    tpu.vector_store_idx %arg8[%sub3A_226], %add3A_229 masked %ge3A_214 : memref<272xi32, #tpu.memory_space<vmem>>[vector<16xi32>], vector<16xi32>, vector<16xi1>
    %all_reduce_population_count3A_230 = tpu.all_reduce %ge3A_214 {dim = 0 : i64, kind = #tpu.reduction_kind<sum>} : vector<16xi1> -> vector<16xi32>
    %add3A_231 = arith.addi %add3A_211, %all_reduce_population_count3A_230 : vector<16xi32>
    %get3A_232 = arith.constant 160 : index
    %get3A_233 = tpu.vector_load %arg7[%get3A_232] {strides = array<i32>} : memref<272xf32, #tpu.memory_space<vmem>>, vector<16xf32>,
    %ge3A_234 = arith.cmpf oge, %get3A_233, %gather3A_38 : vector<16xf32>
    %jit3A_235 = arith.constant 1 : i32
    %jit3A_236 = arith.constant 0 : i32
    %broadcast_in_dim3A_237 = vector.broadcast %jit3A_235 : i32 to vector<16xi32>
    %broadcast_in_dim3A_238 = vector.broadcast %jit3A_236 : i32 to vector<16xi32>
    %select_n3A_239 = arith.select %ge3A_234, %broadcast_in_dim3A_237, %broadcast_in_dim3A_238 : vector<16xi1>, vector<16xi32>
    %broadcast_in_dim3A_240 = arith.constant true
    %broadcast_in_dim3A_241 = vector.broadcast %broadcast_in_dim3A_240 : i1 to vector<16xi1>
    %masked_cumsum3A_242 = tpu.scan <sum>, %select_n3A_239 masked %broadcast_in_dim3A_241 : vector<16xi32>, vector<16xi1> -> vector<16xi32>
    %add3A_243 = arith.addi %add3A_231, %masked_cumsum3A_242 : vector<16xi32>
    %sub3A_244 = arith.constant 1 : i32
    %sub3A_245 = vector.broadcast %sub3A_244 : i32 to vector<16xi32>
    %sub3A_246 = arith.subi %add3A_243, %sub3A_245 : vector<16xi32>
    %add3A_247 = arith.constant 160 : i32
    %add3A_248 = vector.broadcast %add3A_247 : i32 to vector<16xi32>
    %add3A_249 = arith.addi %iota3A, %add3A_248 : vector<16xi32>
    tpu.vector_store_idx %arg8[%sub3A_246], %add3A_249 masked %ge3A_234 : memref<272xi32, #tpu.memory_space<vmem>>[vector<16xi32>], vector<16xi32>, vector<16xi1>
    %all_reduce_population_count3A_250 = tpu.all_reduce %ge3A_234 {dim = 0 : i64, kind = #tpu.reduction_kind<sum>} : vector<16xi1> -> vector<16xi32>
    %add3A_251 = arith.addi %add3A_231, %all_reduce_population_count3A_250 : vector<16xi32>
    %get3A_252 = arith.constant 176 : index
    %get3A_253 = tpu.vector_load %arg7[%get3A_252] {strides = array<i32>} : memref<272xf32, #tpu.memory_space<vmem>>, vector<16xf32>,
    %ge3A_254 = arith.cmpf oge, %get3A_253, %gather3A_38 : vector<16xf32>
    %jit3A_255 = arith.constant 1 : i32
    %jit3A_256 = arith.constant 0 : i32
    %broadcast_in_dim3A_257 = vector.broadcast %jit3A_255 : i32 to vector<16xi32>
    %broadcast_in_dim3A_258 = vector.broadcast %jit3A_256 : i32 to vector<16xi32>
    %select_n3A_259 = arith.select %ge3A_254, %broadcast_in_dim3A_257, %broadcast_in_dim3A_258 : vector<16xi1>, vector<16xi32>
    %broadcast_in_dim3A_260 = arith.constant true
    %broadcast_in_dim3A_261 = vector.broadcast %broadcast_in_dim3A_260 : i1 to vector<16xi1>
    %masked_cumsum3A_262 = tpu.scan <sum>, %select_n3A_259 masked %broadcast_in_dim3A_261 : vector<16xi32>, vector<16xi1> -> vector<16xi32>
    %add3A_263 = arith.addi %add3A_251, %masked_cumsum3A_262 : vector<16xi32>
    %sub3A_264 = arith.constant 1 : i32
    %sub3A_265 = vector.broadcast %sub3A_264 : i32 to vector<16xi32>
    %sub3A_266 = arith.subi %add3A_263, %sub3A_265 : vector<16xi32>
    %add3A_267 = arith.constant 176 : i32
    %add3A_268 = vector.broadcast %add3A_267 : i32 to vector<16xi32>
    %add3A_269 = arith.addi %iota3A, %add3A_268 : vector<16xi32>
    tpu.vector_store_idx %arg8[%sub3A_266], %add3A_269 masked %ge3A_254 : memref<272xi32, #tpu.memory_space<vmem>>[vector<16xi32>], vector<16xi32>, vector<16xi1>
    %all_reduce_population_count3A_270 = tpu.all_reduce %ge3A_254 {dim = 0 : i64, kind = #tpu.reduction_kind<sum>} : vector<16xi1> -> vector<16xi32>
    %add3A_271 = arith.addi %add3A_251, %all_reduce_population_count3A_270 : vector<16xi32>
    %get3A_272 = arith.constant 192 : index
    %get3A_273 = tpu.vector_load %arg7[%get3A_272] {strides = array<i32>} : memref<272xf32, #tpu.memory_space<vmem>>, vector<16xf32>,
    %ge3A_274 = arith.cmpf oge, %get3A_273, %gather3A_38 : vector<16xf32>
    %jit3A_275 = arith.constant 1 : i32
    %jit3A_276 = arith.constant 0 : i32
    %broadcast_in_dim3A_277 = vector.broadcast %jit3A_275 : i32 to vector<16xi32>
    %broadcast_in_dim3A_278 = vector.broadcast %jit3A_276 : i32 to vector<16xi32>
    %select_n3A_279 = arith.select %ge3A_274, %broadcast_in_dim3A_277, %broadcast_in_dim3A_278 : vector<16xi1>, vector<16xi32>
    %broadcast_in_dim3A_280 = arith.constant true
    %broadcast_in_dim3A_281 = vector.broadcast %broadcast_in_dim3A_280 : i1 to vector<16xi1>
    %masked_cumsum3A_282 = tpu.scan <sum>, %select_n3A_279 masked %broadcast_in_dim3A_281 : vector<16xi32>, vector<16xi1> -> vector<16xi32>
    %add3A_283 = arith.addi %add3A_271, %masked_cumsum3A_282 : vector<16xi32>
    %sub3A_284 = arith.constant 1 : i32
    %sub3A_285 = vector.broadcast %sub3A_284 : i32 to vector<16xi32>
    %sub3A_286 = arith.subi %add3A_283, %sub3A_285 : vector<16xi32>
    %add3A_287 = arith.constant 192 : i32
    %add3A_288 = vector.broadcast %add3A_287 : i32 to vector<16xi32>
    %add3A_289 = arith.addi %iota3A, %add3A_288 : vector<16xi32>
    tpu.vector_store_idx %arg8[%sub3A_286], %add3A_289 masked %ge3A_274 : memref<272xi32, #tpu.memory_space<vmem>>[vector<16xi32>], vector<16xi32>, vector<16xi1>
    %all_reduce_population_count3A_290 = tpu.all_reduce %ge3A_274 {dim = 0 : i64, kind = #tpu.reduction_kind<sum>} : vector<16xi1> -> vector<16xi32>
    %add3A_291 = arith.addi %add3A_271, %all_reduce_population_count3A_290 : vector<16xi32>
    %get3A_292 = arith.constant 208 : index
    %get3A_293 = tpu.vector_load %arg7[%get3A_292] {strides = array<i32>} : memref<272xf32, #tpu.memory_space<vmem>>, vector<16xf32>,
    %ge3A_294 = arith.cmpf oge, %get3A_293, %gather3A_38 : vector<16xf32>
    %jit3A_295 = arith.constant 1 : i32
    %jit3A_296 = arith.constant 0 : i32
    %broadcast_in_dim3A_297 = vector.broadcast %jit3A_295 : i32 to vector<16xi32>
    %broadcast_in_dim3A_298 = vector.broadcast %jit3A_296 : i32 to vector<16xi32>
    %select_n3A_299 = arith.select %ge3A_294, %broadcast_in_dim3A_297, %broadcast_in_dim3A_298 : vector<16xi1>, vector<16xi32>
    %broadcast_in_dim3A_300 = arith.constant true
    %broadcast_in_dim3A_301 = vector.broadcast %broadcast_in_dim3A_300 : i1 to vector<16xi1>
    %masked_cumsum3A_302 = tpu.scan <sum>, %select_n3A_299 masked %broadcast_in_dim3A_301 : vector<16xi32>, vector<16xi1> -> vector<16xi32>
    %add3A_303 = arith.addi %add3A_291, %masked_cumsum3A_302 : vector<16xi32>
    %sub3A_304 = arith.constant 1 : i32
    %sub3A_305 = vector.broadcast %sub3A_304 : i32 to vector<16xi32>
    %sub3A_306 = arith.subi %add3A_303, %sub3A_305 : vector<16xi32>
    %add3A_307 = arith.constant 208 : i32
    %add3A_308 = vector.broadcast %add3A_307 : i32 to vector<16xi32>
    %add3A_309 = arith.addi %iota3A, %add3A_308 : vector<16xi32>
    tpu.vector_store_idx %arg8[%sub3A_306], %add3A_309 masked %ge3A_294 : memref<272xi32, #tpu.memory_space<vmem>>[vector<16xi32>], vector<16xi32>, vector<16xi1>
    %all_reduce_population_count3A_310 = tpu.all_reduce %ge3A_294 {dim = 0 : i64, kind = #tpu.reduction_kind<sum>} : vector<16xi1> -> vector<16xi32>
    %add3A_311 = arith.addi %add3A_291, %all_reduce_population_count3A_310 : vector<16xi32>
    %get3A_312 = arith.constant 224 : index
    %get3A_313 = tpu.vector_load %arg7[%get3A_312] {strides = array<i32>} : memref<272xf32, #tpu.memory_space<vmem>>, vector<16xf32>,
    %ge3A_314 = arith.cmpf oge, %get3A_313, %gather3A_38 : vector<16xf32>
    %jit3A_315 = arith.constant 1 : i32
    %jit3A_316 = arith.constant 0 : i32
    %broadcast_in_dim3A_317 = vector.broadcast %jit3A_315 : i32 to vector<16xi32>
    %broadcast_in_dim3A_318 = vector.broadcast %jit3A_316 : i32 to vector<16xi32>
    %select_n3A_319 = arith.select %ge3A_314, %broadcast_in_dim3A_317, %broadcast_in_dim3A_318 : vector<16xi1>, vector<16xi32>
    %broadcast_in_dim3A_320 = arith.constant true
    %broadcast_in_dim3A_321 = vector.broadcast %broadcast_in_dim3A_320 : i1 to vector<16xi1>
    %masked_cumsum3A_322 = tpu.scan <sum>, %select_n3A_319 masked %broadcast_in_dim3A_321 : vector<16xi32>, vector<16xi1> -> vector<16xi32>
    %add3A_323 = arith.addi %add3A_311, %masked_cumsum3A_322 : vector<16xi32>
    %sub3A_324 = arith.constant 1 : i32
    %sub3A_325 = vector.broadcast %sub3A_324 : i32 to vector<16xi32>
    %sub3A_326 = arith.subi %add3A_323, %sub3A_325 : vector<16xi32>
    %add3A_327 = arith.constant 224 : i32
    %add3A_328 = vector.broadcast %add3A_327 : i32 to vector<16xi32>
    %add3A_329 = arith.addi %iota3A, %add3A_328 : vector<16xi32>
    tpu.vector_store_idx %arg8[%sub3A_326], %add3A_329 masked %ge3A_314 : memref<272xi32, #tpu.memory_space<vmem>>[vector<16xi32>], vector<16xi32>, vector<16xi1>
    %all_reduce_population_count3A_330 = tpu.all_reduce %ge3A_314 {dim = 0 : i64, kind = #tpu.reduction_kind<sum>} : vector<16xi1> -> vector<16xi32>
    %add3A_331 = arith.addi %add3A_311, %all_reduce_population_count3A_330 : vector<16xi32>
    %get3A_332 = arith.constant 240 : index
    %get3A_333 = tpu.vector_load %arg7[%get3A_332] {strides = array<i32>} : memref<272xf32, #tpu.memory_space<vmem>>, vector<16xf32>,
    %ge3A_334 = arith.cmpf oge, %get3A_333, %gather3A_38 : vector<16xf32>
    %jit3A_335 = arith.constant 1 : i32
    %jit3A_336 = arith.constant 0 : i32
    %broadcast_in_dim3A_337 = vector.broadcast %jit3A_335 : i32 to vector<16xi32>
    %broadcast_in_dim3A_338 = vector.broadcast %jit3A_336 : i32 to vector<16xi32>
    %select_n3A_339 = arith.select %ge3A_334, %broadcast_in_dim3A_337, %broadcast_in_dim3A_338 : vector<16xi1>, vector<16xi32>
    %broadcast_in_dim3A_340 = arith.constant true
    %broadcast_in_dim3A_341 = vector.broadcast %broadcast_in_dim3A_340 : i1 to vector<16xi1>
    %masked_cumsum3A_342 = tpu.scan <sum>, %select_n3A_339 masked %broadcast_in_dim3A_341 : vector<16xi32>, vector<16xi1> -> vector<16xi32>
    %add3A_343 = arith.addi %add3A_331, %masked_cumsum3A_342 : vector<16xi32>
    %sub3A_344 = arith.constant 1 : i32
    %sub3A_345 = vector.broadcast %sub3A_344 : i32 to vector<16xi32>
    %sub3A_346 = arith.subi %add3A_343, %sub3A_345 : vector<16xi32>
    %add3A_347 = arith.constant 240 : i32
    %add3A_348 = vector.broadcast %add3A_347 : i32 to vector<16xi32>
    %add3A_349 = arith.addi %iota3A, %add3A_348 : vector<16xi32>
    tpu.vector_store_idx %arg8[%sub3A_346], %add3A_349 masked %ge3A_334 : memref<272xi32, #tpu.memory_space<vmem>>[vector<16xi32>], vector<16xi32>, vector<16xi1>
    %all_reduce_population_count3A_350 = tpu.all_reduce %ge3A_334 {dim = 0 : i64, kind = #tpu.reduction_kind<sum>} : vector<16xi1> -> vector<16xi32>
    %add3A_351 = arith.addi %add3A_331, %all_reduce_population_count3A_350 : vector<16xi32>
    %reduce_max3A = arith.constant true
    %reduce_max3A_352 = vector.broadcast %reduce_max3A : i1 to vector<16xi1>
    %reduce_max3A_353 = arith.constant -2147483648 : i32
    %reduce_max3A_354 = vector.broadcast %reduce_max3A_353 : i32 to vector<16xi32>
    %reduce_max3A_355 = arith.xori %add3A_351, %reduce_max3A_354 : vector<16xi32>
    %reduce_max3A_356 = tpu.scan <max>, %reduce_max3A_355 masked %reduce_max3A_352 : vector<16xi32>, vector<16xi1> -> vector<16xi32>
    %reduce_max3A_357 = arith.xori %reduce_max3A_356, %reduce_max3A_354 : vector<16xi32>
    %reduce_max3A_358 = vector.extract %reduce_max3A_357[15] : i32 from vector<16xi32>
    %get3A_359 = arith.constant 0 : index
    %get3A_360 = tpu.vector_load %arg8[%get3A_359] {strides = array<i32>} : memref<272xi32, #tpu.memory_space<vmem>>, vector<16xi32>,
    %slice3A = vector.extract_strided_slice %get3A_360 {offsets = [0], sizes = [1], strides = [1]} : vector<16xi32> to vector<1xi32>
    %squeeze3A = vector.extract %slice3A[0] : i32 from vector<1xi32>
    %mul3A_361 = arith.constant 128 : i32
    %mul3A_362 = arith.muli %squeeze3A, %mul3A_361 : i32
    %while3A = arith.constant 0 : i32
    %while3A_363 = arith.subi %reduce_max3A_358, %while3A : i32
    %while3A_364 = arith.addi %while3A, %while3A_363 : i32
    %while3A_365 = arith.constant 1 : i32
    %while3A_366 = arith.divsi %while3A_363, %while3A_365 : i32
    %while3A_367 = arith.muli %while3A_366, %while3A_365 : i32
    %while3A_368 = arith.addi %while3A, %while3A_367 : i32
    %while3A_369 = arith.constant 1 : i32
    %while3A_370:2 = scf.for %while3A_2041 = %while3A to %while3A_368 step %while3A_369 iter_args(%while3A_2042 = %broadcast_in_dim3A_5, %while3A_2043 = %mul3A_362) -> (vector<16xi32>, i32)  : i32 {
      %add3A_2044 = arith.constant 1 : i32
      %add3A_2045 = arith.addi %while3A_2041, %add3A_2044 : i32
      %get3A_2046 = arith.index_cast %add3A_2045 : i32 to index
      %get3A_2047 = tpu.vector_load %arg8[%get3A_2046] {strides = array<i32>} : memref<272xi32, #tpu.memory_space<vmem>>, vector<16xi32>,
      %slice3A_2048 = vector.extract_strided_slice %get3A_2047 {offsets = [0], sizes = [1], strides = [1]} : vector<16xi32> to vector<1xi32>
      %squeeze3A_2049 = vector.extract %slice3A_2048[0] : i32 from vector<1xi32>
      %mul3A_2050 = arith.constant 128 : i32
      %mul3A_2051 = arith.muli %squeeze3A_2049, %mul3A_2050 : i32
      %add3A_2052 = arith.constant 0 : i32
      %add3A_2053 = arith.addi %while3A_2043, %add3A_2052 : i32
      %get3A_2054 = arith.index_cast %add3A_2053 : i32 to index
      %get3A_2055 = tpu.vector_load %arg4[%get3A_2054] {strides = array<i32>} : memref<32768xf32, #tpu.memory_space<vmem>>, vector<16xf32>,
      %ge3A_2056 = arith.cmpf oge, %get3A_2055, %gather3A_38 : vector<16xf32>
      %jit3A_2057 = arith.constant 1 : i32
      %jit3A_2058 = arith.constant 0 : i32
      %broadcast_in_dim3A_2059 = vector.broadcast %jit3A_2057 : i32 to vector<16xi32>
      %broadcast_in_dim3A_2060 = vector.broadcast %jit3A_2058 : i32 to vector<16xi32>
      %select_n3A_2061 = arith.select %ge3A_2056, %broadcast_in_dim3A_2059, %broadcast_in_dim3A_2060 : vector<16xi1>, vector<16xi32>
      %broadcast_in_dim3A_2062 = arith.constant true
      %broadcast_in_dim3A_2063 = vector.broadcast %broadcast_in_dim3A_2062 : i1 to vector<16xi1>
      %masked_cumsum3A_2064 = tpu.scan <sum>, %select_n3A_2061 masked %broadcast_in_dim3A_2063 : vector<16xi32>, vector<16xi1> -> vector<16xi32>
      %add3A_2065 = arith.addi %while3A_2042, %masked_cumsum3A_2064 : vector<16xi32>
      %sub3A_2066 = arith.constant 1 : i32
      %sub3A_2067 = vector.broadcast %sub3A_2066 : i32 to vector<16xi32>
      %sub3A_2068 = arith.subi %add3A_2065, %sub3A_2067 : vector<16xi32>
      tpu.vector_store_idx %arg6[%sub3A_2068], %get3A_2055 masked %ge3A_2056 : memref<32784xf32, #tpu.memory_space<vmem>>[vector<16xi32>], vector<16xf32>, vector<16xi1>
      %all_reduce_population_count3A_2069 = tpu.all_reduce %ge3A_2056 {dim = 0 : i64, kind = #tpu.reduction_kind<sum>} : vector<16xi1> -> vector<16xi32>
      %add3A_2070 = arith.addi %while3A_2042, %all_reduce_population_count3A_2069 : vector<16xi32>
      %add3A_2071 = arith.constant 16 : i32
      %add3A_2072 = arith.addi %while3A_2043, %add3A_2071 : i32
      %get3A_2073 = arith.index_cast %add3A_2072 : i32 to index
      %get3A_2074 = tpu.vector_load %arg4[%get3A_2073] {strides = array<i32>} : memref<32768xf32, #tpu.memory_space<vmem>>, vector<16xf32>,
      %ge3A_2075 = arith.cmpf oge, %get3A_2074, %gather3A_38 : vector<16xf32>
      %jit3A_2076 = arith.constant 1 : i32
      %jit3A_2077 = arith.constant 0 : i32
      %broadcast_in_dim3A_2078 = vector.broadcast %jit3A_2076 : i32 to vector<16xi32>
      %broadcast_in_dim3A_2079 = vector.broadcast %jit3A_2077 : i32 to vector<16xi32>
      %select_n3A_2080 = arith.select %ge3A_2075, %broadcast_in_dim3A_2078, %broadcast_in_dim3A_2079 : vector<16xi1>, vector<16xi32>
      %broadcast_in_dim3A_2081 = arith.constant true
      %broadcast_in_dim3A_2082 = vector.broadcast %broadcast_in_dim3A_2081 : i1 to vector<16xi1>
      %masked_cumsum3A_2083 = tpu.scan <sum>, %select_n3A_2080 masked %broadcast_in_dim3A_2082 : vector<16xi32>, vector<16xi1> -> vector<16xi32>
      %add3A_2084 = arith.addi %add3A_2070, %masked_cumsum3A_2083 : vector<16xi32>
      %sub3A_2085 = arith.constant 1 : i32
      %sub3A_2086 = vector.broadcast %sub3A_2085 : i32 to vector<16xi32>
      %sub3A_2087 = arith.subi %add3A_2084, %sub3A_2086 : vector<16xi32>
      tpu.vector_store_idx %arg6[%sub3A_2087], %get3A_2074 masked %ge3A_2075 : memref<32784xf32, #tpu.memory_space<vmem>>[vector<16xi32>], vector<16xf32>, vector<16xi1>
      %all_reduce_population_count3A_2088 = tpu.all_reduce %ge3A_2075 {dim = 0 : i64, kind = #tpu.reduction_kind<sum>} : vector<16xi1> -> vector<16xi32>
      %add3A_2089 = arith.addi %add3A_2070, %all_reduce_population_count3A_2088 : vector<16xi32>
      %add3A_2090 = arith.constant 32 : i32
      %add3A_2091 = arith.addi %while3A_2043, %add3A_2090 : i32
      %get3A_2092 = arith.index_cast %add3A_2091 : i32 to index
      %get3A_2093 = tpu.vector_load %arg4[%get3A_2092] {strides = array<i32>} : memref<32768xf32, #tpu.memory_space<vmem>>, vector<16xf32>,
      %ge3A_2094 = arith.cmpf oge, %get3A_2093, %gather3A_38 : vector<16xf32>
      %jit3A_2095 = arith.constant 1 : i32
      %jit3A_2096 = arith.constant 0 : i32
      %broadcast_in_dim3A_2097 = vector.broadcast %jit3A_2095 : i32 to vector<16xi32>
      %broadcast_in_dim3A_2098 = vector.broadcast %jit3A_2096 : i32 to vector<16xi32>
      %select_n3A_2099 = arith.select %ge3A_2094, %broadcast_in_dim3A_2097, %broadcast_in_dim3A_2098 : vector<16xi1>, vector<16xi32>
      %broadcast_in_dim3A_2100 = arith.constant true
      %broadcast_in_dim3A_2101 = vector.broadcast %broadcast_in_dim3A_2100 : i1 to vector<16xi1>
      %masked_cumsum3A_2102 = tpu.scan <sum>, %select_n3A_2099 masked %broadcast_in_dim3A_2101 : vector<16xi32>, vector<16xi1> -> vector<16xi32>
      %add3A_2103 = arith.addi %add3A_2089, %masked_cumsum3A_2102 : vector<16xi32>
      %sub3A_2104 = arith.constant 1 : i32
      %sub3A_2105 = vector.broadcast %sub3A_2104 : i32 to vector<16xi32>
      %sub3A_2106 = arith.subi %add3A_2103, %sub3A_2105 : vector<16xi32>
      tpu.vector_store_idx %arg6[%sub3A_2106], %get3A_2093 masked %ge3A_2094 : memref<32784xf32, #tpu.memory_space<vmem>>[vector<16xi32>], vector<16xf32>, vector<16xi1>
      %all_reduce_population_count3A_2107 = tpu.all_reduce %ge3A_2094 {dim = 0 : i64, kind = #tpu.reduction_kind<sum>} : vector<16xi1> -> vector<16xi32>
      %add3A_2108 = arith.addi %add3A_2089, %all_reduce_population_count3A_2107 : vector<16xi32>
      %add3A_2109 = arith.constant 48 : i32
      %add3A_2110 = arith.addi %while3A_2043, %add3A_2109 : i32
      %get3A_2111 = arith.index_cast %add3A_2110 : i32 to index
      %get3A_2112 = tpu.vector_load %arg4[%get3A_2111] {strides = array<i32>} : memref<32768xf32, #tpu.memory_space<vmem>>, vector<16xf32>,
      %ge3A_2113 = arith.cmpf oge, %get3A_2112, %gather3A_38 : vector<16xf32>
      %jit3A_2114 = arith.constant 1 : i32
      %jit3A_2115 = arith.constant 0 : i32
      %broadcast_in_dim3A_2116 = vector.broadcast %jit3A_2114 : i32 to vector<16xi32>
      %broadcast_in_dim3A_2117 = vector.broadcast %jit3A_2115 : i32 to vector<16xi32>
      %select_n3A_2118 = arith.select %ge3A_2113, %broadcast_in_dim3A_2116, %broadcast_in_dim3A_2117 : vector<16xi1>, vector<16xi32>
      %broadcast_in_dim3A_2119 = arith.constant true
      %broadcast_in_dim3A_2120 = vector.broadcast %broadcast_in_dim3A_2119 : i1 to vector<16xi1>
      %masked_cumsum3A_2121 = tpu.scan <sum>, %select_n3A_2118 masked %broadcast_in_dim3A_2120 : vector<16xi32>, vector<16xi1> -> vector<16xi32>
      %add3A_2122 = arith.addi %add3A_2108, %masked_cumsum3A_2121 : vector<16xi32>
      %sub3A_2123 = arith.constant 1 : i32
      %sub3A_2124 = vector.broadcast %sub3A_2123 : i32 to vector<16xi32>
      %sub3A_2125 = arith.subi %add3A_2122, %sub3A_2124 : vector<16xi32>
      tpu.vector_store_idx %arg6[%sub3A_2125], %get3A_2112 masked %ge3A_2113 : memref<32784xf32, #tpu.memory_space<vmem>>[vector<16xi32>], vector<16xf32>, vector<16xi1>
      %all_reduce_population_count3A_2126 = tpu.all_reduce %ge3A_2113 {dim = 0 : i64, kind = #tpu.reduction_kind<sum>} : vector<16xi1> -> vector<16xi32>
      %add3A_2127 = arith.addi %add3A_2108, %all_reduce_population_count3A_2126 : vector<16xi32>
      %add3A_2128 = arith.constant 64 : i32
      %add3A_2129 = arith.addi %while3A_2043, %add3A_2128 : i32
      %get3A_2130 = arith.index_cast %add3A_2129 : i32 to index
      %get3A_2131 = tpu.vector_load %arg4[%get3A_2130] {strides = array<i32>} : memref<32768xf32, #tpu.memory_space<vmem>>, vector<16xf32>,
      %ge3A_2132 = arith.cmpf oge, %get3A_2131, %gather3A_38 : vector<16xf32>
      %jit3A_2133 = arith.constant 1 : i32
      %jit3A_2134 = arith.constant 0 : i32
      %broadcast_in_dim3A_2135 = vector.broadcast %jit3A_2133 : i32 to vector<16xi32>
      %broadcast_in_dim3A_2136 = vector.broadcast %jit3A_2134 : i32 to vector<16xi32>
      %select_n3A_2137 = arith.select %ge3A_2132, %broadcast_in_dim3A_2135, %broadcast_in_dim3A_2136 : vector<16xi1>, vector<16xi32>
      %broadcast_in_dim3A_2138 = arith.constant true
      %broadcast_in_dim3A_2139 = vector.broadcast %broadcast_in_dim3A_2138 : i1 to vector<16xi1>
      %masked_cumsum3A_2140 = tpu.scan <sum>, %select_n3A_2137 masked %broadcast_in_dim3A_2139 : vector<16xi32>, vector<16xi1> -> vector<16xi32>
      %add3A_2141 = arith.addi %add3A_2127, %masked_cumsum3A_2140 : vector<16xi32>
      %sub3A_2142 = arith.constant 1 : i32
      %sub3A_2143 = vector.broadcast %sub3A_2142 : i32 to vector<16xi32>
      %sub3A_2144 = arith.subi %add3A_2141, %sub3A_2143 : vector<16xi32>
      tpu.vector_store_idx %arg6[%sub3A_2144], %get3A_2131 masked %ge3A_2132 : memref<32784xf32, #tpu.memory_space<vmem>>[vector<16xi32>], vector<16xf32>, vector<16xi1>
      %all_reduce_population_count3A_2145 = tpu.all_reduce %ge3A_2132 {dim = 0 : i64, kind = #tpu.reduction_kind<sum>} : vector<16xi1> -> vector<16xi32>
      %add3A_2146 = arith.addi %add3A_2127, %all_reduce_population_count3A_2145 : vector<16xi32>
      %add3A_2147 = arith.constant 80 : i32
      %add3A_2148 = arith.addi %while3A_2043, %add3A_2147 : i32
      %get3A_2149 = arith.index_cast %add3A_2148 : i32 to index
      %get3A_2150 = tpu.vector_load %arg4[%get3A_2149] {strides = array<i32>} : memref<32768xf32, #tpu.memory_space<vmem>>, vector<16xf32>,
      %ge3A_2151 = arith.cmpf oge, %get3A_2150, %gather3A_38 : vector<16xf32>
      %jit3A_2152 = arith.constant 1 : i32
      %jit3A_2153 = arith.constant 0 : i32
      %broadcast_in_dim3A_2154 = vector.broadcast %jit3A_2152 : i32 to vector<16xi32>
      %broadcast_in_dim3A_2155 = vector.broadcast %jit3A_2153 : i32 to vector<16xi32>
      %select_n3A_2156 = arith.select %ge3A_2151, %broadcast_in_dim3A_2154, %broadcast_in_dim3A_2155 : vector<16xi1>, vector<16xi32>
      %broadcast_in_dim3A_2157 = arith.constant true
      %broadcast_in_dim3A_2158 = vector.broadcast %broadcast_in_dim3A_2157 : i1 to vector<16xi1>
      %masked_cumsum3A_2159 = tpu.scan <sum>, %select_n3A_2156 masked %broadcast_in_dim3A_2158 : vector<16xi32>, vector<16xi1> -> vector<16xi32>
      %add3A_2160 = arith.addi %add3A_2146, %masked_cumsum3A_2159 : vector<16xi32>
      %sub3A_2161 = arith.constant 1 : i32
      %sub3A_2162 = vector.broadcast %sub3A_2161 : i32 to vector<16xi32>
      %sub3A_2163 = arith.subi %add3A_2160, %sub3A_2162 : vector<16xi32>
      tpu.vector_store_idx %arg6[%sub3A_2163], %get3A_2150 masked %ge3A_2151 : memref<32784xf32, #tpu.memory_space<vmem>>[vector<16xi32>], vector<16xf32>, vector<16xi1>
      %all_reduce_population_count3A_2164 = tpu.all_reduce %ge3A_2151 {dim = 0 : i64, kind = #tpu.reduction_kind<sum>} : vector<16xi1> -> vector<16xi32>
      %add3A_2165 = arith.addi %add3A_2146, %all_reduce_population_count3A_2164 : vector<16xi32>
      %add3A_2166 = arith.constant 96 : i32
      %add3A_2167 = arith.addi %while3A_2043, %add3A_2166 : i32
      %get3A_2168 = arith.index_cast %add3A_2167 : i32 to index
      %get3A_2169 = tpu.vector_load %arg4[%get3A_2168] {strides = array<i32>} : memref<32768xf32, #tpu.memory_space<vmem>>, vector<16xf32>,
      %ge3A_2170 = arith.cmpf oge, %get3A_2169, %gather3A_38 : vector<16xf32>
      %jit3A_2171 = arith.constant 1 : i32
      %jit3A_2172 = arith.constant 0 : i32
      %broadcast_in_dim3A_2173 = vector.broadcast %jit3A_2171 : i32 to vector<16xi32>
      %broadcast_in_dim3A_2174 = vector.broadcast %jit3A_2172 : i32 to vector<16xi32>
      %select_n3A_2175 = arith.select %ge3A_2170, %broadcast_in_dim3A_2173, %broadcast_in_dim3A_2174 : vector<16xi1>, vector<16xi32>
      %broadcast_in_dim3A_2176 = arith.constant true
      %broadcast_in_dim3A_2177 = vector.broadcast %broadcast_in_dim3A_2176 : i1 to vector<16xi1>
      %masked_cumsum3A_2178 = tpu.scan <sum>, %select_n3A_2175 masked %broadcast_in_dim3A_2177 : vector<16xi32>, vector<16xi1> -> vector<16xi32>
      %add3A_2179 = arith.addi %add3A_2165, %masked_cumsum3A_2178 : vector<16xi32>
      %sub3A_2180 = arith.constant 1 : i32
      %sub3A_2181 = vector.broadcast %sub3A_2180 : i32 to vector<16xi32>
      %sub3A_2182 = arith.subi %add3A_2179, %sub3A_2181 : vector<16xi32>
      tpu.vector_store_idx %arg6[%sub3A_2182], %get3A_2169 masked %ge3A_2170 : memref<32784xf32, #tpu.memory_space<vmem>>[vector<16xi32>], vector<16xf32>, vector<16xi1>
      %all_reduce_population_count3A_2183 = tpu.all_reduce %ge3A_2170 {dim = 0 : i64, kind = #tpu.reduction_kind<sum>} : vector<16xi1> -> vector<16xi32>
      %add3A_2184 = arith.addi %add3A_2165, %all_reduce_population_count3A_2183 : vector<16xi32>
      %add3A_2185 = arith.constant 112 : i32
      %add3A_2186 = arith.addi %while3A_2043, %add3A_2185 : i32
      %get3A_2187 = arith.index_cast %add3A_2186 : i32 to index
      %get3A_2188 = tpu.vector_load %arg4[%get3A_2187] {strides = array<i32>} : memref<32768xf32, #tpu.memory_space<vmem>>, vector<16xf32>,
      %ge3A_2189 = arith.cmpf oge, %get3A_2188, %gather3A_38 : vector<16xf32>
      %jit3A_2190 = arith.constant 1 : i32
      %jit3A_2191 = arith.constant 0 : i32
      %broadcast_in_dim3A_2192 = vector.broadcast %jit3A_2190 : i32 to vector<16xi32>
      %broadcast_in_dim3A_2193 = vector.broadcast %jit3A_2191 : i32 to vector<16xi32>
      %select_n3A_2194 = arith.select %ge3A_2189, %broadcast_in_dim3A_2192, %broadcast_in_dim3A_2193 : vector<16xi1>, vector<16xi32>
      %broadcast_in_dim3A_2195 = arith.constant true
      %broadcast_in_dim3A_2196 = vector.broadcast %broadcast_in_dim3A_2195 : i1 to vector<16xi1>
      %masked_cumsum3A_2197 = tpu.scan <sum>, %select_n3A_2194 masked %broadcast_in_dim3A_2196 : vector<16xi32>, vector<16xi1> -> vector<16xi32>
      %add3A_2198 = arith.addi %add3A_2184, %masked_cumsum3A_2197 : vector<16xi32>
      %sub3A_2199 = arith.constant 1 : i32
      %sub3A_2200 = vector.broadcast %sub3A_2199 : i32 to vector<16xi32>
      %sub3A_2201 = arith.subi %add3A_2198, %sub3A_2200 : vector<16xi32>
      tpu.vector_store_idx %arg6[%sub3A_2201], %get3A_2188 masked %ge3A_2189 : memref<32784xf32, #tpu.memory_space<vmem>>[vector<16xi32>], vector<16xf32>, vector<16xi1>
      %all_reduce_population_count3A_2202 = tpu.all_reduce %ge3A_2189 {dim = 0 : i64, kind = #tpu.reduction_kind<sum>} : vector<16xi1> -> vector<16xi32>
      %add3A_2203 = arith.addi %add3A_2184, %all_reduce_population_count3A_2202 : vector<16xi32>
      scf.yield %add3A_2203, %mul3A_2051 : vector<16xi32>, i32
    }
    %while3A_371 = arith.constant 1 : i32
    %while3A_372:2 = scf.for %while3A_2041 = %while3A_368 to %while3A_364 step %while3A_371 iter_args(%while3A_2042 = %while3A_370#0, %while3A_2043 = %while3A_370#1) -> (vector<16xi32>, i32)  : i32 {
      %add3A_2044 = arith.constant 1 : i32
      %add3A_2045 = arith.addi %while3A_2041, %add3A_2044 : i32
      %get3A_2046 = arith.index_cast %add3A_2045 : i32 to index
      %get3A_2047 = tpu.vector_load %arg8[%get3A_2046] {strides = array<i32>} : memref<272xi32, #tpu.memory_space<vmem>>, vector<16xi32>,
      %slice3A_2048 = vector.extract_strided_slice %get3A_2047 {offsets = [0], sizes = [1], strides = [1]} : vector<16xi32> to vector<1xi32>
      %squeeze3A_2049 = vector.extract %slice3A_2048[0] : i32 from vector<1xi32>
      %mul3A_2050 = arith.constant 128 : i32
      %mul3A_2051 = arith.muli %squeeze3A_2049, %mul3A_2050 : i32
      %add3A_2052 = arith.constant 0 : i32
      %add3A_2053 = arith.addi %while3A_2043, %add3A_2052 : i32
      %get3A_2054 = arith.index_cast %add3A_2053 : i32 to index
      %get3A_2055 = tpu.vector_load %arg4[%get3A_2054] {strides = array<i32>} : memref<32768xf32, #tpu.memory_space<vmem>>, vector<16xf32>,
      %ge3A_2056 = arith.cmpf oge, %get3A_2055, %gather3A_38 : vector<16xf32>
      %jit3A_2057 = arith.constant 1 : i32
      %jit3A_2058 = arith.constant 0 : i32
      %broadcast_in_dim3A_2059 = vector.broadcast %jit3A_2057 : i32 to vector<16xi32>
      %broadcast_in_dim3A_2060 = vector.broadcast %jit3A_2058 : i32 to vector<16xi32>
      %select_n3A_2061 = arith.select %ge3A_2056, %broadcast_in_dim3A_2059, %broadcast_in_dim3A_2060 : vector<16xi1>, vector<16xi32>
      %broadcast_in_dim3A_2062 = arith.constant true
      %broadcast_in_dim3A_2063 = vector.broadcast %broadcast_in_dim3A_2062 : i1 to vector<16xi1>
      %masked_cumsum3A_2064 = tpu.scan <sum>, %select_n3A_2061 masked %broadcast_in_dim3A_2063 : vector<16xi32>, vector<16xi1> -> vector<16xi32>
      %add3A_2065 = arith.addi %while3A_2042, %masked_cumsum3A_2064 : vector<16xi32>
      %sub3A_2066 = arith.constant 1 : i32
      %sub3A_2067 = vector.broadcast %sub3A_2066 : i32 to vector<16xi32>
      %sub3A_2068 = arith.subi %add3A_2065, %sub3A_2067 : vector<16xi32>
      tpu.vector_store_idx %arg6[%sub3A_2068], %get3A_2055 masked %ge3A_2056 : memref<32784xf32, #tpu.memory_space<vmem>>[vector<16xi32>], vector<16xf32>, vector<16xi1>
      %all_reduce_population_count3A_2069 = tpu.all_reduce %ge3A_2056 {dim = 0 : i64, kind = #tpu.reduction_kind<sum>} : vector<16xi1> -> vector<16xi32>
      %add3A_2070 = arith.addi %while3A_2042, %all_reduce_population_count3A_2069 : vector<16xi32>
      %add3A_2071 = arith.constant 16 : i32
      %add3A_2072 = arith.addi %while3A_2043, %add3A_2071 : i32
      %get3A_2073 = arith.index_cast %add3A_2072 : i32 to index
      %get3A_2074 = tpu.vector_load %arg4[%get3A_2073] {strides = array<i32>} : memref<32768xf32, #tpu.memory_space<vmem>>, vector<16xf32>,
      %ge3A_2075 = arith.cmpf oge, %get3A_2074, %gather3A_38 : vector<16xf32>
      %jit3A_2076 = arith.constant 1 : i32
      %jit3A_2077 = arith.constant 0 : i32
      %broadcast_in_dim3A_2078 = vector.broadcast %jit3A_2076 : i32 to vector<16xi32>
      %broadcast_in_dim3A_2079 = vector.broadcast %jit3A_2077 : i32 to vector<16xi32>
      %select_n3A_2080 = arith.select %ge3A_2075, %broadcast_in_dim3A_2078, %broadcast_in_dim3A_2079 : vector<16xi1>, vector<16xi32>
      %broadcast_in_dim3A_2081 = arith.constant true
      %broadcast_in_dim3A_2082 = vector.broadcast %broadcast_in_dim3A_2081 : i1 to vector<16xi1>
      %masked_cumsum3A_2083 = tpu.scan <sum>, %select_n3A_2080 masked %broadcast_in_dim3A_2082 : vector<16xi32>, vector<16xi1> -> vector<16xi32>
      %add3A_2084 = arith.addi %add3A_2070, %masked_cumsum3A_2083 : vector<16xi32>
      %sub3A_2085 = arith.constant 1 : i32
      %sub3A_2086 = vector.broadcast %sub3A_2085 : i32 to vector<16xi32>
      %sub3A_2087 = arith.subi %add3A_2084, %sub3A_2086 : vector<16xi32>
      tpu.vector_store_idx %arg6[%sub3A_2087], %get3A_2074 masked %ge3A_2075 : memref<32784xf32, #tpu.memory_space<vmem>>[vector<16xi32>], vector<16xf32>, vector<16xi1>
      %all_reduce_population_count3A_2088 = tpu.all_reduce %ge3A_2075 {dim = 0 : i64, kind = #tpu.reduction_kind<sum>} : vector<16xi1> -> vector<16xi32>
      %add3A_2089 = arith.addi %add3A_2070, %all_reduce_population_count3A_2088 : vector<16xi32>
      %add3A_2090 = arith.constant 32 : i32
      %add3A_2091 = arith.addi %while3A_2043, %add3A_2090 : i32
      %get3A_2092 = arith.index_cast %add3A_2091 : i32 to index
      %get3A_2093 = tpu.vector_load %arg4[%get3A_2092] {strides = array<i32>} : memref<32768xf32, #tpu.memory_space<vmem>>, vector<16xf32>,
      %ge3A_2094 = arith.cmpf oge, %get3A_2093, %gather3A_38 : vector<16xf32>
      %jit3A_2095 = arith.constant 1 : i32
      %jit3A_2096 = arith.constant 0 : i32
      %broadcast_in_dim3A_2097 = vector.broadcast %jit3A_2095 : i32 to vector<16xi32>
      %broadcast_in_dim3A_2098 = vector.broadcast %jit3A_2096 : i32 to vector<16xi32>
      %select_n3A_2099 = arith.select %ge3A_2094, %broadcast_in_dim3A_2097, %broadcast_in_dim3A_2098 : vector<16xi1>, vector<16xi32>
      %broadcast_in_dim3A_2100 = arith.constant true
      %broadcast_in_dim3A_2101 = vector.broadcast %broadcast_in_dim3A_2100 : i1 to vector<16xi1>
      %masked_cumsum3A_2102 = tpu.scan <sum>, %select_n3A_2099 masked %broadcast_in_dim3A_2101 : vector<16xi32>, vector<16xi1> -> vector<16xi32>
      %add3A_2103 = arith.addi %add3A_2089, %masked_cumsum3A_2102 : vector<16xi32>
      %sub3A_2104 = arith.constant 1 : i32
      %sub3A_2105 = vector.broadcast %sub3A_2104 : i32 to vector<16xi32>
      %sub3A_2106 = arith.subi %add3A_2103, %sub3A_2105 : vector<16xi32>
      tpu.vector_store_idx %arg6[%sub3A_2106], %get3A_2093 masked %ge3A_2094 : memref<32784xf32, #tpu.memory_space<vmem>>[vector<16xi32>], vector<16xf32>, vector<16xi1>
      %all_reduce_population_count3A_2107 = tpu.all_reduce %ge3A_2094 {dim = 0 : i64, kind = #tpu.reduction_kind<sum>} : vector<16xi1> -> vector<16xi32>
      %add3A_2108 = arith.addi %add3A_2089, %all_reduce_population_count3A_2107 : vector<16xi32>
      %add3A_2109 = arith.constant 48 : i32
      %add3A_2110 = arith.addi %while3A_2043, %add3A_2109 : i32
      %get3A_2111 = arith.index_cast %add3A_2110 : i32 to index
      %get3A_2112 = tpu.vector_load %arg4[%get3A_2111] {strides = array<i32>} : memref<32768xf32, #tpu.memory_space<vmem>>, vector<16xf32>,
      %ge3A_2113 = arith.cmpf oge, %get3A_2112, %gather3A_38 : vector<16xf32>
      %jit3A_2114 = arith.constant 1 : i32
      %jit3A_2115 = arith.constant 0 : i32
      %broadcast_in_dim3A_2116 = vector.broadcast %jit3A_2114 : i32 to vector<16xi32>
      %broadcast_in_dim3A_2117 = vector.broadcast %jit3A_2115 : i32 to vector<16xi32>
      %select_n3A_2118 = arith.select %ge3A_2113, %broadcast_in_dim3A_2116, %broadcast_in_dim3A_2117 : vector<16xi1>, vector<16xi32>
      %broadcast_in_dim3A_2119 = arith.constant true
      %broadcast_in_dim3A_2120 = vector.broadcast %broadcast_in_dim3A_2119 : i1 to vector<16xi1>
      %masked_cumsum3A_2121 = tpu.scan <sum>, %select_n3A_2118 masked %broadcast_in_dim3A_2120 : vector<16xi32>, vector<16xi1> -> vector<16xi32>
      %add3A_2122 = arith.addi %add3A_2108, %masked_cumsum3A_2121 : vector<16xi32>
      %sub3A_2123 = arith.constant 1 : i32
      %sub3A_2124 = vector.broadcast %sub3A_2123 : i32 to vector<16xi32>
      %sub3A_2125 = arith.subi %add3A_2122, %sub3A_2124 : vector<16xi32>
      tpu.vector_store_idx %arg6[%sub3A_2125], %get3A_2112 masked %ge3A_2113 : memref<32784xf32, #tpu.memory_space<vmem>>[vector<16xi32>], vector<16xf32>, vector<16xi1>
      %all_reduce_population_count3A_2126 = tpu.all_reduce %ge3A_2113 {dim = 0 : i64, kind = #tpu.reduction_kind<sum>} : vector<16xi1> -> vector<16xi32>
      %add3A_2127 = arith.addi %add3A_2108, %all_reduce_population_count3A_2126 : vector<16xi32>
      %add3A_2128 = arith.constant 64 : i32
      %add3A_2129 = arith.addi %while3A_2043, %add3A_2128 : i32
      %get3A_2130 = arith.index_cast %add3A_2129 : i32 to index
      %get3A_2131 = tpu.vector_load %arg4[%get3A_2130] {strides = array<i32>} : memref<32768xf32, #tpu.memory_space<vmem>>, vector<16xf32>,
      %ge3A_2132 = arith.cmpf oge, %get3A_2131, %gather3A_38 : vector<16xf32>
      %jit3A_2133 = arith.constant 1 : i32
      %jit3A_2134 = arith.constant 0 : i32
      %broadcast_in_dim3A_2135 = vector.broadcast %jit3A_2133 : i32 to vector<16xi32>
      %broadcast_in_dim3A_2136 = vector.broadcast %jit3A_2134 : i32 to vector<16xi32>
      %select_n3A_2137 = arith.select %ge3A_2132, %broadcast_in_dim3A_2135, %broadcast_in_dim3A_2136 : vector<16xi1>, vector<16xi32>
      %broadcast_in_dim3A_2138 = arith.constant true
      %broadcast_in_dim3A_2139 = vector.broadcast %broadcast_in_dim3A_2138 : i1 to vector<16xi1>
      %masked_cumsum3A_2140 = tpu.scan <sum>, %select_n3A_2137 masked %broadcast_in_dim3A_2139 : vector<16xi32>, vector<16xi1> -> vector<16xi32>
      %add3A_2141 = arith.addi %add3A_2127, %masked_cumsum3A_2140 : vector<16xi32>
      %sub3A_2142 = arith.constant 1 : i32
      %sub3A_2143 = vector.broadcast %sub3A_2142 : i32 to vector<16xi32>
      %sub3A_2144 = arith.subi %add3A_2141, %sub3A_2143 : vector<16xi32>
      tpu.vector_store_idx %arg6[%sub3A_2144], %get3A_2131 masked %ge3A_2132 : memref<32784xf32, #tpu.memory_space<vmem>>[vector<16xi32>], vector<16xf32>, vector<16xi1>
      %all_reduce_population_count3A_2145 = tpu.all_reduce %ge3A_2132 {dim = 0 : i64, kind = #tpu.reduction_kind<sum>} : vector<16xi1> -> vector<16xi32>
      %add3A_2146 = arith.addi %add3A_2127, %all_reduce_population_count3A_2145 : vector<16xi32>
      %add3A_2147 = arith.constant 80 : i32
      %add3A_2148 = arith.addi %while3A_2043, %add3A_2147 : i32
      %get3A_2149 = arith.index_cast %add3A_2148 : i32 to index
      %get3A_2150 = tpu.vector_load %arg4[%get3A_2149] {strides = array<i32>} : memref<32768xf32, #tpu.memory_space<vmem>>, vector<16xf32>,
      %ge3A_2151 = arith.cmpf oge, %get3A_2150, %gather3A_38 : vector<16xf32>
      %jit3A_2152 = arith.constant 1 : i32
      %jit3A_2153 = arith.constant 0 : i32
      %broadcast_in_dim3A_2154 = vector.broadcast %jit3A_2152 : i32 to vector<16xi32>
      %broadcast_in_dim3A_2155 = vector.broadcast %jit3A_2153 : i32 to vector<16xi32>
      %select_n3A_2156 = arith.select %ge3A_2151, %broadcast_in_dim3A_2154, %broadcast_in_dim3A_2155 : vector<16xi1>, vector<16xi32>
      %broadcast_in_dim3A_2157 = arith.constant true
      %broadcast_in_dim3A_2158 = vector.broadcast %broadcast_in_dim3A_2157 : i1 to vector<16xi1>
      %masked_cumsum3A_2159 = tpu.scan <sum>, %select_n3A_2156 masked %broadcast_in_dim3A_2158 : vector<16xi32>, vector<16xi1> -> vector<16xi32>
      %add3A_2160 = arith.addi %add3A_2146, %masked_cumsum3A_2159 : vector<16xi32>
      %sub3A_2161 = arith.constant 1 : i32
      %sub3A_2162 = vector.broadcast %sub3A_2161 : i32 to vector<16xi32>
      %sub3A_2163 = arith.subi %add3A_2160, %sub3A_2162 : vector<16xi32>
      tpu.vector_store_idx %arg6[%sub3A_2163], %get3A_2150 masked %ge3A_2151 : memref<32784xf32, #tpu.memory_space<vmem>>[vector<16xi32>], vector<16xf32>, vector<16xi1>
      %all_reduce_population_count3A_2164 = tpu.all_reduce %ge3A_2151 {dim = 0 : i64, kind = #tpu.reduction_kind<sum>} : vector<16xi1> -> vector<16xi32>
      %add3A_2165 = arith.addi %add3A_2146, %all_reduce_population_count3A_2164 : vector<16xi32>
      %add3A_2166 = arith.constant 96 : i32
      %add3A_2167 = arith.addi %while3A_2043, %add3A_2166 : i32
      %get3A_2168 = arith.index_cast %add3A_2167 : i32 to index
      %get3A_2169 = tpu.vector_load %arg4[%get3A_2168] {strides = array<i32>} : memref<32768xf32, #tpu.memory_space<vmem>>, vector<16xf32>,
      %ge3A_2170 = arith.cmpf oge, %get3A_2169, %gather3A_38 : vector<16xf32>
      %jit3A_2171 = arith.constant 1 : i32
      %jit3A_2172 = arith.constant 0 : i32
      %broadcast_in_dim3A_2173 = vector.broadcast %jit3A_2171 : i32 to vector<16xi32>
      %broadcast_in_dim3A_2174 = vector.broadcast %jit3A_2172 : i32 to vector<16xi32>
      %select_n3A_2175 = arith.select %ge3A_2170, %broadcast_in_dim3A_2173, %broadcast_in_dim3A_2174 : vector<16xi1>, vector<16xi32>
      %broadcast_in_dim3A_2176 = arith.constant true
      %broadcast_in_dim3A_2177 = vector.broadcast %broadcast_in_dim3A_2176 : i1 to vector<16xi1>
      %masked_cumsum3A_2178 = tpu.scan <sum>, %select_n3A_2175 masked %broadcast_in_dim3A_2177 : vector<16xi32>, vector<16xi1> -> vector<16xi32>
      %add3A_2179 = arith.addi %add3A_2165, %masked_cumsum3A_2178 : vector<16xi32>
      %sub3A_2180 = arith.constant 1 : i32
      %sub3A_2181 = vector.broadcast %sub3A_2180 : i32 to vector<16xi32>
      %sub3A_2182 = arith.subi %add3A_2179, %sub3A_2181 : vector<16xi32>
      tpu.vector_store_idx %arg6[%sub3A_2182], %get3A_2169 masked %ge3A_2170 : memref<32784xf32, #tpu.memory_space<vmem>>[vector<16xi32>], vector<16xf32>, vector<16xi1>
      %all_reduce_population_count3A_2183 = tpu.all_reduce %ge3A_2170 {dim = 0 : i64, kind = #tpu.reduction_kind<sum>} : vector<16xi1> -> vector<16xi32>
      %add3A_2184 = arith.addi %add3A_2165, %all_reduce_population_count3A_2183 : vector<16xi32>
      %add3A_2185 = arith.constant 112 : i32
      %add3A_2186 = arith.addi %while3A_2043, %add3A_2185 : i32
      %get3A_2187 = arith.index_cast %add3A_2186 : i32 to index
      %get3A_2188 = tpu.vector_load %arg4[%get3A_2187] {strides = array<i32>} : memref<32768xf32, #tpu.memory_space<vmem>>, vector<16xf32>,
      %ge3A_2189 = arith.cmpf oge, %get3A_2188, %gather3A_38 : vector<16xf32>
      %jit3A_2190 = arith.constant 1 : i32
      %jit3A_2191 = arith.constant 0 : i32
      %broadcast_in_dim3A_2192 = vector.broadcast %jit3A_2190 : i32 to vector<16xi32>
      %broadcast_in_dim3A_2193 = vector.broadcast %jit3A_2191 : i32 to vector<16xi32>
      %select_n3A_2194 = arith.select %ge3A_2189, %broadcast_in_dim3A_2192, %broadcast_in_dim3A_2193 : vector<16xi1>, vector<16xi32>
      %broadcast_in_dim3A_2195 = arith.constant true
      %broadcast_in_dim3A_2196 = vector.broadcast %broadcast_in_dim3A_2195 : i1 to vector<16xi1>
      %masked_cumsum3A_2197 = tpu.scan <sum>, %select_n3A_2194 masked %broadcast_in_dim3A_2196 : vector<16xi32>, vector<16xi1> -> vector<16xi32>
      %add3A_2198 = arith.addi %add3A_2184, %masked_cumsum3A_2197 : vector<16xi32>
      %sub3A_2199 = arith.constant 1 : i32
      %sub3A_2200 = vector.broadcast %sub3A_2199 : i32 to vector<16xi32>
      %sub3A_2201 = arith.subi %add3A_2198, %sub3A_2200 : vector<16xi32>
      tpu.vector_store_idx %arg6[%sub3A_2201], %get3A_2188 masked %ge3A_2189 : memref<32784xf32, #tpu.memory_space<vmem>>[vector<16xi32>], vector<16xf32>, vector<16xi1>
      %all_reduce_population_count3A_2202 = tpu.all_reduce %ge3A_2189 {dim = 0 : i64, kind = #tpu.reduction_kind<sum>} : vector<16xi1> -> vector<16xi32>
      %add3A_2203 = arith.addi %add3A_2184, %all_reduce_population_count3A_2202 : vector<16xi32>
      scf.yield %add3A_2203, %mul3A_2051 : vector<16xi32>, i32
    }
    %reduce_max3A_373 = arith.constant true
    %reduce_max3A_374 = vector.broadcast %reduce_max3A_373 : i1 to vector<16xi1>
    %reduce_max3A_375 = arith.constant -2147483648 : i32
    %reduce_max3A_376 = vector.broadcast %reduce_max3A_375 : i32 to vector<16xi32>
    %reduce_max3A_377 = arith.xori %while3A_372#0, %reduce_max3A_376 : vector<16xi32>
    %reduce_max3A_378 = tpu.scan <max>, %reduce_max3A_377 masked %reduce_max3A_374 : vector<16xi32>, vector<16xi1> -> vector<16xi32>
    %reduce_max3A_379 = arith.xori %reduce_max3A_378, %reduce_max3A_376 : vector<16xi32>
    %reduce_max3A_380 = vector.extract %reduce_max3A_379[15] : i32 from vector<16xi32>
    %jit3A_381 = arith.constant 16 : i32
    %div3A = arith.divsi %reduce_max3A_380, %jit3A_381 : i32
    %sign3A = arith.constant 0 : i32
    %sign3A_382 = arith.cmpi sgt, %reduce_max3A_380, %sign3A : i32
    %sign3A_383 = arith.extui %sign3A_382 : i1 to i32
    %sign3A_384 = arith.constant 0 : i32
    %sign3A_385 = arith.cmpi slt, %reduce_max3A_380, %sign3A_384 : i32
    %sign3A_386 = arith.extui %sign3A_385 : i1 to i32
    %sign3A_387 = arith.subi %sign3A_383, %sign3A_386 : i32
    %sign3A_388 = arith.constant 0 : i32
    %sign3A_389 = arith.cmpi sgt, %jit3A_381, %sign3A_388 : i32
    %sign3A_390 = arith.extui %sign3A_389 : i1 to i32
    %sign3A_391 = arith.constant 0 : i32
    %sign3A_392 = arith.cmpi slt, %jit3A_381, %sign3A_391 : i32
    %sign3A_393 = arith.extui %sign3A_392 : i1 to i32
    %sign3A_394 = arith.subi %sign3A_390, %sign3A_393 : i32
    %ne3A = arith.cmpi ne, %sign3A_387, %sign3A_394 : i32
    %rem3A = arith.remsi %reduce_max3A_380, %jit3A_381 : i32
    %ne3A_395 = arith.constant 0 : i32
    %ne3A_396 = arith.cmpi ne, %rem3A, %ne3A_395 : i32
    %and3A = arith.andi %ne3A, %ne3A_396 : i1
    %sub3A_397 = arith.constant 1 : i32
    %sub3A_398 = arith.subi %div3A, %sub3A_397 : i32
    %select_n3A_399 = arith.select %and3A, %sub3A_398, %div3A : i32
    %while3A_400 = arith.constant 0 : i32
    %while3A_401 = arith.subi %select_n3A_399, %while3A_400 : i32
    %while3A_402 = arith.addi %while3A_400, %while3A_401 : i32
    %while3A_403 = arith.constant 1 : i32
    %while3A_404 = arith.divsi %while3A_401, %while3A_403 : i32
    %while3A_405 = arith.muli %while3A_404, %while3A_403 : i32
    %while3A_406 = arith.addi %while3A_400, %while3A_405 : i32
    %while3A_407 = arith.constant 1 : i32
    %while3A_408:2 = scf.for %while3A_2041 = %while3A_400 to %while3A_406 step %while3A_407 iter_args(%while3A_2042 = %broadcast_in_dim3A_3, %while3A_2043 = %broadcast_in_dim3A_3) -> (vector<16xf32>, vector<16xf32>)  : i32 {
      %mul3A_2044 = arith.constant 16 : i32
      %mul3A_2045 = arith.muli %while3A_2041, %mul3A_2044 : i32
      %get3A_2046 = arith.index_cast %mul3A_2045 : i32 to index
      %get3A_2047 = tpu.vector_load %arg6[%get3A_2046] {strides = array<i32>} : memref<32784xf32, #tpu.memory_space<vmem>>, vector<16xf32>,
      %masked_sort3A_2048 = arith.constant dense<true> : vector<16xi1>
      %masked_sort3A_2049, %masked_sort3A_2050, %masked_sort3A_2051 = tpu.sort %get3A_2047, %get3A_2047 masked %masked_sort3A_2048 {descending = true} : (vector<16xf32>, vector<16xf32>, vector<16xi1>) -> (vector<16xi1>, vector<16xf32>, vector<16xf32>)
      %rev3A_2052 = arith.constant 15 : i32
      %rev3A_2053 = vector.broadcast %rev3A_2052 : i32 to vector<16xi32>
      %rev3A_2054 = tpu.iota {dimensions = array<i32: 0>} : vector<16xi32>
      %rev3A_2055 = arith.subi %rev3A_2053, %rev3A_2054 : vector<16xi32>
      %rev3A_2056 = tpu.dynamic_gather %while3A_2043[%rev3A_2055] in [0] : vector<16xf32>, vector<16xi32> -> vector<16xf32>
      %max3A_2057 = arith.maximumf %masked_sort3A_2050, %rev3A_2056 : vector<16xf32>
      %masked_sort3A_2058 = arith.constant dense<true> : vector<16xi1>
      %masked_sort3A_2059, %masked_sort3A_2060, %masked_sort3A_2061 = tpu.sort %max3A_2057, %max3A_2057 masked %masked_sort3A_2058 {descending = true} : (vector<16xf32>, vector<16xf32>, vector<16xi1>) -> (vector<16xi1>, vector<16xf32>, vector<16xf32>)
      %rev3A_2062 = arith.constant 15 : i32
      %rev3A_2063 = vector.broadcast %rev3A_2062 : i32 to vector<16xi32>
      %rev3A_2064 = tpu.iota {dimensions = array<i32: 0>} : vector<16xi32>
      %rev3A_2065 = arith.subi %rev3A_2063, %rev3A_2064 : vector<16xi32>
      %rev3A_2066 = tpu.dynamic_gather %masked_sort3A_2060[%rev3A_2065] in [0] : vector<16xf32>, vector<16xi32> -> vector<16xf32>
      %max3A_2067 = arith.maximumf %while3A_2042, %rev3A_2066 : vector<16xf32>
      %masked_sort3A_2068 = arith.constant dense<true> : vector<16xi1>
      %masked_sort3A_2069, %masked_sort3A_2070, %masked_sort3A_2071 = tpu.sort %max3A_2067, %max3A_2067 masked %masked_sort3A_2068 {descending = true} : (vector<16xf32>, vector<16xf32>, vector<16xi1>) -> (vector<16xi1>, vector<16xf32>, vector<16xf32>)
      %min3A_2072 = arith.minimumf %while3A_2042, %rev3A_2066 : vector<16xf32>
      %masked_sort3A_2073 = arith.constant dense<true> : vector<16xi1>
      %masked_sort3A_2074, %masked_sort3A_2075, %masked_sort3A_2076 = tpu.sort %min3A_2072, %min3A_2072 masked %masked_sort3A_2073 {descending = true} : (vector<16xf32>, vector<16xf32>, vector<16xi1>) -> (vector<16xi1>, vector<16xf32>, vector<16xf32>)
      scf.yield %masked_sort3A_2070, %masked_sort3A_2075 : vector<16xf32>, vector<16xf32>
    }
    %while3A_409 = arith.constant 1 : i32
    %while3A_410:2 = scf.for %while3A_2041 = %while3A_406 to %while3A_402 step %while3A_409 iter_args(%while3A_2042 = %while3A_408#0, %while3A_2043 = %while3A_408#1) -> (vector<16xf32>, vector<16xf32>)  : i32 {
      %mul3A_2044 = arith.constant 16 : i32
      %mul3A_2045 = arith.muli %while3A_2041, %mul3A_2044 : i32
      %get3A_2046 = arith.index_cast %mul3A_2045 : i32 to index
      %get3A_2047 = tpu.vector_load %arg6[%get3A_2046] {strides = array<i32>} : memref<32784xf32, #tpu.memory_space<vmem>>, vector<16xf32>,
      %masked_sort3A_2048 = arith.constant dense<true> : vector<16xi1>
      %masked_sort3A_2049, %masked_sort3A_2050, %masked_sort3A_2051 = tpu.sort %get3A_2047, %get3A_2047 masked %masked_sort3A_2048 {descending = true} : (vector<16xf32>, vector<16xf32>, vector<16xi1>) -> (vector<16xi1>, vector<16xf32>, vector<16xf32>)
      %rev3A_2052 = arith.constant 15 : i32
      %rev3A_2053 = vector.broadcast %rev3A_2052 : i32 to vector<16xi32>
      %rev3A_2054 = tpu.iota {dimensions = array<i32: 0>} : vector<16xi32>
      %rev3A_2055 = arith.subi %rev3A_2053, %rev3A_2054 : vector<16xi32>
      %rev3A_2056 = tpu.dynamic_gather %while3A_2043[%rev3A_2055] in [0] : vector<16xf32>, vector<16xi32> -> vector<16xf32>
      %max3A_2057 = arith.maximumf %masked_sort3A_2050, %rev3A_2056 : vector<16xf32>
      %masked_sort3A_2058 = arith.constant dense<true> : vector<16xi1>
      %masked_sort3A_2059, %masked_sort3A_2060, %masked_sort3A_2061 = tpu.sort %max3A_2057, %max3A_2057 masked %masked_sort3A_2058 {descending = true} : (vector<16xf32>, vector<16xf32>, vector<16xi1>) -> (vector<16xi1>, vector<16xf32>, vector<16xf32>)
      %rev3A_2062 = arith.constant 15 : i32
      %rev3A_2063 = vector.broadcast %rev3A_2062 : i32 to vector<16xi32>
      %rev3A_2064 = tpu.iota {dimensions = array<i32: 0>} : vector<16xi32>
      %rev3A_2065 = arith.subi %rev3A_2063, %rev3A_2064 : vector<16xi32>
      %rev3A_2066 = tpu.dynamic_gather %masked_sort3A_2060[%rev3A_2065] in [0] : vector<16xf32>, vector<16xi32> -> vector<16xf32>
      %max3A_2067 = arith.maximumf %while3A_2042, %rev3A_2066 : vector<16xf32>
      %masked_sort3A_2068 = arith.constant dense<true> : vector<16xi1>
      %masked_sort3A_2069, %masked_sort3A_2070, %masked_sort3A_2071 = tpu.sort %max3A_2067, %max3A_2067 masked %masked_sort3A_2068 {descending = true} : (vector<16xf32>, vector<16xf32>, vector<16xi1>) -> (vector<16xi1>, vector<16xf32>, vector<16xf32>)
      %min3A_2072 = arith.minimumf %while3A_2042, %rev3A_2066 : vector<16xf32>
      %masked_sort3A_2073 = arith.constant dense<true> : vector<16xi1>
      %masked_sort3A_2074, %masked_sort3A_2075, %masked_sort3A_2076 = tpu.sort %min3A_2072, %min3A_2072 masked %masked_sort3A_2073 {descending = true} : (vector<16xf32>, vector<16xf32>, vector<16xi1>) -> (vector<16xi1>, vector<16xf32>, vector<16xf32>)
      scf.yield %masked_sort3A_2070, %masked_sort3A_2075 : vector<16xf32>, vector<16xf32>
    }
    %mul3A_411 = arith.constant 16 : i32
    %mul3A_412 = arith.muli %select_n3A_399, %mul3A_411 : i32
    %get3A_413 = arith.index_cast %mul3A_412 : i32 to index
    %get3A_414 = tpu.vector_load %arg6[%get3A_413] {strides = array<i32>} : memref<32784xf32, #tpu.memory_space<vmem>>, vector<16xf32>,
    %mul3A_415 = arith.constant 16 : i32
    %mul3A_416 = arith.muli %select_n3A_399, %mul3A_415 : i32
    %sub3A_417 = arith.subi %reduce_max3A_380, %mul3A_416 : i32
    %lt3A = vector.broadcast %sub3A_417 : i32 to vector<16xi32>
    %lt3A_418 = arith.cmpi slt, %iota3A, %lt3A : vector<16xi32>
    %select_n3A_419 = arith.select %lt3A_418, %get3A_414, %broadcast_in_dim3A_3 : vector<16xi1>, vector<16xf32>
    %masked_sort3A_420 = arith.constant dense<true> : vector<16xi1>
    %masked_sort3A_421, %masked_sort3A_422, %masked_sort3A_423 = tpu.sort %select_n3A_419, %select_n3A_419 masked %masked_sort3A_420 {descending = true} : (vector<16xf32>, vector<16xf32>, vector<16xi1>) -> (vector<16xi1>, vector<16xf32>, vector<16xf32>)
    %rev3A = arith.constant 15 : i32
    %rev3A_424 = vector.broadcast %rev3A : i32 to vector<16xi32>
    %rev3A_425 = tpu.iota {dimensions = array<i32: 0>} : vector<16xi32>
    %rev3A_426 = arith.subi %rev3A_424, %rev3A_425 : vector<16xi32>
    %rev3A_427 = tpu.dynamic_gather %while3A_410#1[%rev3A_426] in [0] : vector<16xf32>, vector<16xi32> -> vector<16xf32>
    %max3A = arith.maximumf %masked_sort3A_422, %rev3A_427 : vector<16xf32>
    %masked_sort3A_428 = arith.constant dense<true> : vector<16xi1>
    %masked_sort3A_429, %masked_sort3A_430, %masked_sort3A_431 = tpu.sort %max3A, %max3A masked %masked_sort3A_428 {descending = true} : (vector<16xf32>, vector<16xf32>, vector<16xi1>) -> (vector<16xi1>, vector<16xf32>, vector<16xf32>)
    %rev3A_432 = arith.constant 15 : i32
    %rev3A_433 = vector.broadcast %rev3A_432 : i32 to vector<16xi32>
    %rev3A_434 = tpu.iota {dimensions = array<i32: 0>} : vector<16xi32>
    %rev3A_435 = arith.subi %rev3A_433, %rev3A_434 : vector<16xi32>
    %rev3A_436 = tpu.dynamic_gather %masked_sort3A_430[%rev3A_435] in [0] : vector<16xf32>, vector<16xi32> -> vector<16xf32>
    %max3A_437 = arith.maximumf %while3A_410#0, %rev3A_436 : vector<16xf32>
    %masked_sort3A_438 = arith.constant dense<true> : vector<16xi1>
    %masked_sort3A_439, %masked_sort3A_440, %masked_sort3A_441 = tpu.sort %max3A_437, %max3A_437 masked %masked_sort3A_438 {descending = true} : (vector<16xf32>, vector<16xf32>, vector<16xi1>) -> (vector<16xi1>, vector<16xf32>, vector<16xf32>)
    %min3A_442 = arith.minimumf %while3A_410#0, %rev3A_436 : vector<16xf32>
    %masked_sort3A_443 = arith.constant dense<true> : vector<16xi1>
    %masked_sort3A_444, %masked_sort3A_445, %masked_sort3A_446 = tpu.sort %min3A_442, %min3A_442 masked %masked_sort3A_443 {descending = true} : (vector<16xf32>, vector<16xf32>, vector<16xi1>) -> (vector<16xi1>, vector<16xf32>, vector<16xf32>)
    %broadcast_in_dim3A_447 = arith.constant 15 : i32
    %broadcast_in_dim3A_448 = vector.broadcast %broadcast_in_dim3A_447 : i32 to vector<16x1xi32>
    %gather3A_449 = vector.shape_cast %broadcast_in_dim3A_448 : vector<16x1xi32> to vector<16xi32>
    %gather3A_450 = tpu.dynamic_gather %masked_sort3A_445[%gather3A_449] in [0] : vector<16xf32>, vector<16xi32> -> vector<16xf32>
    %broadcast_in_dim3A_451 = arith.constant 1.000000e-07 : f32
    %broadcast_in_dim3A_452 = vector.broadcast %broadcast_in_dim3A_451 : f32 to vector<16xf32>
    %add3A_453 = arith.addf %gather3A_450, %broadcast_in_dim3A_452 : vector<16xf32>
    %broadcast_in_dim3A_454 = arith.constant 0.000000e+00 : f32
    %broadcast_in_dim3A_455 = vector.broadcast %broadcast_in_dim3A_454 : f32 to vector<16xf32>
    %while3A_456 = arith.constant 0 : i32
    %while3A_457 = arith.subi %select_n3A_399, %while3A_456 : i32
    %while3A_458 = arith.addi %while3A_456, %while3A_457 : i32
    %while3A_459 = arith.constant 1 : i32
    %while3A_460 = arith.divsi %while3A_457, %while3A_459 : i32
    %while3A_461 = arith.muli %while3A_460, %while3A_459 : i32
    %while3A_462 = arith.addi %while3A_456, %while3A_461 : i32
    %while3A_463 = arith.constant 1 : i32
    %while3A_464 = scf.for %while3A_2041 = %while3A_456 to %while3A_462 step %while3A_463 iter_args(%while3A_2042 = %broadcast_in_dim3A_455) -> (vector<16xf32>)  : i32 {
      %mul3A_2043 = arith.constant 16 : i32
      %mul3A_2044 = arith.muli %while3A_2041, %mul3A_2043 : i32
      %get3A_2045 = arith.index_cast %mul3A_2044 : i32 to index
      %get3A_2046 = tpu.vector_load %arg6[%get3A_2045] {strides = array<i32>} : memref<32784xf32, #tpu.memory_space<vmem>>, vector<16xf32>,
      %sub3A_2047 = arith.subf %get3A_2046, %add3A_453 : vector<16xf32>
      %max3A_2048 = arith.constant 0.000000e+00 : f32
      %max3A_2049 = vector.broadcast %max3A_2048 : f32 to vector<16xf32>
      %max3A_2050 = arith.maximumf %sub3A_2047, %max3A_2049 : vector<16xf32>
      %add3A_2051 = arith.addf %while3A_2042, %max3A_2050 : vector<16xf32>
      scf.yield %add3A_2051 : vector<16xf32>
    }
    %while3A_465 = arith.constant 1 : i32
    %while3A_466 = scf.for %while3A_2041 = %while3A_462 to %while3A_458 step %while3A_465 iter_args(%while3A_2042 = %while3A_464) -> (vector<16xf32>)  : i32 {
      %mul3A_2043 = arith.constant 16 : i32
      %mul3A_2044 = arith.muli %while3A_2041, %mul3A_2043 : i32
      %get3A_2045 = arith.index_cast %mul3A_2044 : i32 to index
      %get3A_2046 = tpu.vector_load %arg6[%get3A_2045] {strides = array<i32>} : memref<32784xf32, #tpu.memory_space<vmem>>, vector<16xf32>,
      %sub3A_2047 = arith.subf %get3A_2046, %add3A_453 : vector<16xf32>
      %max3A_2048 = arith.constant 0.000000e+00 : f32
      %max3A_2049 = vector.broadcast %max3A_2048 : f32 to vector<16xf32>
      %max3A_2050 = arith.maximumf %sub3A_2047, %max3A_2049 : vector<16xf32>
      %add3A_2051 = arith.addf %while3A_2042, %max3A_2050 : vector<16xf32>
      scf.yield %add3A_2051 : vector<16xf32>
    }
    %sub3A_467 = arith.subf %select_n3A_419, %add3A_453 : vector<16xf32>
    %max3A_468 = arith.constant 0.000000e+00 : f32
    %max3A_469 = vector.broadcast %max3A_468 : f32 to vector<16xf32>
    %max3A_470 = arith.maximumf %sub3A_467, %max3A_469 : vector<16xf32>
    %add3A_471 = arith.addf %while3A_466, %max3A_470 : vector<16xf32>
    %broadcast_in_dim3A_472 = arith.constant true
    %broadcast_in_dim3A_473 = vector.broadcast %broadcast_in_dim3A_472 : i1 to vector<16xi1>
    %masked_cumsum3A_474 = tpu.scan <sum>, %add3A_471 masked %broadcast_in_dim3A_473 : vector<16xf32>, vector<16xi1> -> vector<16xf32>
    %broadcast_in_dim3A_475 = arith.constant 15 : i32
    %broadcast_in_dim3A_476 = vector.broadcast %broadcast_in_dim3A_475 : i32 to vector<16x1xi32>
    %gather3A_477 = vector.shape_cast %broadcast_in_dim3A_476 : vector<16x1xi32> to vector<16xi32>
    %gather3A_478 = tpu.dynamic_gather %masked_cumsum3A_474[%gather3A_477] in [0] : vector<16xf32>, vector<16xi32> -> vector<16xf32>
    %broadcast_in_dim3A_479 = arith.constant 1.000000e+00 : f32
    %broadcast_in_dim3A_480 = vector.broadcast %broadcast_in_dim3A_479 : f32 to vector<16xf32>
    %broadcast_in_dim3A_481 = arith.constant 1.000000e-07 : f32
    %broadcast_in_dim3A_482 = vector.broadcast %broadcast_in_dim3A_481 : f32 to vector<16xf32>
    %add3A_483 = arith.addf %gather3A_478, %broadcast_in_dim3A_482 : vector<16xf32>
    %div3A_484 = arith.divf %broadcast_in_dim3A_480, %add3A_483 : vector<16xf32>
    %scan3A_485 = arith.constant 0 : i32
    %scan3A_486 = arith.constant 0 : i32
    %scan3A_487 = arith.constant 256 : i32
    %scan3A_488 = arith.addi %scan3A_486, %scan3A_487 : i32
    %scan3A_489 = arith.constant 1 : i32
    scf.for %scan3A_2041 = %scan3A_486 to %scan3A_488 step %scan3A_489  : i32 {
      %mul3A_2042 = arith.constant 128 : i32
      %mul3A_2043 = arith.muli %scan3A_2041, %mul3A_2042 : i32
      %add3A_2044 = arith.constant 0 : i32
      %add3A_2045 = arith.addi %mul3A_2043, %add3A_2044 : i32
      %get3A_2046 = arith.index_cast %add3A_2045 : i32 to index
      %get3A_2047 = tpu.vector_load %arg4[%get3A_2046] {strides = array<i32>} : memref<32768xf32, #tpu.memory_space<vmem>>, vector<16xf32>,
      %sub3A_2048 = arith.subf %get3A_2047, %add3A_453 : vector<16xf32>
      %max3A_2049 = arith.constant 0.000000e+00 : f32
      %max3A_2050 = vector.broadcast %max3A_2049 : f32 to vector<16xf32>
      %max3A_2051 = arith.maximumf %sub3A_2048, %max3A_2050 : vector<16xf32>
      %mul3A_2052 = arith.mulf %max3A_2051, %div3A_484 : vector<16xf32>
      %swap3A = arith.index_cast %add3A_2045 : i32 to index
      %swap3A_2053 = tpu.vector_load %arg4[%swap3A] {strides = array<i32>} : memref<32768xf32, #tpu.memory_space<vmem>>, vector<16xf32>,
      tpu.vector_store %arg4[%swap3A], %mul3A_2052 {strides = array<i32>} : memref<32768xf32, #tpu.memory_space<vmem>>, vector<16xf32>,
      %add3A_2054 = arith.constant 16 : i32
      %add3A_2055 = arith.addi %mul3A_2043, %add3A_2054 : i32
      %get3A_2056 = arith.index_cast %add3A_2055 : i32 to index
      %get3A_2057 = tpu.vector_load %arg4[%get3A_2056] {strides = array<i32>} : memref<32768xf32, #tpu.memory_space<vmem>>, vector<16xf32>,
      %sub3A_2058 = arith.subf %get3A_2057, %add3A_453 : vector<16xf32>
      %max3A_2059 = arith.constant 0.000000e+00 : f32
      %max3A_2060 = vector.broadcast %max3A_2059 : f32 to vector<16xf32>
      %max3A_2061 = arith.maximumf %sub3A_2058, %max3A_2060 : vector<16xf32>
      %mul3A_2062 = arith.mulf %max3A_2061, %div3A_484 : vector<16xf32>
      %swap3A_2063 = arith.index_cast %add3A_2055 : i32 to index
      %swap3A_2064 = tpu.vector_load %arg4[%swap3A_2063] {strides = array<i32>} : memref<32768xf32, #tpu.memory_space<vmem>>, vector<16xf32>,
      tpu.vector_store %arg4[%swap3A_2063], %mul3A_2062 {strides = array<i32>} : memref<32768xf32, #tpu.memory_space<vmem>>, vector<16xf32>,
      %add3A_2065 = arith.constant 32 : i32
      %add3A_2066 = arith.addi %mul3A_2043, %add3A_2065 : i32
      %get3A_2067 = arith.index_cast %add3A_2066 : i32 to index
      %get3A_2068 = tpu.vector_load %arg4[%get3A_2067] {strides = array<i32>} : memref<32768xf32, #tpu.memory_space<vmem>>, vector<16xf32>,
      %sub3A_2069 = arith.subf %get3A_2068, %add3A_453 : vector<16xf32>
      %max3A_2070 = arith.constant 0.000000e+00 : f32
      %max3A_2071 = vector.broadcast %max3A_2070 : f32 to vector<16xf32>
      %max3A_2072 = arith.maximumf %sub3A_2069, %max3A_2071 : vector<16xf32>
      %mul3A_2073 = arith.mulf %max3A_2072, %div3A_484 : vector<16xf32>
      %swap3A_2074 = arith.index_cast %add3A_2066 : i32 to index
      %swap3A_2075 = tpu.vector_load %arg4[%swap3A_2074] {strides = array<i32>} : memref<32768xf32, #tpu.memory_space<vmem>>, vector<16xf32>,
      tpu.vector_store %arg4[%swap3A_2074], %mul3A_2073 {strides = array<i32>} : memref<32768xf32, #tpu.memory_space<vmem>>, vector<16xf32>,
      %add3A_2076 = arith.constant 48 : i32
      %add3A_2077 = arith.addi %mul3A_2043, %add3A_2076 : i32
      %get3A_2078 = arith.index_cast %add3A_2077 : i32 to index
      %get3A_2079 = tpu.vector_load %arg4[%get3A_2078] {strides = array<i32>} : memref<32768xf32, #tpu.memory_space<vmem>>, vector<16xf32>,
      %sub3A_2080 = arith.subf %get3A_2079, %add3A_453 : vector<16xf32>
      %max3A_2081 = arith.constant 0.000000e+00 : f32
      %max3A_2082 = vector.broadcast %max3A_2081 : f32 to vector<16xf32>
      %max3A_2083 = arith.maximumf %sub3A_2080, %max3A_2082 : vector<16xf32>
      %mul3A_2084 = arith.mulf %max3A_2083, %div3A_484 : vector<16xf32>
      %swap3A_2085 = arith.index_cast %add3A_2077 : i32 to index
      %swap3A_2086 = tpu.vector_load %arg4[%swap3A_2085] {strides = array<i32>} : memref<32768xf32, #tpu.memory_space<vmem>>, vector<16xf32>,
      tpu.vector_store %arg4[%swap3A_2085], %mul3A_2084 {strides = array<i32>} : memref<32768xf32, #tpu.memory_space<vmem>>, vector<16xf32>,
      %add3A_2087 = arith.constant 64 : i32
      %add3A_2088 = arith.addi %mul3A_2043, %add3A_2087 : i32
      %get3A_2089 = arith.index_cast %add3A_2088 : i32 to index
      %get3A_2090 = tpu.vector_load %arg4[%get3A_2089] {strides = array<i32>} : memref<32768xf32, #tpu.memory_space<vmem>>, vector<16xf32>,
      %sub3A_2091 = arith.subf %get3A_2090, %add3A_453 : vector<16xf32>
      %max3A_2092 = arith.constant 0.000000e+00 : f32
      %max3A_2093 = vector.broadcast %max3A_2092 : f32 to vector<16xf32>
      %max3A_2094 = arith.maximumf %sub3A_2091, %max3A_2093 : vector<16xf32>
      %mul3A_2095 = arith.mulf %max3A_2094, %div3A_484 : vector<16xf32>
      %swap3A_2096 = arith.index_cast %add3A_2088 : i32 to index
      %swap3A_2097 = tpu.vector_load %arg4[%swap3A_2096] {strides = array<i32>} : memref<32768xf32, #tpu.memory_space<vmem>>, vector<16xf32>,
      tpu.vector_store %arg4[%swap3A_2096], %mul3A_2095 {strides = array<i32>} : memref<32768xf32, #tpu.memory_space<vmem>>, vector<16xf32>,
      %add3A_2098 = arith.constant 80 : i32
      %add3A_2099 = arith.addi %mul3A_2043, %add3A_2098 : i32
      %get3A_2100 = arith.index_cast %add3A_2099 : i32 to index
      %get3A_2101 = tpu.vector_load %arg4[%get3A_2100] {strides = array<i32>} : memref<32768xf32, #tpu.memory_space<vmem>>, vector<16xf32>,
      %sub3A_2102 = arith.subf %get3A_2101, %add3A_453 : vector<16xf32>
      %max3A_2103 = arith.constant 0.000000e+00 : f32
      %max3A_2104 = vector.broadcast %max3A_2103 : f32 to vector<16xf32>
      %max3A_2105 = arith.maximumf %sub3A_2102, %max3A_2104 : vector<16xf32>
      %mul3A_2106 = arith.mulf %max3A_2105, %div3A_484 : vector<16xf32>
      %swap3A_2107 = arith.index_cast %add3A_2099 : i32 to index
      %swap3A_2108 = tpu.vector_load %arg4[%swap3A_2107] {strides = array<i32>} : memref<32768xf32, #tpu.memory_space<vmem>>, vector<16xf32>,
      tpu.vector_store %arg4[%swap3A_2107], %mul3A_2106 {strides = array<i32>} : memref<32768xf32, #tpu.memory_space<vmem>>, vector<16xf32>,
      %add3A_2109 = arith.constant 96 : i32
      %add3A_2110 = arith.addi %mul3A_2043, %add3A_2109 : i32
      %get3A_2111 = arith.index_cast %add3A_2110 : i32 to index
      %get3A_2112 = tpu.vector_load %arg4[%get3A_2111] {strides = array<i32>} : memref<32768xf32, #tpu.memory_space<vmem>>, vector<16xf32>,
      %sub3A_2113 = arith.subf %get3A_2112, %add3A_453 : vector<16xf32>
      %max3A_2114 = arith.constant 0.000000e+00 : f32
      %max3A_2115 = vector.broadcast %max3A_2114 : f32 to vector<16xf32>
      %max3A_2116 = arith.maximumf %sub3A_2113, %max3A_2115 : vector<16xf32>
      %mul3A_2117 = arith.mulf %max3A_2116, %div3A_484 : vector<16xf32>
      %swap3A_2118 = arith.index_cast %add3A_2110 : i32 to index
      %swap3A_2119 = tpu.vector_load %arg4[%swap3A_2118] {strides = array<i32>} : memref<32768xf32, #tpu.memory_space<vmem>>, vector<16xf32>,
      tpu.vector_store %arg4[%swap3A_2118], %mul3A_2117 {strides = array<i32>} : memref<32768xf32, #tpu.memory_space<vmem>>, vector<16xf32>,
      %add3A_2120 = arith.constant 112 : i32
      %add3A_2121 = arith.addi %mul3A_2043, %add3A_2120 : i32
      %get3A_2122 = arith.index_cast %add3A_2121 : i32 to index
      %get3A_2123 = tpu.vector_load %arg4[%get3A_2122] {strides = array<i32>} : memref<32768xf32, #tpu.memory_space<vmem>>, vector<16xf32>,
      %sub3A_2124 = arith.subf %get3A_2123, %add3A_453 : vector<16xf32>
      %max3A_2125 = arith.constant 0.000000e+00 : f32
      %max3A_2126 = vector.broadcast %max3A_2125 : f32 to vector<16xf32>
      %max3A_2127 = arith.maximumf %sub3A_2124, %max3A_2126 : vector<16xf32>
      %mul3A_2128 = arith.mulf %max3A_2127, %div3A_484 : vector<16xf32>
      %swap3A_2129 = arith.index_cast %add3A_2121 : i32 to index
      %swap3A_2130 = tpu.vector_load %arg4[%swap3A_2129] {strides = array<i32>} : memref<32768xf32, #tpu.memory_space<vmem>>, vector<16xf32>,
      tpu.vector_store %arg4[%swap3A_2129], %mul3A_2128 {strides = array<i32>} : memref<32768xf32, #tpu.memory_space<vmem>>, vector<16xf32>,
    }
    %scan3A_490 = arith.constant 256 : i32
    %dma_start3A_491 = arith.constant 0 : i32
    %dma_start3A_492 = tpu.memref_slice %arg3[%add3A_27, %dma_start3A_491] : memref<128x32768xf32, #tpu.memory_space<hbm>> -> memref<1x32768xf32, #tpu.memory_space<hbm>>
    %dma_start3A_493 = tpu.memref_squeeze %dma_start3A_492 : memref<1x32768xf32, #tpu.memory_space<hbm>> -> memref<32768xf32, #tpu.memory_space<hbm>>
    %dma_start3A_494 = arith.constant 0 : i32
    %dma_start3A_495 = tpu.memref_slice %arg3[%add3A_27, %dma_start3A_494] : memref<128x32768xf32, #tpu.memory_space<hbm>> -> memref<1x32768xf32, #tpu.memory_space<hbm>>
    %dma_start3A_496 = tpu.memref_squeeze %dma_start3A_495 : memref<1x32768xf32, #tpu.memory_space<hbm>> -> memref<32768xf32, #tpu.memory_space<hbm>>
    tpu.enqueue_dma source(%arg4 : memref<32768xf32, #tpu.memory_space<vmem>>) target(%dma_start3A_496 : memref<32768xf32, #tpu.memory_space<hbm>>) target_semaphore(%arg11 : memref<!tpu.dma_semaphore, #tpu.memory_space<semaphore_mem>>)
    %dma_wait3A_497 = arith.constant 0 : i32
    %dma_wait3A_498 = tpu.memref_slice %arg3[%add3A_27, %dma_wait3A_497] : memref<128x32768xf32, #tpu.memory_space<hbm>> -> memref<1x32768xf32, #tpu.memory_space<hbm>>
    %dma_wait3A_499 = tpu.memref_squeeze %dma_wait3A_498 : memref<1x32768xf32, #tpu.memory_space<hbm>> -> memref<32768xf32, #tpu.memory_space<hbm>>
    %dma_wait3A_500 = arith.constant 0 : i32
    %dma_wait3A_501 = tpu.memref_slice %arg3[%add3A_27, %dma_wait3A_500] : memref<128x32768xf32, #tpu.memory_space<hbm>> -> memref<1x32768xf32, #tpu.memory_space<hbm>>
    %dma_wait3A_502 = tpu.memref_squeeze %dma_wait3A_501 : memref<1x32768xf32, #tpu.memory_space<hbm>> -> memref<32768xf32, #tpu.memory_space<hbm>>
    tpu.wait_dma2 semaphore(%arg11 : memref<!tpu.dma_semaphore, #tpu.memory_space<semaphore_mem>>) src(%arg4 : memref<32768xf32, #tpu.memory_space<vmem>>) dst(%dma_wait3A_502 : memref<32768xf32, #tpu.memory_space<hbm>>)
    %add3A_503 = arith.constant 1 : i32
    %add3A_504 = arith.addi %mul3A_2, %add3A_503 : i32
    %add3A_505 = arith.constant 1 : i32
    %add3A_506 = arith.addi %add3A_504, %add3A_505 : i32
    %dma_start3A_507 = arith.constant 0 : i32
    %dma_start3A_508 = tpu.memref_slice %arg2[%add3A_506, %dma_start3A_507] : memref<128x32768xf32, #tpu.memory_space<hbm>> -> memref<1x32768xf32, #tpu.memory_space<hbm>>
    %dma_start3A_509 = tpu.memref_squeeze %dma_start3A_508 : memref<1x32768xf32, #tpu.memory_space<hbm>> -> memref<32768xf32, #tpu.memory_space<hbm>>
    %dma_start3A_510 = arith.constant 0 : i32
    %dma_start3A_511 = tpu.memref_slice %arg2[%add3A_506, %dma_start3A_510] : memref<128x32768xf32, #tpu.memory_space<hbm>> -> memref<1x32768xf32, #tpu.memory_space<hbm>>
    %dma_start3A_512 = tpu.memref_squeeze %dma_start3A_511 : memref<1x32768xf32, #tpu.memory_space<hbm>> -> memref<32768xf32, #tpu.memory_space<hbm>>
    tpu.enqueue_dma source(%dma_start3A_512 : memref<32768xf32, #tpu.memory_space<hbm>>) target(%arg4 : memref<32768xf32, #tpu.memory_space<vmem>>) target_semaphore(%arg9 : memref<!tpu.dma_semaphore, #tpu.memory_space<semaphore_mem>>)
    %dma_wait3A_513 = arith.constant 0 : i32
    %dma_wait3A_514 = tpu.memref_slice %arg2[%add3A_14, %dma_wait3A_513] : memref<128x32768xf32, #tpu.memory_space<hbm>> -> memref<1x32768xf32, #tpu.memory_space<hbm>>
    %dma_wait3A_515 = tpu.memref_squeeze %dma_wait3A_514 : memref<1x32768xf32, #tpu.memory_space<hbm>> -> memref<32768xf32, #tpu.memory_space<hbm>>
    %dma_wait3A_516 = arith.constant 0 : i32
    %dma_wait3A_517 = tpu.memref_slice %arg2[%add3A_14, %dma_wait3A_516] : memref<128x32768xf32, #tpu.memory_space<hbm>> -> memref<1x32768xf32, #tpu.memory_space<hbm>>
    %dma_wait3A_518 = tpu.memref_squeeze %dma_wait3A_517 : memref<1x32768xf32, #tpu.memory_space<hbm>> -> memref<32768xf32, #tpu.memory_space<hbm>>
    tpu.wait_dma2 semaphore(%arg10 : memref<!tpu.dma_semaphore, #tpu.memory_space<semaphore_mem>>) src(%dma_wait3A_518 : memref<32768xf32, #tpu.memory_space<hbm>>) dst(%arg5 : memref<32768xf32, #tpu.memory_space<vmem>>)
    %add3A_519 = arith.constant 1 : i32
    %add3A_520 = arith.addi %mul3A_2, %add3A_519 : i32
    %scan3A_521 = arith.constant 0 : i32
    %scan3A_522 = arith.constant 256 : i32
    %scan3A_523 = arith.addi %scan3A_521, %scan3A_522 : i32
    %scan3A_524 = arith.constant 1 : i32
    %scan3A_525:2 = scf.for %scan3A_2041 = %scan3A_521 to %scan3A_523 step %scan3A_524 iter_args(%scan3A_2042 = %broadcast_in_dim3A_3, %scan3A_2043 = %broadcast_in_dim3A_3) -> (vector<16xf32>, vector<16xf32>)  : i32 {
      %mul3A_2044 = arith.constant 128 : i32
      %mul3A_2045 = arith.muli %scan3A_2041, %mul3A_2044 : i32
      %add3A_2046 = arith.constant 0 : i32
      %add3A_2047 = arith.addi %mul3A_2045, %add3A_2046 : i32
      %get3A_2048 = arith.index_cast %add3A_2047 : i32 to index
      %get3A_2049 = tpu.vector_load %arg5[%get3A_2048] {strides = array<i32>} : memref<32768xf32, #tpu.memory_space<vmem>>, vector<16xf32>,
      %add3A_2050 = arith.constant 16 : i32
      %add3A_2051 = arith.addi %mul3A_2045, %add3A_2050 : i32
      %get3A_2052 = arith.index_cast %add3A_2051 : i32 to index
      %get3A_2053 = tpu.vector_load %arg5[%get3A_2052] {strides = array<i32>} : memref<32768xf32, #tpu.memory_space<vmem>>, vector<16xf32>,
      %add3A_2054 = arith.constant 32 : i32
      %add3A_2055 = arith.addi %mul3A_2045, %add3A_2054 : i32
      %get3A_2056 = arith.index_cast %add3A_2055 : i32 to index
      %get3A_2057 = tpu.vector_load %arg5[%get3A_2056] {strides = array<i32>} : memref<32768xf32, #tpu.memory_space<vmem>>, vector<16xf32>,
      %add3A_2058 = arith.constant 48 : i32
      %add3A_2059 = arith.addi %mul3A_2045, %add3A_2058 : i32
      %get3A_2060 = arith.index_cast %add3A_2059 : i32 to index
      %get3A_2061 = tpu.vector_load %arg5[%get3A_2060] {strides = array<i32>} : memref<32768xf32, #tpu.memory_space<vmem>>, vector<16xf32>,
      %add3A_2062 = arith.constant 64 : i32
      %add3A_2063 = arith.addi %mul3A_2045, %add3A_2062 : i32
      %get3A_2064 = arith.index_cast %add3A_2063 : i32 to index
      %get3A_2065 = tpu.vector_load %arg5[%get3A_2064] {strides = array<i32>} : memref<32768xf32, #tpu.memory_space<vmem>>, vector<16xf32>,
      %add3A_2066 = arith.constant 80 : i32
      %add3A_2067 = arith.addi %mul3A_2045, %add3A_2066 : i32
      %get3A_2068 = arith.index_cast %add3A_2067 : i32 to index
      %get3A_2069 = tpu.vector_load %arg5[%get3A_2068] {strides = array<i32>} : memref<32768xf32, #tpu.memory_space<vmem>>, vector<16xf32>,
      %add3A_2070 = arith.constant 96 : i32
      %add3A_2071 = arith.addi %mul3A_2045, %add3A_2070 : i32
      %get3A_2072 = arith.index_cast %add3A_2071 : i32 to index
      %get3A_2073 = tpu.vector_load %arg5[%get3A_2072] {strides = array<i32>} : memref<32768xf32, #tpu.memory_space<vmem>>, vector<16xf32>,
      %add3A_2074 = arith.constant 112 : i32
      %add3A_2075 = arith.addi %mul3A_2045, %add3A_2074 : i32
      %get3A_2076 = arith.index_cast %add3A_2075 : i32 to index
      %get3A_2077 = tpu.vector_load %arg5[%get3A_2076] {strides = array<i32>} : memref<32768xf32, #tpu.memory_space<vmem>>, vector<16xf32>,
      %max3A_2078 = arith.maximumf %get3A_2049, %get3A_2057 : vector<16xf32>
      %max3A_2079 = arith.maximumf %get3A_2065, %get3A_2073 : vector<16xf32>
      %max3A_2080 = arith.maximumf %max3A_2078, %max3A_2079 : vector<16xf32>
      %max3A_2081 = arith.maximumf %get3A_2053, %get3A_2061 : vector<16xf32>
      %max3A_2082 = arith.maximumf %get3A_2069, %get3A_2077 : vector<16xf32>
      %max3A_2083 = arith.maximumf %max3A_2081, %max3A_2082 : vector<16xf32>
      %max3A_2084 = arith.maximumf %max3A_2080, %max3A_2083 : vector<16xf32>
      %broadcast_in_dim3A_2085 = arith.constant true
      %broadcast_in_dim3A_2086 = vector.broadcast %broadcast_in_dim3A_2085 : i1 to vector<16xi1>
      %masked_cummax3A = tpu.scan <max>, %max3A_2084 masked %broadcast_in_dim3A_2086 : vector<16xf32>, vector<16xi1> -> vector<16xf32>
      %broadcast_in_dim3A_2087 = vector.broadcast %scan3A_2041 : i32 to vector<16xi32>
      %eq3A = arith.constant 15 : i32
      %eq3A_2088 = vector.broadcast %eq3A : i32 to vector<16xi32>
      %eq3A_2089 = arith.cmpi eq, %iota3A, %eq3A_2088 : vector<16xi32>
      tpu.vector_store_idx %arg7[%broadcast_in_dim3A_2087], %masked_cummax3A masked %eq3A_2089 : memref<272xf32, #tpu.memory_space<vmem>>[vector<16xi32>], vector<16xf32>, vector<16xi1>
      %max3A_2090 = arith.maximumf %scan3A_2042, %max3A_2080 : vector<16xf32>
      %max3A_2091 = arith.maximumf %scan3A_2043, %max3A_2083 : vector<16xf32>
      scf.yield %max3A_2090, %max3A_2091 : vector<16xf32>, vector<16xf32>
    }
    %scan3A_526 = arith.constant 256 : i32
    %min3A_527 = arith.minimumf %scan3A_525#0, %scan3A_525#1 : vector<16xf32>
    %masked_sort3A_528 = arith.constant dense<true> : vector<16xi1>
    %masked_sort3A_529, %masked_sort3A_530, %masked_sort3A_531 = tpu.sort %min3A_527, %min3A_527 masked %masked_sort3A_528 {descending = true} : (vector<16xf32>, vector<16xf32>, vector<16xi1>) -> (vector<16xi1>, vector<16xf32>, vector<16xf32>)
    %broadcast_in_dim3A_532 = arith.constant 15 : i32
    %broadcast_in_dim3A_533 = vector.broadcast %broadcast_in_dim3A_532 : i32 to vector<16x1xi32>
    %gather3A_534 = vector.shape_cast %broadcast_in_dim3A_533 : vector<16x1xi32> to vector<16xi32>
    %gather3A_535 = tpu.dynamic_gather %masked_sort3A_530[%gather3A_534] in [0] : vector<16xf32>, vector<16xi32> -> vector<16xf32>
    %get3A_536 = arith.constant 0 : index
    %get3A_537 = tpu.vector_load %arg7[%get3A_536] {strides = array<i32>} : memref<272xf32, #tpu.memory_space<vmem>>, vector<16xf32>,
    %ge3A_538 = arith.cmpf oge, %get3A_537, %gather3A_535 : vector<16xf32>
    %jit3A_539 = arith.constant 1 : i32
    %jit3A_540 = arith.constant 0 : i32
    %broadcast_in_dim3A_541 = vector.broadcast %jit3A_539 : i32 to vector<16xi32>
    %broadcast_in_dim3A_542 = vector.broadcast %jit3A_540 : i32 to vector<16xi32>
    %select_n3A_543 = arith.select %ge3A_538, %broadcast_in_dim3A_541, %broadcast_in_dim3A_542 : vector<16xi1>, vector<16xi32>
    %broadcast_in_dim3A_544 = arith.constant true
    %broadcast_in_dim3A_545 = vector.broadcast %broadcast_in_dim3A_544 : i1 to vector<16xi1>
    %masked_cumsum3A_546 = tpu.scan <sum>, %select_n3A_543 masked %broadcast_in_dim3A_545 : vector<16xi32>, vector<16xi1> -> vector<16xi32>
    %add3A_547 = arith.addi %broadcast_in_dim3A_5, %masked_cumsum3A_546 : vector<16xi32>
    %sub3A_548 = arith.constant 1 : i32
    %sub3A_549 = vector.broadcast %sub3A_548 : i32 to vector<16xi32>
    %sub3A_550 = arith.subi %add3A_547, %sub3A_549 : vector<16xi32>
    %add3A_551 = arith.constant 0 : i32
    %add3A_552 = vector.broadcast %add3A_551 : i32 to vector<16xi32>
    %add3A_553 = arith.addi %iota3A, %add3A_552 : vector<16xi32>
    tpu.vector_store_idx %arg8[%sub3A_550], %add3A_553 masked %ge3A_538 : memref<272xi32, #tpu.memory_space<vmem>>[vector<16xi32>], vector<16xi32>, vector<16xi1>
    %all_reduce_population_count3A_554 = tpu.all_reduce %ge3A_538 {dim = 0 : i64, kind = #tpu.reduction_kind<sum>} : vector<16xi1> -> vector<16xi32>
    %add3A_555 = arith.addi %broadcast_in_dim3A_5, %all_reduce_population_count3A_554 : vector<16xi32>
    %get3A_556 = arith.constant 16 : index
    %get3A_557 = tpu.vector_load %arg7[%get3A_556] {strides = array<i32>} : memref<272xf32, #tpu.memory_space<vmem>>, vector<16xf32>,
    %ge3A_558 = arith.cmpf oge, %get3A_557, %gather3A_535 : vector<16xf32>
    %jit3A_559 = arith.constant 1 : i32
    %jit3A_560 = arith.constant 0 : i32
    %broadcast_in_dim3A_561 = vector.broadcast %jit3A_559 : i32 to vector<16xi32>
    %broadcast_in_dim3A_562 = vector.broadcast %jit3A_560 : i32 to vector<16xi32>
    %select_n3A_563 = arith.select %ge3A_558, %broadcast_in_dim3A_561, %broadcast_in_dim3A_562 : vector<16xi1>, vector<16xi32>
    %broadcast_in_dim3A_564 = arith.constant true
    %broadcast_in_dim3A_565 = vector.broadcast %broadcast_in_dim3A_564 : i1 to vector<16xi1>
    %masked_cumsum3A_566 = tpu.scan <sum>, %select_n3A_563 masked %broadcast_in_dim3A_565 : vector<16xi32>, vector<16xi1> -> vector<16xi32>
    %add3A_567 = arith.addi %add3A_555, %masked_cumsum3A_566 : vector<16xi32>
    %sub3A_568 = arith.constant 1 : i32
    %sub3A_569 = vector.broadcast %sub3A_568 : i32 to vector<16xi32>
    %sub3A_570 = arith.subi %add3A_567, %sub3A_569 : vector<16xi32>
    %add3A_571 = arith.constant 16 : i32
    %add3A_572 = vector.broadcast %add3A_571 : i32 to vector<16xi32>
    %add3A_573 = arith.addi %iota3A, %add3A_572 : vector<16xi32>
    tpu.vector_store_idx %arg8[%sub3A_570], %add3A_573 masked %ge3A_558 : memref<272xi32, #tpu.memory_space<vmem>>[vector<16xi32>], vector<16xi32>, vector<16xi1>
    %all_reduce_population_count3A_574 = tpu.all_reduce %ge3A_558 {dim = 0 : i64, kind = #tpu.reduction_kind<sum>} : vector<16xi1> -> vector<16xi32>
    %add3A_575 = arith.addi %add3A_555, %all_reduce_population_count3A_574 : vector<16xi32>
    %get3A_576 = arith.constant 32 : index
    %get3A_577 = tpu.vector_load %arg7[%get3A_576] {strides = array<i32>} : memref<272xf32, #tpu.memory_space<vmem>>, vector<16xf32>,
    %ge3A_578 = arith.cmpf oge, %get3A_577, %gather3A_535 : vector<16xf32>
    %jit3A_579 = arith.constant 1 : i32
    %jit3A_580 = arith.constant 0 : i32
    %broadcast_in_dim3A_581 = vector.broadcast %jit3A_579 : i32 to vector<16xi32>
    %broadcast_in_dim3A_582 = vector.broadcast %jit3A_580 : i32 to vector<16xi32>
    %select_n3A_583 = arith.select %ge3A_578, %broadcast_in_dim3A_581, %broadcast_in_dim3A_582 : vector<16xi1>, vector<16xi32>
    %broadcast_in_dim3A_584 = arith.constant true
    %broadcast_in_dim3A_585 = vector.broadcast %broadcast_in_dim3A_584 : i1 to vector<16xi1>
    %masked_cumsum3A_586 = tpu.scan <sum>, %select_n3A_583 masked %broadcast_in_dim3A_585 : vector<16xi32>, vector<16xi1> -> vector<16xi32>
    %add3A_587 = arith.addi %add3A_575, %masked_cumsum3A_586 : vector<16xi32>
    %sub3A_588 = arith.constant 1 : i32
    %sub3A_589 = vector.broadcast %sub3A_588 : i32 to vector<16xi32>
    %sub3A_590 = arith.subi %add3A_587, %sub3A_589 : vector<16xi32>
    %add3A_591 = arith.constant 32 : i32
    %add3A_592 = vector.broadcast %add3A_591 : i32 to vector<16xi32>
    %add3A_593 = arith.addi %iota3A, %add3A_592 : vector<16xi32>
    tpu.vector_store_idx %arg8[%sub3A_590], %add3A_593 masked %ge3A_578 : memref<272xi32, #tpu.memory_space<vmem>>[vector<16xi32>], vector<16xi32>, vector<16xi1>
    %all_reduce_population_count3A_594 = tpu.all_reduce %ge3A_578 {dim = 0 : i64, kind = #tpu.reduction_kind<sum>} : vector<16xi1> -> vector<16xi32>
    %add3A_595 = arith.addi %add3A_575, %all_reduce_population_count3A_594 : vector<16xi32>
    %get3A_596 = arith.constant 48 : index
    %get3A_597 = tpu.vector_load %arg7[%get3A_596] {strides = array<i32>} : memref<272xf32, #tpu.memory_space<vmem>>, vector<16xf32>,
    %ge3A_598 = arith.cmpf oge, %get3A_597, %gather3A_535 : vector<16xf32>
    %jit3A_599 = arith.constant 1 : i32
    %jit3A_600 = arith.constant 0 : i32
    %broadcast_in_dim3A_601 = vector.broadcast %jit3A_599 : i32 to vector<16xi32>
    %broadcast_in_dim3A_602 = vector.broadcast %jit3A_600 : i32 to vector<16xi32>
    %select_n3A_603 = arith.select %ge3A_598, %broadcast_in_dim3A_601, %broadcast_in_dim3A_602 : vector<16xi1>, vector<16xi32>
    %broadcast_in_dim3A_604 = arith.constant true
    %broadcast_in_dim3A_605 = vector.broadcast %broadcast_in_dim3A_604 : i1 to vector<16xi1>
    %masked_cumsum3A_606 = tpu.scan <sum>, %select_n3A_603 masked %broadcast_in_dim3A_605 : vector<16xi32>, vector<16xi1> -> vector<16xi32>
    %add3A_607 = arith.addi %add3A_595, %masked_cumsum3A_606 : vector<16xi32>
    %sub3A_608 = arith.constant 1 : i32
    %sub3A_609 = vector.broadcast %sub3A_608 : i32 to vector<16xi32>
    %sub3A_610 = arith.subi %add3A_607, %sub3A_609 : vector<16xi32>
    %add3A_611 = arith.constant 48 : i32
    %add3A_612 = vector.broadcast %add3A_611 : i32 to vector<16xi32>
    %add3A_613 = arith.addi %iota3A, %add3A_612 : vector<16xi32>
    tpu.vector_store_idx %arg8[%sub3A_610], %add3A_613 masked %ge3A_598 : memref<272xi32, #tpu.memory_space<vmem>>[vector<16xi32>], vector<16xi32>, vector<16xi1>
    %all_reduce_population_count3A_614 = tpu.all_reduce %ge3A_598 {dim = 0 : i64, kind = #tpu.reduction_kind<sum>} : vector<16xi1> -> vector<16xi32>
    %add3A_615 = arith.addi %add3A_595, %all_reduce_population_count3A_614 : vector<16xi32>
    %get3A_616 = arith.constant 64 : index
    %get3A_617 = tpu.vector_load %arg7[%get3A_616] {strides = array<i32>} : memref<272xf32, #tpu.memory_space<vmem>>, vector<16xf32>,
    %ge3A_618 = arith.cmpf oge, %get3A_617, %gather3A_535 : vector<16xf32>
    %jit3A_619 = arith.constant 1 : i32
    %jit3A_620 = arith.constant 0 : i32
    %broadcast_in_dim3A_621 = vector.broadcast %jit3A_619 : i32 to vector<16xi32>
    %broadcast_in_dim3A_622 = vector.broadcast %jit3A_620 : i32 to vector<16xi32>
    %select_n3A_623 = arith.select %ge3A_618, %broadcast_in_dim3A_621, %broadcast_in_dim3A_622 : vector<16xi1>, vector<16xi32>
    %broadcast_in_dim3A_624 = arith.constant true
    %broadcast_in_dim3A_625 = vector.broadcast %broadcast_in_dim3A_624 : i1 to vector<16xi1>
    %masked_cumsum3A_626 = tpu.scan <sum>, %select_n3A_623 masked %broadcast_in_dim3A_625 : vector<16xi32>, vector<16xi1> -> vector<16xi32>
    %add3A_627 = arith.addi %add3A_615, %masked_cumsum3A_626 : vector<16xi32>
    %sub3A_628 = arith.constant 1 : i32
    %sub3A_629 = vector.broadcast %sub3A_628 : i32 to vector<16xi32>
    %sub3A_630 = arith.subi %add3A_627, %sub3A_629 : vector<16xi32>
    %add3A_631 = arith.constant 64 : i32
    %add3A_632 = vector.broadcast %add3A_631 : i32 to vector<16xi32>
    %add3A_633 = arith.addi %iota3A, %add3A_632 : vector<16xi32>
    tpu.vector_store_idx %arg8[%sub3A_630], %add3A_633 masked %ge3A_618 : memref<272xi32, #tpu.memory_space<vmem>>[vector<16xi32>], vector<16xi32>, vector<16xi1>
    %all_reduce_population_count3A_634 = tpu.all_reduce %ge3A_618 {dim = 0 : i64, kind = #tpu.reduction_kind<sum>} : vector<16xi1> -> vector<16xi32>
    %add3A_635 = arith.addi %add3A_615, %all_reduce_population_count3A_634 : vector<16xi32>
    %get3A_636 = arith.constant 80 : index
    %get3A_637 = tpu.vector_load %arg7[%get3A_636] {strides = array<i32>} : memref<272xf32, #tpu.memory_space<vmem>>, vector<16xf32>,
    %ge3A_638 = arith.cmpf oge, %get3A_637, %gather3A_535 : vector<16xf32>
    %jit3A_639 = arith.constant 1 : i32
    %jit3A_640 = arith.constant 0 : i32
    %broadcast_in_dim3A_641 = vector.broadcast %jit3A_639 : i32 to vector<16xi32>
    %broadcast_in_dim3A_642 = vector.broadcast %jit3A_640 : i32 to vector<16xi32>
    %select_n3A_643 = arith.select %ge3A_638, %broadcast_in_dim3A_641, %broadcast_in_dim3A_642 : vector<16xi1>, vector<16xi32>
    %broadcast_in_dim3A_644 = arith.constant true
    %broadcast_in_dim3A_645 = vector.broadcast %broadcast_in_dim3A_644 : i1 to vector<16xi1>
    %masked_cumsum3A_646 = tpu.scan <sum>, %select_n3A_643 masked %broadcast_in_dim3A_645 : vector<16xi32>, vector<16xi1> -> vector<16xi32>
    %add3A_647 = arith.addi %add3A_635, %masked_cumsum3A_646 : vector<16xi32>
    %sub3A_648 = arith.constant 1 : i32
    %sub3A_649 = vector.broadcast %sub3A_648 : i32 to vector<16xi32>
    %sub3A_650 = arith.subi %add3A_647, %sub3A_649 : vector<16xi32>
    %add3A_651 = arith.constant 80 : i32
    %add3A_652 = vector.broadcast %add3A_651 : i32 to vector<16xi32>
    %add3A_653 = arith.addi %iota3A, %add3A_652 : vector<16xi32>
    tpu.vector_store_idx %arg8[%sub3A_650], %add3A_653 masked %ge3A_638 : memref<272xi32, #tpu.memory_space<vmem>>[vector<16xi32>], vector<16xi32>, vector<16xi1>
    %all_reduce_population_count3A_654 = tpu.all_reduce %ge3A_638 {dim = 0 : i64, kind = #tpu.reduction_kind<sum>} : vector<16xi1> -> vector<16xi32>
    %add3A_655 = arith.addi %add3A_635, %all_reduce_population_count3A_654 : vector<16xi32>
    %get3A_656 = arith.constant 96 : index
    %get3A_657 = tpu.vector_load %arg7[%get3A_656] {strides = array<i32>} : memref<272xf32, #tpu.memory_space<vmem>>, vector<16xf32>,
    %ge3A_658 = arith.cmpf oge, %get3A_657, %gather3A_535 : vector<16xf32>
    %jit3A_659 = arith.constant 1 : i32
    %jit3A_660 = arith.constant 0 : i32
    %broadcast_in_dim3A_661 = vector.broadcast %jit3A_659 : i32 to vector<16xi32>
    %broadcast_in_dim3A_662 = vector.broadcast %jit3A_660 : i32 to vector<16xi32>
    %select_n3A_663 = arith.select %ge3A_658, %broadcast_in_dim3A_661, %broadcast_in_dim3A_662 : vector<16xi1>, vector<16xi32>
    %broadcast_in_dim3A_664 = arith.constant true
    %broadcast_in_dim3A_665 = vector.broadcast %broadcast_in_dim3A_664 : i1 to vector<16xi1>
    %masked_cumsum3A_666 = tpu.scan <sum>, %select_n3A_663 masked %broadcast_in_dim3A_665 : vector<16xi32>, vector<16xi1> -> vector<16xi32>
    %add3A_667 = arith.addi %add3A_655, %masked_cumsum3A_666 : vector<16xi32>
    %sub3A_668 = arith.constant 1 : i32
    %sub3A_669 = vector.broadcast %sub3A_668 : i32 to vector<16xi32>
    %sub3A_670 = arith.subi %add3A_667, %sub3A_669 : vector<16xi32>
    %add3A_671 = arith.constant 96 : i32
    %add3A_672 = vector.broadcast %add3A_671 : i32 to vector<16xi32>
    %add3A_673 = arith.addi %iota3A, %add3A_672 : vector<16xi32>
    tpu.vector_store_idx %arg8[%sub3A_670], %add3A_673 masked %ge3A_658 : memref<272xi32, #tpu.memory_space<vmem>>[vector<16xi32>], vector<16xi32>, vector<16xi1>
    %all_reduce_population_count3A_674 = tpu.all_reduce %ge3A_658 {dim = 0 : i64, kind = #tpu.reduction_kind<sum>} : vector<16xi1> -> vector<16xi32>
    %add3A_675 = arith.addi %add3A_655, %all_reduce_population_count3A_674 : vector<16xi32>
    %get3A_676 = arith.constant 112 : index
    %get3A_677 = tpu.vector_load %arg7[%get3A_676] {strides = array<i32>} : memref<272xf32, #tpu.memory_space<vmem>>, vector<16xf32>,
    %ge3A_678 = arith.cmpf oge, %get3A_677, %gather3A_535 : vector<16xf32>
    %jit3A_679 = arith.constant 1 : i32
    %jit3A_680 = arith.constant 0 : i32
    %broadcast_in_dim3A_681 = vector.broadcast %jit3A_679 : i32 to vector<16xi32>
    %broadcast_in_dim3A_682 = vector.broadcast %jit3A_680 : i32 to vector<16xi32>
    %select_n3A_683 = arith.select %ge3A_678, %broadcast_in_dim3A_681, %broadcast_in_dim3A_682 : vector<16xi1>, vector<16xi32>
    %broadcast_in_dim3A_684 = arith.constant true
    %broadcast_in_dim3A_685 = vector.broadcast %broadcast_in_dim3A_684 : i1 to vector<16xi1>
    %masked_cumsum3A_686 = tpu.scan <sum>, %select_n3A_683 masked %broadcast_in_dim3A_685 : vector<16xi32>, vector<16xi1> -> vector<16xi32>
    %add3A_687 = arith.addi %add3A_675, %masked_cumsum3A_686 : vector<16xi32>
    %sub3A_688 = arith.constant 1 : i32
    %sub3A_689 = vector.broadcast %sub3A_688 : i32 to vector<16xi32>
    %sub3A_690 = arith.subi %add3A_687, %sub3A_689 : vector<16xi32>
    %add3A_691 = arith.constant 112 : i32
    %add3A_692 = vector.broadcast %add3A_691 : i32 to vector<16xi32>
    %add3A_693 = arith.addi %iota3A, %add3A_692 : vector<16xi32>
    tpu.vector_store_idx %arg8[%sub3A_690], %add3A_693 masked %ge3A_678 : memref<272xi32, #tpu.memory_space<vmem>>[vector<16xi32>], vector<16xi32>, vector<16xi1>
    %all_reduce_population_count3A_694 = tpu.all_reduce %ge3A_678 {dim = 0 : i64, kind = #tpu.reduction_kind<sum>} : vector<16xi1> -> vector<16xi32>
    %add3A_695 = arith.addi %add3A_675, %all_reduce_population_count3A_694 : vector<16xi32>
    %get3A_696 = arith.constant 128 : index
    %get3A_697 = tpu.vector_load %arg7[%get3A_696] {strides = array<i32>} : memref<272xf32, #tpu.memory_space<vmem>>, vector<16xf32>,
    %ge3A_698 = arith.cmpf oge, %get3A_697, %gather3A_535 : vector<16xf32>
    %jit3A_699 = arith.constant 1 : i32
    %jit3A_700 = arith.constant 0 : i32
    %broadcast_in_dim3A_701 = vector.broadcast %jit3A_699 : i32 to vector<16xi32>
    %broadcast_in_dim3A_702 = vector.broadcast %jit3A_700 : i32 to vector<16xi32>
    %select_n3A_703 = arith.select %ge3A_698, %broadcast_in_dim3A_701, %broadcast_in_dim3A_702 : vector<16xi1>, vector<16xi32>
    %broadcast_in_dim3A_704 = arith.constant true
    %broadcast_in_dim3A_705 = vector.broadcast %broadcast_in_dim3A_704 : i1 to vector<16xi1>
    %masked_cumsum3A_706 = tpu.scan <sum>, %select_n3A_703 masked %broadcast_in_dim3A_705 : vector<16xi32>, vector<16xi1> -> vector<16xi32>
    %add3A_707 = arith.addi %add3A_695, %masked_cumsum3A_706 : vector<16xi32>
    %sub3A_708 = arith.constant 1 : i32
    %sub3A_709 = vector.broadcast %sub3A_708 : i32 to vector<16xi32>
    %sub3A_710 = arith.subi %add3A_707, %sub3A_709 : vector<16xi32>
    %add3A_711 = arith.constant 128 : i32
    %add3A_712 = vector.broadcast %add3A_711 : i32 to vector<16xi32>
    %add3A_713 = arith.addi %iota3A, %add3A_712 : vector<16xi32>
    tpu.vector_store_idx %arg8[%sub3A_710], %add3A_713 masked %ge3A_698 : memref<272xi32, #tpu.memory_space<vmem>>[vector<16xi32>], vector<16xi32>, vector<16xi1>
    %all_reduce_population_count3A_714 = tpu.all_reduce %ge3A_698 {dim = 0 : i64, kind = #tpu.reduction_kind<sum>} : vector<16xi1> -> vector<16xi32>
    %add3A_715 = arith.addi %add3A_695, %all_reduce_population_count3A_714 : vector<16xi32>
    %get3A_716 = arith.constant 144 : index
    %get3A_717 = tpu.vector_load %arg7[%get3A_716] {strides = array<i32>} : memref<272xf32, #tpu.memory_space<vmem>>, vector<16xf32>,
    %ge3A_718 = arith.cmpf oge, %get3A_717, %gather3A_535 : vector<16xf32>
    %jit3A_719 = arith.constant 1 : i32
    %jit3A_720 = arith.constant 0 : i32
    %broadcast_in_dim3A_721 = vector.broadcast %jit3A_719 : i32 to vector<16xi32>
    %broadcast_in_dim3A_722 = vector.broadcast %jit3A_720 : i32 to vector<16xi32>
    %select_n3A_723 = arith.select %ge3A_718, %broadcast_in_dim3A_721, %broadcast_in_dim3A_722 : vector<16xi1>, vector<16xi32>
    %broadcast_in_dim3A_724 = arith.constant true
    %broadcast_in_dim3A_725 = vector.broadcast %broadcast_in_dim3A_724 : i1 to vector<16xi1>
    %masked_cumsum3A_726 = tpu.scan <sum>, %select_n3A_723 masked %broadcast_in_dim3A_725 : vector<16xi32>, vector<16xi1> -> vector<16xi32>
    %add3A_727 = arith.addi %add3A_715, %masked_cumsum3A_726 : vector<16xi32>
    %sub3A_728 = arith.constant 1 : i32
    %sub3A_729 = vector.broadcast %sub3A_728 : i32 to vector<16xi32>
    %sub3A_730 = arith.subi %add3A_727, %sub3A_729 : vector<16xi32>
    %add3A_731 = arith.constant 144 : i32
    %add3A_732 = vector.broadcast %add3A_731 : i32 to vector<16xi32>
    %add3A_733 = arith.addi %iota3A, %add3A_732 : vector<16xi32>
    tpu.vector_store_idx %arg8[%sub3A_730], %add3A_733 masked %ge3A_718 : memref<272xi32, #tpu.memory_space<vmem>>[vector<16xi32>], vector<16xi32>, vector<16xi1>
    %all_reduce_population_count3A_734 = tpu.all_reduce %ge3A_718 {dim = 0 : i64, kind = #tpu.reduction_kind<sum>} : vector<16xi1> -> vector<16xi32>
    %add3A_735 = arith.addi %add3A_715, %all_reduce_population_count3A_734 : vector<16xi32>
    %get3A_736 = arith.constant 160 : index
    %get3A_737 = tpu.vector_load %arg7[%get3A_736] {strides = array<i32>} : memref<272xf32, #tpu.memory_space<vmem>>, vector<16xf32>,
    %ge3A_738 = arith.cmpf oge, %get3A_737, %gather3A_535 : vector<16xf32>
    %jit3A_739 = arith.constant 1 : i32
    %jit3A_740 = arith.constant 0 : i32
    %broadcast_in_dim3A_741 = vector.broadcast %jit3A_739 : i32 to vector<16xi32>
    %broadcast_in_dim3A_742 = vector.broadcast %jit3A_740 : i32 to vector<16xi32>
    %select_n3A_743 = arith.select %ge3A_738, %broadcast_in_dim3A_741, %broadcast_in_dim3A_742 : vector<16xi1>, vector<16xi32>
    %broadcast_in_dim3A_744 = arith.constant true
    %broadcast_in_dim3A_745 = vector.broadcast %broadcast_in_dim3A_744 : i1 to vector<16xi1>
    %masked_cumsum3A_746 = tpu.scan <sum>, %select_n3A_743 masked %broadcast_in_dim3A_745 : vector<16xi32>, vector<16xi1> -> vector<16xi32>
    %add3A_747 = arith.addi %add3A_735, %masked_cumsum3A_746 : vector<16xi32>
    %sub3A_748 = arith.constant 1 : i32
    %sub3A_749 = vector.broadcast %sub3A_748 : i32 to vector<16xi32>
    %sub3A_750 = arith.subi %add3A_747, %sub3A_749 : vector<16xi32>
    %add3A_751 = arith.constant 160 : i32
    %add3A_752 = vector.broadcast %add3A_751 : i32 to vector<16xi32>
    %add3A_753 = arith.addi %iota3A, %add3A_752 : vector<16xi32>
    tpu.vector_store_idx %arg8[%sub3A_750], %add3A_753 masked %ge3A_738 : memref<272xi32, #tpu.memory_space<vmem>>[vector<16xi32>], vector<16xi32>, vector<16xi1>
    %all_reduce_population_count3A_754 = tpu.all_reduce %ge3A_738 {dim = 0 : i64, kind = #tpu.reduction_kind<sum>} : vector<16xi1> -> vector<16xi32>
    %add3A_755 = arith.addi %add3A_735, %all_reduce_population_count3A_754 : vector<16xi32>
    %get3A_756 = arith.constant 176 : index
    %get3A_757 = tpu.vector_load %arg7[%get3A_756] {strides = array<i32>} : memref<272xf32, #tpu.memory_space<vmem>>, vector<16xf32>,
    %ge3A_758 = arith.cmpf oge, %get3A_757, %gather3A_535 : vector<16xf32>
    %jit3A_759 = arith.constant 1 : i32
    %jit3A_760 = arith.constant 0 : i32
    %broadcast_in_dim3A_761 = vector.broadcast %jit3A_759 : i32 to vector<16xi32>
    %broadcast_in_dim3A_762 = vector.broadcast %jit3A_760 : i32 to vector<16xi32>
    %select_n3A_763 = arith.select %ge3A_758, %broadcast_in_dim3A_761, %broadcast_in_dim3A_762 : vector<16xi1>, vector<16xi32>
    %broadcast_in_dim3A_764 = arith.constant true
    %broadcast_in_dim3A_765 = vector.broadcast %broadcast_in_dim3A_764 : i1 to vector<16xi1>
    %masked_cumsum3A_766 = tpu.scan <sum>, %select_n3A_763 masked %broadcast_in_dim3A_765 : vector<16xi32>, vector<16xi1> -> vector<16xi32>
    %add3A_767 = arith.addi %add3A_755, %masked_cumsum3A_766 : vector<16xi32>
    %sub3A_768 = arith.constant 1 : i32
    %sub3A_769 = vector.broadcast %sub3A_768 : i32 to vector<16xi32>
    %sub3A_770 = arith.subi %add3A_767, %sub3A_769 : vector<16xi32>
    %add3A_771 = arith.constant 176 : i32
    %add3A_772 = vector.broadcast %add3A_771 : i32 to vector<16xi32>
    %add3A_773 = arith.addi %iota3A, %add3A_772 : vector<16xi32>
    tpu.vector_store_idx %arg8[%sub3A_770], %add3A_773 masked %ge3A_758 : memref<272xi32, #tpu.memory_space<vmem>>[vector<16xi32>], vector<16xi32>, vector<16xi1>
    %all_reduce_population_count3A_774 = tpu.all_reduce %ge3A_758 {dim = 0 : i64, kind = #tpu.reduction_kind<sum>} : vector<16xi1> -> vector<16xi32>
    %add3A_775 = arith.addi %add3A_755, %all_reduce_population_count3A_774 : vector<16xi32>
    %get3A_776 = arith.constant 192 : index
    %get3A_777 = tpu.vector_load %arg7[%get3A_776] {strides = array<i32>} : memref<272xf32, #tpu.memory_space<vmem>>, vector<16xf32>,
    %ge3A_778 = arith.cmpf oge, %get3A_777, %gather3A_535 : vector<16xf32>
    %jit3A_779 = arith.constant 1 : i32
    %jit3A_780 = arith.constant 0 : i32
    %broadcast_in_dim3A_781 = vector.broadcast %jit3A_779 : i32 to vector<16xi32>
    %broadcast_in_dim3A_782 = vector.broadcast %jit3A_780 : i32 to vector<16xi32>
    %select_n3A_783 = arith.select %ge3A_778, %broadcast_in_dim3A_781, %broadcast_in_dim3A_782 : vector<16xi1>, vector<16xi32>
    %broadcast_in_dim3A_784 = arith.constant true
    %broadcast_in_dim3A_785 = vector.broadcast %broadcast_in_dim3A_784 : i1 to vector<16xi1>
    %masked_cumsum3A_786 = tpu.scan <sum>, %select_n3A_783 masked %broadcast_in_dim3A_785 : vector<16xi32>, vector<16xi1> -> vector<16xi32>
    %add3A_787 = arith.addi %add3A_775, %masked_cumsum3A_786 : vector<16xi32>
    %sub3A_788 = arith.constant 1 : i32
    %sub3A_789 = vector.broadcast %sub3A_788 : i32 to vector<16xi32>
    %sub3A_790 = arith.subi %add3A_787, %sub3A_789 : vector<16xi32>
    %add3A_791 = arith.constant 192 : i32
    %add3A_792 = vector.broadcast %add3A_791 : i32 to vector<16xi32>
    %add3A_793 = arith.addi %iota3A, %add3A_792 : vector<16xi32>
    tpu.vector_store_idx %arg8[%sub3A_790], %add3A_793 masked %ge3A_778 : memref<272xi32, #tpu.memory_space<vmem>>[vector<16xi32>], vector<16xi32>, vector<16xi1>
    %all_reduce_population_count3A_794 = tpu.all_reduce %ge3A_778 {dim = 0 : i64, kind = #tpu.reduction_kind<sum>} : vector<16xi1> -> vector<16xi32>
    %add3A_795 = arith.addi %add3A_775, %all_reduce_population_count3A_794 : vector<16xi32>
    %get3A_796 = arith.constant 208 : index
    %get3A_797 = tpu.vector_load %arg7[%get3A_796] {strides = array<i32>} : memref<272xf32, #tpu.memory_space<vmem>>, vector<16xf32>,
    %ge3A_798 = arith.cmpf oge, %get3A_797, %gather3A_535 : vector<16xf32>
    %jit3A_799 = arith.constant 1 : i32
    %jit3A_800 = arith.constant 0 : i32
    %broadcast_in_dim3A_801 = vector.broadcast %jit3A_799 : i32 to vector<16xi32>
    %broadcast_in_dim3A_802 = vector.broadcast %jit3A_800 : i32 to vector<16xi32>
    %select_n3A_803 = arith.select %ge3A_798, %broadcast_in_dim3A_801, %broadcast_in_dim3A_802 : vector<16xi1>, vector<16xi32>
    %broadcast_in_dim3A_804 = arith.constant true
    %broadcast_in_dim3A_805 = vector.broadcast %broadcast_in_dim3A_804 : i1 to vector<16xi1>
    %masked_cumsum3A_806 = tpu.scan <sum>, %select_n3A_803 masked %broadcast_in_dim3A_805 : vector<16xi32>, vector<16xi1> -> vector<16xi32>
    %add3A_807 = arith.addi %add3A_795, %masked_cumsum3A_806 : vector<16xi32>
    %sub3A_808 = arith.constant 1 : i32
    %sub3A_809 = vector.broadcast %sub3A_808 : i32 to vector<16xi32>
    %sub3A_810 = arith.subi %add3A_807, %sub3A_809 : vector<16xi32>
    %add3A_811 = arith.constant 208 : i32
    %add3A_812 = vector.broadcast %add3A_811 : i32 to vector<16xi32>
    %add3A_813 = arith.addi %iota3A, %add3A_812 : vector<16xi32>
    tpu.vector_store_idx %arg8[%sub3A_810], %add3A_813 masked %ge3A_798 : memref<272xi32, #tpu.memory_space<vmem>>[vector<16xi32>], vector<16xi32>, vector<16xi1>
    %all_reduce_population_count3A_814 = tpu.all_reduce %ge3A_798 {dim = 0 : i64, kind = #tpu.reduction_kind<sum>} : vector<16xi1> -> vector<16xi32>
    %add3A_815 = arith.addi %add3A_795, %all_reduce_population_count3A_814 : vector<16xi32>
    %get3A_816 = arith.constant 224 : index
    %get3A_817 = tpu.vector_load %arg7[%get3A_816] {strides = array<i32>} : memref<272xf32, #tpu.memory_space<vmem>>, vector<16xf32>,
    %ge3A_818 = arith.cmpf oge, %get3A_817, %gather3A_535 : vector<16xf32>
    %jit3A_819 = arith.constant 1 : i32
    %jit3A_820 = arith.constant 0 : i32
    %broadcast_in_dim3A_821 = vector.broadcast %jit3A_819 : i32 to vector<16xi32>
    %broadcast_in_dim3A_822 = vector.broadcast %jit3A_820 : i32 to vector<16xi32>
    %select_n3A_823 = arith.select %ge3A_818, %broadcast_in_dim3A_821, %broadcast_in_dim3A_822 : vector<16xi1>, vector<16xi32>
    %broadcast_in_dim3A_824 = arith.constant true
    %broadcast_in_dim3A_825 = vector.broadcast %broadcast_in_dim3A_824 : i1 to vector<16xi1>
    %masked_cumsum3A_826 = tpu.scan <sum>, %select_n3A_823 masked %broadcast_in_dim3A_825 : vector<16xi32>, vector<16xi1> -> vector<16xi32>
    %add3A_827 = arith.addi %add3A_815, %masked_cumsum3A_826 : vector<16xi32>
    %sub3A_828 = arith.constant 1 : i32
    %sub3A_829 = vector.broadcast %sub3A_828 : i32 to vector<16xi32>
    %sub3A_830 = arith.subi %add3A_827, %sub3A_829 : vector<16xi32>
    %add3A_831 = arith.constant 224 : i32
    %add3A_832 = vector.broadcast %add3A_831 : i32 to vector<16xi32>
    %add3A_833 = arith.addi %iota3A, %add3A_832 : vector<16xi32>
    tpu.vector_store_idx %arg8[%sub3A_830], %add3A_833 masked %ge3A_818 : memref<272xi32, #tpu.memory_space<vmem>>[vector<16xi32>], vector<16xi32>, vector<16xi1>
    %all_reduce_population_count3A_834 = tpu.all_reduce %ge3A_818 {dim = 0 : i64, kind = #tpu.reduction_kind<sum>} : vector<16xi1> -> vector<16xi32>
    %add3A_835 = arith.addi %add3A_815, %all_reduce_population_count3A_834 : vector<16xi32>
    %get3A_836 = arith.constant 240 : index
    %get3A_837 = tpu.vector_load %arg7[%get3A_836] {strides = array<i32>} : memref<272xf32, #tpu.memory_space<vmem>>, vector<16xf32>,
    %ge3A_838 = arith.cmpf oge, %get3A_837, %gather3A_535 : vector<16xf32>
    %jit3A_839 = arith.constant 1 : i32
    %jit3A_840 = arith.constant 0 : i32
    %broadcast_in_dim3A_841 = vector.broadcast %jit3A_839 : i32 to vector<16xi32>
    %broadcast_in_dim3A_842 = vector.broadcast %jit3A_840 : i32 to vector<16xi32>
    %select_n3A_843 = arith.select %ge3A_838, %broadcast_in_dim3A_841, %broadcast_in_dim3A_842 : vector<16xi1>, vector<16xi32>
    %broadcast_in_dim3A_844 = arith.constant true
    %broadcast_in_dim3A_845 = vector.broadcast %broadcast_in_dim3A_844 : i1 to vector<16xi1>
    %masked_cumsum3A_846 = tpu.scan <sum>, %select_n3A_843 masked %broadcast_in_dim3A_845 : vector<16xi32>, vector<16xi1> -> vector<16xi32>
    %add3A_847 = arith.addi %add3A_835, %masked_cumsum3A_846 : vector<16xi32>
    %sub3A_848 = arith.constant 1 : i32
    %sub3A_849 = vector.broadcast %sub3A_848 : i32 to vector<16xi32>
    %sub3A_850 = arith.subi %add3A_847, %sub3A_849 : vector<16xi32>
    %add3A_851 = arith.constant 240 : i32
    %add3A_852 = vector.broadcast %add3A_851 : i32 to vector<16xi32>
    %add3A_853 = arith.addi %iota3A, %add3A_852 : vector<16xi32>
    tpu.vector_store_idx %arg8[%sub3A_850], %add3A_853 masked %ge3A_838 : memref<272xi32, #tpu.memory_space<vmem>>[vector<16xi32>], vector<16xi32>, vector<16xi1>
    %all_reduce_population_count3A_854 = tpu.all_reduce %ge3A_838 {dim = 0 : i64, kind = #tpu.reduction_kind<sum>} : vector<16xi1> -> vector<16xi32>
    %add3A_855 = arith.addi %add3A_835, %all_reduce_population_count3A_854 : vector<16xi32>
    %reduce_max3A_856 = arith.constant true
    %reduce_max3A_857 = vector.broadcast %reduce_max3A_856 : i1 to vector<16xi1>
    %reduce_max3A_858 = arith.constant -2147483648 : i32
    %reduce_max3A_859 = vector.broadcast %reduce_max3A_858 : i32 to vector<16xi32>
    %reduce_max3A_860 = arith.xori %add3A_855, %reduce_max3A_859 : vector<16xi32>
    %reduce_max3A_861 = tpu.scan <max>, %reduce_max3A_860 masked %reduce_max3A_857 : vector<16xi32>, vector<16xi1> -> vector<16xi32>
    %reduce_max3A_862 = arith.xori %reduce_max3A_861, %reduce_max3A_859 : vector<16xi32>
    %reduce_max3A_863 = vector.extract %reduce_max3A_862[15] : i32 from vector<16xi32>
    %get3A_864 = arith.constant 0 : index
    %get3A_865 = tpu.vector_load %arg8[%get3A_864] {strides = array<i32>} : memref<272xi32, #tpu.memory_space<vmem>>, vector<16xi32>,
    %slice3A_866 = vector.extract_strided_slice %get3A_865 {offsets = [0], sizes = [1], strides = [1]} : vector<16xi32> to vector<1xi32>
    %squeeze3A_867 = vector.extract %slice3A_866[0] : i32 from vector<1xi32>
    %mul3A_868 = arith.constant 128 : i32
    %mul3A_869 = arith.muli %squeeze3A_867, %mul3A_868 : i32
    %while3A_870 = arith.constant 0 : i32
    %while3A_871 = arith.subi %reduce_max3A_863, %while3A_870 : i32
    %while3A_872 = arith.addi %while3A_870, %while3A_871 : i32
    %while3A_873 = arith.constant 1 : i32
    %while3A_874 = arith.divsi %while3A_871, %while3A_873 : i32
    %while3A_875 = arith.muli %while3A_874, %while3A_873 : i32
    %while3A_876 = arith.addi %while3A_870, %while3A_875 : i32
    %while3A_877 = arith.constant 1 : i32
    %while3A_878:2 = scf.for %while3A_2041 = %while3A_870 to %while3A_876 step %while3A_877 iter_args(%while3A_2042 = %broadcast_in_dim3A_5, %while3A_2043 = %mul3A_869) -> (vector<16xi32>, i32)  : i32 {
      %add3A_2044 = arith.constant 1 : i32
      %add3A_2045 = arith.addi %while3A_2041, %add3A_2044 : i32
      %get3A_2046 = arith.index_cast %add3A_2045 : i32 to index
      %get3A_2047 = tpu.vector_load %arg8[%get3A_2046] {strides = array<i32>} : memref<272xi32, #tpu.memory_space<vmem>>, vector<16xi32>,
      %slice3A_2048 = vector.extract_strided_slice %get3A_2047 {offsets = [0], sizes = [1], strides = [1]} : vector<16xi32> to vector<1xi32>
      %squeeze3A_2049 = vector.extract %slice3A_2048[0] : i32 from vector<1xi32>
      %mul3A_2050 = arith.constant 128 : i32
      %mul3A_2051 = arith.muli %squeeze3A_2049, %mul3A_2050 : i32
      %add3A_2052 = arith.constant 0 : i32
      %add3A_2053 = arith.addi %while3A_2043, %add3A_2052 : i32
      %get3A_2054 = arith.index_cast %add3A_2053 : i32 to index
      %get3A_2055 = tpu.vector_load %arg5[%get3A_2054] {strides = array<i32>} : memref<32768xf32, #tpu.memory_space<vmem>>, vector<16xf32>,
      %ge3A_2056 = arith.cmpf oge, %get3A_2055, %gather3A_535 : vector<16xf32>
      %jit3A_2057 = arith.constant 1 : i32
      %jit3A_2058 = arith.constant 0 : i32
      %broadcast_in_dim3A_2059 = vector.broadcast %jit3A_2057 : i32 to vector<16xi32>
      %broadcast_in_dim3A_2060 = vector.broadcast %jit3A_2058 : i32 to vector<16xi32>
      %select_n3A_2061 = arith.select %ge3A_2056, %broadcast_in_dim3A_2059, %broadcast_in_dim3A_2060 : vector<16xi1>, vector<16xi32>
      %broadcast_in_dim3A_2062 = arith.constant true
      %broadcast_in_dim3A_2063 = vector.broadcast %broadcast_in_dim3A_2062 : i1 to vector<16xi1>
      %masked_cumsum3A_2064 = tpu.scan <sum>, %select_n3A_2061 masked %broadcast_in_dim3A_2063 : vector<16xi32>, vector<16xi1> -> vector<16xi32>
      %add3A_2065 = arith.addi %while3A_2042, %masked_cumsum3A_2064 : vector<16xi32>
      %sub3A_2066 = arith.constant 1 : i32
      %sub3A_2067 = vector.broadcast %sub3A_2066 : i32 to vector<16xi32>
      %sub3A_2068 = arith.subi %add3A_2065, %sub3A_2067 : vector<16xi32>
      tpu.vector_store_idx %arg6[%sub3A_2068], %get3A_2055 masked %ge3A_2056 : memref<32784xf32, #tpu.memory_space<vmem>>[vector<16xi32>], vector<16xf32>, vector<16xi1>
      %all_reduce_population_count3A_2069 = tpu.all_reduce %ge3A_2056 {dim = 0 : i64, kind = #tpu.reduction_kind<sum>} : vector<16xi1> -> vector<16xi32>
      %add3A_2070 = arith.addi %while3A_2042, %all_reduce_population_count3A_2069 : vector<16xi32>
      %add3A_2071 = arith.constant 16 : i32
      %add3A_2072 = arith.addi %while3A_2043, %add3A_2071 : i32
      %get3A_2073 = arith.index_cast %add3A_2072 : i32 to index
      %get3A_2074 = tpu.vector_load %arg5[%get3A_2073] {strides = array<i32>} : memref<32768xf32, #tpu.memory_space<vmem>>, vector<16xf32>,
      %ge3A_2075 = arith.cmpf oge, %get3A_2074, %gather3A_535 : vector<16xf32>
      %jit3A_2076 = arith.constant 1 : i32
      %jit3A_2077 = arith.constant 0 : i32
      %broadcast_in_dim3A_2078 = vector.broadcast %jit3A_2076 : i32 to vector<16xi32>
      %broadcast_in_dim3A_2079 = vector.broadcast %jit3A_2077 : i32 to vector<16xi32>
      %select_n3A_2080 = arith.select %ge3A_2075, %broadcast_in_dim3A_2078, %broadcast_in_dim3A_2079 : vector<16xi1>, vector<16xi32>
      %broadcast_in_dim3A_2081 = arith.constant true
      %broadcast_in_dim3A_2082 = vector.broadcast %broadcast_in_dim3A_2081 : i1 to vector<16xi1>
      %masked_cumsum3A_2083 = tpu.scan <sum>, %select_n3A_2080 masked %broadcast_in_dim3A_2082 : vector<16xi32>, vector<16xi1> -> vector<16xi32>
      %add3A_2084 = arith.addi %add3A_2070, %masked_cumsum3A_2083 : vector<16xi32>
      %sub3A_2085 = arith.constant 1 : i32
      %sub3A_2086 = vector.broadcast %sub3A_2085 : i32 to vector<16xi32>
      %sub3A_2087 = arith.subi %add3A_2084, %sub3A_2086 : vector<16xi32>
      tpu.vector_store_idx %arg6[%sub3A_2087], %get3A_2074 masked %ge3A_2075 : memref<32784xf32, #tpu.memory_space<vmem>>[vector<16xi32>], vector<16xf32>, vector<16xi1>
      %all_reduce_population_count3A_2088 = tpu.all_reduce %ge3A_2075 {dim = 0 : i64, kind = #tpu.reduction_kind<sum>} : vector<16xi1> -> vector<16xi32>
      %add3A_2089 = arith.addi %add3A_2070, %all_reduce_population_count3A_2088 : vector<16xi32>
      %add3A_2090 = arith.constant 32 : i32
      %add3A_2091 = arith.addi %while3A_2043, %add3A_2090 : i32
      %get3A_2092 = arith.index_cast %add3A_2091 : i32 to index
      %get3A_2093 = tpu.vector_load %arg5[%get3A_2092] {strides = array<i32>} : memref<32768xf32, #tpu.memory_space<vmem>>, vector<16xf32>,
      %ge3A_2094 = arith.cmpf oge, %get3A_2093, %gather3A_535 : vector<16xf32>
      %jit3A_2095 = arith.constant 1 : i32
      %jit3A_2096 = arith.constant 0 : i32
      %broadcast_in_dim3A_2097 = vector.broadcast %jit3A_2095 : i32 to vector<16xi32>
      %broadcast_in_dim3A_2098 = vector.broadcast %jit3A_2096 : i32 to vector<16xi32>
      %select_n3A_2099 = arith.select %ge3A_2094, %broadcast_in_dim3A_2097, %broadcast_in_dim3A_2098 : vector<16xi1>, vector<16xi32>
      %broadcast_in_dim3A_2100 = arith.constant true
      %broadcast_in_dim3A_2101 = vector.broadcast %broadcast_in_dim3A_2100 : i1 to vector<16xi1>
      %masked_cumsum3A_2102 = tpu.scan <sum>, %select_n3A_2099 masked %broadcast_in_dim3A_2101 : vector<16xi32>, vector<16xi1> -> vector<16xi32>
      %add3A_2103 = arith.addi %add3A_2089, %masked_cumsum3A_2102 : vector<16xi32>
      %sub3A_2104 = arith.constant 1 : i32
      %sub3A_2105 = vector.broadcast %sub3A_2104 : i32 to vector<16xi32>
      %sub3A_2106 = arith.subi %add3A_2103, %sub3A_2105 : vector<16xi32>
      tpu.vector_store_idx %arg6[%sub3A_2106], %get3A_2093 masked %ge3A_2094 : memref<32784xf32, #tpu.memory_space<vmem>>[vector<16xi32>], vector<16xf32>, vector<16xi1>
      %all_reduce_population_count3A_2107 = tpu.all_reduce %ge3A_2094 {dim = 0 : i64, kind = #tpu.reduction_kind<sum>} : vector<16xi1> -> vector<16xi32>
      %add3A_2108 = arith.addi %add3A_2089, %all_reduce_population_count3A_2107 : vector<16xi32>
      %add3A_2109 = arith.constant 48 : i32
      %add3A_2110 = arith.addi %while3A_2043, %add3A_2109 : i32
      %get3A_2111 = arith.index_cast %add3A_2110 : i32 to index
      %get3A_2112 = tpu.vector_load %arg5[%get3A_2111] {strides = array<i32>} : memref<32768xf32, #tpu.memory_space<vmem>>, vector<16xf32>,
      %ge3A_2113 = arith.cmpf oge, %get3A_2112, %gather3A_535 : vector<16xf32>
      %jit3A_2114 = arith.constant 1 : i32
      %jit3A_2115 = arith.constant 0 : i32
      %broadcast_in_dim3A_2116 = vector.broadcast %jit3A_2114 : i32 to vector<16xi32>
      %broadcast_in_dim3A_2117 = vector.broadcast %jit3A_2115 : i32 to vector<16xi32>
      %select_n3A_2118 = arith.select %ge3A_2113, %broadcast_in_dim3A_2116, %broadcast_in_dim3A_2117 : vector<16xi1>, vector<16xi32>
      %broadcast_in_dim3A_2119 = arith.constant true
      %broadcast_in_dim3A_2120 = vector.broadcast %broadcast_in_dim3A_2119 : i1 to vector<16xi1>
      %masked_cumsum3A_2121 = tpu.scan <sum>, %select_n3A_2118 masked %broadcast_in_dim3A_2120 : vector<16xi32>, vector<16xi1> -> vector<16xi32>
      %add3A_2122 = arith.addi %add3A_2108, %masked_cumsum3A_2121 : vector<16xi32>
      %sub3A_2123 = arith.constant 1 : i32
      %sub3A_2124 = vector.broadcast %sub3A_2123 : i32 to vector<16xi32>
      %sub3A_2125 = arith.subi %add3A_2122, %sub3A_2124 : vector<16xi32>
      tpu.vector_store_idx %arg6[%sub3A_2125], %get3A_2112 masked %ge3A_2113 : memref<32784xf32, #tpu.memory_space<vmem>>[vector<16xi32>], vector<16xf32>, vector<16xi1>
      %all_reduce_population_count3A_2126 = tpu.all_reduce %ge3A_2113 {dim = 0 : i64, kind = #tpu.reduction_kind<sum>} : vector<16xi1> -> vector<16xi32>
      %add3A_2127 = arith.addi %add3A_2108, %all_reduce_population_count3A_2126 : vector<16xi32>
      %add3A_2128 = arith.constant 64 : i32
      %add3A_2129 = arith.addi %while3A_2043, %add3A_2128 : i32
      %get3A_2130 = arith.index_cast %add3A_2129 : i32 to index
      %get3A_2131 = tpu.vector_load %arg5[%get3A_2130] {strides = array<i32>} : memref<32768xf32, #tpu.memory_space<vmem>>, vector<16xf32>,
      %ge3A_2132 = arith.cmpf oge, %get3A_2131, %gather3A_535 : vector<16xf32>
      %jit3A_2133 = arith.constant 1 : i32
      %jit3A_2134 = arith.constant 0 : i32
      %broadcast_in_dim3A_2135 = vector.broadcast %jit3A_2133 : i32 to vector<16xi32>
      %broadcast_in_dim3A_2136 = vector.broadcast %jit3A_2134 : i32 to vector<16xi32>
      %select_n3A_2137 = arith.select %ge3A_2132, %broadcast_in_dim3A_2135, %broadcast_in_dim3A_2136 : vector<16xi1>, vector<16xi32>
      %broadcast_in_dim3A_2138 = arith.constant true
      %broadcast_in_dim3A_2139 = vector.broadcast %broadcast_in_dim3A_2138 : i1 to vector<16xi1>
      %masked_cumsum3A_2140 = tpu.scan <sum>, %select_n3A_2137 masked %broadcast_in_dim3A_2139 : vector<16xi32>, vector<16xi1> -> vector<16xi32>
      %add3A_2141 = arith.addi %add3A_2127, %masked_cumsum3A_2140 : vector<16xi32>
      %sub3A_2142 = arith.constant 1 : i32
      %sub3A_2143 = vector.broadcast %sub3A_2142 : i32 to vector<16xi32>
      %sub3A_2144 = arith.subi %add3A_2141, %sub3A_2143 : vector<16xi32>
      tpu.vector_store_idx %arg6[%sub3A_2144], %get3A_2131 masked %ge3A_2132 : memref<32784xf32, #tpu.memory_space<vmem>>[vector<16xi32>], vector<16xf32>, vector<16xi1>
      %all_reduce_population_count3A_2145 = tpu.all_reduce %ge3A_2132 {dim = 0 : i64, kind = #tpu.reduction_kind<sum>} : vector<16xi1> -> vector<16xi32>
      %add3A_2146 = arith.addi %add3A_2127, %all_reduce_population_count3A_2145 : vector<16xi32>
      %add3A_2147 = arith.constant 80 : i32
      %add3A_2148 = arith.addi %while3A_2043, %add3A_2147 : i32
      %get3A_2149 = arith.index_cast %add3A_2148 : i32 to index
      %get3A_2150 = tpu.vector_load %arg5[%get3A_2149] {strides = array<i32>} : memref<32768xf32, #tpu.memory_space<vmem>>, vector<16xf32>,
      %ge3A_2151 = arith.cmpf oge, %get3A_2150, %gather3A_535 : vector<16xf32>
      %jit3A_2152 = arith.constant 1 : i32
      %jit3A_2153 = arith.constant 0 : i32
      %broadcast_in_dim3A_2154 = vector.broadcast %jit3A_2152 : i32 to vector<16xi32>
      %broadcast_in_dim3A_2155 = vector.broadcast %jit3A_2153 : i32 to vector<16xi32>
      %select_n3A_2156 = arith.select %ge3A_2151, %broadcast_in_dim3A_2154, %broadcast_in_dim3A_2155 : vector<16xi1>, vector<16xi32>
      %broadcast_in_dim3A_2157 = arith.constant true
      %broadcast_in_dim3A_2158 = vector.broadcast %broadcast_in_dim3A_2157 : i1 to vector<16xi1>
      %masked_cumsum3A_2159 = tpu.scan <sum>, %select_n3A_2156 masked %broadcast_in_dim3A_2158 : vector<16xi32>, vector<16xi1> -> vector<16xi32>
      %add3A_2160 = arith.addi %add3A_2146, %masked_cumsum3A_2159 : vector<16xi32>
      %sub3A_2161 = arith.constant 1 : i32
      %sub3A_2162 = vector.broadcast %sub3A_2161 : i32 to vector<16xi32>
      %sub3A_2163 = arith.subi %add3A_2160, %sub3A_2162 : vector<16xi32>
      tpu.vector_store_idx %arg6[%sub3A_2163], %get3A_2150 masked %ge3A_2151 : memref<32784xf32, #tpu.memory_space<vmem>>[vector<16xi32>], vector<16xf32>, vector<16xi1>
      %all_reduce_population_count3A_2164 = tpu.all_reduce %ge3A_2151 {dim = 0 : i64, kind = #tpu.reduction_kind<sum>} : vector<16xi1> -> vector<16xi32>
      %add3A_2165 = arith.addi %add3A_2146, %all_reduce_population_count3A_2164 : vector<16xi32>
      %add3A_2166 = arith.constant 96 : i32
      %add3A_2167 = arith.addi %while3A_2043, %add3A_2166 : i32
      %get3A_2168 = arith.index_cast %add3A_2167 : i32 to index
      %get3A_2169 = tpu.vector_load %arg5[%get3A_2168] {strides = array<i32>} : memref<32768xf32, #tpu.memory_space<vmem>>, vector<16xf32>,
      %ge3A_2170 = arith.cmpf oge, %get3A_2169, %gather3A_535 : vector<16xf32>
      %jit3A_2171 = arith.constant 1 : i32
      %jit3A_2172 = arith.constant 0 : i32
      %broadcast_in_dim3A_2173 = vector.broadcast %jit3A_2171 : i32 to vector<16xi32>
      %broadcast_in_dim3A_2174 = vector.broadcast %jit3A_2172 : i32 to vector<16xi32>
      %select_n3A_2175 = arith.select %ge3A_2170, %broadcast_in_dim3A_2173, %broadcast_in_dim3A_2174 : vector<16xi1>, vector<16xi32>
      %broadcast_in_dim3A_2176 = arith.constant true
      %broadcast_in_dim3A_2177 = vector.broadcast %broadcast_in_dim3A_2176 : i1 to vector<16xi1>
      %masked_cumsum3A_2178 = tpu.scan <sum>, %select_n3A_2175 masked %broadcast_in_dim3A_2177 : vector<16xi32>, vector<16xi1> -> vector<16xi32>
      %add3A_2179 = arith.addi %add3A_2165, %masked_cumsum3A_2178 : vector<16xi32>
      %sub3A_2180 = arith.constant 1 : i32
      %sub3A_2181 = vector.broadcast %sub3A_2180 : i32 to vector<16xi32>
      %sub3A_2182 = arith.subi %add3A_2179, %sub3A_2181 : vector<16xi32>
      tpu.vector_store_idx %arg6[%sub3A_2182], %get3A_2169 masked %ge3A_2170 : memref<32784xf32, #tpu.memory_space<vmem>>[vector<16xi32>], vector<16xf32>, vector<16xi1>
      %all_reduce_population_count3A_2183 = tpu.all_reduce %ge3A_2170 {dim = 0 : i64, kind = #tpu.reduction_kind<sum>} : vector<16xi1> -> vector<16xi32>
      %add3A_2184 = arith.addi %add3A_2165, %all_reduce_population_count3A_2183 : vector<16xi32>
      %add3A_2185 = arith.constant 112 : i32
      %add3A_2186 = arith.addi %while3A_2043, %add3A_2185 : i32
      %get3A_2187 = arith.index_cast %add3A_2186 : i32 to index
      %get3A_2188 = tpu.vector_load %arg5[%get3A_2187] {strides = array<i32>} : memref<32768xf32, #tpu.memory_space<vmem>>, vector<16xf32>,
      %ge3A_2189 = arith.cmpf oge, %get3A_2188, %gather3A_535 : vector<16xf32>
      %jit3A_2190 = arith.constant 1 : i32
      %jit3A_2191 = arith.constant 0 : i32
      %broadcast_in_dim3A_2192 = vector.broadcast %jit3A_2190 : i32 to vector<16xi32>
      %broadcast_in_dim3A_2193 = vector.broadcast %jit3A_2191 : i32 to vector<16xi32>
      %select_n3A_2194 = arith.select %ge3A_2189, %broadcast_in_dim3A_2192, %broadcast_in_dim3A_2193 : vector<16xi1>, vector<16xi32>
      %broadcast_in_dim3A_2195 = arith.constant true
      %broadcast_in_dim3A_2196 = vector.broadcast %broadcast_in_dim3A_2195 : i1 to vector<16xi1>
      %masked_cumsum3A_2197 = tpu.scan <sum>, %select_n3A_2194 masked %broadcast_in_dim3A_2196 : vector<16xi32>, vector<16xi1> -> vector<16xi32>
      %add3A_2198 = arith.addi %add3A_2184, %masked_cumsum3A_2197 : vector<16xi32>
      %sub3A_2199 = arith.constant 1 : i32
      %sub3A_2200 = vector.broadcast %sub3A_2199 : i32 to vector<16xi32>
      %sub3A_2201 = arith.subi %add3A_2198, %sub3A_2200 : vector<16xi32>
      tpu.vector_store_idx %arg6[%sub3A_2201], %get3A_2188 masked %ge3A_2189 : memref<32784xf32, #tpu.memory_space<vmem>>[vector<16xi32>], vector<16xf32>, vector<16xi1>
      %all_reduce_population_count3A_2202 = tpu.all_reduce %ge3A_2189 {dim = 0 : i64, kind = #tpu.reduction_kind<sum>} : vector<16xi1> -> vector<16xi32>
      %add3A_2203 = arith.addi %add3A_2184, %all_reduce_population_count3A_2202 : vector<16xi32>
      scf.yield %add3A_2203, %mul3A_2051 : vector<16xi32>, i32
    }
    %while3A_879 = arith.constant 1 : i32
    %while3A_880:2 = scf.for %while3A_2041 = %while3A_876 to %while3A_872 step %while3A_879 iter_args(%while3A_2042 = %while3A_878#0, %while3A_2043 = %while3A_878#1) -> (vector<16xi32>, i32)  : i32 {
      %add3A_2044 = arith.constant 1 : i32
      %add3A_2045 = arith.addi %while3A_2041, %add3A_2044 : i32
      %get3A_2046 = arith.index_cast %add3A_2045 : i32 to index
      %get3A_2047 = tpu.vector_load %arg8[%get3A_2046] {strides = array<i32>} : memref<272xi32, #tpu.memory_space<vmem>>, vector<16xi32>,
      %slice3A_2048 = vector.extract_strided_slice %get3A_2047 {offsets = [0], sizes = [1], strides = [1]} : vector<16xi32> to vector<1xi32>
      %squeeze3A_2049 = vector.extract %slice3A_2048[0] : i32 from vector<1xi32>
      %mul3A_2050 = arith.constant 128 : i32
      %mul3A_2051 = arith.muli %squeeze3A_2049, %mul3A_2050 : i32
      %add3A_2052 = arith.constant 0 : i32
      %add3A_2053 = arith.addi %while3A_2043, %add3A_2052 : i32
      %get3A_2054 = arith.index_cast %add3A_2053 : i32 to index
      %get3A_2055 = tpu.vector_load %arg5[%get3A_2054] {strides = array<i32>} : memref<32768xf32, #tpu.memory_space<vmem>>, vector<16xf32>,
      %ge3A_2056 = arith.cmpf oge, %get3A_2055, %gather3A_535 : vector<16xf32>
      %jit3A_2057 = arith.constant 1 : i32
      %jit3A_2058 = arith.constant 0 : i32
      %broadcast_in_dim3A_2059 = vector.broadcast %jit3A_2057 : i32 to vector<16xi32>
      %broadcast_in_dim3A_2060 = vector.broadcast %jit3A_2058 : i32 to vector<16xi32>
      %select_n3A_2061 = arith.select %ge3A_2056, %broadcast_in_dim3A_2059, %broadcast_in_dim3A_2060 : vector<16xi1>, vector<16xi32>
      %broadcast_in_dim3A_2062 = arith.constant true
      %broadcast_in_dim3A_2063 = vector.broadcast %broadcast_in_dim3A_2062 : i1 to vector<16xi1>
      %masked_cumsum3A_2064 = tpu.scan <sum>, %select_n3A_2061 masked %broadcast_in_dim3A_2063 : vector<16xi32>, vector<16xi1> -> vector<16xi32>
      %add3A_2065 = arith.addi %while3A_2042, %masked_cumsum3A_2064 : vector<16xi32>
      %sub3A_2066 = arith.constant 1 : i32
      %sub3A_2067 = vector.broadcast %sub3A_2066 : i32 to vector<16xi32>
      %sub3A_2068 = arith.subi %add3A_2065, %sub3A_2067 : vector<16xi32>
      tpu.vector_store_idx %arg6[%sub3A_2068], %get3A_2055 masked %ge3A_2056 : memref<32784xf32, #tpu.memory_space<vmem>>[vector<16xi32>], vector<16xf32>, vector<16xi1>
      %all_reduce_population_count3A_2069 = tpu.all_reduce %ge3A_2056 {dim = 0 : i64, kind = #tpu.reduction_kind<sum>} : vector<16xi1> -> vector<16xi32>
      %add3A_2070 = arith.addi %while3A_2042, %all_reduce_population_count3A_2069 : vector<16xi32>
      %add3A_2071 = arith.constant 16 : i32
      %add3A_2072 = arith.addi %while3A_2043, %add3A_2071 : i32
      %get3A_2073 = arith.index_cast %add3A_2072 : i32 to index
      %get3A_2074 = tpu.vector_load %arg5[%get3A_2073] {strides = array<i32>} : memref<32768xf32, #tpu.memory_space<vmem>>, vector<16xf32>,
      %ge3A_2075 = arith.cmpf oge, %get3A_2074, %gather3A_535 : vector<16xf32>
      %jit3A_2076 = arith.constant 1 : i32
      %jit3A_2077 = arith.constant 0 : i32
      %broadcast_in_dim3A_2078 = vector.broadcast %jit3A_2076 : i32 to vector<16xi32>
      %broadcast_in_dim3A_2079 = vector.broadcast %jit3A_2077 : i32 to vector<16xi32>
      %select_n3A_2080 = arith.select %ge3A_2075, %broadcast_in_dim3A_2078, %broadcast_in_dim3A_2079 : vector<16xi1>, vector<16xi32>
      %broadcast_in_dim3A_2081 = arith.constant true
      %broadcast_in_dim3A_2082 = vector.broadcast %broadcast_in_dim3A_2081 : i1 to vector<16xi1>
      %masked_cumsum3A_2083 = tpu.scan <sum>, %select_n3A_2080 masked %broadcast_in_dim3A_2082 : vector<16xi32>, vector<16xi1> -> vector<16xi32>
      %add3A_2084 = arith.addi %add3A_2070, %masked_cumsum3A_2083 : vector<16xi32>
      %sub3A_2085 = arith.constant 1 : i32
      %sub3A_2086 = vector.broadcast %sub3A_2085 : i32 to vector<16xi32>
      %sub3A_2087 = arith.subi %add3A_2084, %sub3A_2086 : vector<16xi32>
      tpu.vector_store_idx %arg6[%sub3A_2087], %get3A_2074 masked %ge3A_2075 : memref<32784xf32, #tpu.memory_space<vmem>>[vector<16xi32>], vector<16xf32>, vector<16xi1>
      %all_reduce_population_count3A_2088 = tpu.all_reduce %ge3A_2075 {dim = 0 : i64, kind = #tpu.reduction_kind<sum>} : vector<16xi1> -> vector<16xi32>
      %add3A_2089 = arith.addi %add3A_2070, %all_reduce_population_count3A_2088 : vector<16xi32>
      %add3A_2090 = arith.constant 32 : i32
      %add3A_2091 = arith.addi %while3A_2043, %add3A_2090 : i32
      %get3A_2092 = arith.index_cast %add3A_2091 : i32 to index
      %get3A_2093 = tpu.vector_load %arg5[%get3A_2092] {strides = array<i32>} : memref<32768xf32, #tpu.memory_space<vmem>>, vector<16xf32>,
      %ge3A_2094 = arith.cmpf oge, %get3A_2093, %gather3A_535 : vector<16xf32>
      %jit3A_2095 = arith.constant 1 : i32
      %jit3A_2096 = arith.constant 0 : i32
      %broadcast_in_dim3A_2097 = vector.broadcast %jit3A_2095 : i32 to vector<16xi32>
      %broadcast_in_dim3A_2098 = vector.broadcast %jit3A_2096 : i32 to vector<16xi32>
      %select_n3A_2099 = arith.select %ge3A_2094, %broadcast_in_dim3A_2097, %broadcast_in_dim3A_2098 : vector<16xi1>, vector<16xi32>
      %broadcast_in_dim3A_2100 = arith.constant true
      %broadcast_in_dim3A_2101 = vector.broadcast %broadcast_in_dim3A_2100 : i1 to vector<16xi1>
      %masked_cumsum3A_2102 = tpu.scan <sum>, %select_n3A_2099 masked %broadcast_in_dim3A_2101 : vector<16xi32>, vector<16xi1> -> vector<16xi32>
      %add3A_2103 = arith.addi %add3A_2089, %masked_cumsum3A_2102 : vector<16xi32>
      %sub3A_2104 = arith.constant 1 : i32
      %sub3A_2105 = vector.broadcast %sub3A_2104 : i32 to vector<16xi32>
      %sub3A_2106 = arith.subi %add3A_2103, %sub3A_2105 : vector<16xi32>
      tpu.vector_store_idx %arg6[%sub3A_2106], %get3A_2093 masked %ge3A_2094 : memref<32784xf32, #tpu.memory_space<vmem>>[vector<16xi32>], vector<16xf32>, vector<16xi1>
      %all_reduce_population_count3A_2107 = tpu.all_reduce %ge3A_2094 {dim = 0 : i64, kind = #tpu.reduction_kind<sum>} : vector<16xi1> -> vector<16xi32>
      %add3A_2108 = arith.addi %add3A_2089, %all_reduce_population_count3A_2107 : vector<16xi32>
      %add3A_2109 = arith.constant 48 : i32
      %add3A_2110 = arith.addi %while3A_2043, %add3A_2109 : i32
      %get3A_2111 = arith.index_cast %add3A_2110 : i32 to index
      %get3A_2112 = tpu.vector_load %arg5[%get3A_2111] {strides = array<i32>} : memref<32768xf32, #tpu.memory_space<vmem>>, vector<16xf32>,
      %ge3A_2113 = arith.cmpf oge, %get3A_2112, %gather3A_535 : vector<16xf32>
      %jit3A_2114 = arith.constant 1 : i32
      %jit3A_2115 = arith.constant 0 : i32
      %broadcast_in_dim3A_2116 = vector.broadcast %jit3A_2114 : i32 to vector<16xi32>
      %broadcast_in_dim3A_2117 = vector.broadcast %jit3A_2115 : i32 to vector<16xi32>
      %select_n3A_2118 = arith.select %ge3A_2113, %broadcast_in_dim3A_2116, %broadcast_in_dim3A_2117 : vector<16xi1>, vector<16xi32>
      %broadcast_in_dim3A_2119 = arith.constant true
      %broadcast_in_dim3A_2120 = vector.broadcast %broadcast_in_dim3A_2119 : i1 to vector<16xi1>
      %masked_cumsum3A_2121 = tpu.scan <sum>, %select_n3A_2118 masked %broadcast_in_dim3A_2120 : vector<16xi32>, vector<16xi1> -> vector<16xi32>
      %add3A_2122 = arith.addi %add3A_2108, %masked_cumsum3A_2121 : vector<16xi32>
      %sub3A_2123 = arith.constant 1 : i32
      %sub3A_2124 = vector.broadcast %sub3A_2123 : i32 to vector<16xi32>
      %sub3A_2125 = arith.subi %add3A_2122, %sub3A_2124 : vector<16xi32>
      tpu.vector_store_idx %arg6[%sub3A_2125], %get3A_2112 masked %ge3A_2113 : memref<32784xf32, #tpu.memory_space<vmem>>[vector<16xi32>], vector<16xf32>, vector<16xi1>
      %all_reduce_population_count3A_2126 = tpu.all_reduce %ge3A_2113 {dim = 0 : i64, kind = #tpu.reduction_kind<sum>} : vector<16xi1> -> vector<16xi32>
      %add3A_2127 = arith.addi %add3A_2108, %all_reduce_population_count3A_2126 : vector<16xi32>
      %add3A_2128 = arith.constant 64 : i32
      %add3A_2129 = arith.addi %while3A_2043, %add3A_2128 : i32
      %get3A_2130 = arith.index_cast %add3A_2129 : i32 to index
      %get3A_2131 = tpu.vector_load %arg5[%get3A_2130] {strides = array<i32>} : memref<32768xf32, #tpu.memory_space<vmem>>, vector<16xf32>,
      %ge3A_2132 = arith.cmpf oge, %get3A_2131, %gather3A_535 : vector<16xf32>
      %jit3A_2133 = arith.constant 1 : i32
      %jit3A_2134 = arith.constant 0 : i32
      %broadcast_in_dim3A_2135 = vector.broadcast %jit3A_2133 : i32 to vector<16xi32>
      %broadcast_in_dim3A_2136 = vector.broadcast %jit3A_2134 : i32 to vector<16xi32>
      %select_n3A_2137 = arith.select %ge3A_2132, %broadcast_in_dim3A_2135, %broadcast_in_dim3A_2136 : vector<16xi1>, vector<16xi32>
      %broadcast_in_dim3A_2138 = arith.constant true
      %broadcast_in_dim3A_2139 = vector.broadcast %broadcast_in_dim3A_2138 : i1 to vector<16xi1>
      %masked_cumsum3A_2140 = tpu.scan <sum>, %select_n3A_2137 masked %broadcast_in_dim3A_2139 : vector<16xi32>, vector<16xi1> -> vector<16xi32>
      %add3A_2141 = arith.addi %add3A_2127, %masked_cumsum3A_2140 : vector<16xi32>
      %sub3A_2142 = arith.constant 1 : i32
      %sub3A_2143 = vector.broadcast %sub3A_2142 : i32 to vector<16xi32>
      %sub3A_2144 = arith.subi %add3A_2141, %sub3A_2143 : vector<16xi32>
      tpu.vector_store_idx %arg6[%sub3A_2144], %get3A_2131 masked %ge3A_2132 : memref<32784xf32, #tpu.memory_space<vmem>>[vector<16xi32>], vector<16xf32>, vector<16xi1>
      %all_reduce_population_count3A_2145 = tpu.all_reduce %ge3A_2132 {dim = 0 : i64, kind = #tpu.reduction_kind<sum>} : vector<16xi1> -> vector<16xi32>
      %add3A_2146 = arith.addi %add3A_2127, %all_reduce_population_count3A_2145 : vector<16xi32>
      %add3A_2147 = arith.constant 80 : i32
      %add3A_2148 = arith.addi %while3A_2043, %add3A_2147 : i32
      %get3A_2149 = arith.index_cast %add3A_2148 : i32 to index
      %get3A_2150 = tpu.vector_load %arg5[%get3A_2149] {strides = array<i32>} : memref<32768xf32, #tpu.memory_space<vmem>>, vector<16xf32>,
      %ge3A_2151 = arith.cmpf oge, %get3A_2150, %gather3A_535 : vector<16xf32>
      %jit3A_2152 = arith.constant 1 : i32
      %jit3A_2153 = arith.constant 0 : i32
      %broadcast_in_dim3A_2154 = vector.broadcast %jit3A_2152 : i32 to vector<16xi32>
      %broadcast_in_dim3A_2155 = vector.broadcast %jit3A_2153 : i32 to vector<16xi32>
      %select_n3A_2156 = arith.select %ge3A_2151, %broadcast_in_dim3A_2154, %broadcast_in_dim3A_2155 : vector<16xi1>, vector<16xi32>
      %broadcast_in_dim3A_2157 = arith.constant true
      %broadcast_in_dim3A_2158 = vector.broadcast %broadcast_in_dim3A_2157 : i1 to vector<16xi1>
      %masked_cumsum3A_2159 = tpu.scan <sum>, %select_n3A_2156 masked %broadcast_in_dim3A_2158 : vector<16xi32>, vector<16xi1> -> vector<16xi32>
      %add3A_2160 = arith.addi %add3A_2146, %masked_cumsum3A_2159 : vector<16xi32>
      %sub3A_2161 = arith.constant 1 : i32
      %sub3A_2162 = vector.broadcast %sub3A_2161 : i32 to vector<16xi32>
      %sub3A_2163 = arith.subi %add3A_2160, %sub3A_2162 : vector<16xi32>
      tpu.vector_store_idx %arg6[%sub3A_2163], %get3A_2150 masked %ge3A_2151 : memref<32784xf32, #tpu.memory_space<vmem>>[vector<16xi32>], vector<16xf32>, vector<16xi1>
      %all_reduce_population_count3A_2164 = tpu.all_reduce %ge3A_2151 {dim = 0 : i64, kind = #tpu.reduction_kind<sum>} : vector<16xi1> -> vector<16xi32>
      %add3A_2165 = arith.addi %add3A_2146, %all_reduce_population_count3A_2164 : vector<16xi32>
      %add3A_2166 = arith.constant 96 : i32
      %add3A_2167 = arith.addi %while3A_2043, %add3A_2166 : i32
      %get3A_2168 = arith.index_cast %add3A_2167 : i32 to index
      %get3A_2169 = tpu.vector_load %arg5[%get3A_2168] {strides = array<i32>} : memref<32768xf32, #tpu.memory_space<vmem>>, vector<16xf32>,
      %ge3A_2170 = arith.cmpf oge, %get3A_2169, %gather3A_535 : vector<16xf32>
      %jit3A_2171 = arith.constant 1 : i32
      %jit3A_2172 = arith.constant 0 : i32
      %broadcast_in_dim3A_2173 = vector.broadcast %jit3A_2171 : i32 to vector<16xi32>
      %broadcast_in_dim3A_2174 = vector.broadcast %jit3A_2172 : i32 to vector<16xi32>
      %select_n3A_2175 = arith.select %ge3A_2170, %broadcast_in_dim3A_2173, %broadcast_in_dim3A_2174 : vector<16xi1>, vector<16xi32>
      %broadcast_in_dim3A_2176 = arith.constant true
      %broadcast_in_dim3A_2177 = vector.broadcast %broadcast_in_dim3A_2176 : i1 to vector<16xi1>
      %masked_cumsum3A_2178 = tpu.scan <sum>, %select_n3A_2175 masked %broadcast_in_dim3A_2177 : vector<16xi32>, vector<16xi1> -> vector<16xi32>
      %add3A_2179 = arith.addi %add3A_2165, %masked_cumsum3A_2178 : vector<16xi32>
      %sub3A_2180 = arith.constant 1 : i32
      %sub3A_2181 = vector.broadcast %sub3A_2180 : i32 to vector<16xi32>
      %sub3A_2182 = arith.subi %add3A_2179, %sub3A_2181 : vector<16xi32>
      tpu.vector_store_idx %arg6[%sub3A_2182], %get3A_2169 masked %ge3A_2170 : memref<32784xf32, #tpu.memory_space<vmem>>[vector<16xi32>], vector<16xf32>, vector<16xi1>
      %all_reduce_population_count3A_2183 = tpu.all_reduce %ge3A_2170 {dim = 0 : i64, kind = #tpu.reduction_kind<sum>} : vector<16xi1> -> vector<16xi32>
      %add3A_2184 = arith.addi %add3A_2165, %all_reduce_population_count3A_2183 : vector<16xi32>
      %add3A_2185 = arith.constant 112 : i32
      %add3A_2186 = arith.addi %while3A_2043, %add3A_2185 : i32
      %get3A_2187 = arith.index_cast %add3A_2186 : i32 to index
      %get3A_2188 = tpu.vector_load %arg5[%get3A_2187] {strides = array<i32>} : memref<32768xf32, #tpu.memory_space<vmem>>, vector<16xf32>,
      %ge3A_2189 = arith.cmpf oge, %get3A_2188, %gather3A_535 : vector<16xf32>
      %jit3A_2190 = arith.constant 1 : i32
      %jit3A_2191 = arith.constant 0 : i32
      %broadcast_in_dim3A_2192 = vector.broadcast %jit3A_2190 : i32 to vector<16xi32>
      %broadcast_in_dim3A_2193 = vector.broadcast %jit3A_2191 : i32 to vector<16xi32>
      %select_n3A_2194 = arith.select %ge3A_2189, %broadcast_in_dim3A_2192, %broadcast_in_dim3A_2193 : vector<16xi1>, vector<16xi32>
      %broadcast_in_dim3A_2195 = arith.constant true
      %broadcast_in_dim3A_2196 = vector.broadcast %broadcast_in_dim3A_2195 : i1 to vector<16xi1>
      %masked_cumsum3A_2197 = tpu.scan <sum>, %select_n3A_2194 masked %broadcast_in_dim3A_2196 : vector<16xi32>, vector<16xi1> -> vector<16xi32>
      %add3A_2198 = arith.addi %add3A_2184, %masked_cumsum3A_2197 : vector<16xi32>
      %sub3A_2199 = arith.constant 1 : i32
      %sub3A_2200 = vector.broadcast %sub3A_2199 : i32 to vector<16xi32>
      %sub3A_2201 = arith.subi %add3A_2198, %sub3A_2200 : vector<16xi32>
      tpu.vector_store_idx %arg6[%sub3A_2201], %get3A_2188 masked %ge3A_2189 : memref<32784xf32, #tpu.memory_space<vmem>>[vector<16xi32>], vector<16xf32>, vector<16xi1>
      %all_reduce_population_count3A_2202 = tpu.all_reduce %ge3A_2189 {dim = 0 : i64, kind = #tpu.reduction_kind<sum>} : vector<16xi1> -> vector<16xi32>
      %add3A_2203 = arith.addi %add3A_2184, %all_reduce_population_count3A_2202 : vector<16xi32>
      scf.yield %add3A_2203, %mul3A_2051 : vector<16xi32>, i32
    }
    %reduce_max3A_881 = arith.constant true
    %reduce_max3A_882 = vector.broadcast %reduce_max3A_881 : i1 to vector<16xi1>
    %reduce_max3A_883 = arith.constant -2147483648 : i32
    %reduce_max3A_884 = vector.broadcast %reduce_max3A_883 : i32 to vector<16xi32>
    %reduce_max3A_885 = arith.xori %while3A_880#0, %reduce_max3A_884 : vector<16xi32>
    %reduce_max3A_886 = tpu.scan <max>, %reduce_max3A_885 masked %reduce_max3A_882 : vector<16xi32>, vector<16xi1> -> vector<16xi32>
    %reduce_max3A_887 = arith.xori %reduce_max3A_886, %reduce_max3A_884 : vector<16xi32>
    %reduce_max3A_888 = vector.extract %reduce_max3A_887[15] : i32 from vector<16xi32>
    %jit3A_889 = arith.constant 16 : i32
    %div3A_890 = arith.divsi %reduce_max3A_888, %jit3A_889 : i32
    %sign3A_891 = arith.constant 0 : i32
    %sign3A_892 = arith.cmpi sgt, %reduce_max3A_888, %sign3A_891 : i32
    %sign3A_893 = arith.extui %sign3A_892 : i1 to i32
    %sign3A_894 = arith.constant 0 : i32
    %sign3A_895 = arith.cmpi slt, %reduce_max3A_888, %sign3A_894 : i32
    %sign3A_896 = arith.extui %sign3A_895 : i1 to i32
    %sign3A_897 = arith.subi %sign3A_893, %sign3A_896 : i32
    %sign3A_898 = arith.constant 0 : i32
    %sign3A_899 = arith.cmpi sgt, %jit3A_889, %sign3A_898 : i32
    %sign3A_900 = arith.extui %sign3A_899 : i1 to i32
    %sign3A_901 = arith.constant 0 : i32
    %sign3A_902 = arith.cmpi slt, %jit3A_889, %sign3A_901 : i32
    %sign3A_903 = arith.extui %sign3A_902 : i1 to i32
    %sign3A_904 = arith.subi %sign3A_900, %sign3A_903 : i32
    %ne3A_905 = arith.cmpi ne, %sign3A_897, %sign3A_904 : i32
    %rem3A_906 = arith.remsi %reduce_max3A_888, %jit3A_889 : i32
    %ne3A_907 = arith.constant 0 : i32
    %ne3A_908 = arith.cmpi ne, %rem3A_906, %ne3A_907 : i32
    %and3A_909 = arith.andi %ne3A_905, %ne3A_908 : i1
    %sub3A_910 = arith.constant 1 : i32
    %sub3A_911 = arith.subi %div3A_890, %sub3A_910 : i32
    %select_n3A_912 = arith.select %and3A_909, %sub3A_911, %div3A_890 : i32
    %while3A_913 = arith.constant 0 : i32
    %while3A_914 = arith.subi %select_n3A_912, %while3A_913 : i32
    %while3A_915 = arith.addi %while3A_913, %while3A_914 : i32
    %while3A_916 = arith.constant 1 : i32
    %while3A_917 = arith.divsi %while3A_914, %while3A_916 : i32
    %while3A_918 = arith.muli %while3A_917, %while3A_916 : i32
    %while3A_919 = arith.addi %while3A_913, %while3A_918 : i32
    %while3A_920 = arith.constant 1 : i32
    %while3A_921:2 = scf.for %while3A_2041 = %while3A_913 to %while3A_919 step %while3A_920 iter_args(%while3A_2042 = %broadcast_in_dim3A_3, %while3A_2043 = %broadcast_in_dim3A_3) -> (vector<16xf32>, vector<16xf32>)  : i32 {
      %mul3A_2044 = arith.constant 16 : i32
      %mul3A_2045 = arith.muli %while3A_2041, %mul3A_2044 : i32
      %get3A_2046 = arith.index_cast %mul3A_2045 : i32 to index
      %get3A_2047 = tpu.vector_load %arg6[%get3A_2046] {strides = array<i32>} : memref<32784xf32, #tpu.memory_space<vmem>>, vector<16xf32>,
      %masked_sort3A_2048 = arith.constant dense<true> : vector<16xi1>
      %masked_sort3A_2049, %masked_sort3A_2050, %masked_sort3A_2051 = tpu.sort %get3A_2047, %get3A_2047 masked %masked_sort3A_2048 {descending = true} : (vector<16xf32>, vector<16xf32>, vector<16xi1>) -> (vector<16xi1>, vector<16xf32>, vector<16xf32>)
      %rev3A_2052 = arith.constant 15 : i32
      %rev3A_2053 = vector.broadcast %rev3A_2052 : i32 to vector<16xi32>
      %rev3A_2054 = tpu.iota {dimensions = array<i32: 0>} : vector<16xi32>
      %rev3A_2055 = arith.subi %rev3A_2053, %rev3A_2054 : vector<16xi32>
      %rev3A_2056 = tpu.dynamic_gather %while3A_2043[%rev3A_2055] in [0] : vector<16xf32>, vector<16xi32> -> vector<16xf32>
      %max3A_2057 = arith.maximumf %masked_sort3A_2050, %rev3A_2056 : vector<16xf32>
      %masked_sort3A_2058 = arith.constant dense<true> : vector<16xi1>
      %masked_sort3A_2059, %masked_sort3A_2060, %masked_sort3A_2061 = tpu.sort %max3A_2057, %max3A_2057 masked %masked_sort3A_2058 {descending = true} : (vector<16xf32>, vector<16xf32>, vector<16xi1>) -> (vector<16xi1>, vector<16xf32>, vector<16xf32>)
      %rev3A_2062 = arith.constant 15 : i32
      %rev3A_2063 = vector.broadcast %rev3A_2062 : i32 to vector<16xi32>
      %rev3A_2064 = tpu.iota {dimensions = array<i32: 0>} : vector<16xi32>
      %rev3A_2065 = arith.subi %rev3A_2063, %rev3A_2064 : vector<16xi32>
      %rev3A_2066 = tpu.dynamic_gather %masked_sort3A_2060[%rev3A_2065] in [0] : vector<16xf32>, vector<16xi32> -> vector<16xf32>
      %max3A_2067 = arith.maximumf %while3A_2042, %rev3A_2066 : vector<16xf32>
      %masked_sort3A_2068 = arith.constant dense<true> : vector<16xi1>
      %masked_sort3A_2069, %masked_sort3A_2070, %masked_sort3A_2071 = tpu.sort %max3A_2067, %max3A_2067 masked %masked_sort3A_2068 {descending = true} : (vector<16xf32>, vector<16xf32>, vector<16xi1>) -> (vector<16xi1>, vector<16xf32>, vector<16xf32>)
      %min3A_2072 = arith.minimumf %while3A_2042, %rev3A_2066 : vector<16xf32>
      %masked_sort3A_2073 = arith.constant dense<true> : vector<16xi1>
      %masked_sort3A_2074, %masked_sort3A_2075, %masked_sort3A_2076 = tpu.sort %min3A_2072, %min3A_2072 masked %masked_sort3A_2073 {descending = true} : (vector<16xf32>, vector<16xf32>, vector<16xi1>) -> (vector<16xi1>, vector<16xf32>, vector<16xf32>)
      scf.yield %masked_sort3A_2070, %masked_sort3A_2075 : vector<16xf32>, vector<16xf32>
    }
    %while3A_922 = arith.constant 1 : i32
    %while3A_923:2 = scf.for %while3A_2041 = %while3A_919 to %while3A_915 step %while3A_922 iter_args(%while3A_2042 = %while3A_921#0, %while3A_2043 = %while3A_921#1) -> (vector<16xf32>, vector<16xf32>)  : i32 {
      %mul3A_2044 = arith.constant 16 : i32
      %mul3A_2045 = arith.muli %while3A_2041, %mul3A_2044 : i32
      %get3A_2046 = arith.index_cast %mul3A_2045 : i32 to index
      %get3A_2047 = tpu.vector_load %arg6[%get3A_2046] {strides = array<i32>} : memref<32784xf32, #tpu.memory_space<vmem>>, vector<16xf32>,
      %masked_sort3A_2048 = arith.constant dense<true> : vector<16xi1>
      %masked_sort3A_2049, %masked_sort3A_2050, %masked_sort3A_2051 = tpu.sort %get3A_2047, %get3A_2047 masked %masked_sort3A_2048 {descending = true} : (vector<16xf32>, vector<16xf32>, vector<16xi1>) -> (vector<16xi1>, vector<16xf32>, vector<16xf32>)
      %rev3A_2052 = arith.constant 15 : i32
      %rev3A_2053 = vector.broadcast %rev3A_2052 : i32 to vector<16xi32>
      %rev3A_2054 = tpu.iota {dimensions = array<i32: 0>} : vector<16xi32>
      %rev3A_2055 = arith.subi %rev3A_2053, %rev3A_2054 : vector<16xi32>
      %rev3A_2056 = tpu.dynamic_gather %while3A_2043[%rev3A_2055] in [0] : vector<16xf32>, vector<16xi32> -> vector<16xf32>
      %max3A_2057 = arith.maximumf %masked_sort3A_2050, %rev3A_2056 : vector<16xf32>
      %masked_sort3A_2058 = arith.constant dense<true> : vector<16xi1>
      %masked_sort3A_2059, %masked_sort3A_2060, %masked_sort3A_2061 = tpu.sort %max3A_2057, %max3A_2057 masked %masked_sort3A_2058 {descending = true} : (vector<16xf32>, vector<16xf32>, vector<16xi1>) -> (vector<16xi1>, vector<16xf32>, vector<16xf32>)
      %rev3A_2062 = arith.constant 15 : i32
      %rev3A_2063 = vector.broadcast %rev3A_2062 : i32 to vector<16xi32>
      %rev3A_2064 = tpu.iota {dimensions = array<i32: 0>} : vector<16xi32>
      %rev3A_2065 = arith.subi %rev3A_2063, %rev3A_2064 : vector<16xi32>
      %rev3A_2066 = tpu.dynamic_gather %masked_sort3A_2060[%rev3A_2065] in [0] : vector<16xf32>, vector<16xi32> -> vector<16xf32>
      %max3A_2067 = arith.maximumf %while3A_2042, %rev3A_2066 : vector<16xf32>
      %masked_sort3A_2068 = arith.constant dense<true> : vector<16xi1>
      %masked_sort3A_2069, %masked_sort3A_2070, %masked_sort3A_2071 = tpu.sort %max3A_2067, %max3A_2067 masked %masked_sort3A_2068 {descending = true} : (vector<16xf32>, vector<16xf32>, vector<16xi1>) -> (vector<16xi1>, vector<16xf32>, vector<16xf32>)
      %min3A_2072 = arith.minimumf %while3A_2042, %rev3A_2066 : vector<16xf32>
      %masked_sort3A_2073 = arith.constant dense<true> : vector<16xi1>
      %masked_sort3A_2074, %masked_sort3A_2075, %masked_sort3A_2076 = tpu.sort %min3A_2072, %min3A_2072 masked %masked_sort3A_2073 {descending = true} : (vector<16xf32>, vector<16xf32>, vector<16xi1>) -> (vector<16xi1>, vector<16xf32>, vector<16xf32>)
      scf.yield %masked_sort3A_2070, %masked_sort3A_2075 : vector<16xf32>, vector<16xf32>
    }
    %mul3A_924 = arith.constant 16 : i32
    %mul3A_925 = arith.muli %select_n3A_912, %mul3A_924 : i32
    %get3A_926 = arith.index_cast %mul3A_925 : i32 to index
    %get3A_927 = tpu.vector_load %arg6[%get3A_926] {strides = array<i32>} : memref<32784xf32, #tpu.memory_space<vmem>>, vector<16xf32>,
    %mul3A_928 = arith.constant 16 : i32
    %mul3A_929 = arith.muli %select_n3A_912, %mul3A_928 : i32
    %sub3A_930 = arith.subi %reduce_max3A_888, %mul3A_929 : i32
    %lt3A_931 = vector.broadcast %sub3A_930 : i32 to vector<16xi32>
    %lt3A_932 = arith.cmpi slt, %iota3A, %lt3A_931 : vector<16xi32>
    %select_n3A_933 = arith.select %lt3A_932, %get3A_927, %broadcast_in_dim3A_3 : vector<16xi1>, vector<16xf32>
    %masked_sort3A_934 = arith.constant dense<true> : vector<16xi1>
    %masked_sort3A_935, %masked_sort3A_936, %masked_sort3A_937 = tpu.sort %select_n3A_933, %select_n3A_933 masked %masked_sort3A_934 {descending = true} : (vector<16xf32>, vector<16xf32>, vector<16xi1>) -> (vector<16xi1>, vector<16xf32>, vector<16xf32>)
    %rev3A_938 = arith.constant 15 : i32
    %rev3A_939 = vector.broadcast %rev3A_938 : i32 to vector<16xi32>
    %rev3A_940 = tpu.iota {dimensions = array<i32: 0>} : vector<16xi32>
    %rev3A_941 = arith.subi %rev3A_939, %rev3A_940 : vector<16xi32>
    %rev3A_942 = tpu.dynamic_gather %while3A_923#1[%rev3A_941] in [0] : vector<16xf32>, vector<16xi32> -> vector<16xf32>
    %max3A_943 = arith.maximumf %masked_sort3A_936, %rev3A_942 : vector<16xf32>
    %masked_sort3A_944 = arith.constant dense<true> : vector<16xi1>
    %masked_sort3A_945, %masked_sort3A_946, %masked_sort3A_947 = tpu.sort %max3A_943, %max3A_943 masked %masked_sort3A_944 {descending = true} : (vector<16xf32>, vector<16xf32>, vector<16xi1>) -> (vector<16xi1>, vector<16xf32>, vector<16xf32>)
    %rev3A_948 = arith.constant 15 : i32
    %rev3A_949 = vector.broadcast %rev3A_948 : i32 to vector<16xi32>
    %rev3A_950 = tpu.iota {dimensions = array<i32: 0>} : vector<16xi32>
    %rev3A_951 = arith.subi %rev3A_949, %rev3A_950 : vector<16xi32>
    %rev3A_952 = tpu.dynamic_gather %masked_sort3A_946[%rev3A_951] in [0] : vector<16xf32>, vector<16xi32> -> vector<16xf32>
    %max3A_953 = arith.maximumf %while3A_923#0, %rev3A_952 : vector<16xf32>
    %masked_sort3A_954 = arith.constant dense<true> : vector<16xi1>
    %masked_sort3A_955, %masked_sort3A_956, %masked_sort3A_957 = tpu.sort %max3A_953, %max3A_953 masked %masked_sort3A_954 {descending = true} : (vector<16xf32>, vector<16xf32>, vector<16xi1>) -> (vector<16xi1>, vector<16xf32>, vector<16xf32>)
    %min3A_958 = arith.minimumf %while3A_923#0, %rev3A_952 : vector<16xf32>
    %masked_sort3A_959 = arith.constant dense<true> : vector<16xi1>
    %masked_sort3A_960, %masked_sort3A_961, %masked_sort3A_962 = tpu.sort %min3A_958, %min3A_958 masked %masked_sort3A_959 {descending = true} : (vector<16xf32>, vector<16xf32>, vector<16xi1>) -> (vector<16xi1>, vector<16xf32>, vector<16xf32>)
    %broadcast_in_dim3A_963 = arith.constant 15 : i32
    %broadcast_in_dim3A_964 = vector.broadcast %broadcast_in_dim3A_963 : i32 to vector<16x1xi32>
    %gather3A_965 = vector.shape_cast %broadcast_in_dim3A_964 : vector<16x1xi32> to vector<16xi32>
    %gather3A_966 = tpu.dynamic_gather %masked_sort3A_961[%gather3A_965] in [0] : vector<16xf32>, vector<16xi32> -> vector<16xf32>
    %broadcast_in_dim3A_967 = arith.constant 1.000000e-07 : f32
    %broadcast_in_dim3A_968 = vector.broadcast %broadcast_in_dim3A_967 : f32 to vector<16xf32>
    %add3A_969 = arith.addf %gather3A_966, %broadcast_in_dim3A_968 : vector<16xf32>
    %broadcast_in_dim3A_970 = arith.constant 0.000000e+00 : f32
    %broadcast_in_dim3A_971 = vector.broadcast %broadcast_in_dim3A_970 : f32 to vector<16xf32>
    %while3A_972 = arith.constant 0 : i32
    %while3A_973 = arith.subi %select_n3A_912, %while3A_972 : i32
    %while3A_974 = arith.addi %while3A_972, %while3A_973 : i32
    %while3A_975 = arith.constant 1 : i32
    %while3A_976 = arith.divsi %while3A_973, %while3A_975 : i32
    %while3A_977 = arith.muli %while3A_976, %while3A_975 : i32
    %while3A_978 = arith.addi %while3A_972, %while3A_977 : i32
    %while3A_979 = arith.constant 1 : i32
    %while3A_980 = scf.for %while3A_2041 = %while3A_972 to %while3A_978 step %while3A_979 iter_args(%while3A_2042 = %broadcast_in_dim3A_971) -> (vector<16xf32>)  : i32 {
      %mul3A_2043 = arith.constant 16 : i32
      %mul3A_2044 = arith.muli %while3A_2041, %mul3A_2043 : i32
      %get3A_2045 = arith.index_cast %mul3A_2044 : i32 to index
      %get3A_2046 = tpu.vector_load %arg6[%get3A_2045] {strides = array<i32>} : memref<32784xf32, #tpu.memory_space<vmem>>, vector<16xf32>,
      %sub3A_2047 = arith.subf %get3A_2046, %add3A_969 : vector<16xf32>
      %max3A_2048 = arith.constant 0.000000e+00 : f32
      %max3A_2049 = vector.broadcast %max3A_2048 : f32 to vector<16xf32>
      %max3A_2050 = arith.maximumf %sub3A_2047, %max3A_2049 : vector<16xf32>
      %add3A_2051 = arith.addf %while3A_2042, %max3A_2050 : vector<16xf32>
      scf.yield %add3A_2051 : vector<16xf32>
    }
    %while3A_981 = arith.constant 1 : i32
    %while3A_982 = scf.for %while3A_2041 = %while3A_978 to %while3A_974 step %while3A_981 iter_args(%while3A_2042 = %while3A_980) -> (vector<16xf32>)  : i32 {
      %mul3A_2043 = arith.constant 16 : i32
      %mul3A_2044 = arith.muli %while3A_2041, %mul3A_2043 : i32
      %get3A_2045 = arith.index_cast %mul3A_2044 : i32 to index
      %get3A_2046 = tpu.vector_load %arg6[%get3A_2045] {strides = array<i32>} : memref<32784xf32, #tpu.memory_space<vmem>>, vector<16xf32>,
      %sub3A_2047 = arith.subf %get3A_2046, %add3A_969 : vector<16xf32>
      %max3A_2048 = arith.constant 0.000000e+00 : f32
      %max3A_2049 = vector.broadcast %max3A_2048 : f32 to vector<16xf32>
      %max3A_2050 = arith.maximumf %sub3A_2047, %max3A_2049 : vector<16xf32>
      %add3A_2051 = arith.addf %while3A_2042, %max3A_2050 : vector<16xf32>
      scf.yield %add3A_2051 : vector<16xf32>
    }
    %sub3A_983 = arith.subf %select_n3A_933, %add3A_969 : vector<16xf32>
    %max3A_984 = arith.constant 0.000000e+00 : f32
    %max3A_985 = vector.broadcast %max3A_984 : f32 to vector<16xf32>
    %max3A_986 = arith.maximumf %sub3A_983, %max3A_985 : vector<16xf32>
    %add3A_987 = arith.addf %while3A_982, %max3A_986 : vector<16xf32>
    %broadcast_in_dim3A_988 = arith.constant true
    %broadcast_in_dim3A_989 = vector.broadcast %broadcast_in_dim3A_988 : i1 to vector<16xi1>
    %masked_cumsum3A_990 = tpu.scan <sum>, %add3A_987 masked %broadcast_in_dim3A_989 : vector<16xf32>, vector<16xi1> -> vector<16xf32>
    %broadcast_in_dim3A_991 = arith.constant 15 : i32
    %broadcast_in_dim3A_992 = vector.broadcast %broadcast_in_dim3A_991 : i32 to vector<16x1xi32>
    %gather3A_993 = vector.shape_cast %broadcast_in_dim3A_992 : vector<16x1xi32> to vector<16xi32>
    %gather3A_994 = tpu.dynamic_gather %masked_cumsum3A_990[%gather3A_993] in [0] : vector<16xf32>, vector<16xi32> -> vector<16xf32>
    %broadcast_in_dim3A_995 = arith.constant 1.000000e+00 : f32
    %broadcast_in_dim3A_996 = vector.broadcast %broadcast_in_dim3A_995 : f32 to vector<16xf32>
    %broadcast_in_dim3A_997 = arith.constant 1.000000e-07 : f32
    %broadcast_in_dim3A_998 = vector.broadcast %broadcast_in_dim3A_997 : f32 to vector<16xf32>
    %add3A_999 = arith.addf %gather3A_994, %broadcast_in_dim3A_998 : vector<16xf32>
    %div3A_1000 = arith.divf %broadcast_in_dim3A_996, %add3A_999 : vector<16xf32>
    %scan3A_1001 = arith.constant 0 : i32
    %scan3A_1002 = arith.constant 0 : i32
    %scan3A_1003 = arith.constant 256 : i32
    %scan3A_1004 = arith.addi %scan3A_1002, %scan3A_1003 : i32
    %scan3A_1005 = arith.constant 1 : i32
    scf.for %scan3A_2041 = %scan3A_1002 to %scan3A_1004 step %scan3A_1005  : i32 {
      %mul3A_2042 = arith.constant 128 : i32
      %mul3A_2043 = arith.muli %scan3A_2041, %mul3A_2042 : i32
      %add3A_2044 = arith.constant 0 : i32
      %add3A_2045 = arith.addi %mul3A_2043, %add3A_2044 : i32
      %get3A_2046 = arith.index_cast %add3A_2045 : i32 to index
      %get3A_2047 = tpu.vector_load %arg5[%get3A_2046] {strides = array<i32>} : memref<32768xf32, #tpu.memory_space<vmem>>, vector<16xf32>,
      %sub3A_2048 = arith.subf %get3A_2047, %add3A_969 : vector<16xf32>
      %max3A_2049 = arith.constant 0.000000e+00 : f32
      %max3A_2050 = vector.broadcast %max3A_2049 : f32 to vector<16xf32>
      %max3A_2051 = arith.maximumf %sub3A_2048, %max3A_2050 : vector<16xf32>
      %mul3A_2052 = arith.mulf %max3A_2051, %div3A_1000 : vector<16xf32>
      %swap3A = arith.index_cast %add3A_2045 : i32 to index
      %swap3A_2053 = tpu.vector_load %arg5[%swap3A] {strides = array<i32>} : memref<32768xf32, #tpu.memory_space<vmem>>, vector<16xf32>,
      tpu.vector_store %arg5[%swap3A], %mul3A_2052 {strides = array<i32>} : memref<32768xf32, #tpu.memory_space<vmem>>, vector<16xf32>,
      %add3A_2054 = arith.constant 16 : i32
      %add3A_2055 = arith.addi %mul3A_2043, %add3A_2054 : i32
      %get3A_2056 = arith.index_cast %add3A_2055 : i32 to index
      %get3A_2057 = tpu.vector_load %arg5[%get3A_2056] {strides = array<i32>} : memref<32768xf32, #tpu.memory_space<vmem>>, vector<16xf32>,
      %sub3A_2058 = arith.subf %get3A_2057, %add3A_969 : vector<16xf32>
      %max3A_2059 = arith.constant 0.000000e+00 : f32
      %max3A_2060 = vector.broadcast %max3A_2059 : f32 to vector<16xf32>
      %max3A_2061 = arith.maximumf %sub3A_2058, %max3A_2060 : vector<16xf32>
      %mul3A_2062 = arith.mulf %max3A_2061, %div3A_1000 : vector<16xf32>
      %swap3A_2063 = arith.index_cast %add3A_2055 : i32 to index
      %swap3A_2064 = tpu.vector_load %arg5[%swap3A_2063] {strides = array<i32>} : memref<32768xf32, #tpu.memory_space<vmem>>, vector<16xf32>,
      tpu.vector_store %arg5[%swap3A_2063], %mul3A_2062 {strides = array<i32>} : memref<32768xf32, #tpu.memory_space<vmem>>, vector<16xf32>,
      %add3A_2065 = arith.constant 32 : i32
      %add3A_2066 = arith.addi %mul3A_2043, %add3A_2065 : i32
      %get3A_2067 = arith.index_cast %add3A_2066 : i32 to index
      %get3A_2068 = tpu.vector_load %arg5[%get3A_2067] {strides = array<i32>} : memref<32768xf32, #tpu.memory_space<vmem>>, vector<16xf32>,
      %sub3A_2069 = arith.subf %get3A_2068, %add3A_969 : vector<16xf32>
      %max3A_2070 = arith.constant 0.000000e+00 : f32
      %max3A_2071 = vector.broadcast %max3A_2070 : f32 to vector<16xf32>
      %max3A_2072 = arith.maximumf %sub3A_2069, %max3A_2071 : vector<16xf32>
      %mul3A_2073 = arith.mulf %max3A_2072, %div3A_1000 : vector<16xf32>
      %swap3A_2074 = arith.index_cast %add3A_2066 : i32 to index
      %swap3A_2075 = tpu.vector_load %arg5[%swap3A_2074] {strides = array<i32>} : memref<32768xf32, #tpu.memory_space<vmem>>, vector<16xf32>,
      tpu.vector_store %arg5[%swap3A_2074], %mul3A_2073 {strides = array<i32>} : memref<32768xf32, #tpu.memory_space<vmem>>, vector<16xf32>,
      %add3A_2076 = arith.constant 48 : i32
      %add3A_2077 = arith.addi %mul3A_2043, %add3A_2076 : i32
      %get3A_2078 = arith.index_cast %add3A_2077 : i32 to index
      %get3A_2079 = tpu.vector_load %arg5[%get3A_2078] {strides = array<i32>} : memref<32768xf32, #tpu.memory_space<vmem>>, vector<16xf32>,
      %sub3A_2080 = arith.subf %get3A_2079, %add3A_969 : vector<16xf32>
      %max3A_2081 = arith.constant 0.000000e+00 : f32
      %max3A_2082 = vector.broadcast %max3A_2081 : f32 to vector<16xf32>
      %max3A_2083 = arith.maximumf %sub3A_2080, %max3A_2082 : vector<16xf32>
      %mul3A_2084 = arith.mulf %max3A_2083, %div3A_1000 : vector<16xf32>
      %swap3A_2085 = arith.index_cast %add3A_2077 : i32 to index
      %swap3A_2086 = tpu.vector_load %arg5[%swap3A_2085] {strides = array<i32>} : memref<32768xf32, #tpu.memory_space<vmem>>, vector<16xf32>,
      tpu.vector_store %arg5[%swap3A_2085], %mul3A_2084 {strides = array<i32>} : memref<32768xf32, #tpu.memory_space<vmem>>, vector<16xf32>,
      %add3A_2087 = arith.constant 64 : i32
      %add3A_2088 = arith.addi %mul3A_2043, %add3A_2087 : i32
      %get3A_2089 = arith.index_cast %add3A_2088 : i32 to index
      %get3A_2090 = tpu.vector_load %arg5[%get3A_2089] {strides = array<i32>} : memref<32768xf32, #tpu.memory_space<vmem>>, vector<16xf32>,
      %sub3A_2091 = arith.subf %get3A_2090, %add3A_969 : vector<16xf32>
      %max3A_2092 = arith.constant 0.000000e+00 : f32
      %max3A_2093 = vector.broadcast %max3A_2092 : f32 to vector<16xf32>
      %max3A_2094 = arith.maximumf %sub3A_2091, %max3A_2093 : vector<16xf32>
      %mul3A_2095 = arith.mulf %max3A_2094, %div3A_1000 : vector<16xf32>
      %swap3A_2096 = arith.index_cast %add3A_2088 : i32 to index
      %swap3A_2097 = tpu.vector_load %arg5[%swap3A_2096] {strides = array<i32>} : memref<32768xf32, #tpu.memory_space<vmem>>, vector<16xf32>,
      tpu.vector_store %arg5[%swap3A_2096], %mul3A_2095 {strides = array<i32>} : memref<32768xf32, #tpu.memory_space<vmem>>, vector<16xf32>,
      %add3A_2098 = arith.constant 80 : i32
      %add3A_2099 = arith.addi %mul3A_2043, %add3A_2098 : i32
      %get3A_2100 = arith.index_cast %add3A_2099 : i32 to index
      %get3A_2101 = tpu.vector_load %arg5[%get3A_2100] {strides = array<i32>} : memref<32768xf32, #tpu.memory_space<vmem>>, vector<16xf32>,
      %sub3A_2102 = arith.subf %get3A_2101, %add3A_969 : vector<16xf32>
      %max3A_2103 = arith.constant 0.000000e+00 : f32
      %max3A_2104 = vector.broadcast %max3A_2103 : f32 to vector<16xf32>
      %max3A_2105 = arith.maximumf %sub3A_2102, %max3A_2104 : vector<16xf32>
      %mul3A_2106 = arith.mulf %max3A_2105, %div3A_1000 : vector<16xf32>
      %swap3A_2107 = arith.index_cast %add3A_2099 : i32 to index
      %swap3A_2108 = tpu.vector_load %arg5[%swap3A_2107] {strides = array<i32>} : memref<32768xf32, #tpu.memory_space<vmem>>, vector<16xf32>,
      tpu.vector_store %arg5[%swap3A_2107], %mul3A_2106 {strides = array<i32>} : memref<32768xf32, #tpu.memory_space<vmem>>, vector<16xf32>,
      %add3A_2109 = arith.constant 96 : i32
      %add3A_2110 = arith.addi %mul3A_2043, %add3A_2109 : i32
      %get3A_2111 = arith.index_cast %add3A_2110 : i32 to index
      %get3A_2112 = tpu.vector_load %arg5[%get3A_2111] {strides = array<i32>} : memref<32768xf32, #tpu.memory_space<vmem>>, vector<16xf32>,
      %sub3A_2113 = arith.subf %get3A_2112, %add3A_969 : vector<16xf32>
      %max3A_2114 = arith.constant 0.000000e+00 : f32
      %max3A_2115 = vector.broadcast %max3A_2114 : f32 to vector<16xf32>
      %max3A_2116 = arith.maximumf %sub3A_2113, %max3A_2115 : vector<16xf32>
      %mul3A_2117 = arith.mulf %max3A_2116, %div3A_1000 : vector<16xf32>
      %swap3A_2118 = arith.index_cast %add3A_2110 : i32 to index
      %swap3A_2119 = tpu.vector_load %arg5[%swap3A_2118] {strides = array<i32>} : memref<32768xf32, #tpu.memory_space<vmem>>, vector<16xf32>,
      tpu.vector_store %arg5[%swap3A_2118], %mul3A_2117 {strides = array<i32>} : memref<32768xf32, #tpu.memory_space<vmem>>, vector<16xf32>,
      %add3A_2120 = arith.constant 112 : i32
      %add3A_2121 = arith.addi %mul3A_2043, %add3A_2120 : i32
      %get3A_2122 = arith.index_cast %add3A_2121 : i32 to index
      %get3A_2123 = tpu.vector_load %arg5[%get3A_2122] {strides = array<i32>} : memref<32768xf32, #tpu.memory_space<vmem>>, vector<16xf32>,
      %sub3A_2124 = arith.subf %get3A_2123, %add3A_969 : vector<16xf32>
      %max3A_2125 = arith.constant 0.000000e+00 : f32
      %max3A_2126 = vector.broadcast %max3A_2125 : f32 to vector<16xf32>
      %max3A_2127 = arith.maximumf %sub3A_2124, %max3A_2126 : vector<16xf32>
      %mul3A_2128 = arith.mulf %max3A_2127, %div3A_1000 : vector<16xf32>
      %swap3A_2129 = arith.index_cast %add3A_2121 : i32 to index
      %swap3A_2130 = tpu.vector_load %arg5[%swap3A_2129] {strides = array<i32>} : memref<32768xf32, #tpu.memory_space<vmem>>, vector<16xf32>,
      tpu.vector_store %arg5[%swap3A_2129], %mul3A_2128 {strides = array<i32>} : memref<32768xf32, #tpu.memory_space<vmem>>, vector<16xf32>,
    }
    %scan3A_1006 = arith.constant 256 : i32
    %dma_start3A_1007 = arith.constant 0 : i32
    %dma_start3A_1008 = tpu.memref_slice %arg3[%add3A_520, %dma_start3A_1007] : memref<128x32768xf32, #tpu.memory_space<hbm>> -> memref<1x32768xf32, #tpu.memory_space<hbm>>
    %dma_start3A_1009 = tpu.memref_squeeze %dma_start3A_1008 : memref<1x32768xf32, #tpu.memory_space<hbm>> -> memref<32768xf32, #tpu.memory_space<hbm>>
    %dma_start3A_1010 = arith.constant 0 : i32
    %dma_start3A_1011 = tpu.memref_slice %arg3[%add3A_520, %dma_start3A_1010] : memref<128x32768xf32, #tpu.memory_space<hbm>> -> memref<1x32768xf32, #tpu.memory_space<hbm>>
    %dma_start3A_1012 = tpu.memref_squeeze %dma_start3A_1011 : memref<1x32768xf32, #tpu.memory_space<hbm>> -> memref<32768xf32, #tpu.memory_space<hbm>>
    tpu.enqueue_dma source(%arg5 : memref<32768xf32, #tpu.memory_space<vmem>>) target(%dma_start3A_1012 : memref<32768xf32, #tpu.memory_space<hbm>>) target_semaphore(%arg12 : memref<!tpu.dma_semaphore, #tpu.memory_space<semaphore_mem>>)
    %dma_wait3A_1013 = arith.constant 0 : i32
    %dma_wait3A_1014 = tpu.memref_slice %arg3[%add3A_520, %dma_wait3A_1013] : memref<128x32768xf32, #tpu.memory_space<hbm>> -> memref<1x32768xf32, #tpu.memory_space<hbm>>
    %dma_wait3A_1015 = tpu.memref_squeeze %dma_wait3A_1014 : memref<1x32768xf32, #tpu.memory_space<hbm>> -> memref<32768xf32, #tpu.memory_space<hbm>>
    %dma_wait3A_1016 = arith.constant 0 : i32
    %dma_wait3A_1017 = tpu.memref_slice %arg3[%add3A_520, %dma_wait3A_1016] : memref<128x32768xf32, #tpu.memory_space<hbm>> -> memref<1x32768xf32, #tpu.memory_space<hbm>>
    %dma_wait3A_1018 = tpu.memref_squeeze %dma_wait3A_1017 : memref<1x32768xf32, #tpu.memory_space<hbm>> -> memref<32768xf32, #tpu.memory_space<hbm>>
    tpu.wait_dma2 semaphore(%arg12 : memref<!tpu.dma_semaphore, #tpu.memory_space<semaphore_mem>>) src(%arg5 : memref<32768xf32, #tpu.memory_space<vmem>>) dst(%dma_wait3A_1018 : memref<32768xf32, #tpu.memory_space<hbm>>)
    %add3A_1019 = arith.constant 2 : i32
    %add3A_1020 = arith.addi %mul3A_2, %add3A_1019 : i32
    %add3A_1021 = arith.constant 1 : i32
    %add3A_1022 = arith.addi %add3A_1020, %add3A_1021 : i32
    %dma_start3A_1023 = arith.constant 0 : i32
    %dma_start3A_1024 = tpu.memref_slice %arg2[%add3A_1022, %dma_start3A_1023] : memref<128x32768xf32, #tpu.memory_space<hbm>> -> memref<1x32768xf32, #tpu.memory_space<hbm>>
    %dma_start3A_1025 = tpu.memref_squeeze %dma_start3A_1024 : memref<1x32768xf32, #tpu.memory_space<hbm>> -> memref<32768xf32, #tpu.memory_space<hbm>>
    %dma_start3A_1026 = arith.constant 0 : i32
    %dma_start3A_1027 = tpu.memref_slice %arg2[%add3A_1022, %dma_start3A_1026] : memref<128x32768xf32, #tpu.memory_space<hbm>> -> memref<1x32768xf32, #tpu.memory_space<hbm>>
    %dma_start3A_1028 = tpu.memref_squeeze %dma_start3A_1027 : memref<1x32768xf32, #tpu.memory_space<hbm>> -> memref<32768xf32, #tpu.memory_space<hbm>>
    tpu.enqueue_dma source(%dma_start3A_1028 : memref<32768xf32, #tpu.memory_space<hbm>>) target(%arg5 : memref<32768xf32, #tpu.memory_space<vmem>>) target_semaphore(%arg10 : memref<!tpu.dma_semaphore, #tpu.memory_space<semaphore_mem>>)
    %dma_wait3A_1029 = arith.constant 0 : i32
    %dma_wait3A_1030 = tpu.memref_slice %arg2[%add3A_506, %dma_wait3A_1029] : memref<128x32768xf32, #tpu.memory_space<hbm>> -> memref<1x32768xf32, #tpu.memory_space<hbm>>
    %dma_wait3A_1031 = tpu.memref_squeeze %dma_wait3A_1030 : memref<1x32768xf32, #tpu.memory_space<hbm>> -> memref<32768xf32, #tpu.memory_space<hbm>>
    %dma_wait3A_1032 = arith.constant 0 : i32
    %dma_wait3A_1033 = tpu.memref_slice %arg2[%add3A_506, %dma_wait3A_1032] : memref<128x32768xf32, #tpu.memory_space<hbm>> -> memref<1x32768xf32, #tpu.memory_space<hbm>>
    %dma_wait3A_1034 = tpu.memref_squeeze %dma_wait3A_1033 : memref<1x32768xf32, #tpu.memory_space<hbm>> -> memref<32768xf32, #tpu.memory_space<hbm>>
    tpu.wait_dma2 semaphore(%arg9 : memref<!tpu.dma_semaphore, #tpu.memory_space<semaphore_mem>>) src(%dma_wait3A_1034 : memref<32768xf32, #tpu.memory_space<hbm>>) dst(%arg4 : memref<32768xf32, #tpu.memory_space<vmem>>)
    %add3A_1035 = arith.constant 2 : i32
    %add3A_1036 = arith.addi %mul3A_2, %add3A_1035 : i32
    %scan3A_1037 = arith.constant 0 : i32
    %scan3A_1038 = arith.constant 256 : i32
    %scan3A_1039 = arith.addi %scan3A_1037, %scan3A_1038 : i32
    %scan3A_1040 = arith.constant 1 : i32
    %scan3A_1041:2 = scf.for %scan3A_2041 = %scan3A_1037 to %scan3A_1039 step %scan3A_1040 iter_args(%scan3A_2042 = %broadcast_in_dim3A_3, %scan3A_2043 = %broadcast_in_dim3A_3) -> (vector<16xf32>, vector<16xf32>)  : i32 {
      %mul3A_2044 = arith.constant 128 : i32
      %mul3A_2045 = arith.muli %scan3A_2041, %mul3A_2044 : i32
      %add3A_2046 = arith.constant 0 : i32
      %add3A_2047 = arith.addi %mul3A_2045, %add3A_2046 : i32
      %get3A_2048 = arith.index_cast %add3A_2047 : i32 to index
      %get3A_2049 = tpu.vector_load %arg4[%get3A_2048] {strides = array<i32>} : memref<32768xf32, #tpu.memory_space<vmem>>, vector<16xf32>,
      %add3A_2050 = arith.constant 16 : i32
      %add3A_2051 = arith.addi %mul3A_2045, %add3A_2050 : i32
      %get3A_2052 = arith.index_cast %add3A_2051 : i32 to index
      %get3A_2053 = tpu.vector_load %arg4[%get3A_2052] {strides = array<i32>} : memref<32768xf32, #tpu.memory_space<vmem>>, vector<16xf32>,
      %add3A_2054 = arith.constant 32 : i32
      %add3A_2055 = arith.addi %mul3A_2045, %add3A_2054 : i32
      %get3A_2056 = arith.index_cast %add3A_2055 : i32 to index
      %get3A_2057 = tpu.vector_load %arg4[%get3A_2056] {strides = array<i32>} : memref<32768xf32, #tpu.memory_space<vmem>>, vector<16xf32>,
      %add3A_2058 = arith.constant 48 : i32
      %add3A_2059 = arith.addi %mul3A_2045, %add3A_2058 : i32
      %get3A_2060 = arith.index_cast %add3A_2059 : i32 to index
      %get3A_2061 = tpu.vector_load %arg4[%get3A_2060] {strides = array<i32>} : memref<32768xf32, #tpu.memory_space<vmem>>, vector<16xf32>,
      %add3A_2062 = arith.constant 64 : i32
      %add3A_2063 = arith.addi %mul3A_2045, %add3A_2062 : i32
      %get3A_2064 = arith.index_cast %add3A_2063 : i32 to index
      %get3A_2065 = tpu.vector_load %arg4[%get3A_2064] {strides = array<i32>} : memref<32768xf32, #tpu.memory_space<vmem>>, vector<16xf32>,
      %add3A_2066 = arith.constant 80 : i32
      %add3A_2067 = arith.addi %mul3A_2045, %add3A_2066 : i32
      %get3A_2068 = arith.index_cast %add3A_2067 : i32 to index
      %get3A_2069 = tpu.vector_load %arg4[%get3A_2068] {strides = array<i32>} : memref<32768xf32, #tpu.memory_space<vmem>>, vector<16xf32>,
      %add3A_2070 = arith.constant 96 : i32
      %add3A_2071 = arith.addi %mul3A_2045, %add3A_2070 : i32
      %get3A_2072 = arith.index_cast %add3A_2071 : i32 to index
      %get3A_2073 = tpu.vector_load %arg4[%get3A_2072] {strides = array<i32>} : memref<32768xf32, #tpu.memory_space<vmem>>, vector<16xf32>,
      %add3A_2074 = arith.constant 112 : i32
      %add3A_2075 = arith.addi %mul3A_2045, %add3A_2074 : i32
      %get3A_2076 = arith.index_cast %add3A_2075 : i32 to index
      %get3A_2077 = tpu.vector_load %arg4[%get3A_2076] {strides = array<i32>} : memref<32768xf32, #tpu.memory_space<vmem>>, vector<16xf32>,
      %max3A_2078 = arith.maximumf %get3A_2049, %get3A_2057 : vector<16xf32>
      %max3A_2079 = arith.maximumf %get3A_2065, %get3A_2073 : vector<16xf32>
      %max3A_2080 = arith.maximumf %max3A_2078, %max3A_2079 : vector<16xf32>
      %max3A_2081 = arith.maximumf %get3A_2053, %get3A_2061 : vector<16xf32>
      %max3A_2082 = arith.maximumf %get3A_2069, %get3A_2077 : vector<16xf32>
      %max3A_2083 = arith.maximumf %max3A_2081, %max3A_2082 : vector<16xf32>
      %max3A_2084 = arith.maximumf %max3A_2080, %max3A_2083 : vector<16xf32>
      %broadcast_in_dim3A_2085 = arith.constant true
      %broadcast_in_dim3A_2086 = vector.broadcast %broadcast_in_dim3A_2085 : i1 to vector<16xi1>
      %masked_cummax3A = tpu.scan <max>, %max3A_2084 masked %broadcast_in_dim3A_2086 : vector<16xf32>, vector<16xi1> -> vector<16xf32>
      %broadcast_in_dim3A_2087 = vector.broadcast %scan3A_2041 : i32 to vector<16xi32>
      %eq3A = arith.constant 15 : i32
      %eq3A_2088 = vector.broadcast %eq3A : i32 to vector<16xi32>
      %eq3A_2089 = arith.cmpi eq, %iota3A, %eq3A_2088 : vector<16xi32>
      tpu.vector_store_idx %arg7[%broadcast_in_dim3A_2087], %masked_cummax3A masked %eq3A_2089 : memref<272xf32, #tpu.memory_space<vmem>>[vector<16xi32>], vector<16xf32>, vector<16xi1>
      %max3A_2090 = arith.maximumf %scan3A_2042, %max3A_2080 : vector<16xf32>
      %max3A_2091 = arith.maximumf %scan3A_2043, %max3A_2083 : vector<16xf32>
      scf.yield %max3A_2090, %max3A_2091 : vector<16xf32>, vector<16xf32>
    }
    %scan3A_1042 = arith.constant 256 : i32
    %min3A_1043 = arith.minimumf %scan3A_1041#0, %scan3A_1041#1 : vector<16xf32>
    %masked_sort3A_1044 = arith.constant dense<true> : vector<16xi1>
    %masked_sort3A_1045, %masked_sort3A_1046, %masked_sort3A_1047 = tpu.sort %min3A_1043, %min3A_1043 masked %masked_sort3A_1044 {descending = true} : (vector<16xf32>, vector<16xf32>, vector<16xi1>) -> (vector<16xi1>, vector<16xf32>, vector<16xf32>)
    %broadcast_in_dim3A_1048 = arith.constant 15 : i32
    %broadcast_in_dim3A_1049 = vector.broadcast %broadcast_in_dim3A_1048 : i32 to vector<16x1xi32>
    %gather3A_1050 = vector.shape_cast %broadcast_in_dim3A_1049 : vector<16x1xi32> to vector<16xi32>
    %gather3A_1051 = tpu.dynamic_gather %masked_sort3A_1046[%gather3A_1050] in [0] : vector<16xf32>, vector<16xi32> -> vector<16xf32>
    %get3A_1052 = arith.constant 0 : index
    %get3A_1053 = tpu.vector_load %arg7[%get3A_1052] {strides = array<i32>} : memref<272xf32, #tpu.memory_space<vmem>>, vector<16xf32>,
    %ge3A_1054 = arith.cmpf oge, %get3A_1053, %gather3A_1051 : vector<16xf32>
    %jit3A_1055 = arith.constant 1 : i32
    %jit3A_1056 = arith.constant 0 : i32
    %broadcast_in_dim3A_1057 = vector.broadcast %jit3A_1055 : i32 to vector<16xi32>
    %broadcast_in_dim3A_1058 = vector.broadcast %jit3A_1056 : i32 to vector<16xi32>
    %select_n3A_1059 = arith.select %ge3A_1054, %broadcast_in_dim3A_1057, %broadcast_in_dim3A_1058 : vector<16xi1>, vector<16xi32>
    %broadcast_in_dim3A_1060 = arith.constant true
    %broadcast_in_dim3A_1061 = vector.broadcast %broadcast_in_dim3A_1060 : i1 to vector<16xi1>
    %masked_cumsum3A_1062 = tpu.scan <sum>, %select_n3A_1059 masked %broadcast_in_dim3A_1061 : vector<16xi32>, vector<16xi1> -> vector<16xi32>
    %add3A_1063 = arith.addi %broadcast_in_dim3A_5, %masked_cumsum3A_1062 : vector<16xi32>
    %sub3A_1064 = arith.constant 1 : i32
    %sub3A_1065 = vector.broadcast %sub3A_1064 : i32 to vector<16xi32>
    %sub3A_1066 = arith.subi %add3A_1063, %sub3A_1065 : vector<16xi32>
    %add3A_1067 = arith.constant 0 : i32
    %add3A_1068 = vector.broadcast %add3A_1067 : i32 to vector<16xi32>
    %add3A_1069 = arith.addi %iota3A, %add3A_1068 : vector<16xi32>
    tpu.vector_store_idx %arg8[%sub3A_1066], %add3A_1069 masked %ge3A_1054 : memref<272xi32, #tpu.memory_space<vmem>>[vector<16xi32>], vector<16xi32>, vector<16xi1>
    %all_reduce_population_count3A_1070 = tpu.all_reduce %ge3A_1054 {dim = 0 : i64, kind = #tpu.reduction_kind<sum>} : vector<16xi1> -> vector<16xi32>
    %add3A_1071 = arith.addi %broadcast_in_dim3A_5, %all_reduce_population_count3A_1070 : vector<16xi32>
    %get3A_1072 = arith.constant 16 : index
    %get3A_1073 = tpu.vector_load %arg7[%get3A_1072] {strides = array<i32>} : memref<272xf32, #tpu.memory_space<vmem>>, vector<16xf32>,
    %ge3A_1074 = arith.cmpf oge, %get3A_1073, %gather3A_1051 : vector<16xf32>
    %jit3A_1075 = arith.constant 1 : i32
    %jit3A_1076 = arith.constant 0 : i32
    %broadcast_in_dim3A_1077 = vector.broadcast %jit3A_1075 : i32 to vector<16xi32>
    %broadcast_in_dim3A_1078 = vector.broadcast %jit3A_1076 : i32 to vector<16xi32>
    %select_n3A_1079 = arith.select %ge3A_1074, %broadcast_in_dim3A_1077, %broadcast_in_dim3A_1078 : vector<16xi1>, vector<16xi32>
    %broadcast_in_dim3A_1080 = arith.constant true
    %broadcast_in_dim3A_1081 = vector.broadcast %broadcast_in_dim3A_1080 : i1 to vector<16xi1>
    %masked_cumsum3A_1082 = tpu.scan <sum>, %select_n3A_1079 masked %broadcast_in_dim3A_1081 : vector<16xi32>, vector<16xi1> -> vector<16xi32>
    %add3A_1083 = arith.addi %add3A_1071, %masked_cumsum3A_1082 : vector<16xi32>
    %sub3A_1084 = arith.constant 1 : i32
    %sub3A_1085 = vector.broadcast %sub3A_1084 : i32 to vector<16xi32>
    %sub3A_1086 = arith.subi %add3A_1083, %sub3A_1085 : vector<16xi32>
    %add3A_1087 = arith.constant 16 : i32
    %add3A_1088 = vector.broadcast %add3A_1087 : i32 to vector<16xi32>
    %add3A_1089 = arith.addi %iota3A, %add3A_1088 : vector<16xi32>
    tpu.vector_store_idx %arg8[%sub3A_1086], %add3A_1089 masked %ge3A_1074 : memref<272xi32, #tpu.memory_space<vmem>>[vector<16xi32>], vector<16xi32>, vector<16xi1>
    %all_reduce_population_count3A_1090 = tpu.all_reduce %ge3A_1074 {dim = 0 : i64, kind = #tpu.reduction_kind<sum>} : vector<16xi1> -> vector<16xi32>
    %add3A_1091 = arith.addi %add3A_1071, %all_reduce_population_count3A_1090 : vector<16xi32>
    %get3A_1092 = arith.constant 32 : index
    %get3A_1093 = tpu.vector_load %arg7[%get3A_1092] {strides = array<i32>} : memref<272xf32, #tpu.memory_space<vmem>>, vector<16xf32>,
    %ge3A_1094 = arith.cmpf oge, %get3A_1093, %gather3A_1051 : vector<16xf32>
    %jit3A_1095 = arith.constant 1 : i32
    %jit3A_1096 = arith.constant 0 : i32
    %broadcast_in_dim3A_1097 = vector.broadcast %jit3A_1095 : i32 to vector<16xi32>
    %broadcast_in_dim3A_1098 = vector.broadcast %jit3A_1096 : i32 to vector<16xi32>
    %select_n3A_1099 = arith.select %ge3A_1094, %broadcast_in_dim3A_1097, %broadcast_in_dim3A_1098 : vector<16xi1>, vector<16xi32>
    %broadcast_in_dim3A_1100 = arith.constant true
    %broadcast_in_dim3A_1101 = vector.broadcast %broadcast_in_dim3A_1100 : i1 to vector<16xi1>
    %masked_cumsum3A_1102 = tpu.scan <sum>, %select_n3A_1099 masked %broadcast_in_dim3A_1101 : vector<16xi32>, vector<16xi1> -> vector<16xi32>
    %add3A_1103 = arith.addi %add3A_1091, %masked_cumsum3A_1102 : vector<16xi32>
    %sub3A_1104 = arith.constant 1 : i32
    %sub3A_1105 = vector.broadcast %sub3A_1104 : i32 to vector<16xi32>
    %sub3A_1106 = arith.subi %add3A_1103, %sub3A_1105 : vector<16xi32>
    %add3A_1107 = arith.constant 32 : i32
    %add3A_1108 = vector.broadcast %add3A_1107 : i32 to vector<16xi32>
    %add3A_1109 = arith.addi %iota3A, %add3A_1108 : vector<16xi32>
    tpu.vector_store_idx %arg8[%sub3A_1106], %add3A_1109 masked %ge3A_1094 : memref<272xi32, #tpu.memory_space<vmem>>[vector<16xi32>], vector<16xi32>, vector<16xi1>
    %all_reduce_population_count3A_1110 = tpu.all_reduce %ge3A_1094 {dim = 0 : i64, kind = #tpu.reduction_kind<sum>} : vector<16xi1> -> vector<16xi32>
    %add3A_1111 = arith.addi %add3A_1091, %all_reduce_population_count3A_1110 : vector<16xi32>
    %get3A_1112 = arith.constant 48 : index
    %get3A_1113 = tpu.vector_load %arg7[%get3A_1112] {strides = array<i32>} : memref<272xf32, #tpu.memory_space<vmem>>, vector<16xf32>,
    %ge3A_1114 = arith.cmpf oge, %get3A_1113, %gather3A_1051 : vector<16xf32>
    %jit3A_1115 = arith.constant 1 : i32
    %jit3A_1116 = arith.constant 0 : i32
    %broadcast_in_dim3A_1117 = vector.broadcast %jit3A_1115 : i32 to vector<16xi32>
    %broadcast_in_dim3A_1118 = vector.broadcast %jit3A_1116 : i32 to vector<16xi32>
    %select_n3A_1119 = arith.select %ge3A_1114, %broadcast_in_dim3A_1117, %broadcast_in_dim3A_1118 : vector<16xi1>, vector<16xi32>
    %broadcast_in_dim3A_1120 = arith.constant true
    %broadcast_in_dim3A_1121 = vector.broadcast %broadcast_in_dim3A_1120 : i1 to vector<16xi1>
    %masked_cumsum3A_1122 = tpu.scan <sum>, %select_n3A_1119 masked %broadcast_in_dim3A_1121 : vector<16xi32>, vector<16xi1> -> vector<16xi32>
    %add3A_1123 = arith.addi %add3A_1111, %masked_cumsum3A_1122 : vector<16xi32>
    %sub3A_1124 = arith.constant 1 : i32
    %sub3A_1125 = vector.broadcast %sub3A_1124 : i32 to vector<16xi32>
    %sub3A_1126 = arith.subi %add3A_1123, %sub3A_1125 : vector<16xi32>
    %add3A_1127 = arith.constant 48 : i32
    %add3A_1128 = vector.broadcast %add3A_1127 : i32 to vector<16xi32>
    %add3A_1129 = arith.addi %iota3A, %add3A_1128 : vector<16xi32>
    tpu.vector_store_idx %arg8[%sub3A_1126], %add3A_1129 masked %ge3A_1114 : memref<272xi32, #tpu.memory_space<vmem>>[vector<16xi32>], vector<16xi32>, vector<16xi1>
    %all_reduce_population_count3A_1130 = tpu.all_reduce %ge3A_1114 {dim = 0 : i64, kind = #tpu.reduction_kind<sum>} : vector<16xi1> -> vector<16xi32>
    %add3A_1131 = arith.addi %add3A_1111, %all_reduce_population_count3A_1130 : vector<16xi32>
    %get3A_1132 = arith.constant 64 : index
    %get3A_1133 = tpu.vector_load %arg7[%get3A_1132] {strides = array<i32>} : memref<272xf32, #tpu.memory_space<vmem>>, vector<16xf32>,
    %ge3A_1134 = arith.cmpf oge, %get3A_1133, %gather3A_1051 : vector<16xf32>
    %jit3A_1135 = arith.constant 1 : i32
    %jit3A_1136 = arith.constant 0 : i32
    %broadcast_in_dim3A_1137 = vector.broadcast %jit3A_1135 : i32 to vector<16xi32>
    %broadcast_in_dim3A_1138 = vector.broadcast %jit3A_1136 : i32 to vector<16xi32>
    %select_n3A_1139 = arith.select %ge3A_1134, %broadcast_in_dim3A_1137, %broadcast_in_dim3A_1138 : vector<16xi1>, vector<16xi32>
    %broadcast_in_dim3A_1140 = arith.constant true
    %broadcast_in_dim3A_1141 = vector.broadcast %broadcast_in_dim3A_1140 : i1 to vector<16xi1>
    %masked_cumsum3A_1142 = tpu.scan <sum>, %select_n3A_1139 masked %broadcast_in_dim3A_1141 : vector<16xi32>, vector<16xi1> -> vector<16xi32>
    %add3A_1143 = arith.addi %add3A_1131, %masked_cumsum3A_1142 : vector<16xi32>
    %sub3A_1144 = arith.constant 1 : i32
    %sub3A_1145 = vector.broadcast %sub3A_1144 : i32 to vector<16xi32>
    %sub3A_1146 = arith.subi %add3A_1143, %sub3A_1145 : vector<16xi32>
    %add3A_1147 = arith.constant 64 : i32
    %add3A_1148 = vector.broadcast %add3A_1147 : i32 to vector<16xi32>
    %add3A_1149 = arith.addi %iota3A, %add3A_1148 : vector<16xi32>
    tpu.vector_store_idx %arg8[%sub3A_1146], %add3A_1149 masked %ge3A_1134 : memref<272xi32, #tpu.memory_space<vmem>>[vector<16xi32>], vector<16xi32>, vector<16xi1>
    %all_reduce_population_count3A_1150 = tpu.all_reduce %ge3A_1134 {dim = 0 : i64, kind = #tpu.reduction_kind<sum>} : vector<16xi1> -> vector<16xi32>
    %add3A_1151 = arith.addi %add3A_1131, %all_reduce_population_count3A_1150 : vector<16xi32>
    %get3A_1152 = arith.constant 80 : index
    %get3A_1153 = tpu.vector_load %arg7[%get3A_1152] {strides = array<i32>} : memref<272xf32, #tpu.memory_space<vmem>>, vector<16xf32>,
    %ge3A_1154 = arith.cmpf oge, %get3A_1153, %gather3A_1051 : vector<16xf32>
    %jit3A_1155 = arith.constant 1 : i32
    %jit3A_1156 = arith.constant 0 : i32
    %broadcast_in_dim3A_1157 = vector.broadcast %jit3A_1155 : i32 to vector<16xi32>
    %broadcast_in_dim3A_1158 = vector.broadcast %jit3A_1156 : i32 to vector<16xi32>
    %select_n3A_1159 = arith.select %ge3A_1154, %broadcast_in_dim3A_1157, %broadcast_in_dim3A_1158 : vector<16xi1>, vector<16xi32>
    %broadcast_in_dim3A_1160 = arith.constant true
    %broadcast_in_dim3A_1161 = vector.broadcast %broadcast_in_dim3A_1160 : i1 to vector<16xi1>
    %masked_cumsum3A_1162 = tpu.scan <sum>, %select_n3A_1159 masked %broadcast_in_dim3A_1161 : vector<16xi32>, vector<16xi1> -> vector<16xi32>
    %add3A_1163 = arith.addi %add3A_1151, %masked_cumsum3A_1162 : vector<16xi32>
    %sub3A_1164 = arith.constant 1 : i32
    %sub3A_1165 = vector.broadcast %sub3A_1164 : i32 to vector<16xi32>
    %sub3A_1166 = arith.subi %add3A_1163, %sub3A_1165 : vector<16xi32>
    %add3A_1167 = arith.constant 80 : i32
    %add3A_1168 = vector.broadcast %add3A_1167 : i32 to vector<16xi32>
    %add3A_1169 = arith.addi %iota3A, %add3A_1168 : vector<16xi32>
    tpu.vector_store_idx %arg8[%sub3A_1166], %add3A_1169 masked %ge3A_1154 : memref<272xi32, #tpu.memory_space<vmem>>[vector<16xi32>], vector<16xi32>, vector<16xi1>
    %all_reduce_population_count3A_1170 = tpu.all_reduce %ge3A_1154 {dim = 0 : i64, kind = #tpu.reduction_kind<sum>} : vector<16xi1> -> vector<16xi32>
    %add3A_1171 = arith.addi %add3A_1151, %all_reduce_population_count3A_1170 : vector<16xi32>
    %get3A_1172 = arith.constant 96 : index
    %get3A_1173 = tpu.vector_load %arg7[%get3A_1172] {strides = array<i32>} : memref<272xf32, #tpu.memory_space<vmem>>, vector<16xf32>,
    %ge3A_1174 = arith.cmpf oge, %get3A_1173, %gather3A_1051 : vector<16xf32>
    %jit3A_1175 = arith.constant 1 : i32
    %jit3A_1176 = arith.constant 0 : i32
    %broadcast_in_dim3A_1177 = vector.broadcast %jit3A_1175 : i32 to vector<16xi32>
    %broadcast_in_dim3A_1178 = vector.broadcast %jit3A_1176 : i32 to vector<16xi32>
    %select_n3A_1179 = arith.select %ge3A_1174, %broadcast_in_dim3A_1177, %broadcast_in_dim3A_1178 : vector<16xi1>, vector<16xi32>
    %broadcast_in_dim3A_1180 = arith.constant true
    %broadcast_in_dim3A_1181 = vector.broadcast %broadcast_in_dim3A_1180 : i1 to vector<16xi1>
    %masked_cumsum3A_1182 = tpu.scan <sum>, %select_n3A_1179 masked %broadcast_in_dim3A_1181 : vector<16xi32>, vector<16xi1> -> vector<16xi32>
    %add3A_1183 = arith.addi %add3A_1171, %masked_cumsum3A_1182 : vector<16xi32>
    %sub3A_1184 = arith.constant 1 : i32
    %sub3A_1185 = vector.broadcast %sub3A_1184 : i32 to vector<16xi32>
    %sub3A_1186 = arith.subi %add3A_1183, %sub3A_1185 : vector<16xi32>
    %add3A_1187 = arith.constant 96 : i32
    %add3A_1188 = vector.broadcast %add3A_1187 : i32 to vector<16xi32>
    %add3A_1189 = arith.addi %iota3A, %add3A_1188 : vector<16xi32>
    tpu.vector_store_idx %arg8[%sub3A_1186], %add3A_1189 masked %ge3A_1174 : memref<272xi32, #tpu.memory_space<vmem>>[vector<16xi32>], vector<16xi32>, vector<16xi1>
    %all_reduce_population_count3A_1190 = tpu.all_reduce %ge3A_1174 {dim = 0 : i64, kind = #tpu.reduction_kind<sum>} : vector<16xi1> -> vector<16xi32>
    %add3A_1191 = arith.addi %add3A_1171, %all_reduce_population_count3A_1190 : vector<16xi32>
    %get3A_1192 = arith.constant 112 : index
    %get3A_1193 = tpu.vector_load %arg7[%get3A_1192] {strides = array<i32>} : memref<272xf32, #tpu.memory_space<vmem>>, vector<16xf32>,
    %ge3A_1194 = arith.cmpf oge, %get3A_1193, %gather3A_1051 : vector<16xf32>
    %jit3A_1195 = arith.constant 1 : i32
    %jit3A_1196 = arith.constant 0 : i32
    %broadcast_in_dim3A_1197 = vector.broadcast %jit3A_1195 : i32 to vector<16xi32>
    %broadcast_in_dim3A_1198 = vector.broadcast %jit3A_1196 : i32 to vector<16xi32>
    %select_n3A_1199 = arith.select %ge3A_1194, %broadcast_in_dim3A_1197, %broadcast_in_dim3A_1198 : vector<16xi1>, vector<16xi32>
    %broadcast_in_dim3A_1200 = arith.constant true
    %broadcast_in_dim3A_1201 = vector.broadcast %broadcast_in_dim3A_1200 : i1 to vector<16xi1>
    %masked_cumsum3A_1202 = tpu.scan <sum>, %select_n3A_1199 masked %broadcast_in_dim3A_1201 : vector<16xi32>, vector<16xi1> -> vector<16xi32>
    %add3A_1203 = arith.addi %add3A_1191, %masked_cumsum3A_1202 : vector<16xi32>
    %sub3A_1204 = arith.constant 1 : i32
    %sub3A_1205 = vector.broadcast %sub3A_1204 : i32 to vector<16xi32>
    %sub3A_1206 = arith.subi %add3A_1203, %sub3A_1205 : vector<16xi32>
    %add3A_1207 = arith.constant 112 : i32
    %add3A_1208 = vector.broadcast %add3A_1207 : i32 to vector<16xi32>
    %add3A_1209 = arith.addi %iota3A, %add3A_1208 : vector<16xi32>
    tpu.vector_store_idx %arg8[%sub3A_1206], %add3A_1209 masked %ge3A_1194 : memref<272xi32, #tpu.memory_space<vmem>>[vector<16xi32>], vector<16xi32>, vector<16xi1>
    %all_reduce_population_count3A_1210 = tpu.all_reduce %ge3A_1194 {dim = 0 : i64, kind = #tpu.reduction_kind<sum>} : vector<16xi1> -> vector<16xi32>
    %add3A_1211 = arith.addi %add3A_1191, %all_reduce_population_count3A_1210 : vector<16xi32>
    %get3A_1212 = arith.constant 128 : index
    %get3A_1213 = tpu.vector_load %arg7[%get3A_1212] {strides = array<i32>} : memref<272xf32, #tpu.memory_space<vmem>>, vector<16xf32>,
    %ge3A_1214 = arith.cmpf oge, %get3A_1213, %gather3A_1051 : vector<16xf32>
    %jit3A_1215 = arith.constant 1 : i32
    %jit3A_1216 = arith.constant 0 : i32
    %broadcast_in_dim3A_1217 = vector.broadcast %jit3A_1215 : i32 to vector<16xi32>
    %broadcast_in_dim3A_1218 = vector.broadcast %jit3A_1216 : i32 to vector<16xi32>
    %select_n3A_1219 = arith.select %ge3A_1214, %broadcast_in_dim3A_1217, %broadcast_in_dim3A_1218 : vector<16xi1>, vector<16xi32>
    %broadcast_in_dim3A_1220 = arith.constant true
    %broadcast_in_dim3A_1221 = vector.broadcast %broadcast_in_dim3A_1220 : i1 to vector<16xi1>
    %masked_cumsum3A_1222 = tpu.scan <sum>, %select_n3A_1219 masked %broadcast_in_dim3A_1221 : vector<16xi32>, vector<16xi1> -> vector<16xi32>
    %add3A_1223 = arith.addi %add3A_1211, %masked_cumsum3A_1222 : vector<16xi32>
    %sub3A_1224 = arith.constant 1 : i32
    %sub3A_1225 = vector.broadcast %sub3A_1224 : i32 to vector<16xi32>
    %sub3A_1226 = arith.subi %add3A_1223, %sub3A_1225 : vector<16xi32>
    %add3A_1227 = arith.constant 128 : i32
    %add3A_1228 = vector.broadcast %add3A_1227 : i32 to vector<16xi32>
    %add3A_1229 = arith.addi %iota3A, %add3A_1228 : vector<16xi32>
    tpu.vector_store_idx %arg8[%sub3A_1226], %add3A_1229 masked %ge3A_1214 : memref<272xi32, #tpu.memory_space<vmem>>[vector<16xi32>], vector<16xi32>, vector<16xi1>
    %all_reduce_population_count3A_1230 = tpu.all_reduce %ge3A_1214 {dim = 0 : i64, kind = #tpu.reduction_kind<sum>} : vector<16xi1> -> vector<16xi32>
    %add3A_1231 = arith.addi %add3A_1211, %all_reduce_population_count3A_1230 : vector<16xi32>
    %get3A_1232 = arith.constant 144 : index
    %get3A_1233 = tpu.vector_load %arg7[%get3A_1232] {strides = array<i32>} : memref<272xf32, #tpu.memory_space<vmem>>, vector<16xf32>,
    %ge3A_1234 = arith.cmpf oge, %get3A_1233, %gather3A_1051 : vector<16xf32>
    %jit3A_1235 = arith.constant 1 : i32
    %jit3A_1236 = arith.constant 0 : i32
    %broadcast_in_dim3A_1237 = vector.broadcast %jit3A_1235 : i32 to vector<16xi32>
    %broadcast_in_dim3A_1238 = vector.broadcast %jit3A_1236 : i32 to vector<16xi32>
    %select_n3A_1239 = arith.select %ge3A_1234, %broadcast_in_dim3A_1237, %broadcast_in_dim3A_1238 : vector<16xi1>, vector<16xi32>
    %broadcast_in_dim3A_1240 = arith.constant true
    %broadcast_in_dim3A_1241 = vector.broadcast %broadcast_in_dim3A_1240 : i1 to vector<16xi1>
    %masked_cumsum3A_1242 = tpu.scan <sum>, %select_n3A_1239 masked %broadcast_in_dim3A_1241 : vector<16xi32>, vector<16xi1> -> vector<16xi32>
    %add3A_1243 = arith.addi %add3A_1231, %masked_cumsum3A_1242 : vector<16xi32>
    %sub3A_1244 = arith.constant 1 : i32
    %sub3A_1245 = vector.broadcast %sub3A_1244 : i32 to vector<16xi32>
    %sub3A_1246 = arith.subi %add3A_1243, %sub3A_1245 : vector<16xi32>
    %add3A_1247 = arith.constant 144 : i32
    %add3A_1248 = vector.broadcast %add3A_1247 : i32 to vector<16xi32>
    %add3A_1249 = arith.addi %iota3A, %add3A_1248 : vector<16xi32>
    tpu.vector_store_idx %arg8[%sub3A_1246], %add3A_1249 masked %ge3A_1234 : memref<272xi32, #tpu.memory_space<vmem>>[vector<16xi32>], vector<16xi32>, vector<16xi1>
    %all_reduce_population_count3A_1250 = tpu.all_reduce %ge3A_1234 {dim = 0 : i64, kind = #tpu.reduction_kind<sum>} : vector<16xi1> -> vector<16xi32>
    %add3A_1251 = arith.addi %add3A_1231, %all_reduce_population_count3A_1250 : vector<16xi32>
    %get3A_1252 = arith.constant 160 : index
    %get3A_1253 = tpu.vector_load %arg7[%get3A_1252] {strides = array<i32>} : memref<272xf32, #tpu.memory_space<vmem>>, vector<16xf32>,
    %ge3A_1254 = arith.cmpf oge, %get3A_1253, %gather3A_1051 : vector<16xf32>
    %jit3A_1255 = arith.constant 1 : i32
    %jit3A_1256 = arith.constant 0 : i32
    %broadcast_in_dim3A_1257 = vector.broadcast %jit3A_1255 : i32 to vector<16xi32>
    %broadcast_in_dim3A_1258 = vector.broadcast %jit3A_1256 : i32 to vector<16xi32>
    %select_n3A_1259 = arith.select %ge3A_1254, %broadcast_in_dim3A_1257, %broadcast_in_dim3A_1258 : vector<16xi1>, vector<16xi32>
    %broadcast_in_dim3A_1260 = arith.constant true
    %broadcast_in_dim3A_1261 = vector.broadcast %broadcast_in_dim3A_1260 : i1 to vector<16xi1>
    %masked_cumsum3A_1262 = tpu.scan <sum>, %select_n3A_1259 masked %broadcast_in_dim3A_1261 : vector<16xi32>, vector<16xi1> -> vector<16xi32>
    %add3A_1263 = arith.addi %add3A_1251, %masked_cumsum3A_1262 : vector<16xi32>
    %sub3A_1264 = arith.constant 1 : i32
    %sub3A_1265 = vector.broadcast %sub3A_1264 : i32 to vector<16xi32>
    %sub3A_1266 = arith.subi %add3A_1263, %sub3A_1265 : vector<16xi32>
    %add3A_1267 = arith.constant 160 : i32
    %add3A_1268 = vector.broadcast %add3A_1267 : i32 to vector<16xi32>
    %add3A_1269 = arith.addi %iota3A, %add3A_1268 : vector<16xi32>
    tpu.vector_store_idx %arg8[%sub3A_1266], %add3A_1269 masked %ge3A_1254 : memref<272xi32, #tpu.memory_space<vmem>>[vector<16xi32>], vector<16xi32>, vector<16xi1>
    %all_reduce_population_count3A_1270 = tpu.all_reduce %ge3A_1254 {dim = 0 : i64, kind = #tpu.reduction_kind<sum>} : vector<16xi1> -> vector<16xi32>
    %add3A_1271 = arith.addi %add3A_1251, %all_reduce_population_count3A_1270 : vector<16xi32>
    %get3A_1272 = arith.constant 176 : index
    %get3A_1273 = tpu.vector_load %arg7[%get3A_1272] {strides = array<i32>} : memref<272xf32, #tpu.memory_space<vmem>>, vector<16xf32>,
    %ge3A_1274 = arith.cmpf oge, %get3A_1273, %gather3A_1051 : vector<16xf32>
    %jit3A_1275 = arith.constant 1 : i32
    %jit3A_1276 = arith.constant 0 : i32
    %broadcast_in_dim3A_1277 = vector.broadcast %jit3A_1275 : i32 to vector<16xi32>
    %broadcast_in_dim3A_1278 = vector.broadcast %jit3A_1276 : i32 to vector<16xi32>
    %select_n3A_1279 = arith.select %ge3A_1274, %broadcast_in_dim3A_1277, %broadcast_in_dim3A_1278 : vector<16xi1>, vector<16xi32>
    %broadcast_in_dim3A_1280 = arith.constant true
    %broadcast_in_dim3A_1281 = vector.broadcast %broadcast_in_dim3A_1280 : i1 to vector<16xi1>
    %masked_cumsum3A_1282 = tpu.scan <sum>, %select_n3A_1279 masked %broadcast_in_dim3A_1281 : vector<16xi32>, vector<16xi1> -> vector<16xi32>
    %add3A_1283 = arith.addi %add3A_1271, %masked_cumsum3A_1282 : vector<16xi32>
    %sub3A_1284 = arith.constant 1 : i32
    %sub3A_1285 = vector.broadcast %sub3A_1284 : i32 to vector<16xi32>
    %sub3A_1286 = arith.subi %add3A_1283, %sub3A_1285 : vector<16xi32>
    %add3A_1287 = arith.constant 176 : i32
    %add3A_1288 = vector.broadcast %add3A_1287 : i32 to vector<16xi32>
    %add3A_1289 = arith.addi %iota3A, %add3A_1288 : vector<16xi32>
    tpu.vector_store_idx %arg8[%sub3A_1286], %add3A_1289 masked %ge3A_1274 : memref<272xi32, #tpu.memory_space<vmem>>[vector<16xi32>], vector<16xi32>, vector<16xi1>
    %all_reduce_population_count3A_1290 = tpu.all_reduce %ge3A_1274 {dim = 0 : i64, kind = #tpu.reduction_kind<sum>} : vector<16xi1> -> vector<16xi32>
    %add3A_1291 = arith.addi %add3A_1271, %all_reduce_population_count3A_1290 : vector<16xi32>
    %get3A_1292 = arith.constant 192 : index
    %get3A_1293 = tpu.vector_load %arg7[%get3A_1292] {strides = array<i32>} : memref<272xf32, #tpu.memory_space<vmem>>, vector<16xf32>,
    %ge3A_1294 = arith.cmpf oge, %get3A_1293, %gather3A_1051 : vector<16xf32>
    %jit3A_1295 = arith.constant 1 : i32
    %jit3A_1296 = arith.constant 0 : i32
    %broadcast_in_dim3A_1297 = vector.broadcast %jit3A_1295 : i32 to vector<16xi32>
    %broadcast_in_dim3A_1298 = vector.broadcast %jit3A_1296 : i32 to vector<16xi32>
    %select_n3A_1299 = arith.select %ge3A_1294, %broadcast_in_dim3A_1297, %broadcast_in_dim3A_1298 : vector<16xi1>, vector<16xi32>
    %broadcast_in_dim3A_1300 = arith.constant true
    %broadcast_in_dim3A_1301 = vector.broadcast %broadcast_in_dim3A_1300 : i1 to vector<16xi1>
    %masked_cumsum3A_1302 = tpu.scan <sum>, %select_n3A_1299 masked %broadcast_in_dim3A_1301 : vector<16xi32>, vector<16xi1> -> vector<16xi32>
    %add3A_1303 = arith.addi %add3A_1291, %masked_cumsum3A_1302 : vector<16xi32>
    %sub3A_1304 = arith.constant 1 : i32
    %sub3A_1305 = vector.broadcast %sub3A_1304 : i32 to vector<16xi32>
    %sub3A_1306 = arith.subi %add3A_1303, %sub3A_1305 : vector<16xi32>
    %add3A_1307 = arith.constant 192 : i32
    %add3A_1308 = vector.broadcast %add3A_1307 : i32 to vector<16xi32>
    %add3A_1309 = arith.addi %iota3A, %add3A_1308 : vector<16xi32>
    tpu.vector_store_idx %arg8[%sub3A_1306], %add3A_1309 masked %ge3A_1294 : memref<272xi32, #tpu.memory_space<vmem>>[vector<16xi32>], vector<16xi32>, vector<16xi1>
    %all_reduce_population_count3A_1310 = tpu.all_reduce %ge3A_1294 {dim = 0 : i64, kind = #tpu.reduction_kind<sum>} : vector<16xi1> -> vector<16xi32>
    %add3A_1311 = arith.addi %add3A_1291, %all_reduce_population_count3A_1310 : vector<16xi32>
    %get3A_1312 = arith.constant 208 : index
    %get3A_1313 = tpu.vector_load %arg7[%get3A_1312] {strides = array<i32>} : memref<272xf32, #tpu.memory_space<vmem>>, vector<16xf32>,
    %ge3A_1314 = arith.cmpf oge, %get3A_1313, %gather3A_1051 : vector<16xf32>
    %jit3A_1315 = arith.constant 1 : i32
    %jit3A_1316 = arith.constant 0 : i32
    %broadcast_in_dim3A_1317 = vector.broadcast %jit3A_1315 : i32 to vector<16xi32>
    %broadcast_in_dim3A_1318 = vector.broadcast %jit3A_1316 : i32 to vector<16xi32>
    %select_n3A_1319 = arith.select %ge3A_1314, %broadcast_in_dim3A_1317, %broadcast_in_dim3A_1318 : vector<16xi1>, vector<16xi32>
    %broadcast_in_dim3A_1320 = arith.constant true
    %broadcast_in_dim3A_1321 = vector.broadcast %broadcast_in_dim3A_1320 : i1 to vector<16xi1>
    %masked_cumsum3A_1322 = tpu.scan <sum>, %select_n3A_1319 masked %broadcast_in_dim3A_1321 : vector<16xi32>, vector<16xi1> -> vector<16xi32>
    %add3A_1323 = arith.addi %add3A_1311, %masked_cumsum3A_1322 : vector<16xi32>
    %sub3A_1324 = arith.constant 1 : i32
    %sub3A_1325 = vector.broadcast %sub3A_1324 : i32 to vector<16xi32>
    %sub3A_1326 = arith.subi %add3A_1323, %sub3A_1325 : vector<16xi32>
    %add3A_1327 = arith.constant 208 : i32
    %add3A_1328 = vector.broadcast %add3A_1327 : i32 to vector<16xi32>
    %add3A_1329 = arith.addi %iota3A, %add3A_1328 : vector<16xi32>
    tpu.vector_store_idx %arg8[%sub3A_1326], %add3A_1329 masked %ge3A_1314 : memref<272xi32, #tpu.memory_space<vmem>>[vector<16xi32>], vector<16xi32>, vector<16xi1>
    %all_reduce_population_count3A_1330 = tpu.all_reduce %ge3A_1314 {dim = 0 : i64, kind = #tpu.reduction_kind<sum>} : vector<16xi1> -> vector<16xi32>
    %add3A_1331 = arith.addi %add3A_1311, %all_reduce_population_count3A_1330 : vector<16xi32>
    %get3A_1332 = arith.constant 224 : index
    %get3A_1333 = tpu.vector_load %arg7[%get3A_1332] {strides = array<i32>} : memref<272xf32, #tpu.memory_space<vmem>>, vector<16xf32>,
    %ge3A_1334 = arith.cmpf oge, %get3A_1333, %gather3A_1051 : vector<16xf32>
    %jit3A_1335 = arith.constant 1 : i32
    %jit3A_1336 = arith.constant 0 : i32
    %broadcast_in_dim3A_1337 = vector.broadcast %jit3A_1335 : i32 to vector<16xi32>
    %broadcast_in_dim3A_1338 = vector.broadcast %jit3A_1336 : i32 to vector<16xi32>
    %select_n3A_1339 = arith.select %ge3A_1334, %broadcast_in_dim3A_1337, %broadcast_in_dim3A_1338 : vector<16xi1>, vector<16xi32>
    %broadcast_in_dim3A_1340 = arith.constant true
    %broadcast_in_dim3A_1341 = vector.broadcast %broadcast_in_dim3A_1340 : i1 to vector<16xi1>
    %masked_cumsum3A_1342 = tpu.scan <sum>, %select_n3A_1339 masked %broadcast_in_dim3A_1341 : vector<16xi32>, vector<16xi1> -> vector<16xi32>
    %add3A_1343 = arith.addi %add3A_1331, %masked_cumsum3A_1342 : vector<16xi32>
    %sub3A_1344 = arith.constant 1 : i32
    %sub3A_1345 = vector.broadcast %sub3A_1344 : i32 to vector<16xi32>
    %sub3A_1346 = arith.subi %add3A_1343, %sub3A_1345 : vector<16xi32>
    %add3A_1347 = arith.constant 224 : i32
    %add3A_1348 = vector.broadcast %add3A_1347 : i32 to vector<16xi32>
    %add3A_1349 = arith.addi %iota3A, %add3A_1348 : vector<16xi32>
    tpu.vector_store_idx %arg8[%sub3A_1346], %add3A_1349 masked %ge3A_1334 : memref<272xi32, #tpu.memory_space<vmem>>[vector<16xi32>], vector<16xi32>, vector<16xi1>
    %all_reduce_population_count3A_1350 = tpu.all_reduce %ge3A_1334 {dim = 0 : i64, kind = #tpu.reduction_kind<sum>} : vector<16xi1> -> vector<16xi32>
    %add3A_1351 = arith.addi %add3A_1331, %all_reduce_population_count3A_1350 : vector<16xi32>
    %get3A_1352 = arith.constant 240 : index
    %get3A_1353 = tpu.vector_load %arg7[%get3A_1352] {strides = array<i32>} : memref<272xf32, #tpu.memory_space<vmem>>, vector<16xf32>,
    %ge3A_1354 = arith.cmpf oge, %get3A_1353, %gather3A_1051 : vector<16xf32>
    %jit3A_1355 = arith.constant 1 : i32
    %jit3A_1356 = arith.constant 0 : i32
    %broadcast_in_dim3A_1357 = vector.broadcast %jit3A_1355 : i32 to vector<16xi32>
    %broadcast_in_dim3A_1358 = vector.broadcast %jit3A_1356 : i32 to vector<16xi32>
    %select_n3A_1359 = arith.select %ge3A_1354, %broadcast_in_dim3A_1357, %broadcast_in_dim3A_1358 : vector<16xi1>, vector<16xi32>
    %broadcast_in_dim3A_1360 = arith.constant true
    %broadcast_in_dim3A_1361 = vector.broadcast %broadcast_in_dim3A_1360 : i1 to vector<16xi1>
    %masked_cumsum3A_1362 = tpu.scan <sum>, %select_n3A_1359 masked %broadcast_in_dim3A_1361 : vector<16xi32>, vector<16xi1> -> vector<16xi32>
    %add3A_1363 = arith.addi %add3A_1351, %masked_cumsum3A_1362 : vector<16xi32>
    %sub3A_1364 = arith.constant 1 : i32
    %sub3A_1365 = vector.broadcast %sub3A_1364 : i32 to vector<16xi32>
    %sub3A_1366 = arith.subi %add3A_1363, %sub3A_1365 : vector<16xi32>
    %add3A_1367 = arith.constant 240 : i32
    %add3A_1368 = vector.broadcast %add3A_1367 : i32 to vector<16xi32>
    %add3A_1369 = arith.addi %iota3A, %add3A_1368 : vector<16xi32>
    tpu.vector_store_idx %arg8[%sub3A_1366], %add3A_1369 masked %ge3A_1354 : memref<272xi32, #tpu.memory_space<vmem>>[vector<16xi32>], vector<16xi32>, vector<16xi1>
    %all_reduce_population_count3A_1370 = tpu.all_reduce %ge3A_1354 {dim = 0 : i64, kind = #tpu.reduction_kind<sum>} : vector<16xi1> -> vector<16xi32>
    %add3A_1371 = arith.addi %add3A_1351, %all_reduce_population_count3A_1370 : vector<16xi32>
    %reduce_max3A_1372 = arith.constant true
    %reduce_max3A_1373 = vector.broadcast %reduce_max3A_1372 : i1 to vector<16xi1>
    %reduce_max3A_1374 = arith.constant -2147483648 : i32
    %reduce_max3A_1375 = vector.broadcast %reduce_max3A_1374 : i32 to vector<16xi32>
    %reduce_max3A_1376 = arith.xori %add3A_1371, %reduce_max3A_1375 : vector<16xi32>
    %reduce_max3A_1377 = tpu.scan <max>, %reduce_max3A_1376 masked %reduce_max3A_1373 : vector<16xi32>, vector<16xi1> -> vector<16xi32>
    %reduce_max3A_1378 = arith.xori %reduce_max3A_1377, %reduce_max3A_1375 : vector<16xi32>
    %reduce_max3A_1379 = vector.extract %reduce_max3A_1378[15] : i32 from vector<16xi32>
    %get3A_1380 = arith.constant 0 : index
    %get3A_1381 = tpu.vector_load %arg8[%get3A_1380] {strides = array<i32>} : memref<272xi32, #tpu.memory_space<vmem>>, vector<16xi32>,
    %slice3A_1382 = vector.extract_strided_slice %get3A_1381 {offsets = [0], sizes = [1], strides = [1]} : vector<16xi32> to vector<1xi32>
    %squeeze3A_1383 = vector.extract %slice3A_1382[0] : i32 from vector<1xi32>
    %mul3A_1384 = arith.constant 128 : i32
    %mul3A_1385 = arith.muli %squeeze3A_1383, %mul3A_1384 : i32
    %while3A_1386 = arith.constant 0 : i32
    %while3A_1387 = arith.subi %reduce_max3A_1379, %while3A_1386 : i32
    %while3A_1388 = arith.addi %while3A_1386, %while3A_1387 : i32
    %while3A_1389 = arith.constant 1 : i32
    %while3A_1390 = arith.divsi %while3A_1387, %while3A_1389 : i32
    %while3A_1391 = arith.muli %while3A_1390, %while3A_1389 : i32
    %while3A_1392 = arith.addi %while3A_1386, %while3A_1391 : i32
    %while3A_1393 = arith.constant 1 : i32
    %while3A_1394:2 = scf.for %while3A_2041 = %while3A_1386 to %while3A_1392 step %while3A_1393 iter_args(%while3A_2042 = %broadcast_in_dim3A_5, %while3A_2043 = %mul3A_1385) -> (vector<16xi32>, i32)  : i32 {
      %add3A_2044 = arith.constant 1 : i32
      %add3A_2045 = arith.addi %while3A_2041, %add3A_2044 : i32
      %get3A_2046 = arith.index_cast %add3A_2045 : i32 to index
      %get3A_2047 = tpu.vector_load %arg8[%get3A_2046] {strides = array<i32>} : memref<272xi32, #tpu.memory_space<vmem>>, vector<16xi32>,
      %slice3A_2048 = vector.extract_strided_slice %get3A_2047 {offsets = [0], sizes = [1], strides = [1]} : vector<16xi32> to vector<1xi32>
      %squeeze3A_2049 = vector.extract %slice3A_2048[0] : i32 from vector<1xi32>
      %mul3A_2050 = arith.constant 128 : i32
      %mul3A_2051 = arith.muli %squeeze3A_2049, %mul3A_2050 : i32
      %add3A_2052 = arith.constant 0 : i32
      %add3A_2053 = arith.addi %while3A_2043, %add3A_2052 : i32
      %get3A_2054 = arith.index_cast %add3A_2053 : i32 to index
      %get3A_2055 = tpu.vector_load %arg4[%get3A_2054] {strides = array<i32>} : memref<32768xf32, #tpu.memory_space<vmem>>, vector<16xf32>,
      %ge3A_2056 = arith.cmpf oge, %get3A_2055, %gather3A_1051 : vector<16xf32>
      %jit3A_2057 = arith.constant 1 : i32
      %jit3A_2058 = arith.constant 0 : i32
      %broadcast_in_dim3A_2059 = vector.broadcast %jit3A_2057 : i32 to vector<16xi32>
      %broadcast_in_dim3A_2060 = vector.broadcast %jit3A_2058 : i32 to vector<16xi32>
      %select_n3A_2061 = arith.select %ge3A_2056, %broadcast_in_dim3A_2059, %broadcast_in_dim3A_2060 : vector<16xi1>, vector<16xi32>
      %broadcast_in_dim3A_2062 = arith.constant true
      %broadcast_in_dim3A_2063 = vector.broadcast %broadcast_in_dim3A_2062 : i1 to vector<16xi1>
      %masked_cumsum3A_2064 = tpu.scan <sum>, %select_n3A_2061 masked %broadcast_in_dim3A_2063 : vector<16xi32>, vector<16xi1> -> vector<16xi32>
      %add3A_2065 = arith.addi %while3A_2042, %masked_cumsum3A_2064 : vector<16xi32>
      %sub3A_2066 = arith.constant 1 : i32
      %sub3A_2067 = vector.broadcast %sub3A_2066 : i32 to vector<16xi32>
      %sub3A_2068 = arith.subi %add3A_2065, %sub3A_2067 : vector<16xi32>
      tpu.vector_store_idx %arg6[%sub3A_2068], %get3A_2055 masked %ge3A_2056 : memref<32784xf32, #tpu.memory_space<vmem>>[vector<16xi32>], vector<16xf32>, vector<16xi1>
      %all_reduce_population_count3A_2069 = tpu.all_reduce %ge3A_2056 {dim = 0 : i64, kind = #tpu.reduction_kind<sum>} : vector<16xi1> -> vector<16xi32>
      %add3A_2070 = arith.addi %while3A_2042, %all_reduce_population_count3A_2069 : vector<16xi32>
      %add3A_2071 = arith.constant 16 : i32
      %add3A_2072 = arith.addi %while3A_2043, %add3A_2071 : i32
      %get3A_2073 = arith.index_cast %add3A_2072 : i32 to index
      %get3A_2074 = tpu.vector_load %arg4[%get3A_2073] {strides = array<i32>} : memref<32768xf32, #tpu.memory_space<vmem>>, vector<16xf32>,
      %ge3A_2075 = arith.cmpf oge, %get3A_2074, %gather3A_1051 : vector<16xf32>
      %jit3A_2076 = arith.constant 1 : i32
      %jit3A_2077 = arith.constant 0 : i32
      %broadcast_in_dim3A_2078 = vector.broadcast %jit3A_2076 : i32 to vector<16xi32>
      %broadcast_in_dim3A_2079 = vector.broadcast %jit3A_2077 : i32 to vector<16xi32>
      %select_n3A_2080 = arith.select %ge3A_2075, %broadcast_in_dim3A_2078, %broadcast_in_dim3A_2079 : vector<16xi1>, vector<16xi32>
      %broadcast_in_dim3A_2081 = arith.constant true
      %broadcast_in_dim3A_2082 = vector.broadcast %broadcast_in_dim3A_2081 : i1 to vector<16xi1>
      %masked_cumsum3A_2083 = tpu.scan <sum>, %select_n3A_2080 masked %broadcast_in_dim3A_2082 : vector<16xi32>, vector<16xi1> -> vector<16xi32>
      %add3A_2084 = arith.addi %add3A_2070, %masked_cumsum3A_2083 : vector<16xi32>
      %sub3A_2085 = arith.constant 1 : i32
      %sub3A_2086 = vector.broadcast %sub3A_2085 : i32 to vector<16xi32>
      %sub3A_2087 = arith.subi %add3A_2084, %sub3A_2086 : vector<16xi32>
      tpu.vector_store_idx %arg6[%sub3A_2087], %get3A_2074 masked %ge3A_2075 : memref<32784xf32, #tpu.memory_space<vmem>>[vector<16xi32>], vector<16xf32>, vector<16xi1>
      %all_reduce_population_count3A_2088 = tpu.all_reduce %ge3A_2075 {dim = 0 : i64, kind = #tpu.reduction_kind<sum>} : vector<16xi1> -> vector<16xi32>
      %add3A_2089 = arith.addi %add3A_2070, %all_reduce_population_count3A_2088 : vector<16xi32>
      %add3A_2090 = arith.constant 32 : i32
      %add3A_2091 = arith.addi %while3A_2043, %add3A_2090 : i32
      %get3A_2092 = arith.index_cast %add3A_2091 : i32 to index
      %get3A_2093 = tpu.vector_load %arg4[%get3A_2092] {strides = array<i32>} : memref<32768xf32, #tpu.memory_space<vmem>>, vector<16xf32>,
      %ge3A_2094 = arith.cmpf oge, %get3A_2093, %gather3A_1051 : vector<16xf32>
      %jit3A_2095 = arith.constant 1 : i32
      %jit3A_2096 = arith.constant 0 : i32
      %broadcast_in_dim3A_2097 = vector.broadcast %jit3A_2095 : i32 to vector<16xi32>
      %broadcast_in_dim3A_2098 = vector.broadcast %jit3A_2096 : i32 to vector<16xi32>
      %select_n3A_2099 = arith.select %ge3A_2094, %broadcast_in_dim3A_2097, %broadcast_in_dim3A_2098 : vector<16xi1>, vector<16xi32>
      %broadcast_in_dim3A_2100 = arith.constant true
      %broadcast_in_dim3A_2101 = vector.broadcast %broadcast_in_dim3A_2100 : i1 to vector<16xi1>
      %masked_cumsum3A_2102 = tpu.scan <sum>, %select_n3A_2099 masked %broadcast_in_dim3A_2101 : vector<16xi32>, vector<16xi1> -> vector<16xi32>
      %add3A_2103 = arith.addi %add3A_2089, %masked_cumsum3A_2102 : vector<16xi32>
      %sub3A_2104 = arith.constant 1 : i32
      %sub3A_2105 = vector.broadcast %sub3A_2104 : i32 to vector<16xi32>
      %sub3A_2106 = arith.subi %add3A_2103, %sub3A_2105 : vector<16xi32>
      tpu.vector_store_idx %arg6[%sub3A_2106], %get3A_2093 masked %ge3A_2094 : memref<32784xf32, #tpu.memory_space<vmem>>[vector<16xi32>], vector<16xf32>, vector<16xi1>
      %all_reduce_population_count3A_2107 = tpu.all_reduce %ge3A_2094 {dim = 0 : i64, kind = #tpu.reduction_kind<sum>} : vector<16xi1> -> vector<16xi32>
      %add3A_2108 = arith.addi %add3A_2089, %all_reduce_population_count3A_2107 : vector<16xi32>
      %add3A_2109 = arith.constant 48 : i32
      %add3A_2110 = arith.addi %while3A_2043, %add3A_2109 : i32
      %get3A_2111 = arith.index_cast %add3A_2110 : i32 to index
      %get3A_2112 = tpu.vector_load %arg4[%get3A_2111] {strides = array<i32>} : memref<32768xf32, #tpu.memory_space<vmem>>, vector<16xf32>,
      %ge3A_2113 = arith.cmpf oge, %get3A_2112, %gather3A_1051 : vector<16xf32>
      %jit3A_2114 = arith.constant 1 : i32
      %jit3A_2115 = arith.constant 0 : i32
      %broadcast_in_dim3A_2116 = vector.broadcast %jit3A_2114 : i32 to vector<16xi32>
      %broadcast_in_dim3A_2117 = vector.broadcast %jit3A_2115 : i32 to vector<16xi32>
      %select_n3A_2118 = arith.select %ge3A_2113, %broadcast_in_dim3A_2116, %broadcast_in_dim3A_2117 : vector<16xi1>, vector<16xi32>
      %broadcast_in_dim3A_2119 = arith.constant true
      %broadcast_in_dim3A_2120 = vector.broadcast %broadcast_in_dim3A_2119 : i1 to vector<16xi1>
      %masked_cumsum3A_2121 = tpu.scan <sum>, %select_n3A_2118 masked %broadcast_in_dim3A_2120 : vector<16xi32>, vector<16xi1> -> vector<16xi32>
      %add3A_2122 = arith.addi %add3A_2108, %masked_cumsum3A_2121 : vector<16xi32>
      %sub3A_2123 = arith.constant 1 : i32
      %sub3A_2124 = vector.broadcast %sub3A_2123 : i32 to vector<16xi32>
      %sub3A_2125 = arith.subi %add3A_2122, %sub3A_2124 : vector<16xi32>
      tpu.vector_store_idx %arg6[%sub3A_2125], %get3A_2112 masked %ge3A_2113 : memref<32784xf32, #tpu.memory_space<vmem>>[vector<16xi32>], vector<16xf32>, vector<16xi1>
      %all_reduce_population_count3A_2126 = tpu.all_reduce %ge3A_2113 {dim = 0 : i64, kind = #tpu.reduction_kind<sum>} : vector<16xi1> -> vector<16xi32>
      %add3A_2127 = arith.addi %add3A_2108, %all_reduce_population_count3A_2126 : vector<16xi32>
      %add3A_2128 = arith.constant 64 : i32
      %add3A_2129 = arith.addi %while3A_2043, %add3A_2128 : i32
      %get3A_2130 = arith.index_cast %add3A_2129 : i32 to index
      %get3A_2131 = tpu.vector_load %arg4[%get3A_2130] {strides = array<i32>} : memref<32768xf32, #tpu.memory_space<vmem>>, vector<16xf32>,
      %ge3A_2132 = arith.cmpf oge, %get3A_2131, %gather3A_1051 : vector<16xf32>
      %jit3A_2133 = arith.constant 1 : i32
      %jit3A_2134 = arith.constant 0 : i32
      %broadcast_in_dim3A_2135 = vector.broadcast %jit3A_2133 : i32 to vector<16xi32>
      %broadcast_in_dim3A_2136 = vector.broadcast %jit3A_2134 : i32 to vector<16xi32>
      %select_n3A_2137 = arith.select %ge3A_2132, %broadcast_in_dim3A_2135, %broadcast_in_dim3A_2136 : vector<16xi1>, vector<16xi32>
      %broadcast_in_dim3A_2138 = arith.constant true
      %broadcast_in_dim3A_2139 = vector.broadcast %broadcast_in_dim3A_2138 : i1 to vector<16xi1>
      %masked_cumsum3A_2140 = tpu.scan <sum>, %select_n3A_2137 masked %broadcast_in_dim3A_2139 : vector<16xi32>, vector<16xi1> -> vector<16xi32>
      %add3A_2141 = arith.addi %add3A_2127, %masked_cumsum3A_2140 : vector<16xi32>
      %sub3A_2142 = arith.constant 1 : i32
      %sub3A_2143 = vector.broadcast %sub3A_2142 : i32 to vector<16xi32>
      %sub3A_2144 = arith.subi %add3A_2141, %sub3A_2143 : vector<16xi32>
      tpu.vector_store_idx %arg6[%sub3A_2144], %get3A_2131 masked %ge3A_2132 : memref<32784xf32, #tpu.memory_space<vmem>>[vector<16xi32>], vector<16xf32>, vector<16xi1>
      %all_reduce_population_count3A_2145 = tpu.all_reduce %ge3A_2132 {dim = 0 : i64, kind = #tpu.reduction_kind<sum>} : vector<16xi1> -> vector<16xi32>
      %add3A_2146 = arith.addi %add3A_2127, %all_reduce_population_count3A_2145 : vector<16xi32>
      %add3A_2147 = arith.constant 80 : i32
      %add3A_2148 = arith.addi %while3A_2043, %add3A_2147 : i32
      %get3A_2149 = arith.index_cast %add3A_2148 : i32 to index
      %get3A_2150 = tpu.vector_load %arg4[%get3A_2149] {strides = array<i32>} : memref<32768xf32, #tpu.memory_space<vmem>>, vector<16xf32>,
      %ge3A_2151 = arith.cmpf oge, %get3A_2150, %gather3A_1051 : vector<16xf32>
      %jit3A_2152 = arith.constant 1 : i32
      %jit3A_2153 = arith.constant 0 : i32
      %broadcast_in_dim3A_2154 = vector.broadcast %jit3A_2152 : i32 to vector<16xi32>
      %broadcast_in_dim3A_2155 = vector.broadcast %jit3A_2153 : i32 to vector<16xi32>
      %select_n3A_2156 = arith.select %ge3A_2151, %broadcast_in_dim3A_2154, %broadcast_in_dim3A_2155 : vector<16xi1>, vector<16xi32>
      %broadcast_in_dim3A_2157 = arith.constant true
      %broadcast_in_dim3A_2158 = vector.broadcast %broadcast_in_dim3A_2157 : i1 to vector<16xi1>
      %masked_cumsum3A_2159 = tpu.scan <sum>, %select_n3A_2156 masked %broadcast_in_dim3A_2158 : vector<16xi32>, vector<16xi1> -> vector<16xi32>
      %add3A_2160 = arith.addi %add3A_2146, %masked_cumsum3A_2159 : vector<16xi32>
      %sub3A_2161 = arith.constant 1 : i32
      %sub3A_2162 = vector.broadcast %sub3A_2161 : i32 to vector<16xi32>
      %sub3A_2163 = arith.subi %add3A_2160, %sub3A_2162 : vector<16xi32>
      tpu.vector_store_idx %arg6[%sub3A_2163], %get3A_2150 masked %ge3A_2151 : memref<32784xf32, #tpu.memory_space<vmem>>[vector<16xi32>], vector<16xf32>, vector<16xi1>
      %all_reduce_population_count3A_2164 = tpu.all_reduce %ge3A_2151 {dim = 0 : i64, kind = #tpu.reduction_kind<sum>} : vector<16xi1> -> vector<16xi32>
      %add3A_2165 = arith.addi %add3A_2146, %all_reduce_population_count3A_2164 : vector<16xi32>
      %add3A_2166 = arith.constant 96 : i32
      %add3A_2167 = arith.addi %while3A_2043, %add3A_2166 : i32
      %get3A_2168 = arith.index_cast %add3A_2167 : i32 to index
      %get3A_2169 = tpu.vector_load %arg4[%get3A_2168] {strides = array<i32>} : memref<32768xf32, #tpu.memory_space<vmem>>, vector<16xf32>,
      %ge3A_2170 = arith.cmpf oge, %get3A_2169, %gather3A_1051 : vector<16xf32>
      %jit3A_2171 = arith.constant 1 : i32
      %jit3A_2172 = arith.constant 0 : i32
      %broadcast_in_dim3A_2173 = vector.broadcast %jit3A_2171 : i32 to vector<16xi32>
      %broadcast_in_dim3A_2174 = vector.broadcast %jit3A_2172 : i32 to vector<16xi32>
      %select_n3A_2175 = arith.select %ge3A_2170, %broadcast_in_dim3A_2173, %broadcast_in_dim3A_2174 : vector<16xi1>, vector<16xi32>
      %broadcast_in_dim3A_2176 = arith.constant true
      %broadcast_in_dim3A_2177 = vector.broadcast %broadcast_in_dim3A_2176 : i1 to vector<16xi1>
      %masked_cumsum3A_2178 = tpu.scan <sum>, %select_n3A_2175 masked %broadcast_in_dim3A_2177 : vector<16xi32>, vector<16xi1> -> vector<16xi32>
      %add3A_2179 = arith.addi %add3A_2165, %masked_cumsum3A_2178 : vector<16xi32>
      %sub3A_2180 = arith.constant 1 : i32
      %sub3A_2181 = vector.broadcast %sub3A_2180 : i32 to vector<16xi32>
      %sub3A_2182 = arith.subi %add3A_2179, %sub3A_2181 : vector<16xi32>
      tpu.vector_store_idx %arg6[%sub3A_2182], %get3A_2169 masked %ge3A_2170 : memref<32784xf32, #tpu.memory_space<vmem>>[vector<16xi32>], vector<16xf32>, vector<16xi1>
      %all_reduce_population_count3A_2183 = tpu.all_reduce %ge3A_2170 {dim = 0 : i64, kind = #tpu.reduction_kind<sum>} : vector<16xi1> -> vector<16xi32>
      %add3A_2184 = arith.addi %add3A_2165, %all_reduce_population_count3A_2183 : vector<16xi32>
      %add3A_2185 = arith.constant 112 : i32
      %add3A_2186 = arith.addi %while3A_2043, %add3A_2185 : i32
      %get3A_2187 = arith.index_cast %add3A_2186 : i32 to index
      %get3A_2188 = tpu.vector_load %arg4[%get3A_2187] {strides = array<i32>} : memref<32768xf32, #tpu.memory_space<vmem>>, vector<16xf32>,
      %ge3A_2189 = arith.cmpf oge, %get3A_2188, %gather3A_1051 : vector<16xf32>
      %jit3A_2190 = arith.constant 1 : i32
      %jit3A_2191 = arith.constant 0 : i32
      %broadcast_in_dim3A_2192 = vector.broadcast %jit3A_2190 : i32 to vector<16xi32>
      %broadcast_in_dim3A_2193 = vector.broadcast %jit3A_2191 : i32 to vector<16xi32>
      %select_n3A_2194 = arith.select %ge3A_2189, %broadcast_in_dim3A_2192, %broadcast_in_dim3A_2193 : vector<16xi1>, vector<16xi32>
      %broadcast_in_dim3A_2195 = arith.constant true
      %broadcast_in_dim3A_2196 = vector.broadcast %broadcast_in_dim3A_2195 : i1 to vector<16xi1>
      %masked_cumsum3A_2197 = tpu.scan <sum>, %select_n3A_2194 masked %broadcast_in_dim3A_2196 : vector<16xi32>, vector<16xi1> -> vector<16xi32>
      %add3A_2198 = arith.addi %add3A_2184, %masked_cumsum3A_2197 : vector<16xi32>
      %sub3A_2199 = arith.constant 1 : i32
      %sub3A_2200 = vector.broadcast %sub3A_2199 : i32 to vector<16xi32>
      %sub3A_2201 = arith.subi %add3A_2198, %sub3A_2200 : vector<16xi32>
      tpu.vector_store_idx %arg6[%sub3A_2201], %get3A_2188 masked %ge3A_2189 : memref<32784xf32, #tpu.memory_space<vmem>>[vector<16xi32>], vector<16xf32>, vector<16xi1>
      %all_reduce_population_count3A_2202 = tpu.all_reduce %ge3A_2189 {dim = 0 : i64, kind = #tpu.reduction_kind<sum>} : vector<16xi1> -> vector<16xi32>
      %add3A_2203 = arith.addi %add3A_2184, %all_reduce_population_count3A_2202 : vector<16xi32>
      scf.yield %add3A_2203, %mul3A_2051 : vector<16xi32>, i32
    }
    %while3A_1395 = arith.constant 1 : i32
    %while3A_1396:2 = scf.for %while3A_2041 = %while3A_1392 to %while3A_1388 step %while3A_1395 iter_args(%while3A_2042 = %while3A_1394#0, %while3A_2043 = %while3A_1394#1) -> (vector<16xi32>, i32)  : i32 {
      %add3A_2044 = arith.constant 1 : i32
      %add3A_2045 = arith.addi %while3A_2041, %add3A_2044 : i32
      %get3A_2046 = arith.index_cast %add3A_2045 : i32 to index
      %get3A_2047 = tpu.vector_load %arg8[%get3A_2046] {strides = array<i32>} : memref<272xi32, #tpu.memory_space<vmem>>, vector<16xi32>,
      %slice3A_2048 = vector.extract_strided_slice %get3A_2047 {offsets = [0], sizes = [1], strides = [1]} : vector<16xi32> to vector<1xi32>
      %squeeze3A_2049 = vector.extract %slice3A_2048[0] : i32 from vector<1xi32>
      %mul3A_2050 = arith.constant 128 : i32
      %mul3A_2051 = arith.muli %squeeze3A_2049, %mul3A_2050 : i32
      %add3A_2052 = arith.constant 0 : i32
      %add3A_2053 = arith.addi %while3A_2043, %add3A_2052 : i32
      %get3A_2054 = arith.index_cast %add3A_2053 : i32 to index
      %get3A_2055 = tpu.vector_load %arg4[%get3A_2054] {strides = array<i32>} : memref<32768xf32, #tpu.memory_space<vmem>>, vector<16xf32>,
      %ge3A_2056 = arith.cmpf oge, %get3A_2055, %gather3A_1051 : vector<16xf32>
      %jit3A_2057 = arith.constant 1 : i32
      %jit3A_2058 = arith.constant 0 : i32
      %broadcast_in_dim3A_2059 = vector.broadcast %jit3A_2057 : i32 to vector<16xi32>
      %broadcast_in_dim3A_2060 = vector.broadcast %jit3A_2058 : i32 to vector<16xi32>
      %select_n3A_2061 = arith.select %ge3A_2056, %broadcast_in_dim3A_2059, %broadcast_in_dim3A_2060 : vector<16xi1>, vector<16xi32>
      %broadcast_in_dim3A_2062 = arith.constant true
      %broadcast_in_dim3A_2063 = vector.broadcast %broadcast_in_dim3A_2062 : i1 to vector<16xi1>
      %masked_cumsum3A_2064 = tpu.scan <sum>, %select_n3A_2061 masked %broadcast_in_dim3A_2063 : vector<16xi32>, vector<16xi1> -> vector<16xi32>
      %add3A_2065 = arith.addi %while3A_2042, %masked_cumsum3A_2064 : vector<16xi32>
      %sub3A_2066 = arith.constant 1 : i32
      %sub3A_2067 = vector.broadcast %sub3A_2066 : i32 to vector<16xi32>
      %sub3A_2068 = arith.subi %add3A_2065, %sub3A_2067 : vector<16xi32>
      tpu.vector_store_idx %arg6[%sub3A_2068], %get3A_2055 masked %ge3A_2056 : memref<32784xf32, #tpu.memory_space<vmem>>[vector<16xi32>], vector<16xf32>, vector<16xi1>
      %all_reduce_population_count3A_2069 = tpu.all_reduce %ge3A_2056 {dim = 0 : i64, kind = #tpu.reduction_kind<sum>} : vector<16xi1> -> vector<16xi32>
      %add3A_2070 = arith.addi %while3A_2042, %all_reduce_population_count3A_2069 : vector<16xi32>
      %add3A_2071 = arith.constant 16 : i32
      %add3A_2072 = arith.addi %while3A_2043, %add3A_2071 : i32
      %get3A_2073 = arith.index_cast %add3A_2072 : i32 to index
      %get3A_2074 = tpu.vector_load %arg4[%get3A_2073] {strides = array<i32>} : memref<32768xf32, #tpu.memory_space<vmem>>, vector<16xf32>,
      %ge3A_2075 = arith.cmpf oge, %get3A_2074, %gather3A_1051 : vector<16xf32>
      %jit3A_2076 = arith.constant 1 : i32
      %jit3A_2077 = arith.constant 0 : i32
      %broadcast_in_dim3A_2078 = vector.broadcast %jit3A_2076 : i32 to vector<16xi32>
      %broadcast_in_dim3A_2079 = vector.broadcast %jit3A_2077 : i32 to vector<16xi32>
      %select_n3A_2080 = arith.select %ge3A_2075, %broadcast_in_dim3A_2078, %broadcast_in_dim3A_2079 : vector<16xi1>, vector<16xi32>
      %broadcast_in_dim3A_2081 = arith.constant true
      %broadcast_in_dim3A_2082 = vector.broadcast %broadcast_in_dim3A_2081 : i1 to vector<16xi1>
      %masked_cumsum3A_2083 = tpu.scan <sum>, %select_n3A_2080 masked %broadcast_in_dim3A_2082 : vector<16xi32>, vector<16xi1> -> vector<16xi32>
      %add3A_2084 = arith.addi %add3A_2070, %masked_cumsum3A_2083 : vector<16xi32>
      %sub3A_2085 = arith.constant 1 : i32
      %sub3A_2086 = vector.broadcast %sub3A_2085 : i32 to vector<16xi32>
      %sub3A_2087 = arith.subi %add3A_2084, %sub3A_2086 : vector<16xi32>
      tpu.vector_store_idx %arg6[%sub3A_2087], %get3A_2074 masked %ge3A_2075 : memref<32784xf32, #tpu.memory_space<vmem>>[vector<16xi32>], vector<16xf32>, vector<16xi1>
      %all_reduce_population_count3A_2088 = tpu.all_reduce %ge3A_2075 {dim = 0 : i64, kind = #tpu.reduction_kind<sum>} : vector<16xi1> -> vector<16xi32>
      %add3A_2089 = arith.addi %add3A_2070, %all_reduce_population_count3A_2088 : vector<16xi32>
      %add3A_2090 = arith.constant 32 : i32
      %add3A_2091 = arith.addi %while3A_2043, %add3A_2090 : i32
      %get3A_2092 = arith.index_cast %add3A_2091 : i32 to index
      %get3A_2093 = tpu.vector_load %arg4[%get3A_2092] {strides = array<i32>} : memref<32768xf32, #tpu.memory_space<vmem>>, vector<16xf32>,
      %ge3A_2094 = arith.cmpf oge, %get3A_2093, %gather3A_1051 : vector<16xf32>
      %jit3A_2095 = arith.constant 1 : i32
      %jit3A_2096 = arith.constant 0 : i32
      %broadcast_in_dim3A_2097 = vector.broadcast %jit3A_2095 : i32 to vector<16xi32>
      %broadcast_in_dim3A_2098 = vector.broadcast %jit3A_2096 : i32 to vector<16xi32>
      %select_n3A_2099 = arith.select %ge3A_2094, %broadcast_in_dim3A_2097, %broadcast_in_dim3A_2098 : vector<16xi1>, vector<16xi32>
      %broadcast_in_dim3A_2100 = arith.constant true
      %broadcast_in_dim3A_2101 = vector.broadcast %broadcast_in_dim3A_2100 : i1 to vector<16xi1>
      %masked_cumsum3A_2102 = tpu.scan <sum>, %select_n3A_2099 masked %broadcast_in_dim3A_2101 : vector<16xi32>, vector<16xi1> -> vector<16xi32>
      %add3A_2103 = arith.addi %add3A_2089, %masked_cumsum3A_2102 : vector<16xi32>
      %sub3A_2104 = arith.constant 1 : i32
      %sub3A_2105 = vector.broadcast %sub3A_2104 : i32 to vector<16xi32>
      %sub3A_2106 = arith.subi %add3A_2103, %sub3A_2105 : vector<16xi32>
      tpu.vector_store_idx %arg6[%sub3A_2106], %get3A_2093 masked %ge3A_2094 : memref<32784xf32, #tpu.memory_space<vmem>>[vector<16xi32>], vector<16xf32>, vector<16xi1>
      %all_reduce_population_count3A_2107 = tpu.all_reduce %ge3A_2094 {dim = 0 : i64, kind = #tpu.reduction_kind<sum>} : vector<16xi1> -> vector<16xi32>
      %add3A_2108 = arith.addi %add3A_2089, %all_reduce_population_count3A_2107 : vector<16xi32>
      %add3A_2109 = arith.constant 48 : i32
      %add3A_2110 = arith.addi %while3A_2043, %add3A_2109 : i32
      %get3A_2111 = arith.index_cast %add3A_2110 : i32 to index
      %get3A_2112 = tpu.vector_load %arg4[%get3A_2111] {strides = array<i32>} : memref<32768xf32, #tpu.memory_space<vmem>>, vector<16xf32>,
      %ge3A_2113 = arith.cmpf oge, %get3A_2112, %gather3A_1051 : vector<16xf32>
      %jit3A_2114 = arith.constant 1 : i32
      %jit3A_2115 = arith.constant 0 : i32
      %broadcast_in_dim3A_2116 = vector.broadcast %jit3A_2114 : i32 to vector<16xi32>
      %broadcast_in_dim3A_2117 = vector.broadcast %jit3A_2115 : i32 to vector<16xi32>
      %select_n3A_2118 = arith.select %ge3A_2113, %broadcast_in_dim3A_2116, %broadcast_in_dim3A_2117 : vector<16xi1>, vector<16xi32>
      %broadcast_in_dim3A_2119 = arith.constant true
      %broadcast_in_dim3A_2120 = vector.broadcast %broadcast_in_dim3A_2119 : i1 to vector<16xi1>
      %masked_cumsum3A_2121 = tpu.scan <sum>, %select_n3A_2118 masked %broadcast_in_dim3A_2120 : vector<16xi32>, vector<16xi1> -> vector<16xi32>
      %add3A_2122 = arith.addi %add3A_2108, %masked_cumsum3A_2121 : vector<16xi32>
      %sub3A_2123 = arith.constant 1 : i32
      %sub3A_2124 = vector.broadcast %sub3A_2123 : i32 to vector<16xi32>
      %sub3A_2125 = arith.subi %add3A_2122, %sub3A_2124 : vector<16xi32>
      tpu.vector_store_idx %arg6[%sub3A_2125], %get3A_2112 masked %ge3A_2113 : memref<32784xf32, #tpu.memory_space<vmem>>[vector<16xi32>], vector<16xf32>, vector<16xi1>
      %all_reduce_population_count3A_2126 = tpu.all_reduce %ge3A_2113 {dim = 0 : i64, kind = #tpu.reduction_kind<sum>} : vector<16xi1> -> vector<16xi32>
      %add3A_2127 = arith.addi %add3A_2108, %all_reduce_population_count3A_2126 : vector<16xi32>
      %add3A_2128 = arith.constant 64 : i32
      %add3A_2129 = arith.addi %while3A_2043, %add3A_2128 : i32
      %get3A_2130 = arith.index_cast %add3A_2129 : i32 to index
      %get3A_2131 = tpu.vector_load %arg4[%get3A_2130] {strides = array<i32>} : memref<32768xf32, #tpu.memory_space<vmem>>, vector<16xf32>,
      %ge3A_2132 = arith.cmpf oge, %get3A_2131, %gather3A_1051 : vector<16xf32>
      %jit3A_2133 = arith.constant 1 : i32
      %jit3A_2134 = arith.constant 0 : i32
      %broadcast_in_dim3A_2135 = vector.broadcast %jit3A_2133 : i32 to vector<16xi32>
      %broadcast_in_dim3A_2136 = vector.broadcast %jit3A_2134 : i32 to vector<16xi32>
      %select_n3A_2137 = arith.select %ge3A_2132, %broadcast_in_dim3A_2135, %broadcast_in_dim3A_2136 : vector<16xi1>, vector<16xi32>
      %broadcast_in_dim3A_2138 = arith.constant true
      %broadcast_in_dim3A_2139 = vector.broadcast %broadcast_in_dim3A_2138 : i1 to vector<16xi1>
      %masked_cumsum3A_2140 = tpu.scan <sum>, %select_n3A_2137 masked %broadcast_in_dim3A_2139 : vector<16xi32>, vector<16xi1> -> vector<16xi32>
      %add3A_2141 = arith.addi %add3A_2127, %masked_cumsum3A_2140 : vector<16xi32>
      %sub3A_2142 = arith.constant 1 : i32
      %sub3A_2143 = vector.broadcast %sub3A_2142 : i32 to vector<16xi32>
      %sub3A_2144 = arith.subi %add3A_2141, %sub3A_2143 : vector<16xi32>
      tpu.vector_store_idx %arg6[%sub3A_2144], %get3A_2131 masked %ge3A_2132 : memref<32784xf32, #tpu.memory_space<vmem>>[vector<16xi32>], vector<16xf32>, vector<16xi1>
      %all_reduce_population_count3A_2145 = tpu.all_reduce %ge3A_2132 {dim = 0 : i64, kind = #tpu.reduction_kind<sum>} : vector<16xi1> -> vector<16xi32>
      %add3A_2146 = arith.addi %add3A_2127, %all_reduce_population_count3A_2145 : vector<16xi32>
      %add3A_2147 = arith.constant 80 : i32
      %add3A_2148 = arith.addi %while3A_2043, %add3A_2147 : i32
      %get3A_2149 = arith.index_cast %add3A_2148 : i32 to index
      %get3A_2150 = tpu.vector_load %arg4[%get3A_2149] {strides = array<i32>} : memref<32768xf32, #tpu.memory_space<vmem>>, vector<16xf32>,
      %ge3A_2151 = arith.cmpf oge, %get3A_2150, %gather3A_1051 : vector<16xf32>
      %jit3A_2152 = arith.constant 1 : i32
      %jit3A_2153 = arith.constant 0 : i32
      %broadcast_in_dim3A_2154 = vector.broadcast %jit3A_2152 : i32 to vector<16xi32>
      %broadcast_in_dim3A_2155 = vector.broadcast %jit3A_2153 : i32 to vector<16xi32>
      %select_n3A_2156 = arith.select %ge3A_2151, %broadcast_in_dim3A_2154, %broadcast_in_dim3A_2155 : vector<16xi1>, vector<16xi32>
      %broadcast_in_dim3A_2157 = arith.constant true
      %broadcast_in_dim3A_2158 = vector.broadcast %broadcast_in_dim3A_2157 : i1 to vector<16xi1>
      %masked_cumsum3A_2159 = tpu.scan <sum>, %select_n3A_2156 masked %broadcast_in_dim3A_2158 : vector<16xi32>, vector<16xi1> -> vector<16xi32>
      %add3A_2160 = arith.addi %add3A_2146, %masked_cumsum3A_2159 : vector<16xi32>
      %sub3A_2161 = arith.constant 1 : i32
      %sub3A_2162 = vector.broadcast %sub3A_2161 : i32 to vector<16xi32>
      %sub3A_2163 = arith.subi %add3A_2160, %sub3A_2162 : vector<16xi32>
      tpu.vector_store_idx %arg6[%sub3A_2163], %get3A_2150 masked %ge3A_2151 : memref<32784xf32, #tpu.memory_space<vmem>>[vector<16xi32>], vector<16xf32>, vector<16xi1>
      %all_reduce_population_count3A_2164 = tpu.all_reduce %ge3A_2151 {dim = 0 : i64, kind = #tpu.reduction_kind<sum>} : vector<16xi1> -> vector<16xi32>
      %add3A_2165 = arith.addi %add3A_2146, %all_reduce_population_count3A_2164 : vector<16xi32>
      %add3A_2166 = arith.constant 96 : i32
      %add3A_2167 = arith.addi %while3A_2043, %add3A_2166 : i32
      %get3A_2168 = arith.index_cast %add3A_2167 : i32 to index
      %get3A_2169 = tpu.vector_load %arg4[%get3A_2168] {strides = array<i32>} : memref<32768xf32, #tpu.memory_space<vmem>>, vector<16xf32>,
      %ge3A_2170 = arith.cmpf oge, %get3A_2169, %gather3A_1051 : vector<16xf32>
      %jit3A_2171 = arith.constant 1 : i32
      %jit3A_2172 = arith.constant 0 : i32
      %broadcast_in_dim3A_2173 = vector.broadcast %jit3A_2171 : i32 to vector<16xi32>
      %broadcast_in_dim3A_2174 = vector.broadcast %jit3A_2172 : i32 to vector<16xi32>
      %select_n3A_2175 = arith.select %ge3A_2170, %broadcast_in_dim3A_2173, %broadcast_in_dim3A_2174 : vector<16xi1>, vector<16xi32>
      %broadcast_in_dim3A_2176 = arith.constant true
      %broadcast_in_dim3A_2177 = vector.broadcast %broadcast_in_dim3A_2176 : i1 to vector<16xi1>
      %masked_cumsum3A_2178 = tpu.scan <sum>, %select_n3A_2175 masked %broadcast_in_dim3A_2177 : vector<16xi32>, vector<16xi1> -> vector<16xi32>
      %add3A_2179 = arith.addi %add3A_2165, %masked_cumsum3A_2178 : vector<16xi32>
      %sub3A_2180 = arith.constant 1 : i32
      %sub3A_2181 = vector.broadcast %sub3A_2180 : i32 to vector<16xi32>
      %sub3A_2182 = arith.subi %add3A_2179, %sub3A_2181 : vector<16xi32>
      tpu.vector_store_idx %arg6[%sub3A_2182], %get3A_2169 masked %ge3A_2170 : memref<32784xf32, #tpu.memory_space<vmem>>[vector<16xi32>], vector<16xf32>, vector<16xi1>
      %all_reduce_population_count3A_2183 = tpu.all_reduce %ge3A_2170 {dim = 0 : i64, kind = #tpu.reduction_kind<sum>} : vector<16xi1> -> vector<16xi32>
      %add3A_2184 = arith.addi %add3A_2165, %all_reduce_population_count3A_2183 : vector<16xi32>
      %add3A_2185 = arith.constant 112 : i32
      %add3A_2186 = arith.addi %while3A_2043, %add3A_2185 : i32
      %get3A_2187 = arith.index_cast %add3A_2186 : i32 to index
      %get3A_2188 = tpu.vector_load %arg4[%get3A_2187] {strides = array<i32>} : memref<32768xf32, #tpu.memory_space<vmem>>, vector<16xf32>,
      %ge3A_2189 = arith.cmpf oge, %get3A_2188, %gather3A_1051 : vector<16xf32>
      %jit3A_2190 = arith.constant 1 : i32
      %jit3A_2191 = arith.constant 0 : i32
      %broadcast_in_dim3A_2192 = vector.broadcast %jit3A_2190 : i32 to vector<16xi32>
      %broadcast_in_dim3A_2193 = vector.broadcast %jit3A_2191 : i32 to vector<16xi32>
      %select_n3A_2194 = arith.select %ge3A_2189, %broadcast_in_dim3A_2192, %broadcast_in_dim3A_2193 : vector<16xi1>, vector<16xi32>
      %broadcast_in_dim3A_2195 = arith.constant true
      %broadcast_in_dim3A_2196 = vector.broadcast %broadcast_in_dim3A_2195 : i1 to vector<16xi1>
      %masked_cumsum3A_2197 = tpu.scan <sum>, %select_n3A_2194 masked %broadcast_in_dim3A_2196 : vector<16xi32>, vector<16xi1> -> vector<16xi32>
      %add3A_2198 = arith.addi %add3A_2184, %masked_cumsum3A_2197 : vector<16xi32>
      %sub3A_2199 = arith.constant 1 : i32
      %sub3A_2200 = vector.broadcast %sub3A_2199 : i32 to vector<16xi32>
      %sub3A_2201 = arith.subi %add3A_2198, %sub3A_2200 : vector<16xi32>
      tpu.vector_store_idx %arg6[%sub3A_2201], %get3A_2188 masked %ge3A_2189 : memref<32784xf32, #tpu.memory_space<vmem>>[vector<16xi32>], vector<16xf32>, vector<16xi1>
      %all_reduce_population_count3A_2202 = tpu.all_reduce %ge3A_2189 {dim = 0 : i64, kind = #tpu.reduction_kind<sum>} : vector<16xi1> -> vector<16xi32>
      %add3A_2203 = arith.addi %add3A_2184, %all_reduce_population_count3A_2202 : vector<16xi32>
      scf.yield %add3A_2203, %mul3A_2051 : vector<16xi32>, i32
    }
    %reduce_max3A_1397 = arith.constant true
    %reduce_max3A_1398 = vector.broadcast %reduce_max3A_1397 : i1 to vector<16xi1>
    %reduce_max3A_1399 = arith.constant -2147483648 : i32
    %reduce_max3A_1400 = vector.broadcast %reduce_max3A_1399 : i32 to vector<16xi32>
    %reduce_max3A_1401 = arith.xori %while3A_1396#0, %reduce_max3A_1400 : vector<16xi32>
    %reduce_max3A_1402 = tpu.scan <max>, %reduce_max3A_1401 masked %reduce_max3A_1398 : vector<16xi32>, vector<16xi1> -> vector<16xi32>
    %reduce_max3A_1403 = arith.xori %reduce_max3A_1402, %reduce_max3A_1400 : vector<16xi32>
    %reduce_max3A_1404 = vector.extract %reduce_max3A_1403[15] : i32 from vector<16xi32>
    %jit3A_1405 = arith.constant 16 : i32
    %div3A_1406 = arith.divsi %reduce_max3A_1404, %jit3A_1405 : i32
    %sign3A_1407 = arith.constant 0 : i32
    %sign3A_1408 = arith.cmpi sgt, %reduce_max3A_1404, %sign3A_1407 : i32
    %sign3A_1409 = arith.extui %sign3A_1408 : i1 to i32
    %sign3A_1410 = arith.constant 0 : i32
    %sign3A_1411 = arith.cmpi slt, %reduce_max3A_1404, %sign3A_1410 : i32
    %sign3A_1412 = arith.extui %sign3A_1411 : i1 to i32
    %sign3A_1413 = arith.subi %sign3A_1409, %sign3A_1412 : i32
    %sign3A_1414 = arith.constant 0 : i32
    %sign3A_1415 = arith.cmpi sgt, %jit3A_1405, %sign3A_1414 : i32
    %sign3A_1416 = arith.extui %sign3A_1415 : i1 to i32
    %sign3A_1417 = arith.constant 0 : i32
    %sign3A_1418 = arith.cmpi slt, %jit3A_1405, %sign3A_1417 : i32
    %sign3A_1419 = arith.extui %sign3A_1418 : i1 to i32
    %sign3A_1420 = arith.subi %sign3A_1416, %sign3A_1419 : i32
    %ne3A_1421 = arith.cmpi ne, %sign3A_1413, %sign3A_1420 : i32
    %rem3A_1422 = arith.remsi %reduce_max3A_1404, %jit3A_1405 : i32
    %ne3A_1423 = arith.constant 0 : i32
    %ne3A_1424 = arith.cmpi ne, %rem3A_1422, %ne3A_1423 : i32
    %and3A_1425 = arith.andi %ne3A_1421, %ne3A_1424 : i1
    %sub3A_1426 = arith.constant 1 : i32
    %sub3A_1427 = arith.subi %div3A_1406, %sub3A_1426 : i32
    %select_n3A_1428 = arith.select %and3A_1425, %sub3A_1427, %div3A_1406 : i32
    %while3A_1429 = arith.constant 0 : i32
    %while3A_1430 = arith.subi %select_n3A_1428, %while3A_1429 : i32
    %while3A_1431 = arith.addi %while3A_1429, %while3A_1430 : i32
    %while3A_1432 = arith.constant 1 : i32
    %while3A_1433 = arith.divsi %while3A_1430, %while3A_1432 : i32
    %while3A_1434 = arith.muli %while3A_1433, %while3A_1432 : i32
    %while3A_1435 = arith.addi %while3A_1429, %while3A_1434 : i32
    %while3A_1436 = arith.constant 1 : i32
    %while3A_1437:2 = scf.for %while3A_2041 = %while3A_1429 to %while3A_1435 step %while3A_1436 iter_args(%while3A_2042 = %broadcast_in_dim3A_3, %while3A_2043 = %broadcast_in_dim3A_3) -> (vector<16xf32>, vector<16xf32>)  : i32 {
      %mul3A_2044 = arith.constant 16 : i32
      %mul3A_2045 = arith.muli %while3A_2041, %mul3A_2044 : i32
      %get3A_2046 = arith.index_cast %mul3A_2045 : i32 to index
      %get3A_2047 = tpu.vector_load %arg6[%get3A_2046] {strides = array<i32>} : memref<32784xf32, #tpu.memory_space<vmem>>, vector<16xf32>,
      %masked_sort3A_2048 = arith.constant dense<true> : vector<16xi1>
      %masked_sort3A_2049, %masked_sort3A_2050, %masked_sort3A_2051 = tpu.sort %get3A_2047, %get3A_2047 masked %masked_sort3A_2048 {descending = true} : (vector<16xf32>, vector<16xf32>, vector<16xi1>) -> (vector<16xi1>, vector<16xf32>, vector<16xf32>)
      %rev3A_2052 = arith.constant 15 : i32
      %rev3A_2053 = vector.broadcast %rev3A_2052 : i32 to vector<16xi32>
      %rev3A_2054 = tpu.iota {dimensions = array<i32: 0>} : vector<16xi32>
      %rev3A_2055 = arith.subi %rev3A_2053, %rev3A_2054 : vector<16xi32>
      %rev3A_2056 = tpu.dynamic_gather %while3A_2043[%rev3A_2055] in [0] : vector<16xf32>, vector<16xi32> -> vector<16xf32>
      %max3A_2057 = arith.maximumf %masked_sort3A_2050, %rev3A_2056 : vector<16xf32>
      %masked_sort3A_2058 = arith.constant dense<true> : vector<16xi1>
      %masked_sort3A_2059, %masked_sort3A_2060, %masked_sort3A_2061 = tpu.sort %max3A_2057, %max3A_2057 masked %masked_sort3A_2058 {descending = true} : (vector<16xf32>, vector<16xf32>, vector<16xi1>) -> (vector<16xi1>, vector<16xf32>, vector<16xf32>)
      %rev3A_2062 = arith.constant 15 : i32
      %rev3A_2063 = vector.broadcast %rev3A_2062 : i32 to vector<16xi32>
      %rev3A_2064 = tpu.iota {dimensions = array<i32: 0>} : vector<16xi32>
      %rev3A_2065 = arith.subi %rev3A_2063, %rev3A_2064 : vector<16xi32>
      %rev3A_2066 = tpu.dynamic_gather %masked_sort3A_2060[%rev3A_2065] in [0] : vector<16xf32>, vector<16xi32> -> vector<16xf32>
      %max3A_2067 = arith.maximumf %while3A_2042, %rev3A_2066 : vector<16xf32>
      %masked_sort3A_2068 = arith.constant dense<true> : vector<16xi1>
      %masked_sort3A_2069, %masked_sort3A_2070, %masked_sort3A_2071 = tpu.sort %max3A_2067, %max3A_2067 masked %masked_sort3A_2068 {descending = true} : (vector<16xf32>, vector<16xf32>, vector<16xi1>) -> (vector<16xi1>, vector<16xf32>, vector<16xf32>)
      %min3A_2072 = arith.minimumf %while3A_2042, %rev3A_2066 : vector<16xf32>
      %masked_sort3A_2073 = arith.constant dense<true> : vector<16xi1>
      %masked_sort3A_2074, %masked_sort3A_2075, %masked_sort3A_2076 = tpu.sort %min3A_2072, %min3A_2072 masked %masked_sort3A_2073 {descending = true} : (vector<16xf32>, vector<16xf32>, vector<16xi1>) -> (vector<16xi1>, vector<16xf32>, vector<16xf32>)
      scf.yield %masked_sort3A_2070, %masked_sort3A_2075 : vector<16xf32>, vector<16xf32>
    }
    %while3A_1438 = arith.constant 1 : i32
    %while3A_1439:2 = scf.for %while3A_2041 = %while3A_1435 to %while3A_1431 step %while3A_1438 iter_args(%while3A_2042 = %while3A_1437#0, %while3A_2043 = %while3A_1437#1) -> (vector<16xf32>, vector<16xf32>)  : i32 {
      %mul3A_2044 = arith.constant 16 : i32
      %mul3A_2045 = arith.muli %while3A_2041, %mul3A_2044 : i32
      %get3A_2046 = arith.index_cast %mul3A_2045 : i32 to index
      %get3A_2047 = tpu.vector_load %arg6[%get3A_2046] {strides = array<i32>} : memref<32784xf32, #tpu.memory_space<vmem>>, vector<16xf32>,
      %masked_sort3A_2048 = arith.constant dense<true> : vector<16xi1>
      %masked_sort3A_2049, %masked_sort3A_2050, %masked_sort3A_2051 = tpu.sort %get3A_2047, %get3A_2047 masked %masked_sort3A_2048 {descending = true} : (vector<16xf32>, vector<16xf32>, vector<16xi1>) -> (vector<16xi1>, vector<16xf32>, vector<16xf32>)
      %rev3A_2052 = arith.constant 15 : i32
      %rev3A_2053 = vector.broadcast %rev3A_2052 : i32 to vector<16xi32>
      %rev3A_2054 = tpu.iota {dimensions = array<i32: 0>} : vector<16xi32>
      %rev3A_2055 = arith.subi %rev3A_2053, %rev3A_2054 : vector<16xi32>
      %rev3A_2056 = tpu.dynamic_gather %while3A_2043[%rev3A_2055] in [0] : vector<16xf32>, vector<16xi32> -> vector<16xf32>
      %max3A_2057 = arith.maximumf %masked_sort3A_2050, %rev3A_2056 : vector<16xf32>
      %masked_sort3A_2058 = arith.constant dense<true> : vector<16xi1>
      %masked_sort3A_2059, %masked_sort3A_2060, %masked_sort3A_2061 = tpu.sort %max3A_2057, %max3A_2057 masked %masked_sort3A_2058 {descending = true} : (vector<16xf32>, vector<16xf32>, vector<16xi1>) -> (vector<16xi1>, vector<16xf32>, vector<16xf32>)
      %rev3A_2062 = arith.constant 15 : i32
      %rev3A_2063 = vector.broadcast %rev3A_2062 : i32 to vector<16xi32>
      %rev3A_2064 = tpu.iota {dimensions = array<i32: 0>} : vector<16xi32>
      %rev3A_2065 = arith.subi %rev3A_2063, %rev3A_2064 : vector<16xi32>
      %rev3A_2066 = tpu.dynamic_gather %masked_sort3A_2060[%rev3A_2065] in [0] : vector<16xf32>, vector<16xi32> -> vector<16xf32>
      %max3A_2067 = arith.maximumf %while3A_2042, %rev3A_2066 : vector<16xf32>
      %masked_sort3A_2068 = arith.constant dense<true> : vector<16xi1>
      %masked_sort3A_2069, %masked_sort3A_2070, %masked_sort3A_2071 = tpu.sort %max3A_2067, %max3A_2067 masked %masked_sort3A_2068 {descending = true} : (vector<16xf32>, vector<16xf32>, vector<16xi1>) -> (vector<16xi1>, vector<16xf32>, vector<16xf32>)
      %min3A_2072 = arith.minimumf %while3A_2042, %rev3A_2066 : vector<16xf32>
      %masked_sort3A_2073 = arith.constant dense<true> : vector<16xi1>
      %masked_sort3A_2074, %masked_sort3A_2075, %masked_sort3A_2076 = tpu.sort %min3A_2072, %min3A_2072 masked %masked_sort3A_2073 {descending = true} : (vector<16xf32>, vector<16xf32>, vector<16xi1>) -> (vector<16xi1>, vector<16xf32>, vector<16xf32>)
      scf.yield %masked_sort3A_2070, %masked_sort3A_2075 : vector<16xf32>, vector<16xf32>
    }
    %mul3A_1440 = arith.constant 16 : i32
    %mul3A_1441 = arith.muli %select_n3A_1428, %mul3A_1440 : i32
    %get3A_1442 = arith.index_cast %mul3A_1441 : i32 to index
    %get3A_1443 = tpu.vector_load %arg6[%get3A_1442] {strides = array<i32>} : memref<32784xf32, #tpu.memory_space<vmem>>, vector<16xf32>,
    %mul3A_1444 = arith.constant 16 : i32
    %mul3A_1445 = arith.muli %select_n3A_1428, %mul3A_1444 : i32
    %sub3A_1446 = arith.subi %reduce_max3A_1404, %mul3A_1445 : i32
    %lt3A_1447 = vector.broadcast %sub3A_1446 : i32 to vector<16xi32>
    %lt3A_1448 = arith.cmpi slt, %iota3A, %lt3A_1447 : vector<16xi32>
    %select_n3A_1449 = arith.select %lt3A_1448, %get3A_1443, %broadcast_in_dim3A_3 : vector<16xi1>, vector<16xf32>
    %masked_sort3A_1450 = arith.constant dense<true> : vector<16xi1>
    %masked_sort3A_1451, %masked_sort3A_1452, %masked_sort3A_1453 = tpu.sort %select_n3A_1449, %select_n3A_1449 masked %masked_sort3A_1450 {descending = true} : (vector<16xf32>, vector<16xf32>, vector<16xi1>) -> (vector<16xi1>, vector<16xf32>, vector<16xf32>)
    %rev3A_1454 = arith.constant 15 : i32
    %rev3A_1455 = vector.broadcast %rev3A_1454 : i32 to vector<16xi32>
    %rev3A_1456 = tpu.iota {dimensions = array<i32: 0>} : vector<16xi32>
    %rev3A_1457 = arith.subi %rev3A_1455, %rev3A_1456 : vector<16xi32>
    %rev3A_1458 = tpu.dynamic_gather %while3A_1439#1[%rev3A_1457] in [0] : vector<16xf32>, vector<16xi32> -> vector<16xf32>
    %max3A_1459 = arith.maximumf %masked_sort3A_1452, %rev3A_1458 : vector<16xf32>
    %masked_sort3A_1460 = arith.constant dense<true> : vector<16xi1>
    %masked_sort3A_1461, %masked_sort3A_1462, %masked_sort3A_1463 = tpu.sort %max3A_1459, %max3A_1459 masked %masked_sort3A_1460 {descending = true} : (vector<16xf32>, vector<16xf32>, vector<16xi1>) -> (vector<16xi1>, vector<16xf32>, vector<16xf32>)
    %rev3A_1464 = arith.constant 15 : i32
    %rev3A_1465 = vector.broadcast %rev3A_1464 : i32 to vector<16xi32>
    %rev3A_1466 = tpu.iota {dimensions = array<i32: 0>} : vector<16xi32>
    %rev3A_1467 = arith.subi %rev3A_1465, %rev3A_1466 : vector<16xi32>
    %rev3A_1468 = tpu.dynamic_gather %masked_sort3A_1462[%rev3A_1467] in [0] : vector<16xf32>, vector<16xi32> -> vector<16xf32>
    %max3A_1469 = arith.maximumf %while3A_1439#0, %rev3A_1468 : vector<16xf32>
    %masked_sort3A_1470 = arith.constant dense<true> : vector<16xi1>
    %masked_sort3A_1471, %masked_sort3A_1472, %masked_sort3A_1473 = tpu.sort %max3A_1469, %max3A_1469 masked %masked_sort3A_1470 {descending = true} : (vector<16xf32>, vector<16xf32>, vector<16xi1>) -> (vector<16xi1>, vector<16xf32>, vector<16xf32>)
    %min3A_1474 = arith.minimumf %while3A_1439#0, %rev3A_1468 : vector<16xf32>
    %masked_sort3A_1475 = arith.constant dense<true> : vector<16xi1>
    %masked_sort3A_1476, %masked_sort3A_1477, %masked_sort3A_1478 = tpu.sort %min3A_1474, %min3A_1474 masked %masked_sort3A_1475 {descending = true} : (vector<16xf32>, vector<16xf32>, vector<16xi1>) -> (vector<16xi1>, vector<16xf32>, vector<16xf32>)
    %broadcast_in_dim3A_1479 = arith.constant 15 : i32
    %broadcast_in_dim3A_1480 = vector.broadcast %broadcast_in_dim3A_1479 : i32 to vector<16x1xi32>
    %gather3A_1481 = vector.shape_cast %broadcast_in_dim3A_1480 : vector<16x1xi32> to vector<16xi32>
    %gather3A_1482 = tpu.dynamic_gather %masked_sort3A_1477[%gather3A_1481] in [0] : vector<16xf32>, vector<16xi32> -> vector<16xf32>
    %broadcast_in_dim3A_1483 = arith.constant 1.000000e-07 : f32
    %broadcast_in_dim3A_1484 = vector.broadcast %broadcast_in_dim3A_1483 : f32 to vector<16xf32>
    %add3A_1485 = arith.addf %gather3A_1482, %broadcast_in_dim3A_1484 : vector<16xf32>
    %broadcast_in_dim3A_1486 = arith.constant 0.000000e+00 : f32
    %broadcast_in_dim3A_1487 = vector.broadcast %broadcast_in_dim3A_1486 : f32 to vector<16xf32>
    %while3A_1488 = arith.constant 0 : i32
    %while3A_1489 = arith.subi %select_n3A_1428, %while3A_1488 : i32
    %while3A_1490 = arith.addi %while3A_1488, %while3A_1489 : i32
    %while3A_1491 = arith.constant 1 : i32
    %while3A_1492 = arith.divsi %while3A_1489, %while3A_1491 : i32
    %while3A_1493 = arith.muli %while3A_1492, %while3A_1491 : i32
    %while3A_1494 = arith.addi %while3A_1488, %while3A_1493 : i32
    %while3A_1495 = arith.constant 1 : i32
    %while3A_1496 = scf.for %while3A_2041 = %while3A_1488 to %while3A_1494 step %while3A_1495 iter_args(%while3A_2042 = %broadcast_in_dim3A_1487) -> (vector<16xf32>)  : i32 {
      %mul3A_2043 = arith.constant 16 : i32
      %mul3A_2044 = arith.muli %while3A_2041, %mul3A_2043 : i32
      %get3A_2045 = arith.index_cast %mul3A_2044 : i32 to index
      %get3A_2046 = tpu.vector_load %arg6[%get3A_2045] {strides = array<i32>} : memref<32784xf32, #tpu.memory_space<vmem>>, vector<16xf32>,
      %sub3A_2047 = arith.subf %get3A_2046, %add3A_1485 : vector<16xf32>
      %max3A_2048 = arith.constant 0.000000e+00 : f32
      %max3A_2049 = vector.broadcast %max3A_2048 : f32 to vector<16xf32>
      %max3A_2050 = arith.maximumf %sub3A_2047, %max3A_2049 : vector<16xf32>
      %add3A_2051 = arith.addf %while3A_2042, %max3A_2050 : vector<16xf32>
      scf.yield %add3A_2051 : vector<16xf32>
    }
    %while3A_1497 = arith.constant 1 : i32
    %while3A_1498 = scf.for %while3A_2041 = %while3A_1494 to %while3A_1490 step %while3A_1497 iter_args(%while3A_2042 = %while3A_1496) -> (vector<16xf32>)  : i32 {
      %mul3A_2043 = arith.constant 16 : i32
      %mul3A_2044 = arith.muli %while3A_2041, %mul3A_2043 : i32
      %get3A_2045 = arith.index_cast %mul3A_2044 : i32 to index
      %get3A_2046 = tpu.vector_load %arg6[%get3A_2045] {strides = array<i32>} : memref<32784xf32, #tpu.memory_space<vmem>>, vector<16xf32>,
      %sub3A_2047 = arith.subf %get3A_2046, %add3A_1485 : vector<16xf32>
      %max3A_2048 = arith.constant 0.000000e+00 : f32
      %max3A_2049 = vector.broadcast %max3A_2048 : f32 to vector<16xf32>
      %max3A_2050 = arith.maximumf %sub3A_2047, %max3A_2049 : vector<16xf32>
      %add3A_2051 = arith.addf %while3A_2042, %max3A_2050 : vector<16xf32>
      scf.yield %add3A_2051 : vector<16xf32>
    }
    %sub3A_1499 = arith.subf %select_n3A_1449, %add3A_1485 : vector<16xf32>
    %max3A_1500 = arith.constant 0.000000e+00 : f32
    %max3A_1501 = vector.broadcast %max3A_1500 : f32 to vector<16xf32>
    %max3A_1502 = arith.maximumf %sub3A_1499, %max3A_1501 : vector<16xf32>
    %add3A_1503 = arith.addf %while3A_1498, %max3A_1502 : vector<16xf32>
    %broadcast_in_dim3A_1504 = arith.constant true
    %broadcast_in_dim3A_1505 = vector.broadcast %broadcast_in_dim3A_1504 : i1 to vector<16xi1>
    %masked_cumsum3A_1506 = tpu.scan <sum>, %add3A_1503 masked %broadcast_in_dim3A_1505 : vector<16xf32>, vector<16xi1> -> vector<16xf32>
    %broadcast_in_dim3A_1507 = arith.constant 15 : i32
    %broadcast_in_dim3A_1508 = vector.broadcast %broadcast_in_dim3A_1507 : i32 to vector<16x1xi32>
    %gather3A_1509 = vector.shape_cast %broadcast_in_dim3A_1508 : vector<16x1xi32> to vector<16xi32>
    %gather3A_1510 = tpu.dynamic_gather %masked_cumsum3A_1506[%gather3A_1509] in [0] : vector<16xf32>, vector<16xi32> -> vector<16xf32>
    %broadcast_in_dim3A_1511 = arith.constant 1.000000e+00 : f32
    %broadcast_in_dim3A_1512 = vector.broadcast %broadcast_in_dim3A_1511 : f32 to vector<16xf32>
    %broadcast_in_dim3A_1513 = arith.constant 1.000000e-07 : f32
    %broadcast_in_dim3A_1514 = vector.broadcast %broadcast_in_dim3A_1513 : f32 to vector<16xf32>
    %add3A_1515 = arith.addf %gather3A_1510, %broadcast_in_dim3A_1514 : vector<16xf32>
    %div3A_1516 = arith.divf %broadcast_in_dim3A_1512, %add3A_1515 : vector<16xf32>
    %scan3A_1517 = arith.constant 0 : i32
    %scan3A_1518 = arith.constant 0 : i32
    %scan3A_1519 = arith.constant 256 : i32
    %scan3A_1520 = arith.addi %scan3A_1518, %scan3A_1519 : i32
    %scan3A_1521 = arith.constant 1 : i32
    scf.for %scan3A_2041 = %scan3A_1518 to %scan3A_1520 step %scan3A_1521  : i32 {
      %mul3A_2042 = arith.constant 128 : i32
      %mul3A_2043 = arith.muli %scan3A_2041, %mul3A_2042 : i32
      %add3A_2044 = arith.constant 0 : i32
      %add3A_2045 = arith.addi %mul3A_2043, %add3A_2044 : i32
      %get3A_2046 = arith.index_cast %add3A_2045 : i32 to index
      %get3A_2047 = tpu.vector_load %arg4[%get3A_2046] {strides = array<i32>} : memref<32768xf32, #tpu.memory_space<vmem>>, vector<16xf32>,
      %sub3A_2048 = arith.subf %get3A_2047, %add3A_1485 : vector<16xf32>
      %max3A_2049 = arith.constant 0.000000e+00 : f32
      %max3A_2050 = vector.broadcast %max3A_2049 : f32 to vector<16xf32>
      %max3A_2051 = arith.maximumf %sub3A_2048, %max3A_2050 : vector<16xf32>
      %mul3A_2052 = arith.mulf %max3A_2051, %div3A_1516 : vector<16xf32>
      %swap3A = arith.index_cast %add3A_2045 : i32 to index
      %swap3A_2053 = tpu.vector_load %arg4[%swap3A] {strides = array<i32>} : memref<32768xf32, #tpu.memory_space<vmem>>, vector<16xf32>,
      tpu.vector_store %arg4[%swap3A], %mul3A_2052 {strides = array<i32>} : memref<32768xf32, #tpu.memory_space<vmem>>, vector<16xf32>,
      %add3A_2054 = arith.constant 16 : i32
      %add3A_2055 = arith.addi %mul3A_2043, %add3A_2054 : i32
      %get3A_2056 = arith.index_cast %add3A_2055 : i32 to index
      %get3A_2057 = tpu.vector_load %arg4[%get3A_2056] {strides = array<i32>} : memref<32768xf32, #tpu.memory_space<vmem>>, vector<16xf32>,
      %sub3A_2058 = arith.subf %get3A_2057, %add3A_1485 : vector<16xf32>
      %max3A_2059 = arith.constant 0.000000e+00 : f32
      %max3A_2060 = vector.broadcast %max3A_2059 : f32 to vector<16xf32>
      %max3A_2061 = arith.maximumf %sub3A_2058, %max3A_2060 : vector<16xf32>
      %mul3A_2062 = arith.mulf %max3A_2061, %div3A_1516 : vector<16xf32>
      %swap3A_2063 = arith.index_cast %add3A_2055 : i32 to index
      %swap3A_2064 = tpu.vector_load %arg4[%swap3A_2063] {strides = array<i32>} : memref<32768xf32, #tpu.memory_space<vmem>>, vector<16xf32>,
      tpu.vector_store %arg4[%swap3A_2063], %mul3A_2062 {strides = array<i32>} : memref<32768xf32, #tpu.memory_space<vmem>>, vector<16xf32>,
      %add3A_2065 = arith.constant 32 : i32
      %add3A_2066 = arith.addi %mul3A_2043, %add3A_2065 : i32
      %get3A_2067 = arith.index_cast %add3A_2066 : i32 to index
      %get3A_2068 = tpu.vector_load %arg4[%get3A_2067] {strides = array<i32>} : memref<32768xf32, #tpu.memory_space<vmem>>, vector<16xf32>,
      %sub3A_2069 = arith.subf %get3A_2068, %add3A_1485 : vector<16xf32>
      %max3A_2070 = arith.constant 0.000000e+00 : f32
      %max3A_2071 = vector.broadcast %max3A_2070 : f32 to vector<16xf32>
      %max3A_2072 = arith.maximumf %sub3A_2069, %max3A_2071 : vector<16xf32>
      %mul3A_2073 = arith.mulf %max3A_2072, %div3A_1516 : vector<16xf32>
      %swap3A_2074 = arith.index_cast %add3A_2066 : i32 to index
      %swap3A_2075 = tpu.vector_load %arg4[%swap3A_2074] {strides = array<i32>} : memref<32768xf32, #tpu.memory_space<vmem>>, vector<16xf32>,
      tpu.vector_store %arg4[%swap3A_2074], %mul3A_2073 {strides = array<i32>} : memref<32768xf32, #tpu.memory_space<vmem>>, vector<16xf32>,
      %add3A_2076 = arith.constant 48 : i32
      %add3A_2077 = arith.addi %mul3A_2043, %add3A_2076 : i32
      %get3A_2078 = arith.index_cast %add3A_2077 : i32 to index
      %get3A_2079 = tpu.vector_load %arg4[%get3A_2078] {strides = array<i32>} : memref<32768xf32, #tpu.memory_space<vmem>>, vector<16xf32>,
      %sub3A_2080 = arith.subf %get3A_2079, %add3A_1485 : vector<16xf32>
      %max3A_2081 = arith.constant 0.000000e+00 : f32
      %max3A_2082 = vector.broadcast %max3A_2081 : f32 to vector<16xf32>
      %max3A_2083 = arith.maximumf %sub3A_2080, %max3A_2082 : vector<16xf32>
      %mul3A_2084 = arith.mulf %max3A_2083, %div3A_1516 : vector<16xf32>
      %swap3A_2085 = arith.index_cast %add3A_2077 : i32 to index
      %swap3A_2086 = tpu.vector_load %arg4[%swap3A_2085] {strides = array<i32>} : memref<32768xf32, #tpu.memory_space<vmem>>, vector<16xf32>,
      tpu.vector_store %arg4[%swap3A_2085], %mul3A_2084 {strides = array<i32>} : memref<32768xf32, #tpu.memory_space<vmem>>, vector<16xf32>,
      %add3A_2087 = arith.constant 64 : i32
      %add3A_2088 = arith.addi %mul3A_2043, %add3A_2087 : i32
      %get3A_2089 = arith.index_cast %add3A_2088 : i32 to index
      %get3A_2090 = tpu.vector_load %arg4[%get3A_2089] {strides = array<i32>} : memref<32768xf32, #tpu.memory_space<vmem>>, vector<16xf32>,
      %sub3A_2091 = arith.subf %get3A_2090, %add3A_1485 : vector<16xf32>
      %max3A_2092 = arith.constant 0.000000e+00 : f32
      %max3A_2093 = vector.broadcast %max3A_2092 : f32 to vector<16xf32>
      %max3A_2094 = arith.maximumf %sub3A_2091, %max3A_2093 : vector<16xf32>
      %mul3A_2095 = arith.mulf %max3A_2094, %div3A_1516 : vector<16xf32>
      %swap3A_2096 = arith.index_cast %add3A_2088 : i32 to index
      %swap3A_2097 = tpu.vector_load %arg4[%swap3A_2096] {strides = array<i32>} : memref<32768xf32, #tpu.memory_space<vmem>>, vector<16xf32>,
      tpu.vector_store %arg4[%swap3A_2096], %mul3A_2095 {strides = array<i32>} : memref<32768xf32, #tpu.memory_space<vmem>>, vector<16xf32>,
      %add3A_2098 = arith.constant 80 : i32
      %add3A_2099 = arith.addi %mul3A_2043, %add3A_2098 : i32
      %get3A_2100 = arith.index_cast %add3A_2099 : i32 to index
      %get3A_2101 = tpu.vector_load %arg4[%get3A_2100] {strides = array<i32>} : memref<32768xf32, #tpu.memory_space<vmem>>, vector<16xf32>,
      %sub3A_2102 = arith.subf %get3A_2101, %add3A_1485 : vector<16xf32>
      %max3A_2103 = arith.constant 0.000000e+00 : f32
      %max3A_2104 = vector.broadcast %max3A_2103 : f32 to vector<16xf32>
      %max3A_2105 = arith.maximumf %sub3A_2102, %max3A_2104 : vector<16xf32>
      %mul3A_2106 = arith.mulf %max3A_2105, %div3A_1516 : vector<16xf32>
      %swap3A_2107 = arith.index_cast %add3A_2099 : i32 to index
      %swap3A_2108 = tpu.vector_load %arg4[%swap3A_2107] {strides = array<i32>} : memref<32768xf32, #tpu.memory_space<vmem>>, vector<16xf32>,
      tpu.vector_store %arg4[%swap3A_2107], %mul3A_2106 {strides = array<i32>} : memref<32768xf32, #tpu.memory_space<vmem>>, vector<16xf32>,
      %add3A_2109 = arith.constant 96 : i32
      %add3A_2110 = arith.addi %mul3A_2043, %add3A_2109 : i32
      %get3A_2111 = arith.index_cast %add3A_2110 : i32 to index
      %get3A_2112 = tpu.vector_load %arg4[%get3A_2111] {strides = array<i32>} : memref<32768xf32, #tpu.memory_space<vmem>>, vector<16xf32>,
      %sub3A_2113 = arith.subf %get3A_2112, %add3A_1485 : vector<16xf32>
      %max3A_2114 = arith.constant 0.000000e+00 : f32
      %max3A_2115 = vector.broadcast %max3A_2114 : f32 to vector<16xf32>
      %max3A_2116 = arith.maximumf %sub3A_2113, %max3A_2115 : vector<16xf32>
      %mul3A_2117 = arith.mulf %max3A_2116, %div3A_1516 : vector<16xf32>
      %swap3A_2118 = arith.index_cast %add3A_2110 : i32 to index
      %swap3A_2119 = tpu.vector_load %arg4[%swap3A_2118] {strides = array<i32>} : memref<32768xf32, #tpu.memory_space<vmem>>, vector<16xf32>,
      tpu.vector_store %arg4[%swap3A_2118], %mul3A_2117 {strides = array<i32>} : memref<32768xf32, #tpu.memory_space<vmem>>, vector<16xf32>,
      %add3A_2120 = arith.constant 112 : i32
      %add3A_2121 = arith.addi %mul3A_2043, %add3A_2120 : i32
      %get3A_2122 = arith.index_cast %add3A_2121 : i32 to index
      %get3A_2123 = tpu.vector_load %arg4[%get3A_2122] {strides = array<i32>} : memref<32768xf32, #tpu.memory_space<vmem>>, vector<16xf32>,
      %sub3A_2124 = arith.subf %get3A_2123, %add3A_1485 : vector<16xf32>
      %max3A_2125 = arith.constant 0.000000e+00 : f32
      %max3A_2126 = vector.broadcast %max3A_2125 : f32 to vector<16xf32>
      %max3A_2127 = arith.maximumf %sub3A_2124, %max3A_2126 : vector<16xf32>
      %mul3A_2128 = arith.mulf %max3A_2127, %div3A_1516 : vector<16xf32>
      %swap3A_2129 = arith.index_cast %add3A_2121 : i32 to index
      %swap3A_2130 = tpu.vector_load %arg4[%swap3A_2129] {strides = array<i32>} : memref<32768xf32, #tpu.memory_space<vmem>>, vector<16xf32>,
      tpu.vector_store %arg4[%swap3A_2129], %mul3A_2128 {strides = array<i32>} : memref<32768xf32, #tpu.memory_space<vmem>>, vector<16xf32>,
    }
    %scan3A_1522 = arith.constant 256 : i32
    %dma_start3A_1523 = arith.constant 0 : i32
    %dma_start3A_1524 = tpu.memref_slice %arg3[%add3A_1036, %dma_start3A_1523] : memref<128x32768xf32, #tpu.memory_space<hbm>> -> memref<1x32768xf32, #tpu.memory_space<hbm>>
    %dma_start3A_1525 = tpu.memref_squeeze %dma_start3A_1524 : memref<1x32768xf32, #tpu.memory_space<hbm>> -> memref<32768xf32, #tpu.memory_space<hbm>>
    %dma_start3A_1526 = arith.constant 0 : i32
    %dma_start3A_1527 = tpu.memref_slice %arg3[%add3A_1036, %dma_start3A_1526] : memref<128x32768xf32, #tpu.memory_space<hbm>> -> memref<1x32768xf32, #tpu.memory_space<hbm>>
    %dma_start3A_1528 = tpu.memref_squeeze %dma_start3A_1527 : memref<1x32768xf32, #tpu.memory_space<hbm>> -> memref<32768xf32, #tpu.memory_space<hbm>>
    tpu.enqueue_dma source(%arg4 : memref<32768xf32, #tpu.memory_space<vmem>>) target(%dma_start3A_1528 : memref<32768xf32, #tpu.memory_space<hbm>>) target_semaphore(%arg11 : memref<!tpu.dma_semaphore, #tpu.memory_space<semaphore_mem>>)
    %dma_wait3A_1529 = arith.constant 0 : i32
    %dma_wait3A_1530 = tpu.memref_slice %arg2[%add3A_1022, %dma_wait3A_1529] : memref<128x32768xf32, #tpu.memory_space<hbm>> -> memref<1x32768xf32, #tpu.memory_space<hbm>>
    %dma_wait3A_1531 = tpu.memref_squeeze %dma_wait3A_1530 : memref<1x32768xf32, #tpu.memory_space<hbm>> -> memref<32768xf32, #tpu.memory_space<hbm>>
    %dma_wait3A_1532 = arith.constant 0 : i32
    %dma_wait3A_1533 = tpu.memref_slice %arg2[%add3A_1022, %dma_wait3A_1532] : memref<128x32768xf32, #tpu.memory_space<hbm>> -> memref<1x32768xf32, #tpu.memory_space<hbm>>
    %dma_wait3A_1534 = tpu.memref_squeeze %dma_wait3A_1533 : memref<1x32768xf32, #tpu.memory_space<hbm>> -> memref<32768xf32, #tpu.memory_space<hbm>>
    tpu.wait_dma2 semaphore(%arg10 : memref<!tpu.dma_semaphore, #tpu.memory_space<semaphore_mem>>) src(%dma_wait3A_1534 : memref<32768xf32, #tpu.memory_space<hbm>>) dst(%arg5 : memref<32768xf32, #tpu.memory_space<vmem>>)
    %add3A_1535 = arith.constant 3 : i32
    %add3A_1536 = arith.addi %mul3A_2, %add3A_1535 : i32
    %scan3A_1537 = arith.constant 0 : i32
    %scan3A_1538 = arith.constant 256 : i32
    %scan3A_1539 = arith.addi %scan3A_1537, %scan3A_1538 : i32
    %scan3A_1540 = arith.constant 1 : i32
    %scan3A_1541:2 = scf.for %scan3A_2041 = %scan3A_1537 to %scan3A_1539 step %scan3A_1540 iter_args(%scan3A_2042 = %broadcast_in_dim3A_3, %scan3A_2043 = %broadcast_in_dim3A_3) -> (vector<16xf32>, vector<16xf32>)  : i32 {
      %mul3A_2044 = arith.constant 128 : i32
      %mul3A_2045 = arith.muli %scan3A_2041, %mul3A_2044 : i32
      %add3A_2046 = arith.constant 0 : i32
      %add3A_2047 = arith.addi %mul3A_2045, %add3A_2046 : i32
      %get3A_2048 = arith.index_cast %add3A_2047 : i32 to index
      %get3A_2049 = tpu.vector_load %arg5[%get3A_2048] {strides = array<i32>} : memref<32768xf32, #tpu.memory_space<vmem>>, vector<16xf32>,
      %add3A_2050 = arith.constant 16 : i32
      %add3A_2051 = arith.addi %mul3A_2045, %add3A_2050 : i32
      %get3A_2052 = arith.index_cast %add3A_2051 : i32 to index
      %get3A_2053 = tpu.vector_load %arg5[%get3A_2052] {strides = array<i32>} : memref<32768xf32, #tpu.memory_space<vmem>>, vector<16xf32>,
      %add3A_2054 = arith.constant 32 : i32
      %add3A_2055 = arith.addi %mul3A_2045, %add3A_2054 : i32
      %get3A_2056 = arith.index_cast %add3A_2055 : i32 to index
      %get3A_2057 = tpu.vector_load %arg5[%get3A_2056] {strides = array<i32>} : memref<32768xf32, #tpu.memory_space<vmem>>, vector<16xf32>,
      %add3A_2058 = arith.constant 48 : i32
      %add3A_2059 = arith.addi %mul3A_2045, %add3A_2058 : i32
      %get3A_2060 = arith.index_cast %add3A_2059 : i32 to index
      %get3A_2061 = tpu.vector_load %arg5[%get3A_2060] {strides = array<i32>} : memref<32768xf32, #tpu.memory_space<vmem>>, vector<16xf32>,
      %add3A_2062 = arith.constant 64 : i32
      %add3A_2063 = arith.addi %mul3A_2045, %add3A_2062 : i32
      %get3A_2064 = arith.index_cast %add3A_2063 : i32 to index
      %get3A_2065 = tpu.vector_load %arg5[%get3A_2064] {strides = array<i32>} : memref<32768xf32, #tpu.memory_space<vmem>>, vector<16xf32>,
      %add3A_2066 = arith.constant 80 : i32
      %add3A_2067 = arith.addi %mul3A_2045, %add3A_2066 : i32
      %get3A_2068 = arith.index_cast %add3A_2067 : i32 to index
      %get3A_2069 = tpu.vector_load %arg5[%get3A_2068] {strides = array<i32>} : memref<32768xf32, #tpu.memory_space<vmem>>, vector<16xf32>,
      %add3A_2070 = arith.constant 96 : i32
      %add3A_2071 = arith.addi %mul3A_2045, %add3A_2070 : i32
      %get3A_2072 = arith.index_cast %add3A_2071 : i32 to index
      %get3A_2073 = tpu.vector_load %arg5[%get3A_2072] {strides = array<i32>} : memref<32768xf32, #tpu.memory_space<vmem>>, vector<16xf32>,
      %add3A_2074 = arith.constant 112 : i32
      %add3A_2075 = arith.addi %mul3A_2045, %add3A_2074 : i32
      %get3A_2076 = arith.index_cast %add3A_2075 : i32 to index
      %get3A_2077 = tpu.vector_load %arg5[%get3A_2076] {strides = array<i32>} : memref<32768xf32, #tpu.memory_space<vmem>>, vector<16xf32>,
      %max3A_2078 = arith.maximumf %get3A_2049, %get3A_2057 : vector<16xf32>
      %max3A_2079 = arith.maximumf %get3A_2065, %get3A_2073 : vector<16xf32>
      %max3A_2080 = arith.maximumf %max3A_2078, %max3A_2079 : vector<16xf32>
      %max3A_2081 = arith.maximumf %get3A_2053, %get3A_2061 : vector<16xf32>
      %max3A_2082 = arith.maximumf %get3A_2069, %get3A_2077 : vector<16xf32>
      %max3A_2083 = arith.maximumf %max3A_2081, %max3A_2082 : vector<16xf32>
      %max3A_2084 = arith.maximumf %max3A_2080, %max3A_2083 : vector<16xf32>
      %broadcast_in_dim3A_2085 = arith.constant true
      %broadcast_in_dim3A_2086 = vector.broadcast %broadcast_in_dim3A_2085 : i1 to vector<16xi1>
      %masked_cummax3A = tpu.scan <max>, %max3A_2084 masked %broadcast_in_dim3A_2086 : vector<16xf32>, vector<16xi1> -> vector<16xf32>
      %broadcast_in_dim3A_2087 = vector.broadcast %scan3A_2041 : i32 to vector<16xi32>
      %eq3A = arith.constant 15 : i32
      %eq3A_2088 = vector.broadcast %eq3A : i32 to vector<16xi32>
      %eq3A_2089 = arith.cmpi eq, %iota3A, %eq3A_2088 : vector<16xi32>
      tpu.vector_store_idx %arg7[%broadcast_in_dim3A_2087], %masked_cummax3A masked %eq3A_2089 : memref<272xf32, #tpu.memory_space<vmem>>[vector<16xi32>], vector<16xf32>, vector<16xi1>
      %max3A_2090 = arith.maximumf %scan3A_2042, %max3A_2080 : vector<16xf32>
      %max3A_2091 = arith.maximumf %scan3A_2043, %max3A_2083 : vector<16xf32>
      scf.yield %max3A_2090, %max3A_2091 : vector<16xf32>, vector<16xf32>
    }
    %scan3A_1542 = arith.constant 256 : i32
    %min3A_1543 = arith.minimumf %scan3A_1541#0, %scan3A_1541#1 : vector<16xf32>
    %masked_sort3A_1544 = arith.constant dense<true> : vector<16xi1>
    %masked_sort3A_1545, %masked_sort3A_1546, %masked_sort3A_1547 = tpu.sort %min3A_1543, %min3A_1543 masked %masked_sort3A_1544 {descending = true} : (vector<16xf32>, vector<16xf32>, vector<16xi1>) -> (vector<16xi1>, vector<16xf32>, vector<16xf32>)
    %broadcast_in_dim3A_1548 = arith.constant 15 : i32
    %broadcast_in_dim3A_1549 = vector.broadcast %broadcast_in_dim3A_1548 : i32 to vector<16x1xi32>
    %gather3A_1550 = vector.shape_cast %broadcast_in_dim3A_1549 : vector<16x1xi32> to vector<16xi32>
    %gather3A_1551 = tpu.dynamic_gather %masked_sort3A_1546[%gather3A_1550] in [0] : vector<16xf32>, vector<16xi32> -> vector<16xf32>
    %get3A_1552 = arith.constant 0 : index
    %get3A_1553 = tpu.vector_load %arg7[%get3A_1552] {strides = array<i32>} : memref<272xf32, #tpu.memory_space<vmem>>, vector<16xf32>,
    %ge3A_1554 = arith.cmpf oge, %get3A_1553, %gather3A_1551 : vector<16xf32>
    %jit3A_1555 = arith.constant 1 : i32
    %jit3A_1556 = arith.constant 0 : i32
    %broadcast_in_dim3A_1557 = vector.broadcast %jit3A_1555 : i32 to vector<16xi32>
    %broadcast_in_dim3A_1558 = vector.broadcast %jit3A_1556 : i32 to vector<16xi32>
    %select_n3A_1559 = arith.select %ge3A_1554, %broadcast_in_dim3A_1557, %broadcast_in_dim3A_1558 : vector<16xi1>, vector<16xi32>
    %broadcast_in_dim3A_1560 = arith.constant true
    %broadcast_in_dim3A_1561 = vector.broadcast %broadcast_in_dim3A_1560 : i1 to vector<16xi1>
    %masked_cumsum3A_1562 = tpu.scan <sum>, %select_n3A_1559 masked %broadcast_in_dim3A_1561 : vector<16xi32>, vector<16xi1> -> vector<16xi32>
    %add3A_1563 = arith.addi %broadcast_in_dim3A_5, %masked_cumsum3A_1562 : vector<16xi32>
    %sub3A_1564 = arith.constant 1 : i32
    %sub3A_1565 = vector.broadcast %sub3A_1564 : i32 to vector<16xi32>
    %sub3A_1566 = arith.subi %add3A_1563, %sub3A_1565 : vector<16xi32>
    %add3A_1567 = arith.constant 0 : i32
    %add3A_1568 = vector.broadcast %add3A_1567 : i32 to vector<16xi32>
    %add3A_1569 = arith.addi %iota3A, %add3A_1568 : vector<16xi32>
    tpu.vector_store_idx %arg8[%sub3A_1566], %add3A_1569 masked %ge3A_1554 : memref<272xi32, #tpu.memory_space<vmem>>[vector<16xi32>], vector<16xi32>, vector<16xi1>
    %all_reduce_population_count3A_1570 = tpu.all_reduce %ge3A_1554 {dim = 0 : i64, kind = #tpu.reduction_kind<sum>} : vector<16xi1> -> vector<16xi32>
    %add3A_1571 = arith.addi %broadcast_in_dim3A_5, %all_reduce_population_count3A_1570 : vector<16xi32>
    %get3A_1572 = arith.constant 16 : index
    %get3A_1573 = tpu.vector_load %arg7[%get3A_1572] {strides = array<i32>} : memref<272xf32, #tpu.memory_space<vmem>>, vector<16xf32>,
    %ge3A_1574 = arith.cmpf oge, %get3A_1573, %gather3A_1551 : vector<16xf32>
    %jit3A_1575 = arith.constant 1 : i32
    %jit3A_1576 = arith.constant 0 : i32
    %broadcast_in_dim3A_1577 = vector.broadcast %jit3A_1575 : i32 to vector<16xi32>
    %broadcast_in_dim3A_1578 = vector.broadcast %jit3A_1576 : i32 to vector<16xi32>
    %select_n3A_1579 = arith.select %ge3A_1574, %broadcast_in_dim3A_1577, %broadcast_in_dim3A_1578 : vector<16xi1>, vector<16xi32>
    %broadcast_in_dim3A_1580 = arith.constant true
    %broadcast_in_dim3A_1581 = vector.broadcast %broadcast_in_dim3A_1580 : i1 to vector<16xi1>
    %masked_cumsum3A_1582 = tpu.scan <sum>, %select_n3A_1579 masked %broadcast_in_dim3A_1581 : vector<16xi32>, vector<16xi1> -> vector<16xi32>
    %add3A_1583 = arith.addi %add3A_1571, %masked_cumsum3A_1582 : vector<16xi32>
    %sub3A_1584 = arith.constant 1 : i32
    %sub3A_1585 = vector.broadcast %sub3A_1584 : i32 to vector<16xi32>
    %sub3A_1586 = arith.subi %add3A_1583, %sub3A_1585 : vector<16xi32>
    %add3A_1587 = arith.constant 16 : i32
    %add3A_1588 = vector.broadcast %add3A_1587 : i32 to vector<16xi32>
    %add3A_1589 = arith.addi %iota3A, %add3A_1588 : vector<16xi32>
    tpu.vector_store_idx %arg8[%sub3A_1586], %add3A_1589 masked %ge3A_1574 : memref<272xi32, #tpu.memory_space<vmem>>[vector<16xi32>], vector<16xi32>, vector<16xi1>
    %all_reduce_population_count3A_1590 = tpu.all_reduce %ge3A_1574 {dim = 0 : i64, kind = #tpu.reduction_kind<sum>} : vector<16xi1> -> vector<16xi32>
    %add3A_1591 = arith.addi %add3A_1571, %all_reduce_population_count3A_1590 : vector<16xi32>
    %get3A_1592 = arith.constant 32 : index
    %get3A_1593 = tpu.vector_load %arg7[%get3A_1592] {strides = array<i32>} : memref<272xf32, #tpu.memory_space<vmem>>, vector<16xf32>,
    %ge3A_1594 = arith.cmpf oge, %get3A_1593, %gather3A_1551 : vector<16xf32>
    %jit3A_1595 = arith.constant 1 : i32
    %jit3A_1596 = arith.constant 0 : i32
    %broadcast_in_dim3A_1597 = vector.broadcast %jit3A_1595 : i32 to vector<16xi32>
    %broadcast_in_dim3A_1598 = vector.broadcast %jit3A_1596 : i32 to vector<16xi32>
    %select_n3A_1599 = arith.select %ge3A_1594, %broadcast_in_dim3A_1597, %broadcast_in_dim3A_1598 : vector<16xi1>, vector<16xi32>
    %broadcast_in_dim3A_1600 = arith.constant true
    %broadcast_in_dim3A_1601 = vector.broadcast %broadcast_in_dim3A_1600 : i1 to vector<16xi1>
    %masked_cumsum3A_1602 = tpu.scan <sum>, %select_n3A_1599 masked %broadcast_in_dim3A_1601 : vector<16xi32>, vector<16xi1> -> vector<16xi32>
    %add3A_1603 = arith.addi %add3A_1591, %masked_cumsum3A_1602 : vector<16xi32>
    %sub3A_1604 = arith.constant 1 : i32
    %sub3A_1605 = vector.broadcast %sub3A_1604 : i32 to vector<16xi32>
    %sub3A_1606 = arith.subi %add3A_1603, %sub3A_1605 : vector<16xi32>
    %add3A_1607 = arith.constant 32 : i32
    %add3A_1608 = vector.broadcast %add3A_1607 : i32 to vector<16xi32>
    %add3A_1609 = arith.addi %iota3A, %add3A_1608 : vector<16xi32>
    tpu.vector_store_idx %arg8[%sub3A_1606], %add3A_1609 masked %ge3A_1594 : memref<272xi32, #tpu.memory_space<vmem>>[vector<16xi32>], vector<16xi32>, vector<16xi1>
    %all_reduce_population_count3A_1610 = tpu.all_reduce %ge3A_1594 {dim = 0 : i64, kind = #tpu.reduction_kind<sum>} : vector<16xi1> -> vector<16xi32>
    %add3A_1611 = arith.addi %add3A_1591, %all_reduce_population_count3A_1610 : vector<16xi32>
    %get3A_1612 = arith.constant 48 : index
    %get3A_1613 = tpu.vector_load %arg7[%get3A_1612] {strides = array<i32>} : memref<272xf32, #tpu.memory_space<vmem>>, vector<16xf32>,
    %ge3A_1614 = arith.cmpf oge, %get3A_1613, %gather3A_1551 : vector<16xf32>
    %jit3A_1615 = arith.constant 1 : i32
    %jit3A_1616 = arith.constant 0 : i32
    %broadcast_in_dim3A_1617 = vector.broadcast %jit3A_1615 : i32 to vector<16xi32>
    %broadcast_in_dim3A_1618 = vector.broadcast %jit3A_1616 : i32 to vector<16xi32>
    %select_n3A_1619 = arith.select %ge3A_1614, %broadcast_in_dim3A_1617, %broadcast_in_dim3A_1618 : vector<16xi1>, vector<16xi32>
    %broadcast_in_dim3A_1620 = arith.constant true
    %broadcast_in_dim3A_1621 = vector.broadcast %broadcast_in_dim3A_1620 : i1 to vector<16xi1>
    %masked_cumsum3A_1622 = tpu.scan <sum>, %select_n3A_1619 masked %broadcast_in_dim3A_1621 : vector<16xi32>, vector<16xi1> -> vector<16xi32>
    %add3A_1623 = arith.addi %add3A_1611, %masked_cumsum3A_1622 : vector<16xi32>
    %sub3A_1624 = arith.constant 1 : i32
    %sub3A_1625 = vector.broadcast %sub3A_1624 : i32 to vector<16xi32>
    %sub3A_1626 = arith.subi %add3A_1623, %sub3A_1625 : vector<16xi32>
    %add3A_1627 = arith.constant 48 : i32
    %add3A_1628 = vector.broadcast %add3A_1627 : i32 to vector<16xi32>
    %add3A_1629 = arith.addi %iota3A, %add3A_1628 : vector<16xi32>
    tpu.vector_store_idx %arg8[%sub3A_1626], %add3A_1629 masked %ge3A_1614 : memref<272xi32, #tpu.memory_space<vmem>>[vector<16xi32>], vector<16xi32>, vector<16xi1>
    %all_reduce_population_count3A_1630 = tpu.all_reduce %ge3A_1614 {dim = 0 : i64, kind = #tpu.reduction_kind<sum>} : vector<16xi1> -> vector<16xi32>
    %add3A_1631 = arith.addi %add3A_1611, %all_reduce_population_count3A_1630 : vector<16xi32>
    %get3A_1632 = arith.constant 64 : index
    %get3A_1633 = tpu.vector_load %arg7[%get3A_1632] {strides = array<i32>} : memref<272xf32, #tpu.memory_space<vmem>>, vector<16xf32>,
    %ge3A_1634 = arith.cmpf oge, %get3A_1633, %gather3A_1551 : vector<16xf32>
    %jit3A_1635 = arith.constant 1 : i32
    %jit3A_1636 = arith.constant 0 : i32
    %broadcast_in_dim3A_1637 = vector.broadcast %jit3A_1635 : i32 to vector<16xi32>
    %broadcast_in_dim3A_1638 = vector.broadcast %jit3A_1636 : i32 to vector<16xi32>
    %select_n3A_1639 = arith.select %ge3A_1634, %broadcast_in_dim3A_1637, %broadcast_in_dim3A_1638 : vector<16xi1>, vector<16xi32>
    %broadcast_in_dim3A_1640 = arith.constant true
    %broadcast_in_dim3A_1641 = vector.broadcast %broadcast_in_dim3A_1640 : i1 to vector<16xi1>
    %masked_cumsum3A_1642 = tpu.scan <sum>, %select_n3A_1639 masked %broadcast_in_dim3A_1641 : vector<16xi32>, vector<16xi1> -> vector<16xi32>
    %add3A_1643 = arith.addi %add3A_1631, %masked_cumsum3A_1642 : vector<16xi32>
    %sub3A_1644 = arith.constant 1 : i32
    %sub3A_1645 = vector.broadcast %sub3A_1644 : i32 to vector<16xi32>
    %sub3A_1646 = arith.subi %add3A_1643, %sub3A_1645 : vector<16xi32>
    %add3A_1647 = arith.constant 64 : i32
    %add3A_1648 = vector.broadcast %add3A_1647 : i32 to vector<16xi32>
    %add3A_1649 = arith.addi %iota3A, %add3A_1648 : vector<16xi32>
    tpu.vector_store_idx %arg8[%sub3A_1646], %add3A_1649 masked %ge3A_1634 : memref<272xi32, #tpu.memory_space<vmem>>[vector<16xi32>], vector<16xi32>, vector<16xi1>
    %all_reduce_population_count3A_1650 = tpu.all_reduce %ge3A_1634 {dim = 0 : i64, kind = #tpu.reduction_kind<sum>} : vector<16xi1> -> vector<16xi32>
    %add3A_1651 = arith.addi %add3A_1631, %all_reduce_population_count3A_1650 : vector<16xi32>
    %get3A_1652 = arith.constant 80 : index
    %get3A_1653 = tpu.vector_load %arg7[%get3A_1652] {strides = array<i32>} : memref<272xf32, #tpu.memory_space<vmem>>, vector<16xf32>,
    %ge3A_1654 = arith.cmpf oge, %get3A_1653, %gather3A_1551 : vector<16xf32>
    %jit3A_1655 = arith.constant 1 : i32
    %jit3A_1656 = arith.constant 0 : i32
    %broadcast_in_dim3A_1657 = vector.broadcast %jit3A_1655 : i32 to vector<16xi32>
    %broadcast_in_dim3A_1658 = vector.broadcast %jit3A_1656 : i32 to vector<16xi32>
    %select_n3A_1659 = arith.select %ge3A_1654, %broadcast_in_dim3A_1657, %broadcast_in_dim3A_1658 : vector<16xi1>, vector<16xi32>
    %broadcast_in_dim3A_1660 = arith.constant true
    %broadcast_in_dim3A_1661 = vector.broadcast %broadcast_in_dim3A_1660 : i1 to vector<16xi1>
    %masked_cumsum3A_1662 = tpu.scan <sum>, %select_n3A_1659 masked %broadcast_in_dim3A_1661 : vector<16xi32>, vector<16xi1> -> vector<16xi32>
    %add3A_1663 = arith.addi %add3A_1651, %masked_cumsum3A_1662 : vector<16xi32>
    %sub3A_1664 = arith.constant 1 : i32
    %sub3A_1665 = vector.broadcast %sub3A_1664 : i32 to vector<16xi32>
    %sub3A_1666 = arith.subi %add3A_1663, %sub3A_1665 : vector<16xi32>
    %add3A_1667 = arith.constant 80 : i32
    %add3A_1668 = vector.broadcast %add3A_1667 : i32 to vector<16xi32>
    %add3A_1669 = arith.addi %iota3A, %add3A_1668 : vector<16xi32>
    tpu.vector_store_idx %arg8[%sub3A_1666], %add3A_1669 masked %ge3A_1654 : memref<272xi32, #tpu.memory_space<vmem>>[vector<16xi32>], vector<16xi32>, vector<16xi1>
    %all_reduce_population_count3A_1670 = tpu.all_reduce %ge3A_1654 {dim = 0 : i64, kind = #tpu.reduction_kind<sum>} : vector<16xi1> -> vector<16xi32>
    %add3A_1671 = arith.addi %add3A_1651, %all_reduce_population_count3A_1670 : vector<16xi32>
    %get3A_1672 = arith.constant 96 : index
    %get3A_1673 = tpu.vector_load %arg7[%get3A_1672] {strides = array<i32>} : memref<272xf32, #tpu.memory_space<vmem>>, vector<16xf32>,
    %ge3A_1674 = arith.cmpf oge, %get3A_1673, %gather3A_1551 : vector<16xf32>
    %jit3A_1675 = arith.constant 1 : i32
    %jit3A_1676 = arith.constant 0 : i32
    %broadcast_in_dim3A_1677 = vector.broadcast %jit3A_1675 : i32 to vector<16xi32>
    %broadcast_in_dim3A_1678 = vector.broadcast %jit3A_1676 : i32 to vector<16xi32>
    %select_n3A_1679 = arith.select %ge3A_1674, %broadcast_in_dim3A_1677, %broadcast_in_dim3A_1678 : vector<16xi1>, vector<16xi32>
    %broadcast_in_dim3A_1680 = arith.constant true
    %broadcast_in_dim3A_1681 = vector.broadcast %broadcast_in_dim3A_1680 : i1 to vector<16xi1>
    %masked_cumsum3A_1682 = tpu.scan <sum>, %select_n3A_1679 masked %broadcast_in_dim3A_1681 : vector<16xi32>, vector<16xi1> -> vector<16xi32>
    %add3A_1683 = arith.addi %add3A_1671, %masked_cumsum3A_1682 : vector<16xi32>
    %sub3A_1684 = arith.constant 1 : i32
    %sub3A_1685 = vector.broadcast %sub3A_1684 : i32 to vector<16xi32>
    %sub3A_1686 = arith.subi %add3A_1683, %sub3A_1685 : vector<16xi32>
    %add3A_1687 = arith.constant 96 : i32
    %add3A_1688 = vector.broadcast %add3A_1687 : i32 to vector<16xi32>
    %add3A_1689 = arith.addi %iota3A, %add3A_1688 : vector<16xi32>
    tpu.vector_store_idx %arg8[%sub3A_1686], %add3A_1689 masked %ge3A_1674 : memref<272xi32, #tpu.memory_space<vmem>>[vector<16xi32>], vector<16xi32>, vector<16xi1>
    %all_reduce_population_count3A_1690 = tpu.all_reduce %ge3A_1674 {dim = 0 : i64, kind = #tpu.reduction_kind<sum>} : vector<16xi1> -> vector<16xi32>
    %add3A_1691 = arith.addi %add3A_1671, %all_reduce_population_count3A_1690 : vector<16xi32>
    %get3A_1692 = arith.constant 112 : index
    %get3A_1693 = tpu.vector_load %arg7[%get3A_1692] {strides = array<i32>} : memref<272xf32, #tpu.memory_space<vmem>>, vector<16xf32>,
    %ge3A_1694 = arith.cmpf oge, %get3A_1693, %gather3A_1551 : vector<16xf32>
    %jit3A_1695 = arith.constant 1 : i32
    %jit3A_1696 = arith.constant 0 : i32
    %broadcast_in_dim3A_1697 = vector.broadcast %jit3A_1695 : i32 to vector<16xi32>
    %broadcast_in_dim3A_1698 = vector.broadcast %jit3A_1696 : i32 to vector<16xi32>
    %select_n3A_1699 = arith.select %ge3A_1694, %broadcast_in_dim3A_1697, %broadcast_in_dim3A_1698 : vector<16xi1>, vector<16xi32>
    %broadcast_in_dim3A_1700 = arith.constant true
    %broadcast_in_dim3A_1701 = vector.broadcast %broadcast_in_dim3A_1700 : i1 to vector<16xi1>
    %masked_cumsum3A_1702 = tpu.scan <sum>, %select_n3A_1699 masked %broadcast_in_dim3A_1701 : vector<16xi32>, vector<16xi1> -> vector<16xi32>
    %add3A_1703 = arith.addi %add3A_1691, %masked_cumsum3A_1702 : vector<16xi32>
    %sub3A_1704 = arith.constant 1 : i32
    %sub3A_1705 = vector.broadcast %sub3A_1704 : i32 to vector<16xi32>
    %sub3A_1706 = arith.subi %add3A_1703, %sub3A_1705 : vector<16xi32>
    %add3A_1707 = arith.constant 112 : i32
    %add3A_1708 = vector.broadcast %add3A_1707 : i32 to vector<16xi32>
    %add3A_1709 = arith.addi %iota3A, %add3A_1708 : vector<16xi32>
    tpu.vector_store_idx %arg8[%sub3A_1706], %add3A_1709 masked %ge3A_1694 : memref<272xi32, #tpu.memory_space<vmem>>[vector<16xi32>], vector<16xi32>, vector<16xi1>
    %all_reduce_population_count3A_1710 = tpu.all_reduce %ge3A_1694 {dim = 0 : i64, kind = #tpu.reduction_kind<sum>} : vector<16xi1> -> vector<16xi32>
    %add3A_1711 = arith.addi %add3A_1691, %all_reduce_population_count3A_1710 : vector<16xi32>
    %get3A_1712 = arith.constant 128 : index
    %get3A_1713 = tpu.vector_load %arg7[%get3A_1712] {strides = array<i32>} : memref<272xf32, #tpu.memory_space<vmem>>, vector<16xf32>,
    %ge3A_1714 = arith.cmpf oge, %get3A_1713, %gather3A_1551 : vector<16xf32>
    %jit3A_1715 = arith.constant 1 : i32
    %jit3A_1716 = arith.constant 0 : i32
    %broadcast_in_dim3A_1717 = vector.broadcast %jit3A_1715 : i32 to vector<16xi32>
    %broadcast_in_dim3A_1718 = vector.broadcast %jit3A_1716 : i32 to vector<16xi32>
    %select_n3A_1719 = arith.select %ge3A_1714, %broadcast_in_dim3A_1717, %broadcast_in_dim3A_1718 : vector<16xi1>, vector<16xi32>
    %broadcast_in_dim3A_1720 = arith.constant true
    %broadcast_in_dim3A_1721 = vector.broadcast %broadcast_in_dim3A_1720 : i1 to vector<16xi1>
    %masked_cumsum3A_1722 = tpu.scan <sum>, %select_n3A_1719 masked %broadcast_in_dim3A_1721 : vector<16xi32>, vector<16xi1> -> vector<16xi32>
    %add3A_1723 = arith.addi %add3A_1711, %masked_cumsum3A_1722 : vector<16xi32>
    %sub3A_1724 = arith.constant 1 : i32
    %sub3A_1725 = vector.broadcast %sub3A_1724 : i32 to vector<16xi32>
    %sub3A_1726 = arith.subi %add3A_1723, %sub3A_1725 : vector<16xi32>
    %add3A_1727 = arith.constant 128 : i32
    %add3A_1728 = vector.broadcast %add3A_1727 : i32 to vector<16xi32>
    %add3A_1729 = arith.addi %iota3A, %add3A_1728 : vector<16xi32>
    tpu.vector_store_idx %arg8[%sub3A_1726], %add3A_1729 masked %ge3A_1714 : memref<272xi32, #tpu.memory_space<vmem>>[vector<16xi32>], vector<16xi32>, vector<16xi1>
    %all_reduce_population_count3A_1730 = tpu.all_reduce %ge3A_1714 {dim = 0 : i64, kind = #tpu.reduction_kind<sum>} : vector<16xi1> -> vector<16xi32>
    %add3A_1731 = arith.addi %add3A_1711, %all_reduce_population_count3A_1730 : vector<16xi32>
    %get3A_1732 = arith.constant 144 : index
    %get3A_1733 = tpu.vector_load %arg7[%get3A_1732] {strides = array<i32>} : memref<272xf32, #tpu.memory_space<vmem>>, vector<16xf32>,
    %ge3A_1734 = arith.cmpf oge, %get3A_1733, %gather3A_1551 : vector<16xf32>
    %jit3A_1735 = arith.constant 1 : i32
    %jit3A_1736 = arith.constant 0 : i32
    %broadcast_in_dim3A_1737 = vector.broadcast %jit3A_1735 : i32 to vector<16xi32>
    %broadcast_in_dim3A_1738 = vector.broadcast %jit3A_1736 : i32 to vector<16xi32>
    %select_n3A_1739 = arith.select %ge3A_1734, %broadcast_in_dim3A_1737, %broadcast_in_dim3A_1738 : vector<16xi1>, vector<16xi32>
    %broadcast_in_dim3A_1740 = arith.constant true
    %broadcast_in_dim3A_1741 = vector.broadcast %broadcast_in_dim3A_1740 : i1 to vector<16xi1>
    %masked_cumsum3A_1742 = tpu.scan <sum>, %select_n3A_1739 masked %broadcast_in_dim3A_1741 : vector<16xi32>, vector<16xi1> -> vector<16xi32>
    %add3A_1743 = arith.addi %add3A_1731, %masked_cumsum3A_1742 : vector<16xi32>
    %sub3A_1744 = arith.constant 1 : i32
    %sub3A_1745 = vector.broadcast %sub3A_1744 : i32 to vector<16xi32>
    %sub3A_1746 = arith.subi %add3A_1743, %sub3A_1745 : vector<16xi32>
    %add3A_1747 = arith.constant 144 : i32
    %add3A_1748 = vector.broadcast %add3A_1747 : i32 to vector<16xi32>
    %add3A_1749 = arith.addi %iota3A, %add3A_1748 : vector<16xi32>
    tpu.vector_store_idx %arg8[%sub3A_1746], %add3A_1749 masked %ge3A_1734 : memref<272xi32, #tpu.memory_space<vmem>>[vector<16xi32>], vector<16xi32>, vector<16xi1>
    %all_reduce_population_count3A_1750 = tpu.all_reduce %ge3A_1734 {dim = 0 : i64, kind = #tpu.reduction_kind<sum>} : vector<16xi1> -> vector<16xi32>
    %add3A_1751 = arith.addi %add3A_1731, %all_reduce_population_count3A_1750 : vector<16xi32>
    %get3A_1752 = arith.constant 160 : index
    %get3A_1753 = tpu.vector_load %arg7[%get3A_1752] {strides = array<i32>} : memref<272xf32, #tpu.memory_space<vmem>>, vector<16xf32>,
    %ge3A_1754 = arith.cmpf oge, %get3A_1753, %gather3A_1551 : vector<16xf32>
    %jit3A_1755 = arith.constant 1 : i32
    %jit3A_1756 = arith.constant 0 : i32
    %broadcast_in_dim3A_1757 = vector.broadcast %jit3A_1755 : i32 to vector<16xi32>
    %broadcast_in_dim3A_1758 = vector.broadcast %jit3A_1756 : i32 to vector<16xi32>
    %select_n3A_1759 = arith.select %ge3A_1754, %broadcast_in_dim3A_1757, %broadcast_in_dim3A_1758 : vector<16xi1>, vector<16xi32>
    %broadcast_in_dim3A_1760 = arith.constant true
    %broadcast_in_dim3A_1761 = vector.broadcast %broadcast_in_dim3A_1760 : i1 to vector<16xi1>
    %masked_cumsum3A_1762 = tpu.scan <sum>, %select_n3A_1759 masked %broadcast_in_dim3A_1761 : vector<16xi32>, vector<16xi1> -> vector<16xi32>
    %add3A_1763 = arith.addi %add3A_1751, %masked_cumsum3A_1762 : vector<16xi32>
    %sub3A_1764 = arith.constant 1 : i32
    %sub3A_1765 = vector.broadcast %sub3A_1764 : i32 to vector<16xi32>
    %sub3A_1766 = arith.subi %add3A_1763, %sub3A_1765 : vector<16xi32>
    %add3A_1767 = arith.constant 160 : i32
    %add3A_1768 = vector.broadcast %add3A_1767 : i32 to vector<16xi32>
    %add3A_1769 = arith.addi %iota3A, %add3A_1768 : vector<16xi32>
    tpu.vector_store_idx %arg8[%sub3A_1766], %add3A_1769 masked %ge3A_1754 : memref<272xi32, #tpu.memory_space<vmem>>[vector<16xi32>], vector<16xi32>, vector<16xi1>
    %all_reduce_population_count3A_1770 = tpu.all_reduce %ge3A_1754 {dim = 0 : i64, kind = #tpu.reduction_kind<sum>} : vector<16xi1> -> vector<16xi32>
    %add3A_1771 = arith.addi %add3A_1751, %all_reduce_population_count3A_1770 : vector<16xi32>
    %get3A_1772 = arith.constant 176 : index
    %get3A_1773 = tpu.vector_load %arg7[%get3A_1772] {strides = array<i32>} : memref<272xf32, #tpu.memory_space<vmem>>, vector<16xf32>,
    %ge3A_1774 = arith.cmpf oge, %get3A_1773, %gather3A_1551 : vector<16xf32>
    %jit3A_1775 = arith.constant 1 : i32
    %jit3A_1776 = arith.constant 0 : i32
    %broadcast_in_dim3A_1777 = vector.broadcast %jit3A_1775 : i32 to vector<16xi32>
    %broadcast_in_dim3A_1778 = vector.broadcast %jit3A_1776 : i32 to vector<16xi32>
    %select_n3A_1779 = arith.select %ge3A_1774, %broadcast_in_dim3A_1777, %broadcast_in_dim3A_1778 : vector<16xi1>, vector<16xi32>
    %broadcast_in_dim3A_1780 = arith.constant true
    %broadcast_in_dim3A_1781 = vector.broadcast %broadcast_in_dim3A_1780 : i1 to vector<16xi1>
    %masked_cumsum3A_1782 = tpu.scan <sum>, %select_n3A_1779 masked %broadcast_in_dim3A_1781 : vector<16xi32>, vector<16xi1> -> vector<16xi32>
    %add3A_1783 = arith.addi %add3A_1771, %masked_cumsum3A_1782 : vector<16xi32>
    %sub3A_1784 = arith.constant 1 : i32
    %sub3A_1785 = vector.broadcast %sub3A_1784 : i32 to vector<16xi32>
    %sub3A_1786 = arith.subi %add3A_1783, %sub3A_1785 : vector<16xi32>
    %add3A_1787 = arith.constant 176 : i32
    %add3A_1788 = vector.broadcast %add3A_1787 : i32 to vector<16xi32>
    %add3A_1789 = arith.addi %iota3A, %add3A_1788 : vector<16xi32>
    tpu.vector_store_idx %arg8[%sub3A_1786], %add3A_1789 masked %ge3A_1774 : memref<272xi32, #tpu.memory_space<vmem>>[vector<16xi32>], vector<16xi32>, vector<16xi1>
    %all_reduce_population_count3A_1790 = tpu.all_reduce %ge3A_1774 {dim = 0 : i64, kind = #tpu.reduction_kind<sum>} : vector<16xi1> -> vector<16xi32>
    %add3A_1791 = arith.addi %add3A_1771, %all_reduce_population_count3A_1790 : vector<16xi32>
    %get3A_1792 = arith.constant 192 : index
    %get3A_1793 = tpu.vector_load %arg7[%get3A_1792] {strides = array<i32>} : memref<272xf32, #tpu.memory_space<vmem>>, vector<16xf32>,
    %ge3A_1794 = arith.cmpf oge, %get3A_1793, %gather3A_1551 : vector<16xf32>
    %jit3A_1795 = arith.constant 1 : i32
    %jit3A_1796 = arith.constant 0 : i32
    %broadcast_in_dim3A_1797 = vector.broadcast %jit3A_1795 : i32 to vector<16xi32>
    %broadcast_in_dim3A_1798 = vector.broadcast %jit3A_1796 : i32 to vector<16xi32>
    %select_n3A_1799 = arith.select %ge3A_1794, %broadcast_in_dim3A_1797, %broadcast_in_dim3A_1798 : vector<16xi1>, vector<16xi32>
    %broadcast_in_dim3A_1800 = arith.constant true
    %broadcast_in_dim3A_1801 = vector.broadcast %broadcast_in_dim3A_1800 : i1 to vector<16xi1>
    %masked_cumsum3A_1802 = tpu.scan <sum>, %select_n3A_1799 masked %broadcast_in_dim3A_1801 : vector<16xi32>, vector<16xi1> -> vector<16xi32>
    %add3A_1803 = arith.addi %add3A_1791, %masked_cumsum3A_1802 : vector<16xi32>
    %sub3A_1804 = arith.constant 1 : i32
    %sub3A_1805 = vector.broadcast %sub3A_1804 : i32 to vector<16xi32>
    %sub3A_1806 = arith.subi %add3A_1803, %sub3A_1805 : vector<16xi32>
    %add3A_1807 = arith.constant 192 : i32
    %add3A_1808 = vector.broadcast %add3A_1807 : i32 to vector<16xi32>
    %add3A_1809 = arith.addi %iota3A, %add3A_1808 : vector<16xi32>
    tpu.vector_store_idx %arg8[%sub3A_1806], %add3A_1809 masked %ge3A_1794 : memref<272xi32, #tpu.memory_space<vmem>>[vector<16xi32>], vector<16xi32>, vector<16xi1>
    %all_reduce_population_count3A_1810 = tpu.all_reduce %ge3A_1794 {dim = 0 : i64, kind = #tpu.reduction_kind<sum>} : vector<16xi1> -> vector<16xi32>
    %add3A_1811 = arith.addi %add3A_1791, %all_reduce_population_count3A_1810 : vector<16xi32>
    %get3A_1812 = arith.constant 208 : index
    %get3A_1813 = tpu.vector_load %arg7[%get3A_1812] {strides = array<i32>} : memref<272xf32, #tpu.memory_space<vmem>>, vector<16xf32>,
    %ge3A_1814 = arith.cmpf oge, %get3A_1813, %gather3A_1551 : vector<16xf32>
    %jit3A_1815 = arith.constant 1 : i32
    %jit3A_1816 = arith.constant 0 : i32
    %broadcast_in_dim3A_1817 = vector.broadcast %jit3A_1815 : i32 to vector<16xi32>
    %broadcast_in_dim3A_1818 = vector.broadcast %jit3A_1816 : i32 to vector<16xi32>
    %select_n3A_1819 = arith.select %ge3A_1814, %broadcast_in_dim3A_1817, %broadcast_in_dim3A_1818 : vector<16xi1>, vector<16xi32>
    %broadcast_in_dim3A_1820 = arith.constant true
    %broadcast_in_dim3A_1821 = vector.broadcast %broadcast_in_dim3A_1820 : i1 to vector<16xi1>
    %masked_cumsum3A_1822 = tpu.scan <sum>, %select_n3A_1819 masked %broadcast_in_dim3A_1821 : vector<16xi32>, vector<16xi1> -> vector<16xi32>
    %add3A_1823 = arith.addi %add3A_1811, %masked_cumsum3A_1822 : vector<16xi32>
    %sub3A_1824 = arith.constant 1 : i32
    %sub3A_1825 = vector.broadcast %sub3A_1824 : i32 to vector<16xi32>
    %sub3A_1826 = arith.subi %add3A_1823, %sub3A_1825 : vector<16xi32>
    %add3A_1827 = arith.constant 208 : i32
    %add3A_1828 = vector.broadcast %add3A_1827 : i32 to vector<16xi32>
    %add3A_1829 = arith.addi %iota3A, %add3A_1828 : vector<16xi32>
    tpu.vector_store_idx %arg8[%sub3A_1826], %add3A_1829 masked %ge3A_1814 : memref<272xi32, #tpu.memory_space<vmem>>[vector<16xi32>], vector<16xi32>, vector<16xi1>
    %all_reduce_population_count3A_1830 = tpu.all_reduce %ge3A_1814 {dim = 0 : i64, kind = #tpu.reduction_kind<sum>} : vector<16xi1> -> vector<16xi32>
    %add3A_1831 = arith.addi %add3A_1811, %all_reduce_population_count3A_1830 : vector<16xi32>
    %get3A_1832 = arith.constant 224 : index
    %get3A_1833 = tpu.vector_load %arg7[%get3A_1832] {strides = array<i32>} : memref<272xf32, #tpu.memory_space<vmem>>, vector<16xf32>,
    %ge3A_1834 = arith.cmpf oge, %get3A_1833, %gather3A_1551 : vector<16xf32>
    %jit3A_1835 = arith.constant 1 : i32
    %jit3A_1836 = arith.constant 0 : i32
    %broadcast_in_dim3A_1837 = vector.broadcast %jit3A_1835 : i32 to vector<16xi32>
    %broadcast_in_dim3A_1838 = vector.broadcast %jit3A_1836 : i32 to vector<16xi32>
    %select_n3A_1839 = arith.select %ge3A_1834, %broadcast_in_dim3A_1837, %broadcast_in_dim3A_1838 : vector<16xi1>, vector<16xi32>
    %broadcast_in_dim3A_1840 = arith.constant true
    %broadcast_in_dim3A_1841 = vector.broadcast %broadcast_in_dim3A_1840 : i1 to vector<16xi1>
    %masked_cumsum3A_1842 = tpu.scan <sum>, %select_n3A_1839 masked %broadcast_in_dim3A_1841 : vector<16xi32>, vector<16xi1> -> vector<16xi32>
    %add3A_1843 = arith.addi %add3A_1831, %masked_cumsum3A_1842 : vector<16xi32>
    %sub3A_1844 = arith.constant 1 : i32
    %sub3A_1845 = vector.broadcast %sub3A_1844 : i32 to vector<16xi32>
    %sub3A_1846 = arith.subi %add3A_1843, %sub3A_1845 : vector<16xi32>
    %add3A_1847 = arith.constant 224 : i32
    %add3A_1848 = vector.broadcast %add3A_1847 : i32 to vector<16xi32>
    %add3A_1849 = arith.addi %iota3A, %add3A_1848 : vector<16xi32>
    tpu.vector_store_idx %arg8[%sub3A_1846], %add3A_1849 masked %ge3A_1834 : memref<272xi32, #tpu.memory_space<vmem>>[vector<16xi32>], vector<16xi32>, vector<16xi1>
    %all_reduce_population_count3A_1850 = tpu.all_reduce %ge3A_1834 {dim = 0 : i64, kind = #tpu.reduction_kind<sum>} : vector<16xi1> -> vector<16xi32>
    %add3A_1851 = arith.addi %add3A_1831, %all_reduce_population_count3A_1850 : vector<16xi32>
    %get3A_1852 = arith.constant 240 : index
    %get3A_1853 = tpu.vector_load %arg7[%get3A_1852] {strides = array<i32>} : memref<272xf32, #tpu.memory_space<vmem>>, vector<16xf32>,
    %ge3A_1854 = arith.cmpf oge, %get3A_1853, %gather3A_1551 : vector<16xf32>
    %jit3A_1855 = arith.constant 1 : i32
    %jit3A_1856 = arith.constant 0 : i32
    %broadcast_in_dim3A_1857 = vector.broadcast %jit3A_1855 : i32 to vector<16xi32>
    %broadcast_in_dim3A_1858 = vector.broadcast %jit3A_1856 : i32 to vector<16xi32>
    %select_n3A_1859 = arith.select %ge3A_1854, %broadcast_in_dim3A_1857, %broadcast_in_dim3A_1858 : vector<16xi1>, vector<16xi32>
    %broadcast_in_dim3A_1860 = arith.constant true
    %broadcast_in_dim3A_1861 = vector.broadcast %broadcast_in_dim3A_1860 : i1 to vector<16xi1>
    %masked_cumsum3A_1862 = tpu.scan <sum>, %select_n3A_1859 masked %broadcast_in_dim3A_1861 : vector<16xi32>, vector<16xi1> -> vector<16xi32>
    %add3A_1863 = arith.addi %add3A_1851, %masked_cumsum3A_1862 : vector<16xi32>
    %sub3A_1864 = arith.constant 1 : i32
    %sub3A_1865 = vector.broadcast %sub3A_1864 : i32 to vector<16xi32>
    %sub3A_1866 = arith.subi %add3A_1863, %sub3A_1865 : vector<16xi32>
    %add3A_1867 = arith.constant 240 : i32
    %add3A_1868 = vector.broadcast %add3A_1867 : i32 to vector<16xi32>
    %add3A_1869 = arith.addi %iota3A, %add3A_1868 : vector<16xi32>
    tpu.vector_store_idx %arg8[%sub3A_1866], %add3A_1869 masked %ge3A_1854 : memref<272xi32, #tpu.memory_space<vmem>>[vector<16xi32>], vector<16xi32>, vector<16xi1>
    %all_reduce_population_count3A_1870 = tpu.all_reduce %ge3A_1854 {dim = 0 : i64, kind = #tpu.reduction_kind<sum>} : vector<16xi1> -> vector<16xi32>
    %add3A_1871 = arith.addi %add3A_1851, %all_reduce_population_count3A_1870 : vector<16xi32>
    %reduce_max3A_1872 = arith.constant true
    %reduce_max3A_1873 = vector.broadcast %reduce_max3A_1872 : i1 to vector<16xi1>
    %reduce_max3A_1874 = arith.constant -2147483648 : i32
    %reduce_max3A_1875 = vector.broadcast %reduce_max3A_1874 : i32 to vector<16xi32>
    %reduce_max3A_1876 = arith.xori %add3A_1871, %reduce_max3A_1875 : vector<16xi32>
    %reduce_max3A_1877 = tpu.scan <max>, %reduce_max3A_1876 masked %reduce_max3A_1873 : vector<16xi32>, vector<16xi1> -> vector<16xi32>
    %reduce_max3A_1878 = arith.xori %reduce_max3A_1877, %reduce_max3A_1875 : vector<16xi32>
    %reduce_max3A_1879 = vector.extract %reduce_max3A_1878[15] : i32 from vector<16xi32>
    %get3A_1880 = arith.constant 0 : index
    %get3A_1881 = tpu.vector_load %arg8[%get3A_1880] {strides = array<i32>} : memref<272xi32, #tpu.memory_space<vmem>>, vector<16xi32>,
    %slice3A_1882 = vector.extract_strided_slice %get3A_1881 {offsets = [0], sizes = [1], strides = [1]} : vector<16xi32> to vector<1xi32>
    %squeeze3A_1883 = vector.extract %slice3A_1882[0] : i32 from vector<1xi32>
    %mul3A_1884 = arith.constant 128 : i32
    %mul3A_1885 = arith.muli %squeeze3A_1883, %mul3A_1884 : i32
    %while3A_1886 = arith.constant 0 : i32
    %while3A_1887 = arith.subi %reduce_max3A_1879, %while3A_1886 : i32
    %while3A_1888 = arith.addi %while3A_1886, %while3A_1887 : i32
    %while3A_1889 = arith.constant 1 : i32
    %while3A_1890 = arith.divsi %while3A_1887, %while3A_1889 : i32
    %while3A_1891 = arith.muli %while3A_1890, %while3A_1889 : i32
    %while3A_1892 = arith.addi %while3A_1886, %while3A_1891 : i32
    %while3A_1893 = arith.constant 1 : i32
    %while3A_1894:2 = scf.for %while3A_2041 = %while3A_1886 to %while3A_1892 step %while3A_1893 iter_args(%while3A_2042 = %broadcast_in_dim3A_5, %while3A_2043 = %mul3A_1885) -> (vector<16xi32>, i32)  : i32 {
      %add3A_2044 = arith.constant 1 : i32
      %add3A_2045 = arith.addi %while3A_2041, %add3A_2044 : i32
      %get3A_2046 = arith.index_cast %add3A_2045 : i32 to index
      %get3A_2047 = tpu.vector_load %arg8[%get3A_2046] {strides = array<i32>} : memref<272xi32, #tpu.memory_space<vmem>>, vector<16xi32>,
      %slice3A_2048 = vector.extract_strided_slice %get3A_2047 {offsets = [0], sizes = [1], strides = [1]} : vector<16xi32> to vector<1xi32>
      %squeeze3A_2049 = vector.extract %slice3A_2048[0] : i32 from vector<1xi32>
      %mul3A_2050 = arith.constant 128 : i32
      %mul3A_2051 = arith.muli %squeeze3A_2049, %mul3A_2050 : i32
      %add3A_2052 = arith.constant 0 : i32
      %add3A_2053 = arith.addi %while3A_2043, %add3A_2052 : i32
      %get3A_2054 = arith.index_cast %add3A_2053 : i32 to index
      %get3A_2055 = tpu.vector_load %arg5[%get3A_2054] {strides = array<i32>} : memref<32768xf32, #tpu.memory_space<vmem>>, vector<16xf32>,
      %ge3A_2056 = arith.cmpf oge, %get3A_2055, %gather3A_1551 : vector<16xf32>
      %jit3A_2057 = arith.constant 1 : i32
      %jit3A_2058 = arith.constant 0 : i32
      %broadcast_in_dim3A_2059 = vector.broadcast %jit3A_2057 : i32 to vector<16xi32>
      %broadcast_in_dim3A_2060 = vector.broadcast %jit3A_2058 : i32 to vector<16xi32>
      %select_n3A_2061 = arith.select %ge3A_2056, %broadcast_in_dim3A_2059, %broadcast_in_dim3A_2060 : vector<16xi1>, vector<16xi32>
      %broadcast_in_dim3A_2062 = arith.constant true
      %broadcast_in_dim3A_2063 = vector.broadcast %broadcast_in_dim3A_2062 : i1 to vector<16xi1>
      %masked_cumsum3A_2064 = tpu.scan <sum>, %select_n3A_2061 masked %broadcast_in_dim3A_2063 : vector<16xi32>, vector<16xi1> -> vector<16xi32>
      %add3A_2065 = arith.addi %while3A_2042, %masked_cumsum3A_2064 : vector<16xi32>
      %sub3A_2066 = arith.constant 1 : i32
      %sub3A_2067 = vector.broadcast %sub3A_2066 : i32 to vector<16xi32>
      %sub3A_2068 = arith.subi %add3A_2065, %sub3A_2067 : vector<16xi32>
      tpu.vector_store_idx %arg6[%sub3A_2068], %get3A_2055 masked %ge3A_2056 : memref<32784xf32, #tpu.memory_space<vmem>>[vector<16xi32>], vector<16xf32>, vector<16xi1>
      %all_reduce_population_count3A_2069 = tpu.all_reduce %ge3A_2056 {dim = 0 : i64, kind = #tpu.reduction_kind<sum>} : vector<16xi1> -> vector<16xi32>
      %add3A_2070 = arith.addi %while3A_2042, %all_reduce_population_count3A_2069 : vector<16xi32>
      %add3A_2071 = arith.constant 16 : i32
      %add3A_2072 = arith.addi %while3A_2043, %add3A_2071 : i32
      %get3A_2073 = arith.index_cast %add3A_2072 : i32 to index
      %get3A_2074 = tpu.vector_load %arg5[%get3A_2073] {strides = array<i32>} : memref<32768xf32, #tpu.memory_space<vmem>>, vector<16xf32>,
      %ge3A_2075 = arith.cmpf oge, %get3A_2074, %gather3A_1551 : vector<16xf32>
      %jit3A_2076 = arith.constant 1 : i32
      %jit3A_2077 = arith.constant 0 : i32
      %broadcast_in_dim3A_2078 = vector.broadcast %jit3A_2076 : i32 to vector<16xi32>
      %broadcast_in_dim3A_2079 = vector.broadcast %jit3A_2077 : i32 to vector<16xi32>
      %select_n3A_2080 = arith.select %ge3A_2075, %broadcast_in_dim3A_2078, %broadcast_in_dim3A_2079 : vector<16xi1>, vector<16xi32>
      %broadcast_in_dim3A_2081 = arith.constant true
      %broadcast_in_dim3A_2082 = vector.broadcast %broadcast_in_dim3A_2081 : i1 to vector<16xi1>
      %masked_cumsum3A_2083 = tpu.scan <sum>, %select_n3A_2080 masked %broadcast_in_dim3A_2082 : vector<16xi32>, vector<16xi1> -> vector<16xi32>
      %add3A_2084 = arith.addi %add3A_2070, %masked_cumsum3A_2083 : vector<16xi32>
      %sub3A_2085 = arith.constant 1 : i32
      %sub3A_2086 = vector.broadcast %sub3A_2085 : i32 to vector<16xi32>
      %sub3A_2087 = arith.subi %add3A_2084, %sub3A_2086 : vector<16xi32>
      tpu.vector_store_idx %arg6[%sub3A_2087], %get3A_2074 masked %ge3A_2075 : memref<32784xf32, #tpu.memory_space<vmem>>[vector<16xi32>], vector<16xf32>, vector<16xi1>
      %all_reduce_population_count3A_2088 = tpu.all_reduce %ge3A_2075 {dim = 0 : i64, kind = #tpu.reduction_kind<sum>} : vector<16xi1> -> vector<16xi32>
      %add3A_2089 = arith.addi %add3A_2070, %all_reduce_population_count3A_2088 : vector<16xi32>
      %add3A_2090 = arith.constant 32 : i32
      %add3A_2091 = arith.addi %while3A_2043, %add3A_2090 : i32
      %get3A_2092 = arith.index_cast %add3A_2091 : i32 to index
      %get3A_2093 = tpu.vector_load %arg5[%get3A_2092] {strides = array<i32>} : memref<32768xf32, #tpu.memory_space<vmem>>, vector<16xf32>,
      %ge3A_2094 = arith.cmpf oge, %get3A_2093, %gather3A_1551 : vector<16xf32>
      %jit3A_2095 = arith.constant 1 : i32
      %jit3A_2096 = arith.constant 0 : i32
      %broadcast_in_dim3A_2097 = vector.broadcast %jit3A_2095 : i32 to vector<16xi32>
      %broadcast_in_dim3A_2098 = vector.broadcast %jit3A_2096 : i32 to vector<16xi32>
      %select_n3A_2099 = arith.select %ge3A_2094, %broadcast_in_dim3A_2097, %broadcast_in_dim3A_2098 : vector<16xi1>, vector<16xi32>
      %broadcast_in_dim3A_2100 = arith.constant true
      %broadcast_in_dim3A_2101 = vector.broadcast %broadcast_in_dim3A_2100 : i1 to vector<16xi1>
      %masked_cumsum3A_2102 = tpu.scan <sum>, %select_n3A_2099 masked %broadcast_in_dim3A_2101 : vector<16xi32>, vector<16xi1> -> vector<16xi32>
      %add3A_2103 = arith.addi %add3A_2089, %masked_cumsum3A_2102 : vector<16xi32>
      %sub3A_2104 = arith.constant 1 : i32
      %sub3A_2105 = vector.broadcast %sub3A_2104 : i32 to vector<16xi32>
      %sub3A_2106 = arith.subi %add3A_2103, %sub3A_2105 : vector<16xi32>
      tpu.vector_store_idx %arg6[%sub3A_2106], %get3A_2093 masked %ge3A_2094 : memref<32784xf32, #tpu.memory_space<vmem>>[vector<16xi32>], vector<16xf32>, vector<16xi1>
      %all_reduce_population_count3A_2107 = tpu.all_reduce %ge3A_2094 {dim = 0 : i64, kind = #tpu.reduction_kind<sum>} : vector<16xi1> -> vector<16xi32>
      %add3A_2108 = arith.addi %add3A_2089, %all_reduce_population_count3A_2107 : vector<16xi32>
      %add3A_2109 = arith.constant 48 : i32
      %add3A_2110 = arith.addi %while3A_2043, %add3A_2109 : i32
      %get3A_2111 = arith.index_cast %add3A_2110 : i32 to index
      %get3A_2112 = tpu.vector_load %arg5[%get3A_2111] {strides = array<i32>} : memref<32768xf32, #tpu.memory_space<vmem>>, vector<16xf32>,
      %ge3A_2113 = arith.cmpf oge, %get3A_2112, %gather3A_1551 : vector<16xf32>
      %jit3A_2114 = arith.constant 1 : i32
      %jit3A_2115 = arith.constant 0 : i32
      %broadcast_in_dim3A_2116 = vector.broadcast %jit3A_2114 : i32 to vector<16xi32>
      %broadcast_in_dim3A_2117 = vector.broadcast %jit3A_2115 : i32 to vector<16xi32>
      %select_n3A_2118 = arith.select %ge3A_2113, %broadcast_in_dim3A_2116, %broadcast_in_dim3A_2117 : vector<16xi1>, vector<16xi32>
      %broadcast_in_dim3A_2119 = arith.constant true
      %broadcast_in_dim3A_2120 = vector.broadcast %broadcast_in_dim3A_2119 : i1 to vector<16xi1>
      %masked_cumsum3A_2121 = tpu.scan <sum>, %select_n3A_2118 masked %broadcast_in_dim3A_2120 : vector<16xi32>, vector<16xi1> -> vector<16xi32>
      %add3A_2122 = arith.addi %add3A_2108, %masked_cumsum3A_2121 : vector<16xi32>
      %sub3A_2123 = arith.constant 1 : i32
      %sub3A_2124 = vector.broadcast %sub3A_2123 : i32 to vector<16xi32>
      %sub3A_2125 = arith.subi %add3A_2122, %sub3A_2124 : vector<16xi32>
      tpu.vector_store_idx %arg6[%sub3A_2125], %get3A_2112 masked %ge3A_2113 : memref<32784xf32, #tpu.memory_space<vmem>>[vector<16xi32>], vector<16xf32>, vector<16xi1>
      %all_reduce_population_count3A_2126 = tpu.all_reduce %ge3A_2113 {dim = 0 : i64, kind = #tpu.reduction_kind<sum>} : vector<16xi1> -> vector<16xi32>
      %add3A_2127 = arith.addi %add3A_2108, %all_reduce_population_count3A_2126 : vector<16xi32>
      %add3A_2128 = arith.constant 64 : i32
      %add3A_2129 = arith.addi %while3A_2043, %add3A_2128 : i32
      %get3A_2130 = arith.index_cast %add3A_2129 : i32 to index
      %get3A_2131 = tpu.vector_load %arg5[%get3A_2130] {strides = array<i32>} : memref<32768xf32, #tpu.memory_space<vmem>>, vector<16xf32>,
      %ge3A_2132 = arith.cmpf oge, %get3A_2131, %gather3A_1551 : vector<16xf32>
      %jit3A_2133 = arith.constant 1 : i32
      %jit3A_2134 = arith.constant 0 : i32
      %broadcast_in_dim3A_2135 = vector.broadcast %jit3A_2133 : i32 to vector<16xi32>
      %broadcast_in_dim3A_2136 = vector.broadcast %jit3A_2134 : i32 to vector<16xi32>
      %select_n3A_2137 = arith.select %ge3A_2132, %broadcast_in_dim3A_2135, %broadcast_in_dim3A_2136 : vector<16xi1>, vector<16xi32>
      %broadcast_in_dim3A_2138 = arith.constant true
      %broadcast_in_dim3A_2139 = vector.broadcast %broadcast_in_dim3A_2138 : i1 to vector<16xi1>
      %masked_cumsum3A_2140 = tpu.scan <sum>, %select_n3A_2137 masked %broadcast_in_dim3A_2139 : vector<16xi32>, vector<16xi1> -> vector<16xi32>
      %add3A_2141 = arith.addi %add3A_2127, %masked_cumsum3A_2140 : vector<16xi32>
      %sub3A_2142 = arith.constant 1 : i32
      %sub3A_2143 = vector.broadcast %sub3A_2142 : i32 to vector<16xi32>
      %sub3A_2144 = arith.subi %add3A_2141, %sub3A_2143 : vector<16xi32>
      tpu.vector_store_idx %arg6[%sub3A_2144], %get3A_2131 masked %ge3A_2132 : memref<32784xf32, #tpu.memory_space<vmem>>[vector<16xi32>], vector<16xf32>, vector<16xi1>
      %all_reduce_population_count3A_2145 = tpu.all_reduce %ge3A_2132 {dim = 0 : i64, kind = #tpu.reduction_kind<sum>} : vector<16xi1> -> vector<16xi32>
      %add3A_2146 = arith.addi %add3A_2127, %all_reduce_population_count3A_2145 : vector<16xi32>
      %add3A_2147 = arith.constant 80 : i32
      %add3A_2148 = arith.addi %while3A_2043, %add3A_2147 : i32
      %get3A_2149 = arith.index_cast %add3A_2148 : i32 to index
      %get3A_2150 = tpu.vector_load %arg5[%get3A_2149] {strides = array<i32>} : memref<32768xf32, #tpu.memory_space<vmem>>, vector<16xf32>,
      %ge3A_2151 = arith.cmpf oge, %get3A_2150, %gather3A_1551 : vector<16xf32>
      %jit3A_2152 = arith.constant 1 : i32
      %jit3A_2153 = arith.constant 0 : i32
      %broadcast_in_dim3A_2154 = vector.broadcast %jit3A_2152 : i32 to vector<16xi32>
      %broadcast_in_dim3A_2155 = vector.broadcast %jit3A_2153 : i32 to vector<16xi32>
      %select_n3A_2156 = arith.select %ge3A_2151, %broadcast_in_dim3A_2154, %broadcast_in_dim3A_2155 : vector<16xi1>, vector<16xi32>
      %broadcast_in_dim3A_2157 = arith.constant true
      %broadcast_in_dim3A_2158 = vector.broadcast %broadcast_in_dim3A_2157 : i1 to vector<16xi1>
      %masked_cumsum3A_2159 = tpu.scan <sum>, %select_n3A_2156 masked %broadcast_in_dim3A_2158 : vector<16xi32>, vector<16xi1> -> vector<16xi32>
      %add3A_2160 = arith.addi %add3A_2146, %masked_cumsum3A_2159 : vector<16xi32>
      %sub3A_2161 = arith.constant 1 : i32
      %sub3A_2162 = vector.broadcast %sub3A_2161 : i32 to vector<16xi32>
      %sub3A_2163 = arith.subi %add3A_2160, %sub3A_2162 : vector<16xi32>
      tpu.vector_store_idx %arg6[%sub3A_2163], %get3A_2150 masked %ge3A_2151 : memref<32784xf32, #tpu.memory_space<vmem>>[vector<16xi32>], vector<16xf32>, vector<16xi1>
      %all_reduce_population_count3A_2164 = tpu.all_reduce %ge3A_2151 {dim = 0 : i64, kind = #tpu.reduction_kind<sum>} : vector<16xi1> -> vector<16xi32>
      %add3A_2165 = arith.addi %add3A_2146, %all_reduce_population_count3A_2164 : vector<16xi32>
      %add3A_2166 = arith.constant 96 : i32
      %add3A_2167 = arith.addi %while3A_2043, %add3A_2166 : i32
      %get3A_2168 = arith.index_cast %add3A_2167 : i32 to index
      %get3A_2169 = tpu.vector_load %arg5[%get3A_2168] {strides = array<i32>} : memref<32768xf32, #tpu.memory_space<vmem>>, vector<16xf32>,
      %ge3A_2170 = arith.cmpf oge, %get3A_2169, %gather3A_1551 : vector<16xf32>
      %jit3A_2171 = arith.constant 1 : i32
      %jit3A_2172 = arith.constant 0 : i32
      %broadcast_in_dim3A_2173 = vector.broadcast %jit3A_2171 : i32 to vector<16xi32>
      %broadcast_in_dim3A_2174 = vector.broadcast %jit3A_2172 : i32 to vector<16xi32>
      %select_n3A_2175 = arith.select %ge3A_2170, %broadcast_in_dim3A_2173, %broadcast_in_dim3A_2174 : vector<16xi1>, vector<16xi32>
      %broadcast_in_dim3A_2176 = arith.constant true
      %broadcast_in_dim3A_2177 = vector.broadcast %broadcast_in_dim3A_2176 : i1 to vector<16xi1>
      %masked_cumsum3A_2178 = tpu.scan <sum>, %select_n3A_2175 masked %broadcast_in_dim3A_2177 : vector<16xi32>, vector<16xi1> -> vector<16xi32>
      %add3A_2179 = arith.addi %add3A_2165, %masked_cumsum3A_2178 : vector<16xi32>
      %sub3A_2180 = arith.constant 1 : i32
      %sub3A_2181 = vector.broadcast %sub3A_2180 : i32 to vector<16xi32>
      %sub3A_2182 = arith.subi %add3A_2179, %sub3A_2181 : vector<16xi32>
      tpu.vector_store_idx %arg6[%sub3A_2182], %get3A_2169 masked %ge3A_2170 : memref<32784xf32, #tpu.memory_space<vmem>>[vector<16xi32>], vector<16xf32>, vector<16xi1>
      %all_reduce_population_count3A_2183 = tpu.all_reduce %ge3A_2170 {dim = 0 : i64, kind = #tpu.reduction_kind<sum>} : vector<16xi1> -> vector<16xi32>
      %add3A_2184 = arith.addi %add3A_2165, %all_reduce_population_count3A_2183 : vector<16xi32>
      %add3A_2185 = arith.constant 112 : i32
      %add3A_2186 = arith.addi %while3A_2043, %add3A_2185 : i32
      %get3A_2187 = arith.index_cast %add3A_2186 : i32 to index
      %get3A_2188 = tpu.vector_load %arg5[%get3A_2187] {strides = array<i32>} : memref<32768xf32, #tpu.memory_space<vmem>>, vector<16xf32>,
      %ge3A_2189 = arith.cmpf oge, %get3A_2188, %gather3A_1551 : vector<16xf32>
      %jit3A_2190 = arith.constant 1 : i32
      %jit3A_2191 = arith.constant 0 : i32
      %broadcast_in_dim3A_2192 = vector.broadcast %jit3A_2190 : i32 to vector<16xi32>
      %broadcast_in_dim3A_2193 = vector.broadcast %jit3A_2191 : i32 to vector<16xi32>
      %select_n3A_2194 = arith.select %ge3A_2189, %broadcast_in_dim3A_2192, %broadcast_in_dim3A_2193 : vector<16xi1>, vector<16xi32>
      %broadcast_in_dim3A_2195 = arith.constant true
      %broadcast_in_dim3A_2196 = vector.broadcast %broadcast_in_dim3A_2195 : i1 to vector<16xi1>
      %masked_cumsum3A_2197 = tpu.scan <sum>, %select_n3A_2194 masked %broadcast_in_dim3A_2196 : vector<16xi32>, vector<16xi1> -> vector<16xi32>
      %add3A_2198 = arith.addi %add3A_2184, %masked_cumsum3A_2197 : vector<16xi32>
      %sub3A_2199 = arith.constant 1 : i32
      %sub3A_2200 = vector.broadcast %sub3A_2199 : i32 to vector<16xi32>
      %sub3A_2201 = arith.subi %add3A_2198, %sub3A_2200 : vector<16xi32>
      tpu.vector_store_idx %arg6[%sub3A_2201], %get3A_2188 masked %ge3A_2189 : memref<32784xf32, #tpu.memory_space<vmem>>[vector<16xi32>], vector<16xf32>, vector<16xi1>
      %all_reduce_population_count3A_2202 = tpu.all_reduce %ge3A_2189 {dim = 0 : i64, kind = #tpu.reduction_kind<sum>} : vector<16xi1> -> vector<16xi32>
      %add3A_2203 = arith.addi %add3A_2184, %all_reduce_population_count3A_2202 : vector<16xi32>
      scf.yield %add3A_2203, %mul3A_2051 : vector<16xi32>, i32
    }
    %while3A_1895 = arith.constant 1 : i32
    %while3A_1896:2 = scf.for %while3A_2041 = %while3A_1892 to %while3A_1888 step %while3A_1895 iter_args(%while3A_2042 = %while3A_1894#0, %while3A_2043 = %while3A_1894#1) -> (vector<16xi32>, i32)  : i32 {
      %add3A_2044 = arith.constant 1 : i32
      %add3A_2045 = arith.addi %while3A_2041, %add3A_2044 : i32
      %get3A_2046 = arith.index_cast %add3A_2045 : i32 to index
      %get3A_2047 = tpu.vector_load %arg8[%get3A_2046] {strides = array<i32>} : memref<272xi32, #tpu.memory_space<vmem>>, vector<16xi32>,
      %slice3A_2048 = vector.extract_strided_slice %get3A_2047 {offsets = [0], sizes = [1], strides = [1]} : vector<16xi32> to vector<1xi32>
      %squeeze3A_2049 = vector.extract %slice3A_2048[0] : i32 from vector<1xi32>
      %mul3A_2050 = arith.constant 128 : i32
      %mul3A_2051 = arith.muli %squeeze3A_2049, %mul3A_2050 : i32
      %add3A_2052 = arith.constant 0 : i32
      %add3A_2053 = arith.addi %while3A_2043, %add3A_2052 : i32
      %get3A_2054 = arith.index_cast %add3A_2053 : i32 to index
      %get3A_2055 = tpu.vector_load %arg5[%get3A_2054] {strides = array<i32>} : memref<32768xf32, #tpu.memory_space<vmem>>, vector<16xf32>,
      %ge3A_2056 = arith.cmpf oge, %get3A_2055, %gather3A_1551 : vector<16xf32>
      %jit3A_2057 = arith.constant 1 : i32
      %jit3A_2058 = arith.constant 0 : i32
      %broadcast_in_dim3A_2059 = vector.broadcast %jit3A_2057 : i32 to vector<16xi32>
      %broadcast_in_dim3A_2060 = vector.broadcast %jit3A_2058 : i32 to vector<16xi32>
      %select_n3A_2061 = arith.select %ge3A_2056, %broadcast_in_dim3A_2059, %broadcast_in_dim3A_2060 : vector<16xi1>, vector<16xi32>
      %broadcast_in_dim3A_2062 = arith.constant true
      %broadcast_in_dim3A_2063 = vector.broadcast %broadcast_in_dim3A_2062 : i1 to vector<16xi1>
      %masked_cumsum3A_2064 = tpu.scan <sum>, %select_n3A_2061 masked %broadcast_in_dim3A_2063 : vector<16xi32>, vector<16xi1> -> vector<16xi32>
      %add3A_2065 = arith.addi %while3A_2042, %masked_cumsum3A_2064 : vector<16xi32>
      %sub3A_2066 = arith.constant 1 : i32
      %sub3A_2067 = vector.broadcast %sub3A_2066 : i32 to vector<16xi32>
      %sub3A_2068 = arith.subi %add3A_2065, %sub3A_2067 : vector<16xi32>
      tpu.vector_store_idx %arg6[%sub3A_2068], %get3A_2055 masked %ge3A_2056 : memref<32784xf32, #tpu.memory_space<vmem>>[vector<16xi32>], vector<16xf32>, vector<16xi1>
      %all_reduce_population_count3A_2069 = tpu.all_reduce %ge3A_2056 {dim = 0 : i64, kind = #tpu.reduction_kind<sum>} : vector<16xi1> -> vector<16xi32>
      %add3A_2070 = arith.addi %while3A_2042, %all_reduce_population_count3A_2069 : vector<16xi32>
      %add3A_2071 = arith.constant 16 : i32
      %add3A_2072 = arith.addi %while3A_2043, %add3A_2071 : i32
      %get3A_2073 = arith.index_cast %add3A_2072 : i32 to index
      %get3A_2074 = tpu.vector_load %arg5[%get3A_2073] {strides = array<i32>} : memref<32768xf32, #tpu.memory_space<vmem>>, vector<16xf32>,
      %ge3A_2075 = arith.cmpf oge, %get3A_2074, %gather3A_1551 : vector<16xf32>
      %jit3A_2076 = arith.constant 1 : i32
      %jit3A_2077 = arith.constant 0 : i32
      %broadcast_in_dim3A_2078 = vector.broadcast %jit3A_2076 : i32 to vector<16xi32>
      %broadcast_in_dim3A_2079 = vector.broadcast %jit3A_2077 : i32 to vector<16xi32>
      %select_n3A_2080 = arith.select %ge3A_2075, %broadcast_in_dim3A_2078, %broadcast_in_dim3A_2079 : vector<16xi1>, vector<16xi32>
      %broadcast_in_dim3A_2081 = arith.constant true
      %broadcast_in_dim3A_2082 = vector.broadcast %broadcast_in_dim3A_2081 : i1 to vector<16xi1>
      %masked_cumsum3A_2083 = tpu.scan <sum>, %select_n3A_2080 masked %broadcast_in_dim3A_2082 : vector<16xi32>, vector<16xi1> -> vector<16xi32>
      %add3A_2084 = arith.addi %add3A_2070, %masked_cumsum3A_2083 : vector<16xi32>
      %sub3A_2085 = arith.constant 1 : i32
      %sub3A_2086 = vector.broadcast %sub3A_2085 : i32 to vector<16xi32>
      %sub3A_2087 = arith.subi %add3A_2084, %sub3A_2086 : vector<16xi32>
      tpu.vector_store_idx %arg6[%sub3A_2087], %get3A_2074 masked %ge3A_2075 : memref<32784xf32, #tpu.memory_space<vmem>>[vector<16xi32>], vector<16xf32>, vector<16xi1>
      %all_reduce_population_count3A_2088 = tpu.all_reduce %ge3A_2075 {dim = 0 : i64, kind = #tpu.reduction_kind<sum>} : vector<16xi1> -> vector<16xi32>
      %add3A_2089 = arith.addi %add3A_2070, %all_reduce_population_count3A_2088 : vector<16xi32>
      %add3A_2090 = arith.constant 32 : i32
      %add3A_2091 = arith.addi %while3A_2043, %add3A_2090 : i32
      %get3A_2092 = arith.index_cast %add3A_2091 : i32 to index
      %get3A_2093 = tpu.vector_load %arg5[%get3A_2092] {strides = array<i32>} : memref<32768xf32, #tpu.memory_space<vmem>>, vector<16xf32>,
      %ge3A_2094 = arith.cmpf oge, %get3A_2093, %gather3A_1551 : vector<16xf32>
      %jit3A_2095 = arith.constant 1 : i32
      %jit3A_2096 = arith.constant 0 : i32
      %broadcast_in_dim3A_2097 = vector.broadcast %jit3A_2095 : i32 to vector<16xi32>
      %broadcast_in_dim3A_2098 = vector.broadcast %jit3A_2096 : i32 to vector<16xi32>
      %select_n3A_2099 = arith.select %ge3A_2094, %broadcast_in_dim3A_2097, %broadcast_in_dim3A_2098 : vector<16xi1>, vector<16xi32>
      %broadcast_in_dim3A_2100 = arith.constant true
      %broadcast_in_dim3A_2101 = vector.broadcast %broadcast_in_dim3A_2100 : i1 to vector<16xi1>
      %masked_cumsum3A_2102 = tpu.scan <sum>, %select_n3A_2099 masked %broadcast_in_dim3A_2101 : vector<16xi32>, vector<16xi1> -> vector<16xi32>
      %add3A_2103 = arith.addi %add3A_2089, %masked_cumsum3A_2102 : vector<16xi32>
      %sub3A_2104 = arith.constant 1 : i32
      %sub3A_2105 = vector.broadcast %sub3A_2104 : i32 to vector<16xi32>
      %sub3A_2106 = arith.subi %add3A_2103, %sub3A_2105 : vector<16xi32>
      tpu.vector_store_idx %arg6[%sub3A_2106], %get3A_2093 masked %ge3A_2094 : memref<32784xf32, #tpu.memory_space<vmem>>[vector<16xi32>], vector<16xf32>, vector<16xi1>
      %all_reduce_population_count3A_2107 = tpu.all_reduce %ge3A_2094 {dim = 0 : i64, kind = #tpu.reduction_kind<sum>} : vector<16xi1> -> vector<16xi32>
      %add3A_2108 = arith.addi %add3A_2089, %all_reduce_population_count3A_2107 : vector<16xi32>
      %add3A_2109 = arith.constant 48 : i32
      %add3A_2110 = arith.addi %while3A_2043, %add3A_2109 : i32
      %get3A_2111 = arith.index_cast %add3A_2110 : i32 to index
      %get3A_2112 = tpu.vector_load %arg5[%get3A_2111] {strides = array<i32>} : memref<32768xf32, #tpu.memory_space<vmem>>, vector<16xf32>,
      %ge3A_2113 = arith.cmpf oge, %get3A_2112, %gather3A_1551 : vector<16xf32>
      %jit3A_2114 = arith.constant 1 : i32
      %jit3A_2115 = arith.constant 0 : i32
      %broadcast_in_dim3A_2116 = vector.broadcast %jit3A_2114 : i32 to vector<16xi32>
      %broadcast_in_dim3A_2117 = vector.broadcast %jit3A_2115 : i32 to vector<16xi32>
      %select_n3A_2118 = arith.select %ge3A_2113, %broadcast_in_dim3A_2116, %broadcast_in_dim3A_2117 : vector<16xi1>, vector<16xi32>
      %broadcast_in_dim3A_2119 = arith.constant true
      %broadcast_in_dim3A_2120 = vector.broadcast %broadcast_in_dim3A_2119 : i1 to vector<16xi1>
      %masked_cumsum3A_2121 = tpu.scan <sum>, %select_n3A_2118 masked %broadcast_in_dim3A_2120 : vector<16xi32>, vector<16xi1> -> vector<16xi32>
      %add3A_2122 = arith.addi %add3A_2108, %masked_cumsum3A_2121 : vector<16xi32>
      %sub3A_2123 = arith.constant 1 : i32
      %sub3A_2124 = vector.broadcast %sub3A_2123 : i32 to vector<16xi32>
      %sub3A_2125 = arith.subi %add3A_2122, %sub3A_2124 : vector<16xi32>
      tpu.vector_store_idx %arg6[%sub3A_2125], %get3A_2112 masked %ge3A_2113 : memref<32784xf32, #tpu.memory_space<vmem>>[vector<16xi32>], vector<16xf32>, vector<16xi1>
      %all_reduce_population_count3A_2126 = tpu.all_reduce %ge3A_2113 {dim = 0 : i64, kind = #tpu.reduction_kind<sum>} : vector<16xi1> -> vector<16xi32>
      %add3A_2127 = arith.addi %add3A_2108, %all_reduce_population_count3A_2126 : vector<16xi32>
      %add3A_2128 = arith.constant 64 : i32
      %add3A_2129 = arith.addi %while3A_2043, %add3A_2128 : i32
      %get3A_2130 = arith.index_cast %add3A_2129 : i32 to index
      %get3A_2131 = tpu.vector_load %arg5[%get3A_2130] {strides = array<i32>} : memref<32768xf32, #tpu.memory_space<vmem>>, vector<16xf32>,
      %ge3A_2132 = arith.cmpf oge, %get3A_2131, %gather3A_1551 : vector<16xf32>
      %jit3A_2133 = arith.constant 1 : i32
      %jit3A_2134 = arith.constant 0 : i32
      %broadcast_in_dim3A_2135 = vector.broadcast %jit3A_2133 : i32 to vector<16xi32>
      %broadcast_in_dim3A_2136 = vector.broadcast %jit3A_2134 : i32 to vector<16xi32>
      %select_n3A_2137 = arith.select %ge3A_2132, %broadcast_in_dim3A_2135, %broadcast_in_dim3A_2136 : vector<16xi1>, vector<16xi32>
      %broadcast_in_dim3A_2138 = arith.constant true
      %broadcast_in_dim3A_2139 = vector.broadcast %broadcast_in_dim3A_2138 : i1 to vector<16xi1>
      %masked_cumsum3A_2140 = tpu.scan <sum>, %select_n3A_2137 masked %broadcast_in_dim3A_2139 : vector<16xi32>, vector<16xi1> -> vector<16xi32>
      %add3A_2141 = arith.addi %add3A_2127, %masked_cumsum3A_2140 : vector<16xi32>
      %sub3A_2142 = arith.constant 1 : i32
      %sub3A_2143 = vector.broadcast %sub3A_2142 : i32 to vector<16xi32>
      %sub3A_2144 = arith.subi %add3A_2141, %sub3A_2143 : vector<16xi32>
      tpu.vector_store_idx %arg6[%sub3A_2144], %get3A_2131 masked %ge3A_2132 : memref<32784xf32, #tpu.memory_space<vmem>>[vector<16xi32>], vector<16xf32>, vector<16xi1>
      %all_reduce_population_count3A_2145 = tpu.all_reduce %ge3A_2132 {dim = 0 : i64, kind = #tpu.reduction_kind<sum>} : vector<16xi1> -> vector<16xi32>
      %add3A_2146 = arith.addi %add3A_2127, %all_reduce_population_count3A_2145 : vector<16xi32>
      %add3A_2147 = arith.constant 80 : i32
      %add3A_2148 = arith.addi %while3A_2043, %add3A_2147 : i32
      %get3A_2149 = arith.index_cast %add3A_2148 : i32 to index
      %get3A_2150 = tpu.vector_load %arg5[%get3A_2149] {strides = array<i32>} : memref<32768xf32, #tpu.memory_space<vmem>>, vector<16xf32>,
      %ge3A_2151 = arith.cmpf oge, %get3A_2150, %gather3A_1551 : vector<16xf32>
      %jit3A_2152 = arith.constant 1 : i32
      %jit3A_2153 = arith.constant 0 : i32
      %broadcast_in_dim3A_2154 = vector.broadcast %jit3A_2152 : i32 to vector<16xi32>
      %broadcast_in_dim3A_2155 = vector.broadcast %jit3A_2153 : i32 to vector<16xi32>
      %select_n3A_2156 = arith.select %ge3A_2151, %broadcast_in_dim3A_2154, %broadcast_in_dim3A_2155 : vector<16xi1>, vector<16xi32>
      %broadcast_in_dim3A_2157 = arith.constant true
      %broadcast_in_dim3A_2158 = vector.broadcast %broadcast_in_dim3A_2157 : i1 to vector<16xi1>
      %masked_cumsum3A_2159 = tpu.scan <sum>, %select_n3A_2156 masked %broadcast_in_dim3A_2158 : vector<16xi32>, vector<16xi1> -> vector<16xi32>
      %add3A_2160 = arith.addi %add3A_2146, %masked_cumsum3A_2159 : vector<16xi32>
      %sub3A_2161 = arith.constant 1 : i32
      %sub3A_2162 = vector.broadcast %sub3A_2161 : i32 to vector<16xi32>
      %sub3A_2163 = arith.subi %add3A_2160, %sub3A_2162 : vector<16xi32>
      tpu.vector_store_idx %arg6[%sub3A_2163], %get3A_2150 masked %ge3A_2151 : memref<32784xf32, #tpu.memory_space<vmem>>[vector<16xi32>], vector<16xf32>, vector<16xi1>
      %all_reduce_population_count3A_2164 = tpu.all_reduce %ge3A_2151 {dim = 0 : i64, kind = #tpu.reduction_kind<sum>} : vector<16xi1> -> vector<16xi32>
      %add3A_2165 = arith.addi %add3A_2146, %all_reduce_population_count3A_2164 : vector<16xi32>
      %add3A_2166 = arith.constant 96 : i32
      %add3A_2167 = arith.addi %while3A_2043, %add3A_2166 : i32
      %get3A_2168 = arith.index_cast %add3A_2167 : i32 to index
      %get3A_2169 = tpu.vector_load %arg5[%get3A_2168] {strides = array<i32>} : memref<32768xf32, #tpu.memory_space<vmem>>, vector<16xf32>,
      %ge3A_2170 = arith.cmpf oge, %get3A_2169, %gather3A_1551 : vector<16xf32>
      %jit3A_2171 = arith.constant 1 : i32
      %jit3A_2172 = arith.constant 0 : i32
      %broadcast_in_dim3A_2173 = vector.broadcast %jit3A_2171 : i32 to vector<16xi32>
      %broadcast_in_dim3A_2174 = vector.broadcast %jit3A_2172 : i32 to vector<16xi32>
      %select_n3A_2175 = arith.select %ge3A_2170, %broadcast_in_dim3A_2173, %broadcast_in_dim3A_2174 : vector<16xi1>, vector<16xi32>
      %broadcast_in_dim3A_2176 = arith.constant true
      %broadcast_in_dim3A_2177 = vector.broadcast %broadcast_in_dim3A_2176 : i1 to vector<16xi1>
      %masked_cumsum3A_2178 = tpu.scan <sum>, %select_n3A_2175 masked %broadcast_in_dim3A_2177 : vector<16xi32>, vector<16xi1> -> vector<16xi32>
      %add3A_2179 = arith.addi %add3A_2165, %masked_cumsum3A_2178 : vector<16xi32>
      %sub3A_2180 = arith.constant 1 : i32
      %sub3A_2181 = vector.broadcast %sub3A_2180 : i32 to vector<16xi32>
      %sub3A_2182 = arith.subi %add3A_2179, %sub3A_2181 : vector<16xi32>
      tpu.vector_store_idx %arg6[%sub3A_2182], %get3A_2169 masked %ge3A_2170 : memref<32784xf32, #tpu.memory_space<vmem>>[vector<16xi32>], vector<16xf32>, vector<16xi1>
      %all_reduce_population_count3A_2183 = tpu.all_reduce %ge3A_2170 {dim = 0 : i64, kind = #tpu.reduction_kind<sum>} : vector<16xi1> -> vector<16xi32>
      %add3A_2184 = arith.addi %add3A_2165, %all_reduce_population_count3A_2183 : vector<16xi32>
      %add3A_2185 = arith.constant 112 : i32
      %add3A_2186 = arith.addi %while3A_2043, %add3A_2185 : i32
      %get3A_2187 = arith.index_cast %add3A_2186 : i32 to index
      %get3A_2188 = tpu.vector_load %arg5[%get3A_2187] {strides = array<i32>} : memref<32768xf32, #tpu.memory_space<vmem>>, vector<16xf32>,
      %ge3A_2189 = arith.cmpf oge, %get3A_2188, %gather3A_1551 : vector<16xf32>
      %jit3A_2190 = arith.constant 1 : i32
      %jit3A_2191 = arith.constant 0 : i32
      %broadcast_in_dim3A_2192 = vector.broadcast %jit3A_2190 : i32 to vector<16xi32>
      %broadcast_in_dim3A_2193 = vector.broadcast %jit3A_2191 : i32 to vector<16xi32>
      %select_n3A_2194 = arith.select %ge3A_2189, %broadcast_in_dim3A_2192, %broadcast_in_dim3A_2193 : vector<16xi1>, vector<16xi32>
      %broadcast_in_dim3A_2195 = arith.constant true
      %broadcast_in_dim3A_2196 = vector.broadcast %broadcast_in_dim3A_2195 : i1 to vector<16xi1>
      %masked_cumsum3A_2197 = tpu.scan <sum>, %select_n3A_2194 masked %broadcast_in_dim3A_2196 : vector<16xi32>, vector<16xi1> -> vector<16xi32>
      %add3A_2198 = arith.addi %add3A_2184, %masked_cumsum3A_2197 : vector<16xi32>
      %sub3A_2199 = arith.constant 1 : i32
      %sub3A_2200 = vector.broadcast %sub3A_2199 : i32 to vector<16xi32>
      %sub3A_2201 = arith.subi %add3A_2198, %sub3A_2200 : vector<16xi32>
      tpu.vector_store_idx %arg6[%sub3A_2201], %get3A_2188 masked %ge3A_2189 : memref<32784xf32, #tpu.memory_space<vmem>>[vector<16xi32>], vector<16xf32>, vector<16xi1>
      %all_reduce_population_count3A_2202 = tpu.all_reduce %ge3A_2189 {dim = 0 : i64, kind = #tpu.reduction_kind<sum>} : vector<16xi1> -> vector<16xi32>
      %add3A_2203 = arith.addi %add3A_2184, %all_reduce_population_count3A_2202 : vector<16xi32>
      scf.yield %add3A_2203, %mul3A_2051 : vector<16xi32>, i32
    }
    %reduce_max3A_1897 = arith.constant true
    %reduce_max3A_1898 = vector.broadcast %reduce_max3A_1897 : i1 to vector<16xi1>
    %reduce_max3A_1899 = arith.constant -2147483648 : i32
    %reduce_max3A_1900 = vector.broadcast %reduce_max3A_1899 : i32 to vector<16xi32>
    %reduce_max3A_1901 = arith.xori %while3A_1896#0, %reduce_max3A_1900 : vector<16xi32>
    %reduce_max3A_1902 = tpu.scan <max>, %reduce_max3A_1901 masked %reduce_max3A_1898 : vector<16xi32>, vector<16xi1> -> vector<16xi32>
    %reduce_max3A_1903 = arith.xori %reduce_max3A_1902, %reduce_max3A_1900 : vector<16xi32>
    %reduce_max3A_1904 = vector.extract %reduce_max3A_1903[15] : i32 from vector<16xi32>
    %jit3A_1905 = arith.constant 16 : i32
    %div3A_1906 = arith.divsi %reduce_max3A_1904, %jit3A_1905 : i32
    %sign3A_1907 = arith.constant 0 : i32
    %sign3A_1908 = arith.cmpi sgt, %reduce_max3A_1904, %sign3A_1907 : i32
    %sign3A_1909 = arith.extui %sign3A_1908 : i1 to i32
    %sign3A_1910 = arith.constant 0 : i32
    %sign3A_1911 = arith.cmpi slt, %reduce_max3A_1904, %sign3A_1910 : i32
    %sign3A_1912 = arith.extui %sign3A_1911 : i1 to i32
    %sign3A_1913 = arith.subi %sign3A_1909, %sign3A_1912 : i32
    %sign3A_1914 = arith.constant 0 : i32
    %sign3A_1915 = arith.cmpi sgt, %jit3A_1905, %sign3A_1914 : i32
    %sign3A_1916 = arith.extui %sign3A_1915 : i1 to i32
    %sign3A_1917 = arith.constant 0 : i32
    %sign3A_1918 = arith.cmpi slt, %jit3A_1905, %sign3A_1917 : i32
    %sign3A_1919 = arith.extui %sign3A_1918 : i1 to i32
    %sign3A_1920 = arith.subi %sign3A_1916, %sign3A_1919 : i32
    %ne3A_1921 = arith.cmpi ne, %sign3A_1913, %sign3A_1920 : i32
    %rem3A_1922 = arith.remsi %reduce_max3A_1904, %jit3A_1905 : i32
    %ne3A_1923 = arith.constant 0 : i32
    %ne3A_1924 = arith.cmpi ne, %rem3A_1922, %ne3A_1923 : i32
    %and3A_1925 = arith.andi %ne3A_1921, %ne3A_1924 : i1
    %sub3A_1926 = arith.constant 1 : i32
    %sub3A_1927 = arith.subi %div3A_1906, %sub3A_1926 : i32
    %select_n3A_1928 = arith.select %and3A_1925, %sub3A_1927, %div3A_1906 : i32
    %while3A_1929 = arith.constant 0 : i32
    %while3A_1930 = arith.subi %select_n3A_1928, %while3A_1929 : i32
    %while3A_1931 = arith.addi %while3A_1929, %while3A_1930 : i32
    %while3A_1932 = arith.constant 1 : i32
    %while3A_1933 = arith.divsi %while3A_1930, %while3A_1932 : i32
    %while3A_1934 = arith.muli %while3A_1933, %while3A_1932 : i32
    %while3A_1935 = arith.addi %while3A_1929, %while3A_1934 : i32
    %while3A_1936 = arith.constant 1 : i32
    %while3A_1937:2 = scf.for %while3A_2041 = %while3A_1929 to %while3A_1935 step %while3A_1936 iter_args(%while3A_2042 = %broadcast_in_dim3A_3, %while3A_2043 = %broadcast_in_dim3A_3) -> (vector<16xf32>, vector<16xf32>)  : i32 {
      %mul3A_2044 = arith.constant 16 : i32
      %mul3A_2045 = arith.muli %while3A_2041, %mul3A_2044 : i32
      %get3A_2046 = arith.index_cast %mul3A_2045 : i32 to index
      %get3A_2047 = tpu.vector_load %arg6[%get3A_2046] {strides = array<i32>} : memref<32784xf32, #tpu.memory_space<vmem>>, vector<16xf32>,
      %masked_sort3A_2048 = arith.constant dense<true> : vector<16xi1>
      %masked_sort3A_2049, %masked_sort3A_2050, %masked_sort3A_2051 = tpu.sort %get3A_2047, %get3A_2047 masked %masked_sort3A_2048 {descending = true} : (vector<16xf32>, vector<16xf32>, vector<16xi1>) -> (vector<16xi1>, vector<16xf32>, vector<16xf32>)
      %rev3A_2052 = arith.constant 15 : i32
      %rev3A_2053 = vector.broadcast %rev3A_2052 : i32 to vector<16xi32>
      %rev3A_2054 = tpu.iota {dimensions = array<i32: 0>} : vector<16xi32>
      %rev3A_2055 = arith.subi %rev3A_2053, %rev3A_2054 : vector<16xi32>
      %rev3A_2056 = tpu.dynamic_gather %while3A_2043[%rev3A_2055] in [0] : vector<16xf32>, vector<16xi32> -> vector<16xf32>
      %max3A_2057 = arith.maximumf %masked_sort3A_2050, %rev3A_2056 : vector<16xf32>
      %masked_sort3A_2058 = arith.constant dense<true> : vector<16xi1>
      %masked_sort3A_2059, %masked_sort3A_2060, %masked_sort3A_2061 = tpu.sort %max3A_2057, %max3A_2057 masked %masked_sort3A_2058 {descending = true} : (vector<16xf32>, vector<16xf32>, vector<16xi1>) -> (vector<16xi1>, vector<16xf32>, vector<16xf32>)
      %rev3A_2062 = arith.constant 15 : i32
      %rev3A_2063 = vector.broadcast %rev3A_2062 : i32 to vector<16xi32>
      %rev3A_2064 = tpu.iota {dimensions = array<i32: 0>} : vector<16xi32>
      %rev3A_2065 = arith.subi %rev3A_2063, %rev3A_2064 : vector<16xi32>
      %rev3A_2066 = tpu.dynamic_gather %masked_sort3A_2060[%rev3A_2065] in [0] : vector<16xf32>, vector<16xi32> -> vector<16xf32>
      %max3A_2067 = arith.maximumf %while3A_2042, %rev3A_2066 : vector<16xf32>
      %masked_sort3A_2068 = arith.constant dense<true> : vector<16xi1>
      %masked_sort3A_2069, %masked_sort3A_2070, %masked_sort3A_2071 = tpu.sort %max3A_2067, %max3A_2067 masked %masked_sort3A_2068 {descending = true} : (vector<16xf32>, vector<16xf32>, vector<16xi1>) -> (vector<16xi1>, vector<16xf32>, vector<16xf32>)
      %min3A_2072 = arith.minimumf %while3A_2042, %rev3A_2066 : vector<16xf32>
      %masked_sort3A_2073 = arith.constant dense<true> : vector<16xi1>
      %masked_sort3A_2074, %masked_sort3A_2075, %masked_sort3A_2076 = tpu.sort %min3A_2072, %min3A_2072 masked %masked_sort3A_2073 {descending = true} : (vector<16xf32>, vector<16xf32>, vector<16xi1>) -> (vector<16xi1>, vector<16xf32>, vector<16xf32>)
      scf.yield %masked_sort3A_2070, %masked_sort3A_2075 : vector<16xf32>, vector<16xf32>
    }
    %while3A_1938 = arith.constant 1 : i32
    %while3A_1939:2 = scf.for %while3A_2041 = %while3A_1935 to %while3A_1931 step %while3A_1938 iter_args(%while3A_2042 = %while3A_1937#0, %while3A_2043 = %while3A_1937#1) -> (vector<16xf32>, vector<16xf32>)  : i32 {
      %mul3A_2044 = arith.constant 16 : i32
      %mul3A_2045 = arith.muli %while3A_2041, %mul3A_2044 : i32
      %get3A_2046 = arith.index_cast %mul3A_2045 : i32 to index
      %get3A_2047 = tpu.vector_load %arg6[%get3A_2046] {strides = array<i32>} : memref<32784xf32, #tpu.memory_space<vmem>>, vector<16xf32>,
      %masked_sort3A_2048 = arith.constant dense<true> : vector<16xi1>
      %masked_sort3A_2049, %masked_sort3A_2050, %masked_sort3A_2051 = tpu.sort %get3A_2047, %get3A_2047 masked %masked_sort3A_2048 {descending = true} : (vector<16xf32>, vector<16xf32>, vector<16xi1>) -> (vector<16xi1>, vector<16xf32>, vector<16xf32>)
      %rev3A_2052 = arith.constant 15 : i32
      %rev3A_2053 = vector.broadcast %rev3A_2052 : i32 to vector<16xi32>
      %rev3A_2054 = tpu.iota {dimensions = array<i32: 0>} : vector<16xi32>
      %rev3A_2055 = arith.subi %rev3A_2053, %rev3A_2054 : vector<16xi32>
      %rev3A_2056 = tpu.dynamic_gather %while3A_2043[%rev3A_2055] in [0] : vector<16xf32>, vector<16xi32> -> vector<16xf32>
      %max3A_2057 = arith.maximumf %masked_sort3A_2050, %rev3A_2056 : vector<16xf32>
      %masked_sort3A_2058 = arith.constant dense<true> : vector<16xi1>
      %masked_sort3A_2059, %masked_sort3A_2060, %masked_sort3A_2061 = tpu.sort %max3A_2057, %max3A_2057 masked %masked_sort3A_2058 {descending = true} : (vector<16xf32>, vector<16xf32>, vector<16xi1>) -> (vector<16xi1>, vector<16xf32>, vector<16xf32>)
      %rev3A_2062 = arith.constant 15 : i32
      %rev3A_2063 = vector.broadcast %rev3A_2062 : i32 to vector<16xi32>
      %rev3A_2064 = tpu.iota {dimensions = array<i32: 0>} : vector<16xi32>
      %rev3A_2065 = arith.subi %rev3A_2063, %rev3A_2064 : vector<16xi32>
      %rev3A_2066 = tpu.dynamic_gather %masked_sort3A_2060[%rev3A_2065] in [0] : vector<16xf32>, vector<16xi32> -> vector<16xf32>
      %max3A_2067 = arith.maximumf %while3A_2042, %rev3A_2066 : vector<16xf32>
      %masked_sort3A_2068 = arith.constant dense<true> : vector<16xi1>
      %masked_sort3A_2069, %masked_sort3A_2070, %masked_sort3A_2071 = tpu.sort %max3A_2067, %max3A_2067 masked %masked_sort3A_2068 {descending = true} : (vector<16xf32>, vector<16xf32>, vector<16xi1>) -> (vector<16xi1>, vector<16xf32>, vector<16xf32>)
      %min3A_2072 = arith.minimumf %while3A_2042, %rev3A_2066 : vector<16xf32>
      %masked_sort3A_2073 = arith.constant dense<true> : vector<16xi1>
      %masked_sort3A_2074, %masked_sort3A_2075, %masked_sort3A_2076 = tpu.sort %min3A_2072, %min3A_2072 masked %masked_sort3A_2073 {descending = true} : (vector<16xf32>, vector<16xf32>, vector<16xi1>) -> (vector<16xi1>, vector<16xf32>, vector<16xf32>)
      scf.yield %masked_sort3A_2070, %masked_sort3A_2075 : vector<16xf32>, vector<16xf32>
    }
    %mul3A_1940 = arith.constant 16 : i32
    %mul3A_1941 = arith.muli %select_n3A_1928, %mul3A_1940 : i32
    %get3A_1942 = arith.index_cast %mul3A_1941 : i32 to index
    %get3A_1943 = tpu.vector_load %arg6[%get3A_1942] {strides = array<i32>} : memref<32784xf32, #tpu.memory_space<vmem>>, vector<16xf32>,
    %mul3A_1944 = arith.constant 16 : i32
    %mul3A_1945 = arith.muli %select_n3A_1928, %mul3A_1944 : i32
    %sub3A_1946 = arith.subi %reduce_max3A_1904, %mul3A_1945 : i32
    %lt3A_1947 = vector.broadcast %sub3A_1946 : i32 to vector<16xi32>
    %lt3A_1948 = arith.cmpi slt, %iota3A, %lt3A_1947 : vector<16xi32>
    %select_n3A_1949 = arith.select %lt3A_1948, %get3A_1943, %broadcast_in_dim3A_3 : vector<16xi1>, vector<16xf32>
    %masked_sort3A_1950 = arith.constant dense<true> : vector<16xi1>
    %masked_sort3A_1951, %masked_sort3A_1952, %masked_sort3A_1953 = tpu.sort %select_n3A_1949, %select_n3A_1949 masked %masked_sort3A_1950 {descending = true} : (vector<16xf32>, vector<16xf32>, vector<16xi1>) -> (vector<16xi1>, vector<16xf32>, vector<16xf32>)
    %rev3A_1954 = arith.constant 15 : i32
    %rev3A_1955 = vector.broadcast %rev3A_1954 : i32 to vector<16xi32>
    %rev3A_1956 = tpu.iota {dimensions = array<i32: 0>} : vector<16xi32>
    %rev3A_1957 = arith.subi %rev3A_1955, %rev3A_1956 : vector<16xi32>
    %rev3A_1958 = tpu.dynamic_gather %while3A_1939#1[%rev3A_1957] in [0] : vector<16xf32>, vector<16xi32> -> vector<16xf32>
    %max3A_1959 = arith.maximumf %masked_sort3A_1952, %rev3A_1958 : vector<16xf32>
    %masked_sort3A_1960 = arith.constant dense<true> : vector<16xi1>
    %masked_sort3A_1961, %masked_sort3A_1962, %masked_sort3A_1963 = tpu.sort %max3A_1959, %max3A_1959 masked %masked_sort3A_1960 {descending = true} : (vector<16xf32>, vector<16xf32>, vector<16xi1>) -> (vector<16xi1>, vector<16xf32>, vector<16xf32>)
    %rev3A_1964 = arith.constant 15 : i32
    %rev3A_1965 = vector.broadcast %rev3A_1964 : i32 to vector<16xi32>
    %rev3A_1966 = tpu.iota {dimensions = array<i32: 0>} : vector<16xi32>
    %rev3A_1967 = arith.subi %rev3A_1965, %rev3A_1966 : vector<16xi32>
    %rev3A_1968 = tpu.dynamic_gather %masked_sort3A_1962[%rev3A_1967] in [0] : vector<16xf32>, vector<16xi32> -> vector<16xf32>
    %max3A_1969 = arith.maximumf %while3A_1939#0, %rev3A_1968 : vector<16xf32>
    %masked_sort3A_1970 = arith.constant dense<true> : vector<16xi1>
    %masked_sort3A_1971, %masked_sort3A_1972, %masked_sort3A_1973 = tpu.sort %max3A_1969, %max3A_1969 masked %masked_sort3A_1970 {descending = true} : (vector<16xf32>, vector<16xf32>, vector<16xi1>) -> (vector<16xi1>, vector<16xf32>, vector<16xf32>)
    %min3A_1974 = arith.minimumf %while3A_1939#0, %rev3A_1968 : vector<16xf32>
    %masked_sort3A_1975 = arith.constant dense<true> : vector<16xi1>
    %masked_sort3A_1976, %masked_sort3A_1977, %masked_sort3A_1978 = tpu.sort %min3A_1974, %min3A_1974 masked %masked_sort3A_1975 {descending = true} : (vector<16xf32>, vector<16xf32>, vector<16xi1>) -> (vector<16xi1>, vector<16xf32>, vector<16xf32>)
    %broadcast_in_dim3A_1979 = arith.constant 15 : i32
    %broadcast_in_dim3A_1980 = vector.broadcast %broadcast_in_dim3A_1979 : i32 to vector<16x1xi32>
    %gather3A_1981 = vector.shape_cast %broadcast_in_dim3A_1980 : vector<16x1xi32> to vector<16xi32>
    %gather3A_1982 = tpu.dynamic_gather %masked_sort3A_1977[%gather3A_1981] in [0] : vector<16xf32>, vector<16xi32> -> vector<16xf32>
    %broadcast_in_dim3A_1983 = arith.constant 1.000000e-07 : f32
    %broadcast_in_dim3A_1984 = vector.broadcast %broadcast_in_dim3A_1983 : f32 to vector<16xf32>
    %add3A_1985 = arith.addf %gather3A_1982, %broadcast_in_dim3A_1984 : vector<16xf32>
    %broadcast_in_dim3A_1986 = arith.constant 0.000000e+00 : f32
    %broadcast_in_dim3A_1987 = vector.broadcast %broadcast_in_dim3A_1986 : f32 to vector<16xf32>
    %while3A_1988 = arith.constant 0 : i32
    %while3A_1989 = arith.subi %select_n3A_1928, %while3A_1988 : i32
    %while3A_1990 = arith.addi %while3A_1988, %while3A_1989 : i32
    %while3A_1991 = arith.constant 1 : i32
    %while3A_1992 = arith.divsi %while3A_1989, %while3A_1991 : i32
    %while3A_1993 = arith.muli %while3A_1992, %while3A_1991 : i32
    %while3A_1994 = arith.addi %while3A_1988, %while3A_1993 : i32
    %while3A_1995 = arith.constant 1 : i32
    %while3A_1996 = scf.for %while3A_2041 = %while3A_1988 to %while3A_1994 step %while3A_1995 iter_args(%while3A_2042 = %broadcast_in_dim3A_1987) -> (vector<16xf32>)  : i32 {
      %mul3A_2043 = arith.constant 16 : i32
      %mul3A_2044 = arith.muli %while3A_2041, %mul3A_2043 : i32
      %get3A_2045 = arith.index_cast %mul3A_2044 : i32 to index
      %get3A_2046 = tpu.vector_load %arg6[%get3A_2045] {strides = array<i32>} : memref<32784xf32, #tpu.memory_space<vmem>>, vector<16xf32>,
      %sub3A_2047 = arith.subf %get3A_2046, %add3A_1985 : vector<16xf32>
      %max3A_2048 = arith.constant 0.000000e+00 : f32
      %max3A_2049 = vector.broadcast %max3A_2048 : f32 to vector<16xf32>
      %max3A_2050 = arith.maximumf %sub3A_2047, %max3A_2049 : vector<16xf32>
      %add3A_2051 = arith.addf %while3A_2042, %max3A_2050 : vector<16xf32>
      scf.yield %add3A_2051 : vector<16xf32>
    }
    %while3A_1997 = arith.constant 1 : i32
    %while3A_1998 = scf.for %while3A_2041 = %while3A_1994 to %while3A_1990 step %while3A_1997 iter_args(%while3A_2042 = %while3A_1996) -> (vector<16xf32>)  : i32 {
      %mul3A_2043 = arith.constant 16 : i32
      %mul3A_2044 = arith.muli %while3A_2041, %mul3A_2043 : i32
      %get3A_2045 = arith.index_cast %mul3A_2044 : i32 to index
      %get3A_2046 = tpu.vector_load %arg6[%get3A_2045] {strides = array<i32>} : memref<32784xf32, #tpu.memory_space<vmem>>, vector<16xf32>,
      %sub3A_2047 = arith.subf %get3A_2046, %add3A_1985 : vector<16xf32>
      %max3A_2048 = arith.constant 0.000000e+00 : f32
      %max3A_2049 = vector.broadcast %max3A_2048 : f32 to vector<16xf32>
      %max3A_2050 = arith.maximumf %sub3A_2047, %max3A_2049 : vector<16xf32>
      %add3A_2051 = arith.addf %while3A_2042, %max3A_2050 : vector<16xf32>
      scf.yield %add3A_2051 : vector<16xf32>
    }
    %sub3A_1999 = arith.subf %select_n3A_1949, %add3A_1985 : vector<16xf32>
    %max3A_2000 = arith.constant 0.000000e+00 : f32
    %max3A_2001 = vector.broadcast %max3A_2000 : f32 to vector<16xf32>
    %max3A_2002 = arith.maximumf %sub3A_1999, %max3A_2001 : vector<16xf32>
    %add3A_2003 = arith.addf %while3A_1998, %max3A_2002 : vector<16xf32>
    %broadcast_in_dim3A_2004 = arith.constant true
    %broadcast_in_dim3A_2005 = vector.broadcast %broadcast_in_dim3A_2004 : i1 to vector<16xi1>
    %masked_cumsum3A_2006 = tpu.scan <sum>, %add3A_2003 masked %broadcast_in_dim3A_2005 : vector<16xf32>, vector<16xi1> -> vector<16xf32>
    %broadcast_in_dim3A_2007 = arith.constant 15 : i32
    %broadcast_in_dim3A_2008 = vector.broadcast %broadcast_in_dim3A_2007 : i32 to vector<16x1xi32>
    %gather3A_2009 = vector.shape_cast %broadcast_in_dim3A_2008 : vector<16x1xi32> to vector<16xi32>
    %gather3A_2010 = tpu.dynamic_gather %masked_cumsum3A_2006[%gather3A_2009] in [0] : vector<16xf32>, vector<16xi32> -> vector<16xf32>
    %broadcast_in_dim3A_2011 = arith.constant 1.000000e+00 : f32
    %broadcast_in_dim3A_2012 = vector.broadcast %broadcast_in_dim3A_2011 : f32 to vector<16xf32>
    %broadcast_in_dim3A_2013 = arith.constant 1.000000e-07 : f32
    %broadcast_in_dim3A_2014 = vector.broadcast %broadcast_in_dim3A_2013 : f32 to vector<16xf32>
    %add3A_2015 = arith.addf %gather3A_2010, %broadcast_in_dim3A_2014 : vector<16xf32>
    %div3A_2016 = arith.divf %broadcast_in_dim3A_2012, %add3A_2015 : vector<16xf32>
    %scan3A_2017 = arith.constant 0 : i32
    %scan3A_2018 = arith.constant 0 : i32
    %scan3A_2019 = arith.constant 256 : i32
    %scan3A_2020 = arith.addi %scan3A_2018, %scan3A_2019 : i32
    %scan3A_2021 = arith.constant 1 : i32
    scf.for %scan3A_2041 = %scan3A_2018 to %scan3A_2020 step %scan3A_2021  : i32 {
      %mul3A_2042 = arith.constant 128 : i32
      %mul3A_2043 = arith.muli %scan3A_2041, %mul3A_2042 : i32
      %add3A_2044 = arith.constant 0 : i32
      %add3A_2045 = arith.addi %mul3A_2043, %add3A_2044 : i32
      %get3A_2046 = arith.index_cast %add3A_2045 : i32 to index
      %get3A_2047 = tpu.vector_load %arg5[%get3A_2046] {strides = array<i32>} : memref<32768xf32, #tpu.memory_space<vmem>>, vector<16xf32>,
      %sub3A_2048 = arith.subf %get3A_2047, %add3A_1985 : vector<16xf32>
      %max3A_2049 = arith.constant 0.000000e+00 : f32
      %max3A_2050 = vector.broadcast %max3A_2049 : f32 to vector<16xf32>
      %max3A_2051 = arith.maximumf %sub3A_2048, %max3A_2050 : vector<16xf32>
      %mul3A_2052 = arith.mulf %max3A_2051, %div3A_2016 : vector<16xf32>
      %swap3A = arith.index_cast %add3A_2045 : i32 to index
      %swap3A_2053 = tpu.vector_load %arg5[%swap3A] {strides = array<i32>} : memref<32768xf32, #tpu.memory_space<vmem>>, vector<16xf32>,
      tpu.vector_store %arg5[%swap3A], %mul3A_2052 {strides = array<i32>} : memref<32768xf32, #tpu.memory_space<vmem>>, vector<16xf32>,
      %add3A_2054 = arith.constant 16 : i32
      %add3A_2055 = arith.addi %mul3A_2043, %add3A_2054 : i32
      %get3A_2056 = arith.index_cast %add3A_2055 : i32 to index
      %get3A_2057 = tpu.vector_load %arg5[%get3A_2056] {strides = array<i32>} : memref<32768xf32, #tpu.memory_space<vmem>>, vector<16xf32>,
      %sub3A_2058 = arith.subf %get3A_2057, %add3A_1985 : vector<16xf32>
      %max3A_2059 = arith.constant 0.000000e+00 : f32
      %max3A_2060 = vector.broadcast %max3A_2059 : f32 to vector<16xf32>
      %max3A_2061 = arith.maximumf %sub3A_2058, %max3A_2060 : vector<16xf32>
      %mul3A_2062 = arith.mulf %max3A_2061, %div3A_2016 : vector<16xf32>
      %swap3A_2063 = arith.index_cast %add3A_2055 : i32 to index
      %swap3A_2064 = tpu.vector_load %arg5[%swap3A_2063] {strides = array<i32>} : memref<32768xf32, #tpu.memory_space<vmem>>, vector<16xf32>,
      tpu.vector_store %arg5[%swap3A_2063], %mul3A_2062 {strides = array<i32>} : memref<32768xf32, #tpu.memory_space<vmem>>, vector<16xf32>,
      %add3A_2065 = arith.constant 32 : i32
      %add3A_2066 = arith.addi %mul3A_2043, %add3A_2065 : i32
      %get3A_2067 = arith.index_cast %add3A_2066 : i32 to index
      %get3A_2068 = tpu.vector_load %arg5[%get3A_2067] {strides = array<i32>} : memref<32768xf32, #tpu.memory_space<vmem>>, vector<16xf32>,
      %sub3A_2069 = arith.subf %get3A_2068, %add3A_1985 : vector<16xf32>
      %max3A_2070 = arith.constant 0.000000e+00 : f32
      %max3A_2071 = vector.broadcast %max3A_2070 : f32 to vector<16xf32>
      %max3A_2072 = arith.maximumf %sub3A_2069, %max3A_2071 : vector<16xf32>
      %mul3A_2073 = arith.mulf %max3A_2072, %div3A_2016 : vector<16xf32>
      %swap3A_2074 = arith.index_cast %add3A_2066 : i32 to index
      %swap3A_2075 = tpu.vector_load %arg5[%swap3A_2074] {strides = array<i32>} : memref<32768xf32, #tpu.memory_space<vmem>>, vector<16xf32>,
      tpu.vector_store %arg5[%swap3A_2074], %mul3A_2073 {strides = array<i32>} : memref<32768xf32, #tpu.memory_space<vmem>>, vector<16xf32>,
      %add3A_2076 = arith.constant 48 : i32
      %add3A_2077 = arith.addi %mul3A_2043, %add3A_2076 : i32
      %get3A_2078 = arith.index_cast %add3A_2077 : i32 to index
      %get3A_2079 = tpu.vector_load %arg5[%get3A_2078] {strides = array<i32>} : memref<32768xf32, #tpu.memory_space<vmem>>, vector<16xf32>,
      %sub3A_2080 = arith.subf %get3A_2079, %add3A_1985 : vector<16xf32>
      %max3A_2081 = arith.constant 0.000000e+00 : f32
      %max3A_2082 = vector.broadcast %max3A_2081 : f32 to vector<16xf32>
      %max3A_2083 = arith.maximumf %sub3A_2080, %max3A_2082 : vector<16xf32>
      %mul3A_2084 = arith.mulf %max3A_2083, %div3A_2016 : vector<16xf32>
      %swap3A_2085 = arith.index_cast %add3A_2077 : i32 to index
      %swap3A_2086 = tpu.vector_load %arg5[%swap3A_2085] {strides = array<i32>} : memref<32768xf32, #tpu.memory_space<vmem>>, vector<16xf32>,
      tpu.vector_store %arg5[%swap3A_2085], %mul3A_2084 {strides = array<i32>} : memref<32768xf32, #tpu.memory_space<vmem>>, vector<16xf32>,
      %add3A_2087 = arith.constant 64 : i32
      %add3A_2088 = arith.addi %mul3A_2043, %add3A_2087 : i32
      %get3A_2089 = arith.index_cast %add3A_2088 : i32 to index
      %get3A_2090 = tpu.vector_load %arg5[%get3A_2089] {strides = array<i32>} : memref<32768xf32, #tpu.memory_space<vmem>>, vector<16xf32>,
      %sub3A_2091 = arith.subf %get3A_2090, %add3A_1985 : vector<16xf32>
      %max3A_2092 = arith.constant 0.000000e+00 : f32
      %max3A_2093 = vector.broadcast %max3A_2092 : f32 to vector<16xf32>
      %max3A_2094 = arith.maximumf %sub3A_2091, %max3A_2093 : vector<16xf32>
      %mul3A_2095 = arith.mulf %max3A_2094, %div3A_2016 : vector<16xf32>
      %swap3A_2096 = arith.index_cast %add3A_2088 : i32 to index
      %swap3A_2097 = tpu.vector_load %arg5[%swap3A_2096] {strides = array<i32>} : memref<32768xf32, #tpu.memory_space<vmem>>, vector<16xf32>,
      tpu.vector_store %arg5[%swap3A_2096], %mul3A_2095 {strides = array<i32>} : memref<32768xf32, #tpu.memory_space<vmem>>, vector<16xf32>,
      %add3A_2098 = arith.constant 80 : i32
      %add3A_2099 = arith.addi %mul3A_2043, %add3A_2098 : i32
      %get3A_2100 = arith.index_cast %add3A_2099 : i32 to index
      %get3A_2101 = tpu.vector_load %arg5[%get3A_2100] {strides = array<i32>} : memref<32768xf32, #tpu.memory_space<vmem>>, vector<16xf32>,
      %sub3A_2102 = arith.subf %get3A_2101, %add3A_1985 : vector<16xf32>
      %max3A_2103 = arith.constant 0.000000e+00 : f32
      %max3A_2104 = vector.broadcast %max3A_2103 : f32 to vector<16xf32>
      %max3A_2105 = arith.maximumf %sub3A_2102, %max3A_2104 : vector<16xf32>
      %mul3A_2106 = arith.mulf %max3A_2105, %div3A_2016 : vector<16xf32>
      %swap3A_2107 = arith.index_cast %add3A_2099 : i32 to index
      %swap3A_2108 = tpu.vector_load %arg5[%swap3A_2107] {strides = array<i32>} : memref<32768xf32, #tpu.memory_space<vmem>>, vector<16xf32>,
      tpu.vector_store %arg5[%swap3A_2107], %mul3A_2106 {strides = array<i32>} : memref<32768xf32, #tpu.memory_space<vmem>>, vector<16xf32>,
      %add3A_2109 = arith.constant 96 : i32
      %add3A_2110 = arith.addi %mul3A_2043, %add3A_2109 : i32
      %get3A_2111 = arith.index_cast %add3A_2110 : i32 to index
      %get3A_2112 = tpu.vector_load %arg5[%get3A_2111] {strides = array<i32>} : memref<32768xf32, #tpu.memory_space<vmem>>, vector<16xf32>,
      %sub3A_2113 = arith.subf %get3A_2112, %add3A_1985 : vector<16xf32>
      %max3A_2114 = arith.constant 0.000000e+00 : f32
      %max3A_2115 = vector.broadcast %max3A_2114 : f32 to vector<16xf32>
      %max3A_2116 = arith.maximumf %sub3A_2113, %max3A_2115 : vector<16xf32>
      %mul3A_2117 = arith.mulf %max3A_2116, %div3A_2016 : vector<16xf32>
      %swap3A_2118 = arith.index_cast %add3A_2110 : i32 to index
      %swap3A_2119 = tpu.vector_load %arg5[%swap3A_2118] {strides = array<i32>} : memref<32768xf32, #tpu.memory_space<vmem>>, vector<16xf32>,
      tpu.vector_store %arg5[%swap3A_2118], %mul3A_2117 {strides = array<i32>} : memref<32768xf32, #tpu.memory_space<vmem>>, vector<16xf32>,
      %add3A_2120 = arith.constant 112 : i32
      %add3A_2121 = arith.addi %mul3A_2043, %add3A_2120 : i32
      %get3A_2122 = arith.index_cast %add3A_2121 : i32 to index
      %get3A_2123 = tpu.vector_load %arg5[%get3A_2122] {strides = array<i32>} : memref<32768xf32, #tpu.memory_space<vmem>>, vector<16xf32>,
      %sub3A_2124 = arith.subf %get3A_2123, %add3A_1985 : vector<16xf32>
      %max3A_2125 = arith.constant 0.000000e+00 : f32
      %max3A_2126 = vector.broadcast %max3A_2125 : f32 to vector<16xf32>
      %max3A_2127 = arith.maximumf %sub3A_2124, %max3A_2126 : vector<16xf32>
      %mul3A_2128 = arith.mulf %max3A_2127, %div3A_2016 : vector<16xf32>
      %swap3A_2129 = arith.index_cast %add3A_2121 : i32 to index
      %swap3A_2130 = tpu.vector_load %arg5[%swap3A_2129] {strides = array<i32>} : memref<32768xf32, #tpu.memory_space<vmem>>, vector<16xf32>,
      tpu.vector_store %arg5[%swap3A_2129], %mul3A_2128 {strides = array<i32>} : memref<32768xf32, #tpu.memory_space<vmem>>, vector<16xf32>,
    }
    %scan3A_2022 = arith.constant 256 : i32
    %dma_start3A_2023 = arith.constant 0 : i32
    %dma_start3A_2024 = tpu.memref_slice %arg3[%add3A_1536, %dma_start3A_2023] : memref<128x32768xf32, #tpu.memory_space<hbm>> -> memref<1x32768xf32, #tpu.memory_space<hbm>>
    %dma_start3A_2025 = tpu.memref_squeeze %dma_start3A_2024 : memref<1x32768xf32, #tpu.memory_space<hbm>> -> memref<32768xf32, #tpu.memory_space<hbm>>
    %dma_start3A_2026 = arith.constant 0 : i32
    %dma_start3A_2027 = tpu.memref_slice %arg3[%add3A_1536, %dma_start3A_2026] : memref<128x32768xf32, #tpu.memory_space<hbm>> -> memref<1x32768xf32, #tpu.memory_space<hbm>>
    %dma_start3A_2028 = tpu.memref_squeeze %dma_start3A_2027 : memref<1x32768xf32, #tpu.memory_space<hbm>> -> memref<32768xf32, #tpu.memory_space<hbm>>
    tpu.enqueue_dma source(%arg5 : memref<32768xf32, #tpu.memory_space<vmem>>) target(%dma_start3A_2028 : memref<32768xf32, #tpu.memory_space<hbm>>) target_semaphore(%arg12 : memref<!tpu.dma_semaphore, #tpu.memory_space<semaphore_mem>>)
    %dma_wait3A_2029 = arith.constant 0 : i32
    %dma_wait3A_2030 = tpu.memref_slice %arg3[%add3A_1036, %dma_wait3A_2029] : memref<128x32768xf32, #tpu.memory_space<hbm>> -> memref<1x32768xf32, #tpu.memory_space<hbm>>
    %dma_wait3A_2031 = tpu.memref_squeeze %dma_wait3A_2030 : memref<1x32768xf32, #tpu.memory_space<hbm>> -> memref<32768xf32, #tpu.memory_space<hbm>>
    %dma_wait3A_2032 = arith.constant 0 : i32
    %dma_wait3A_2033 = tpu.memref_slice %arg3[%add3A_1036, %dma_wait3A_2032] : memref<128x32768xf32, #tpu.memory_space<hbm>> -> memref<1x32768xf32, #tpu.memory_space<hbm>>
    %dma_wait3A_2034 = tpu.memref_squeeze %dma_wait3A_2033 : memref<1x32768xf32, #tpu.memory_space<hbm>> -> memref<32768xf32, #tpu.memory_space<hbm>>
    tpu.wait_dma2 semaphore(%arg11 : memref<!tpu.dma_semaphore, #tpu.memory_space<semaphore_mem>>) src(%arg4 : memref<32768xf32, #tpu.memory_space<vmem>>) dst(%dma_wait3A_2034 : memref<32768xf32, #tpu.memory_space<hbm>>)
    %dma_wait3A_2035 = arith.constant 0 : i32
    %dma_wait3A_2036 = tpu.memref_slice %arg3[%add3A_1536, %dma_wait3A_2035] : memref<128x32768xf32, #tpu.memory_space<hbm>> -> memref<1x32768xf32, #tpu.memory_space<hbm>>
    %dma_wait3A_2037 = tpu.memref_squeeze %dma_wait3A_2036 : memref<1x32768xf32, #tpu.memory_space<hbm>> -> memref<32768xf32, #tpu.memory_space<hbm>>
    %dma_wait3A_2038 = arith.constant 0 : i32
    %dma_wait3A_2039 = tpu.memref_slice %arg3[%add3A_1536, %dma_wait3A_2038] : memref<128x32768xf32, #tpu.memory_space<hbm>> -> memref<1x32768xf32, #tpu.memory_space<hbm>>
    %dma_wait3A_2040 = tpu.memref_squeeze %dma_wait3A_2039 : memref<1x32768xf32, #tpu.memory_space<hbm>> -> memref<32768xf32, #tpu.memory_space<hbm>>
    tpu.wait_dma2 semaphore(%arg12 : memref<!tpu.dma_semaphore, #tpu.memory_space<semaphore_mem>>) src(%arg5 : memref<32768xf32, #tpu.memory_space<vmem>>) dst(%dma_wait3A_2040 : memref<32768xf32, #tpu.memory_space<hbm>>)
    return
  }
}

</mosaic_0001>

<sc_bundles>
// kernel: kernel.3.cloned.1.call-start
scs
__scs_entry_jumppad:
0x0: {  	(pc) =	sbr.rel $0x88, $3  }
0x1: {  	(tag) =	ssettag $0x0;
	lr =	simm.s32 $0x1  }
0x2: {  	[smem:$0x3FA0] =	sst lr;
	_ =	strace $0xD0000000  }
0x3: {  	_ = 	snop  }
0x4: {  	_ = 	snop  }
0x5: {  	_ = 	snop  }
0x6: {  	_ = 	snop  }
0x7: {  	_ = 	snop  }
__scs_overlays_trampoline_lowered:
0x8: {  	[smem:$0x3FAF] =	sst s0  }
0x9: {  	[smem:$0x3FB0] =	sst s1  }
0xa: {  	[smem:$0x3FB1] =	sst s2  }
0xb: {  	[smem:$0x3FB2] =	sst s3  }
0xc: {  	[smem:$0x3FB3] =	sst s4  }
0xd: {  	[smem:$0x3FB4] =	sst s5  }
0xe: {  	[smem:$0x3FB5] =	sst s6  }
0xf: {  	[smem:$0x3FB6] =	sst s7  }
0x10: {  	[smem:$0x3FB7] =	sst s8  }
0x11: {  	[smem:$0x3FB8] =	sst s9;
	s0 =	simm.s32 @!p0 $0x0  }
0x12: {  	s1 =	sld [smem:$0x3F9E];
	s0 =	simm.s32 @p0 $0x1  }
0x13: {  	[smem:$0x3FB9] =	sst s0;
	s0 =	simm.s32 @!p1 $0x0  }
0x14: {  	s2 =	sld [smem:$0x3F9D];
	s0 =	simm.s32 @p1 $0x1  }
0x15: {  	[smem:$0x3FBA] =	sst s0;
	s0 =	simm.s32 @!p2 $0x0  }
0x16: {  	s3 =	sld [smem:$0x3FDB];
	s0 =	simm.s32 @p2 $0x1  }
0x17: {  	s4 =	simm.s32 $0x1BF5;
	[smem:$0x3FBC] =	sst s0  }
0x18: {  	s0 =	sld [smem:$0x3F9F];
	_ =	swait.ge [sflag:s4], $0x0  }
0x19: {  	s7 =	sld [smem:$0x3FA0]  }
0x1a: {  	s8 =	sadd.s32 $0xFFFFE003, lr  }
0x1b: {  	s9 =	sadd.s32 $0xFFFFFEF7, lr;
	s5 =	simm.s32 $0xFFFFFFFF;
	p2 =	slt.u32 s8, $0xFFFFF086  }
0x1c: {  	p1 =	slt.u32 s9, $0xF7A;
	s5 =	simm.s32 @!p2 $0x0  }
0x1d: {  	s5 =	simm.s32 @p1 $0x1;
	p0 =	seq.s32 s7, s2  }
0x1e: {  	s7 =	smul.u32 @!p0 $0xF7A, s2;
	p2 =	seq.s32 @!p0 s5, $0x0  }
0x1f: {  	s9 =	smul.u32 $0xF7A, s1;
	s8 =	simm.s32 @!p0 $0x1BF5;
	p2 =	por !p2, p0  }
0x20: {  	[sflag:s8] =	ssyncset.s32 @!p0 $0xFFFFF086;
	s6 =	sadd.s32 @!p0 s3, s7;
	s7 =	simm.s32 @!p0 $0x108  }
0x21: {  	s3 =	sadd.s32 s3, s9;
	s6 =	sadd.s32 @!p0 $0x88, s6;
	s7 =	simm.s32 @p2 $0x1082  }
0x22: {  	[simem:s7], [sflag:s8] =	dma.local @!p0 [hbm:s6], $0xF7A  }
0x23: {  	s9 =	sor.u32 $0xD0000000, s2;
	s6 =	simm.s32 $0x108;
	_ =	swait.ge @!p0 [sflag:s8], $0x0  }
0x24: {  	s3 =	sadd.s32 $0x88, s3;
	s6 =	simm.s32 @!p1 $0x1082;
	[sflag:s4] =	ssyncset.s32 $0xFFFFF086  }
0x25: {  	[simem:s6], [sflag:s4] =	dma.local [hbm:s3], $0xF7A  }
0x26: {  	[smem:$0x3FA0] =	sst s1;
	(tag) =	ssettag s2;
	_ =	strace s9  }
0x27: {  	s1 =	sld [smem:$0x3FB0]  }
0x28: {  	s2 =	sld [smem:$0x3FB1]  }
0x29: {  	s4 =	sld [smem:$0x3FB3]  }
0x2a: {  	p0 =	seq.s32 s5, $0x0;
	s5 =	sld [smem:$0x3FB4]  }
0x2b: {  	s6 =	sld [smem:$0x3FB5]  }
0x2c: {  	s7 =	sld [smem:$0x3FB6]  }
0x2d: {  	s3 =	simm.s32 $0x108;
	s8 =	sld [smem:$0x3FB7]  }
0x2e: {  	s3 =	simm.s32 @!p0 $0x1082;
	s9 =	sld [smem:$0x3FB8]  }
0x2f: {  	lr =	sadd.s32 s0, s3;
	s0 =	sld [smem:$0x3FAF]  }
0x30: {  	s3 =	sld [smem:$0x3FB2]  }
0x31: {  	[smem:$0x3FBB] =	sst s10  }
0x32: {  	s10 =	sld [smem:$0x3FB9];
	_ =	sdelay $0x3  }
0x33: {  	p0 =	seq.s32 s10, $0x1;
	s10 =	sld [smem:$0x3FBB];
	_ =	sdelay $0x3  }
0x34: {  	[smem:$0x3FBB] =	sst s10  }
0x35: {  	s10 =	sld [smem:$0x3FBA];
	_ =	sdelay $0x3  }
0x36: {  	p1 =	seq.s32 s10, $0x1;
	s10 =	sld [smem:$0x3FBB];
	_ =	sdelay $0x3  }
0x37: {  	[smem:$0x3FBB] =	sst s10  }
0x38: {  	s10 =	sld [smem:$0x3FBC]  }
0x39: {  	_ = 	snop;
	(pc) =	sbr.ind lr, $3  }
0x3a: {  	_ = 	snop  }
0x3b: {  	_ = 	snop  }
0x3c: {  	p2 =	seq.s32 s10, $0x1;
	s10 =	sld [smem:$0x3FBB]  }
0x3d: {  	_ =	shalt  }
0x3e: {  	_ =	shalt  }
0x3f: {  	_ =	shalt  }
0x40: {  	_ =	shalt  }
0x41: {  	_ =	shalt  }
0x42: {  	_ =	shalt  }
0x43: {  	_ =	shalt  }
0x44: {  	_ =	shalt  }
0x45: {  	_ =	shalt  }
0x46: {  	_ =	shalt  }
0x47: {  	_ =	shalt  }
0x48: {  	_ =	shalt  }
0x49: {  	_ =	shalt  }
0x4a: {  	_ =	shalt  }
0x4b: {  	_ =	shalt  }
0x4c: {  	_ =	shalt  }
0x4d: {  	_ =	shalt  }
0x4e: {  	_ =	shalt  }
0x4f: {  	_ =	shalt  }
0x50: {  	_ =	shalt  }
0x51: {  	_ =	shalt  }
0x52: {  	_ =	shalt  }
0x53: {  	_ =	shalt  }
0x54: {  	_ =	shalt  }
0x55: {  	_ =	shalt  }
0x56: {  	_ =	shalt  }
0x57: {  	_ =	shalt  }
0x58: {  	_ =	shalt  }
0x59: {  	_ =	shalt  }
0x5a: {  	_ =	shalt  }
0x5b: {  	_ =	shalt  }
0x5c: {  	_ =	shalt  }
0x5d: {  	_ =	shalt  }
0x5e: {  	_ =	shalt  }
0x5f: {  	_ =	shalt  }
0x60: {  	_ =	shalt  }
0x61: {  	_ =	shalt  }
0x62: {  	_ =	shalt  }
0x63: {  	_ =	shalt  }
0x64: {  	_ =	shalt  }
0x65: {  	_ =	shalt  }
0x66: {  	_ =	shalt  }
0x67: {  	_ =	shalt  }
0x68: {  	_ =	shalt  }
0x69: {  	_ =	shalt  }
0x6a: {  	_ =	shalt  }
0x6b: {  	_ =	shalt  }
0x6c: {  	_ =	shalt  }
0x6d: {  	_ =	shalt  }
0x6e: {  	_ =	shalt  }
0x6f: {  	_ =	shalt  }
0x70: {  	_ =	shalt  }
0x71: {  	_ =	shalt  }
0x72: {  	_ =	shalt  }
0x73: {  	_ =	shalt  }
0x74: {  	_ =	shalt  }
0x75: {  	_ =	shalt  }
0x76: {  	_ =	shalt  }
0x77: {  	_ =	shalt  }
0x78: {  	_ =	shalt  }
0x79: {  	_ =	shalt  }
0x7a: {  	_ =	shalt  }
0x7b: {  	_ =	shalt  }
0x7c: {  	_ =	shalt  }
0x7d: {  	_ =	shalt  }
0x7e: {  	_ =	shalt  }
0x7f: {  	_ =	shalt  }
0x80: {  	_ =	shalt  }
0x81: {  	_ =	shalt  }
0x82: {  	_ =	shalt  }
0x83: {  	_ =	shalt  }
0x84: {  	_ =	shalt  }
0x85: {  	_ =	shalt  }
0x86: {  	_ =	shalt  }
0x87: {  	_ =	shalt  }
.Lfunc_end0:
.L_simem_size_0:
called_computation_lowered:
.L_overlay_start_0:
0x88: {  	s2 =	sld [smem:$0x3FD9]  }
0x89: {  	s3 =	sld [smem:$0x3FFE];
	_ =	sdelay $0x1  }
0x8a: {  	s1 =	srdreg.scid  }
0x8b: {  	s0 =	sand.u32 $0x1, s1  }
0x8c: {  	s18 =	sshll.u32 s0, $0xA;
	s2 =	sadd.s32 s3, s2  }
0x8d: {  	s2 =	sadd.s32 s2, s18  }
0x8e: {  	[smem:$0x3FC7] =	sst s2  }
0x8f: {  	_ = 	snop  }
0x90: {  	s2 =	sld [smem:$0x3FC9]  }
0x91: {  	s19 =	sld [smem:$0x3FD0];
	(tm) =	ssettm $0x1  }
0x92: {  	s4 =	sld [smem:$0x3FFB];
	_ =	sdelay $0x3  }
0x93: {  	_ =	strace s4  }
0x94: {  	s4 =	sld [smem:$0x3FFC];
	_ =	sdelay $0x3  }
0x95: {  	_ =	strace s4  }
0x96: {  	s4 =	sld [smem:$0x3FFD];
	_ =	sdelay $0x3  }
0x97: {  	_ =	strace s4  }
0x98: {  	_ =	strace $0x8FFFFFFF  }
0x99: {  	s20 =	sld [smem:$0x3FDB];
	_ =	sdelay $0x1  }
0x9a: {  	s5 =	simm.s32 $_scs_section_size  }
0x9b: {  	s6 =	simm.s32 $_size__tile_overlayer_lowered;
	s7 =	simm.s32 $_tile_overlayer_lowered  }
0x9c: {  	s23 =	simm.s32 $0x1BFF;
	s22 =	sshll.u32 s7, $0x1;
	s4 =	sadd.s32 s5, s20  }
0x9d: {  	s8 =	simm.s32 $0x0;
	s21 =	sshll.u32 s6, $0x1;
	s6 =	sadd.s32 s22, s4  }
0x9e: {  	[timem:s8], [sflag:s23] =	dma.local [hbm:s6], s21  }
0x9f: {  	_ =	swait.ge [sflag:s23], s21  }
0xa0: {  	s5 =	ssub.s32 $0x0, s21;
	[sflag:s23] =	ssyncset.done $0x0  }
0xa1: {  	[sflag:s23] =	ssyncadd.s32 s5;
	_ =	sdelay $0x1  }
0xa2: {  	s24 =	simm.s32 $0x1B8B  }
0xa3: {  	_ =	swait.ge [sflag:s24], $0x1  }
0xa4: {  	[sflag:s24] =	ssyncset.done $0x0  }
0xa5: {  	s25 =	simm.s32 $0x1B8E;
	[sflag:s24] =	ssyncadd.s32 $0xFFFFFFFF  }
0xa6: {  	s26 =	simm.s32 $execute0_lowered;
	[smem:$0x3FD2] =	sst s25  }
0xa7: {  	s5 =	sshll.u32 s26, $0x1;
	_ =	strace $0x80000046;
	[dreg:$0x1] =	wrdreg $0xFFFFFFFF  }
0xa8: {  	s28 =	simm.s32 $_size_execute0_lowered;
	s4 =	sadd.s32 s4, s5;
	[dreg:$0x0] =	wrdreg $0x0  }
0xa9: {  	s5 =	sshll.u32 s28, $0x1;
	[dreg:$0x2] =	wrdreg s4  }
0xaa: {  	[dreg:$0x3] =	wrdreg s5  }
0xab: {  	[dreg:$0x4] =	wrdreg $0xC0  }
0xac: {  	_ =	task [dreg:s8], $0x5FFFF  }
0xad: {  	[dreg:$0x1] =	wrdreg $0xFFFFFFFF  }
0xae: {  	[dreg:$0x0] =	wrdreg $0x60  }
0xaf: {  	[dreg:$0x2] =	wrdreg s2  }
0xb0: {  	[dreg:$0x3] =	wrdreg s19  }
0xb1: {  	[dreg:$0x4] =	wrdreg $0x9  }
0xb2: {  	_ =	task.clear_ibuf [dreg:s8], $0x5FFFF;
	_ =	strace $0x90000046  }
0xb3: {  	s29 =	simm.s32 $0x9;
	_ =	strace $0x80000048  }
0xb4: {  	_ =	swait.ge [sflag:s29], $0x1  }
0xb5: {  	[sflag:s29] =	ssyncadd.s32 $0xFFFFFFFF  }
0xb6: {  	_ =	strace $0x90000048  }
0xb7: {  	_ =	sfence  }
0xb8: {  	s30 =	sld [smem:$0x0];
	_ =	sdelay $0x2  }
0xb9: {  	s31 =	sshll.u32 s1, $0xD;
	s1 =	sshrl.u32 s1, $0x2  }
0xba: {  	s3 =	sand.u32 $0x4000, s31;
	s1 =	sadd.s32 s1, s30  }
0xbb: {  	s0 =	sor.u32 s3, s0;
	s1 =	sshll.u32 s1, $0x11  }
0xbc: {  	s0 =	sor.u32 s1, s0  }
0xbd: {  	s0 =	sadd.s32 $0x8F2B, s0  }
0xbe: {  	[sflag:s0] =	ssyncadd.remote.s32 $0x1  }
0xbf: {  	_ =	sfence.sel $0xFFFF  }
0xc0: {  	[dreg:$0x0] =	wrdreg $0xFFFFFFFF;
	(pc) =	sbr.abs _section_cstart, $3  }
0xc1: {  	[dreg:$0x1] =	wrdreg $0xFFFFFFFF  }
0xc2: {  	_ =	task.clear_ibuf [dreg:s8], $0x2FFFF;
	_ =	strace $0x9FFFFFFF  }
0xc3: {  	(tm) =	ssettm $0x7FFFFFFF  }
tec
execute0_lowered:
.L_overlay_start_1:
0x0: {  	(tag) =	ssettag $0x1  }
0x1: {  	s8 =	rddreg [dreg:$0x0]  }
0x2: {  	s10 =	rddreg [dreg:$0x1]  }
0x3: {  	s0 =	rddreg [dreg:$0x2];
	s2 =	simm.s32 $0x0;
	s3 =	srdreg.scid  }
0x4: {  	s1 =	stileid.u32;
	s14 =	simm.s32 $0x8000;
	s15 =	simm.s32 $0x1  }
0x5: {  	s16 =	simm.s32 $0x18080;
	s17 =	simm.s32 $0x18200;
	s18 =	simm.s32 $0x10000  }
0x6: {  	s19 =	simm.s32 $0x3;
	s20 =	simm.s32 $0x2;
	s21 =	simm.s32 $0x4  }
0x7: {  	s22 =	simm.s32 $0x0;
	[smem:$0x7FF] =	sst s2;
	s3 =	sand.u32 $0x1, s3  }
0x8: {  	vm0 =	vcmask $0x3F3C;
	s5 =	sshll.u32 s1, $0xF;
	s4 =	ssub.s32 $0x2, s3;
	s3 =	sshll.u32 s3, $0x6  }
0x9: {  	v0 =	vimm.s32 $0xF;
	v1 =	vimm.s32 $0x0;
	v2 =	vlaneseq.u32;
	_ =	strace $0x80000047;
	s6 =	sshrl.u32 s4, $0x1;
	s9 =	sor.u32 s3, s5  }
0xa: {  	v3 =	vor.u32 $0x10, v2;
	v4 =	vor.u32 $0x20, v2;
	v5 =	vor.u32 $0x30, v2;
	s11 =	ssub.s32 s4, s6;
	s3 =	sadd.s32 s8, s9;
	s7 =	sor.u32 $0x10, s9  }
0xb: {  	v6 =	vor.u32 $0x40, v2;
	v7 =	vor.u32 $0x50, v2;
	v8 =	vor.u32 $0x60, v2;
	s5 =	sadd.s32 s10, s9;
	s12 =	sor.u32 $0x20, s9;
	s13 =	sor.u32 $0x30, s9  }
0xc: {  	v9 =	vor.u32 $0x70, v2;
	v10 =	vor.u32 $0x80, v2;
	v11 =	vor.u32 $0x90, v2;
	s4 =	sadd.s32 s8, s7;
	s6 =	sadd.s32 s8, s12;
	s7 =	sadd.s32 s10, s7  }
0xd: {  	v12 =	vor.u32 $0xA0, v2;
	v13 =	vor.u32 $0xB0, v2;
	v14 =	vor.u32 $0xC0, v2;
	s8 =	sadd.s32 s8, s13;
	s9 =	sadd.s32 s10, s12;
	s10 =	sadd.s32 s10, s13  }
0xe: {  	v15 =	vor.u32 $0xD0, v2;
	v16 =	vor.u32 $0xE0, v2;
	v17 =	vor.u32 $0xF0, v2;
	s11 =	smax.u32 s11, $0x1;
	s12 =	simm.s32 $0x80;
	s13 =	simm.s32 $0x400  }
.LBB2_1:
0xf: {  	[tilespmem:s2], [sflag:$0x1] =	stream.strided.gather [hbm4b:s3+s12], $0x8000, s13, s12, $0x38;
	[tilespmem:$0x18380] =	vst v63  }
0x10: {  	_ = 	snop  }
0x11: {  	[tilespmem:s14], [sflag:$0x2] =	stream.strided.gather [hbm4b:s4+s12], $0x8000, s13, s12, $0x38;
	[tilespmem:$0x18380] =	vst v63  }
0x12: {  	_ =	swait.ge [sflag:s15], $0x8000  }
0x13: {  	[sflag:s15] =	ssyncset.done $0x0  }
0x14: {  	s24 =	simm.s32 $0x40;
	[sflag:s15] =	ssyncadd.s32 $0xFFFF8000  }
0x15: {  	v20 =	vld [tilespmem:s24+$0xFFFFFFE0]  }
0x16: {  	v21 =	vld [tilespmem:s24+$0xFFFFFFC0]  }
0x17: {  	v22 =	vld [tilespmem:s24+$0x0]  }
0x18: {  	v23 =	vld [tilespmem:s24+$0x20]  }
0x19: {  	v24 =	vld [tilespmem:s24+$0xFFFFFFD0]  }
0x1a: {  	v25 =	vld [tilespmem:s24+$0xFFFFFFF0]  }
0x1b: {  	v26 =	vld [tilespmem:s24+$0x10]  }
0x1c: {  	v18 =	vimm.f32 $-Inf;
	s25 =	simm.s32 $0x1;
	v19 =	vimm.f32 $-Inf;
	s23 =	simm.s32 $0x0;
	v27 =	vld [tilespmem:s24+$0x30]  }
.LBB2_2:
0x1d: {  	p0 =	sne.s32 s25, $0xFF;
	_ =	sdelay $0x2  }
0x1e: {  	v20 =	vmax.f32 v21, v20  }
0x1f: {  	v21 =	vmax.f32 v22, v23;
	v22 =	vmax.f32 v24, v25;
	v23 =	vmax.f32 v26, v27  }
0x20: {  	v20 =	vmax.f32 v20, v21;
	v21 =	vmax.f32 v22, v23  }
0x21: {  	v18 =	vmax.f32 v18, v20;
	v22 =	vmax.f32 v20, v21;
	v19 =	vmax.f32 v19, v21  }
0x22: {  	(xrf0) =	vmax.scan.msk.f32 $0xffff, v22;
	_ =	sdelay $0x1  }
0x23: {  	v20 =	vmov s23;
	s23 =	smov.u32 s25;
	_ =	sdelay $0x3  }
0x24: {  	v21, _, _ =	vpop (xrf0)  }
0x25: {  	s24 =	sadd.s32 $0x80, s24;
	[tilespmem:v20+s16+$0x0] =	vst.idx.msk vm0, v21  }
0x26: {  	v20 =	vld [tilespmem:s24+$0xFFFFFFE0]  }
0x27: {  	v21 =	vld [tilespmem:s24+$0xFFFFFFC0]  }
0x28: {  	v22 =	vld [tilespmem:s24+$0x0]  }
.Ltmp0:
0x29: {  	v23 =	vld [tilespmem:s24+$0x20];
	(pc) =	sbr.rel @p0 .LBB2_2-.Ltmp0, $4  }
0x2a: {  	v24 =	vld [tilespmem:s24+$0xFFFFFFD0]  }
0x2b: {  	v25 =	vld [tilespmem:s24+$0xFFFFFFF0]  }
0x2c: {  	v26 =	vld [tilespmem:s24+$0x10]  }
0x2d: {  	s25 =	sadd.s32 $0x1, s25;
	v27 =	vld [tilespmem:s24+$0x30]  }
0x2e: {  	_ =	sdelay $0x2  }
0x2f: {  	v20 =	vmax.f32 v21, v20  }
0x30: {  	v57 =	vmax.f32 v22, v23;
	v58 =	vmax.f32 v24, v25;
	v59 =	vmax.f32 v26, v27  }
0x31: {  	v20 =	vmax.f32 v20, v57;
	v60 =	vmax.f32 v58, v59  }
0x32: {  	v18 =	vmax.f32 v18, v20;
	v19 =	vmax.f32 v19, v60  }
0x33: {  	v18 =	vmin.f32 v18, v19  }
0x34: {  	(xrf1) =	vsort.dscd.msk.f32 $0xffff, v18, v18;
	_ =	sdelay $0x2  }
0x35: {  	v18 =	vmax.f32 v20, v60  }
0x36: {  	(xrf0) =	vmax.scan.msk.f32 $0xffff, v18;
	_ =	sdelay $0x1  }
0x37: {  	v18 =	vmov s23;
	_ =	sdelay $0x3  }
0x38: {  	v19, _, _ =	vpop (xrf0)  }
0x39: {  	[tilespmem:v18+s16+$0x0] =	vst.idx.msk vm0, v19  }
0x3a: {  	v19 =	vld [tilespmem:$0x18080];
	_ =	sdelay $0x1  }
0x3b: {  	v18, _, _ =	vpop (xrf1)  }
0x3c: {  	v18 =	vperm.xlane v18, v0;
	_ =	sdelay $0x1  }
0x3d: {  	vm1 =	vge.f32 v19, v18  }
0x3e: {  	v19 =	vsel vm1, $0x1, v1  }
0x3f: {  	(xrf0) =	vadd.scan.msk.s32 $0xffff, v19;
	_ =	sdelay $0x5  }
0x40: {  	v19, _, _ =	vpop (xrf0)  }
0x41: {  	v19 =	vadd.s32 $0xFFFFFFFF, v19;
	_ =	sdelay $0x4  }
0x42: {  	[tilespmem:v19+s17+$0x0] =	vst.idx.msk vm1, v2  }
0x43: {  	v19 =	vld [tilespmem:$0x18090];
	_ =	sdelay $0x4  }
0x44: {  	vm2 =	vge.f32 v19, v18  }
0x45: {  	v19 =	vsel vm2, $0x1, v1  }
0x46: {  	(xrf0) =	vadd.scan.msk.s32 $0xffff, v19;
	_ =	sdelay $0x4  }
0x47: {  	v19 =	vmpcnt.ones.xlane vm1  }
0x48: {  	v20, _, _ =	vpop (xrf0)  }
0x49: {  	v20 =	vadd.s32 v20, v19  }
0x4a: {  	v20 =	vadd.s32 $0xFFFFFFFF, v20;
	_ =	sdelay $0x4  }
0x4b: {  	[tilespmem:v20+s17+$0x0] =	vst.idx.msk vm2, v3  }
0x4c: {  	v20 =	vld [tilespmem:$0x180A0];
	_ =	sdelay $0x4  }
0x4d: {  	vm1 =	vge.f32 v20, v18  }
0x4e: {  	v20 =	vsel vm1, $0x1, v1  }
0x4f: {  	(xrf0) =	vadd.scan.msk.s32 $0xffff, v20;
	_ =	sdelay $0x1  }
0x50: {  	v20 =	vmpcnt.ones.xlane vm2;
	_ =	sdelay $0x3  }
0x51: {  	v19 =	vadd.s32 v19, v20;
	v20, _, _ =	vpop (xrf0)  }
0x52: {  	v20 =	vadd.s32 v20, v19  }
0x53: {  	v20 =	vadd.s32 $0xFFFFFFFF, v20;
	_ =	sdelay $0x4  }
0x54: {  	[tilespmem:v20+s17+$0x0] =	vst.idx.msk vm1, v4  }
0x55: {  	v20 =	vld [tilespmem:$0x180B0];
	_ =	sdelay $0x4  }
0x56: {  	vm2 =	vge.f32 v20, v18  }
0x57: {  	v20 =	vsel vm2, $0x1, v1  }
0x58: {  	(xrf0) =	vadd.scan.msk.s32 $0xffff, v20;
	_ =	sdelay $0x1  }
0x59: {  	v20 =	vmpcnt.ones.xlane vm1;
	_ =	sdelay $0x3  }
0x5a: {  	v19 =	vadd.s32 v19, v20;
	v20, _, _ =	vpop (xrf0)  }
0x5b: {  	v20 =	vadd.s32 v20, v19  }
0x5c: {  	v20 =	vadd.s32 $0xFFFFFFFF, v20;
	_ =	sdelay $0x4  }
0x5d: {  	[tilespmem:v20+s17+$0x0] =	vst.idx.msk vm2, v5  }
0x5e: {  	v20 =	vld [tilespmem:$0x180C0];
	_ =	sdelay $0x4  }
0x5f: {  	vm1 =	vge.f32 v20, v18  }
0x60: {  	v20 =	vsel vm1, $0x1, v1  }
0x61: {  	(xrf0) =	vadd.scan.msk.s32 $0xffff, v20;
	_ =	sdelay $0x1  }
0x62: {  	v20 =	vmpcnt.ones.xlane vm2;
	_ =	sdelay $0x3  }
0x63: {  	v19 =	vadd.s32 v19, v20;
	v20, _, _ =	vpop (xrf0)  }
0x64: {  	v20 =	vadd.s32 v20, v19  }
0x65: {  	v20 =	vadd.s32 $0xFFFFFFFF, v20;
	_ =	sdelay $0x4  }
0x66: {  	[tilespmem:v20+s17+$0x0] =	vst.idx.msk vm1, v6  }
0x67: {  	v20 =	vld [tilespmem:$0x180D0];
	_ =	sdelay $0x4  }
0x68: {  	vm2 =	vge.f32 v20, v18  }
0x69: {  	v20 =	vsel vm2, $0x1, v1  }
0x6a: {  	(xrf0) =	vadd.scan.msk.s32 $0xffff, v20;
	_ =	sdelay $0x1  }
0x6b: {  	v20 =	vmpcnt.ones.xlane vm1;
	_ =	sdelay $0x3  }
0x6c: {  	v19 =	vadd.s32 v19, v20;
	v20, _, _ =	vpop (xrf0)  }
0x6d: {  	v20 =	vadd.s32 v20, v19  }
0x6e: {  	v20 =	vadd.s32 $0xFFFFFFFF, v20;
	_ =	sdelay $0x4  }
0x6f: {  	[tilespmem:v20+s17+$0x0] =	vst.idx.msk vm2, v7  }
0x70: {  	v20 =	vld [tilespmem:$0x180E0];
	_ =	sdelay $0x4  }
0x71: {  	vm1 =	vge.f32 v20, v18  }
0x72: {  	v20 =	vsel vm1, $0x1, v1  }
0x73: {  	(xrf0) =	vadd.scan.msk.s32 $0xffff, v20;
	_ =	sdelay $0x1  }
0x74: {  	v20 =	vmpcnt.ones.xlane vm2;
	_ =	sdelay $0x3  }
0x75: {  	v19 =	vadd.s32 v19, v20;
	v20, _, _ =	vpop (xrf0)  }
0x76: {  	v20 =	vadd.s32 v20, v19  }
0x77: {  	v20 =	vadd.s32 $0xFFFFFFFF, v20;
	_ =	sdelay $0x4  }
0x78: {  	[tilespmem:v20+s17+$0x0] =	vst.idx.msk vm1, v8  }
0x79: {  	v20 =	vld [tilespmem:$0x180F0];
	_ =	sdelay $0x4  }
0x7a: {  	vm2 =	vge.f32 v20, v18  }
0x7b: {  	v20 =	vsel vm2, $0x1, v1  }
0x7c: {  	(xrf0) =	vadd.scan.msk.s32 $0xffff, v20;
	_ =	sdelay $0x1  }
0x7d: {  	v20 =	vmpcnt.ones.xlane vm1;
	_ =	sdelay $0x3  }
0x7e: {  	v19 =	vadd.s32 v19, v20;
	v20, _, _ =	vpop (xrf0)  }
0x7f: {  	v20 =	vadd.s32 v20, v19  }
0x80: {  	v20 =	vadd.s32 $0xFFFFFFFF, v20;
	_ =	sdelay $0x4  }
0x81: {  	[tilespmem:v20+s17+$0x0] =	vst.idx.msk vm2, v9  }
0x82: {  	v20 =	vld [tilespmem:$0x18100];
	_ =	sdelay $0x4  }
0x83: {  	vm1 =	vge.f32 v20, v18  }
0x84: {  	v20 =	vsel vm1, $0x1, v1  }
0x85: {  	(xrf0) =	vadd.scan.msk.s32 $0xffff, v20;
	_ =	sdelay $0x1  }
0x86: {  	v20 =	vmpcnt.ones.xlane vm2;
	_ =	sdelay $0x3  }
0x87: {  	v19 =	vadd.s32 v19, v20;
	v20, _, _ =	vpop (xrf0)  }
0x88: {  	v20 =	vadd.s32 v20, v19  }
0x89: {  	v20 =	vadd.s32 $0xFFFFFFFF, v20;
	_ =	sdelay $0x4  }
0x8a: {  	[tilespmem:v20+s17+$0x0] =	vst.idx.msk vm1, v10  }
0x8b: {  	v20 =	vld [tilespmem:$0x18110];
	_ =	sdelay $0x4  }
0x8c: {  	vm2 =	vge.f32 v20, v18  }
0x8d: {  	v20 =	vsel vm2, $0x1, v1  }
0x8e: {  	(xrf0) =	vadd.scan.msk.s32 $0xffff, v20;
	_ =	sdelay $0x1  }
0x8f: {  	v20 =	vmpcnt.ones.xlane vm1;
	_ =	sdelay $0x3  }
0x90: {  	v19 =	vadd.s32 v19, v20;
	v20, _, _ =	vpop (xrf0)  }
0x91: {  	v20 =	vadd.s32 v20, v19  }
0x92: {  	v20 =	vadd.s32 $0xFFFFFFFF, v20;
	_ =	sdelay $0x4  }
0x93: {  	[tilespmem:v20+s17+$0x0] =	vst.idx.msk vm2, v11  }
0x94: {  	v20 =	vld [tilespmem:$0x18120];
	_ =	sdelay $0x4  }
0x95: {  	vm1 =	vge.f32 v20, v18  }
0x96: {  	v20 =	vsel vm1, $0x1, v1  }
0x97: {  	(xrf0) =	vadd.scan.msk.s32 $0xffff, v20;
	_ =	sdelay $0x1  }
0x98: {  	v20 =	vmpcnt.ones.xlane vm2;
	_ =	sdelay $0x3  }
0x99: {  	v19 =	vadd.s32 v19, v20;
	v20, _, _ =	vpop (xrf0)  }
0x9a: {  	v20 =	vadd.s32 v20, v19  }
0x9b: {  	v20 =	vadd.s32 $0xFFFFFFFF, v20;
	_ =	sdelay $0x4  }
0x9c: {  	[tilespmem:v20+s17+$0x0] =	vst.idx.msk vm1, v12  }
0x9d: {  	v20 =	vld [tilespmem:$0x18130];
	_ =	sdelay $0x4  }
0x9e: {  	vm2 =	vge.f32 v20, v18  }
0x9f: {  	v20 =	vsel vm2, $0x1, v1  }
0xa0: {  	(xrf0) =	vadd.scan.msk.s32 $0xffff, v20;
	_ =	sdelay $0x1  }
0xa1: {  	v20 =	vmpcnt.ones.xlane vm1;
	_ =	sdelay $0x3  }
0xa2: {  	v19 =	vadd.s32 v19, v20;
	v20, _, _ =	vpop (xrf0)  }
0xa3: {  	v20 =	vadd.s32 v20, v19  }
0xa4: {  	v20 =	vadd.s32 $0xFFFFFFFF, v20;
	_ =	sdelay $0x4  }
0xa5: {  	[tilespmem:v20+s17+$0x0] =	vst.idx.msk vm2, v13  }
0xa6: {  	v20 =	vld [tilespmem:$0x18140];
	_ =	sdelay $0x4  }
0xa7: {  	vm1 =	vge.f32 v20, v18  }
0xa8: {  	v20 =	vsel vm1, $0x1, v1  }
0xa9: {  	(xrf0) =	vadd.scan.msk.s32 $0xffff, v20;
	_ =	sdelay $0x1  }
0xaa: {  	v20 =	vmpcnt.ones.xlane vm2;
	_ =	sdelay $0x3  }
0xab: {  	v19 =	vadd.s32 v19, v20;
	v20, _, _ =	vpop (xrf0)  }
0xac: {  	v20 =	vadd.s32 v20, v19  }
0xad: {  	v20 =	vadd.s32 $0xFFFFFFFF, v20;
	_ =	sdelay $0x4  }
0xae: {  	[tilespmem:v20+s17+$0x0] =	vst.idx.msk vm1, v14  }
0xaf: {  	v20 =	vld [tilespmem:$0x18150];
	_ =	sdelay $0x4  }
0xb0: {  	vm2 =	vge.f32 v20, v18  }
0xb1: {  	v20 =	vsel vm2, $0x1, v1  }
0xb2: {  	(xrf0) =	vadd.scan.msk.s32 $0xffff, v20;
	_ =	sdelay $0x1  }
0xb3: {  	v20 =	vmpcnt.ones.xlane vm1;
	_ =	sdelay $0x3  }
0xb4: {  	v19 =	vadd.s32 v19, v20;
	v20, _, _ =	vpop (xrf0)  }
0xb5: {  	v20 =	vadd.s32 v20, v19  }
0xb6: {  	v20 =	vadd.s32 $0xFFFFFFFF, v20;
	_ =	sdelay $0x4  }
0xb7: {  	[tilespmem:v20+s17+$0x0] =	vst.idx.msk vm2, v15  }
0xb8: {  	v20 =	vld [tilespmem:$0x18160];
	_ =	sdelay $0x4  }
0xb9: {  	vm1 =	vge.f32 v20, v18  }
0xba: {  	v20 =	vsel vm1, $0x1, v1  }
0xbb: {  	(xrf0) =	vadd.scan.msk.s32 $0xffff, v20;
	_ =	sdelay $0x1  }
0xbc: {  	v20 =	vmpcnt.ones.xlane vm2;
	_ =	sdelay $0x3  }
0xbd: {  	v19 =	vadd.s32 v19, v20;
	v20, _, _ =	vpop (xrf0)  }
0xbe: {  	v20 =	vadd.s32 v20, v19  }
0xbf: {  	v20 =	vadd.s32 $0xFFFFFFFF, v20;
	_ =	sdelay $0x4  }
0xc0: {  	[tilespmem:v20+s17+$0x0] =	vst.idx.msk vm1, v16  }
0xc1: {  	v20 =	vld [tilespmem:$0x18170];
	_ =	sdelay $0x4  }
0xc2: {  	v61 =	vmpcnt.ones.xlane vm1;
	vm1 =	vge.f32 v20, v18  }
0xc3: {  	v20 =	vmpcnt.ones.xlane vm1  }
0xc4: {  	v19 =	vadd.s32 v19, v61  }
0xc5: {  	v62 =	vsel vm1, $0x1, v1;
	v20 =	vadd.s32 v19, v20  }
0xc6: {  	(xrf0) =	vadd.scan.msk.s32 $0xffff, v62;
	v20 =	vxor.u32 $0x80000000, v20  }
0xc7: {  	(xrf0) =	vmax.scan.msk.u32 $0xffff, v20;
	_ =	sdelay $0x4  }
0xc8: {  	v20, _, _ =	vpop (xrf0)  }
0xc9: {  	v63, _, _ =	vpop (xrf0)  }
0xca: {  	(v2sf) =	vpush v63, $0xF;
	_ =	sdelay $0xe  }
0xcb: {  	s31 =	spop (v2sf)  }
0xcc: {  	v19 =	vadd.s32 v20, v19;
	s23 =	sxor.u32 $0x80000000, s31  }
0xcd: {  	v19 =	vadd.s32 $0xFFFFFFFF, v19;
	p0 =	slt.s32 s23, $0x1  }
.Ltmp1:
0xce: {  	_ = 	snop;
	(pc) =	sbr.rel @p0 .LBB2_4-.Ltmp1, $2  }
0xcf: {  	_ =	sdelay $0x2  }
0xd0: {  	[tilespmem:v19+s17+$0x0] =	vst.idx.msk vm1, v17  }
0xd1: {  	v19 =	vld [tilespmem:$0x18200];
	_ =	sdelay $0x4  }
0xd2: {  	(v2sf) =	vpush v19, $0x0;
	_ =	sdelay $0xe  }
0xd3: {  	s24 =	simm.s32 $0x18201;
	v19 =	vimm.s32 $0x0;
	s25 =	spop (v2sf)  }
.LBB2_6:
0xd4: {  	s25 =	sshll.u32 s25, $0x9  }
0xd5: {  	s25 =	sshra.s32 s25, $0x2  }
0xd6: {  	v20 =	vld [tilespmem:s25+$0x0];
	_ =	sdelay $0x4  }
0xd7: {  	vm1 =	vge.f32 v20, v18  }
0xd8: {  	v21 =	vsel vm1, $0x1, v1  }
0xd9: {  	(xrf0) =	vadd.scan.msk.s32 $0xffff, v21;
	_ =	sdelay $0x5  }
0xda: {  	v21, _, _ =	vpop (xrf0)  }
0xdb: {  	v21 =	vadd.s32 v21, v19  }
0xdc: {  	v21 =	vadd.s32 $0xFFFFFFFF, v21;
	_ =	sdelay $0x4  }
0xdd: {  	v22 =	vld [tilespmem:s24+$0x0];
	[tilespmem:v21+s18+$0x0] =	vst.idx.msk vm1, v20  }
0xde: {  	v20 =	vld [tilespmem:s25+$0x10];
	_ =	sdelay $0x4  }
0xdf: {  	vm2 =	vge.f32 v20, v18  }
0xe0: {  	v42 =	vsel vm2, $0x1, v1  }
0xe1: {  	(xrf0) =	vadd.scan.msk.s32 $0xffff, v42;
	_ =	sdelay $0x3  }
0xe2: {  	v43 =	vmpcnt.ones.xlane vm1;
	_ =	sdelay $0x1  }
0xe3: {  	v19 =	vadd.s32 v19, v43;
	v44, _, _ =	vpop (xrf0)  }
0xe4: {  	v21 =	vadd.s32 v44, v19  }
0xe5: {  	v21 =	vadd.s32 $0xFFFFFFFF, v21;
	_ =	sdelay $0x4  }
0xe6: {  	[tilespmem:v21+s18+$0x0] =	vst.idx.msk vm2, v20  }
0xe7: {  	v20 =	vld [tilespmem:s25+$0x20];
	_ =	sdelay $0x4  }
0xe8: {  	vm1 =	vge.f32 v20, v18  }
0xe9: {  	v45 =	vsel vm1, $0x1, v1  }
0xea: {  	(xrf0) =	vadd.scan.msk.s32 $0xffff, v45;
	_ =	sdelay $0x3  }
0xeb: {  	v46 =	vmpcnt.ones.xlane vm2;
	_ =	sdelay $0x1  }
0xec: {  	v19 =	vadd.s32 v19, v46;
	v47, _, _ =	vpop (xrf0)  }
0xed: {  	v21 =	vadd.s32 v47, v19  }
0xee: {  	v21 =	vadd.s32 $0xFFFFFFFF, v21;
	_ =	sdelay $0x4  }
0xef: {  	[tilespmem:v21+s18+$0x0] =	vst.idx.msk vm1, v20  }
0xf0: {  	v20 =	vld [tilespmem:s25+$0x30];
	_ =	sdelay $0x4  }
0xf1: {  	vm2 =	vge.f32 v20, v18  }
0xf2: {  	v48 =	vsel vm2, $0x1, v1  }
0xf3: {  	(xrf0) =	vadd.scan.msk.s32 $0xffff, v48;
	_ =	sdelay $0x3  }
0xf4: {  	v49 =	vmpcnt.ones.xlane vm1;
	_ =	sdelay $0x1  }
0xf5: {  	v19 =	vadd.s32 v19, v49;
	v50, _, _ =	vpop (xrf0)  }
0xf6: {  	v21 =	vadd.s32 v50, v19  }
0xf7: {  	v21 =	vadd.s32 $0xFFFFFFFF, v21;
	_ =	sdelay $0x4  }
0xf8: {  	[tilespmem:v21+s18+$0x0] =	vst.idx.msk vm2, v20  }
0xf9: {  	v20 =	vld [tilespmem:s25+$0x40];
	_ =	sdelay $0x4  }
0xfa: {  	vm1 =	vge.f32 v20, v18  }
0xfb: {  	v51 =	vsel vm1, $0x1, v1  }
0xfc: {  	(xrf0) =	vadd.scan.msk.s32 $0xffff, v51;
	_ =	sdelay $0x3  }
0xfd: {  	v52 =	vmpcnt.ones.xlane vm2;
	_ =	sdelay $0x1  }
0xfe: {  	v19 =	vadd.s32 v19, v52;
	v53, _, _ =	vpop (xrf0)  }
0xff: {  	v21 =	vadd.s32 v53, v19  }
0x100: {  	v21 =	vadd.s32 $0xFFFFFFFF, v21;
	_ =	sdelay $0x4  }
0x101: {  	[tilespmem:v21+s18+$0x0] =	vst.idx.msk vm1, v20  }
0x102: {  	v20 =	vld [tilespmem:s25+$0x50];
	_ =	sdelay $0x4  }
0x103: {  	vm2 =	vge.f32 v20, v18  }
0x104: {  	v54 =	vsel vm2, $0x1, v1  }
0x105: {  	(xrf0) =	vadd.scan.msk.s32 $0xffff, v54;
	_ =	sdelay $0x3  }
0x106: {  	v55 =	vmpcnt.ones.xlane vm1;
	_ =	sdelay $0x1  }
0x107: {  	v19 =	vadd.s32 v19, v55;
	v56, _, _ =	vpop (xrf0)  }
0x108: {  	v21 =	vadd.s32 v56, v19  }
0x109: {  	v21 =	vadd.s32 $0xFFFFFFFF, v21;
	_ =	sdelay $0x4  }
0x10a: {  	[tilespmem:v21+s18+$0x0] =	vst.idx.msk vm2, v20  }
0x10b: {  	v20 =	vld [tilespmem:s25+$0x60];
	_ =	sdelay $0x4  }
0x10c: {  	vm1 =	vge.f32 v20, v18  }
0x10d: {  	v57 =	vsel vm1, $0x1, v1  }
0x10e: {  	(xrf0) =	vadd.scan.msk.s32 $0xffff, v57;
	_ =	sdelay $0x3  }
0x10f: {  	v58 =	vmpcnt.ones.xlane vm2;
	_ =	sdelay $0x1  }
0x110: {  	v19 =	vadd.s32 v19, v58;
	v59, _, _ =	vpop (xrf0)  }
0x111: {  	v21 =	vadd.s32 v59, v19  }
0x112: {  	v21 =	vadd.s32 $0xFFFFFFFF, v21;
	_ =	sdelay $0x4  }
0x113: {  	[tilespmem:v21+s18+$0x0] =	vst.idx.msk vm1, v20  }
0x114: {  	v20 =	vld [tilespmem:s25+$0x70];
	_ =	sdelay $0x4  }
0x115: {  	(v2sf) =	vpush v22, $0x0;
	vm2 =	vge.f32 v20, v18  }
0x116: {  	v60 =	vsel vm2, $0x1, v1  }
0x117: {  	(xrf0) =	vadd.scan.msk.s32 $0xffff, v60;
	_ =	sdelay $0x3  }
0x118: {  	v61 =	vmpcnt.ones.xlane vm1;
	_ =	sdelay $0x1  }
0x119: {  	v19 =	vadd.s32 v19, v61;
	v62, _, _ =	vpop (xrf0)  }
0x11a: {  	v21 =	vadd.s32 v62, v19  }
0x11b: {  	p0 =	sne.s32 s23, $0x1;
	v21 =	vadd.s32 $0xFFFFFFFF, v21  }
.Ltmp2:
0x11c: {  	_ = 	snop;
	(pc) =	sbr.rel @p0 .LBB2_6-.Ltmp2, $3  }
0x11d: {  	_ = 	snop  }
0x11e: {  	v63 =	vmpcnt.ones.xlane vm2;
	_ =	sdelay $0x1  }
0x11f: {  	s24 =	sadd.s32 $0x1, s24;
	s23 =	sadd.s32 $0xFFFFFFFF, s23;
	s25 =	spop (v2sf);
	v19 =	vadd.s32 v19, v63;
	[tilespmem:v21+s18+$0x0] =	vst.idx.msk vm2, v20  }
.Ltmp3:
0x120: {  	(pc) =	sbr.rel .LBB2_8-.Ltmp3, $2  }
0x121: {  	_ =	sdelay $0x2  }
0x122: {  	v18 =	vxor.u32 $0x80000000, v19  }
.LBB2_4:
0x123: {  	v18 =	vimm.s32 $0x80000000  }
.LBB2_8:
0x124: {  	(xrf0) =	vmax.scan.msk.u32 $0xffff, v18;
	_ =	sdelay $0x5  }
0x125: {  	v18, _, _ =	vpop (xrf0)  }
0x126: {  	(v2sf) =	vpush v18, $0xF;
	_ =	sdelay $0xe  }
0x127: {  	s23 =	spop (v2sf)  }
0x128: {  	s24 =	sxor.u32 $0x80000000, s23  }
0x129: {  	p1 =	sgt.s32 s23, $0xFFFFFFFF;
	s23 =	sand.u32 $0xF, s23;
	p0 =	slt.s32 s24, $0x1  }
0x12a: {  	s25 =	sshra.s32 s24, $0x1F;
	p6 =	sne.s32 s23, $0x0;
	p0 =	por p1, p0  }
0x12b: {  	s31 =	sshrl.u32 s25, $0x1C;
	p0 =	por !p6, !p0  }
0x12c: {  	s25 =	simm.s32 $0x1;
	s23 =	sadd.s32 s31, s24;
	p0 =	por !p0, !p0  }
0x12d: {  	s23 =	sshra.s32 s23, $0x4;
	s25 =	simm.s32 @!p0 $0x0  }
0x12e: {  	s23 =	ssub.s32 s23, s25  }
0x12f: {  	p0 =	slt.s32 s23, $0x1  }
.Ltmp4:
0x130: {  	_ = 	snop;
	(pc) =	sbr.rel @p0 .LBB2_9-.Ltmp4, $2  }
0x131: {  	_ =	sdelay $0x2  }
0x132: {  	v19 =	vimm.f32 $-Inf;
	s25 =	simm.s32 $0x10000  }
0x133: {  	p3 =	sne.s32 s23, $0x1  }
.Ltmp5:
0x134: {  	_ = 	snop;
	(pc) =	sbr.rel @!p3 .LBB2_11-.Ltmp5, $2  }
0x135: {  	_ =	sdelay $0x2  }
0x136: {  	v21 =	vld [tilespmem:s25+$0x0];
	s26 =	sadd.s32 $0xFFFFFFFF, s23;
	p1 =	por $0x0, $0x0;
	p2 =	por $0x0, $0x0  }
0x137: {  	_ =	sdelay $0x3  }
0x138: {  	(xrf1) =	vsort.dscd.msk.f32 $0xffff, v21, v21;
	_ =	sdelay $0x9  }
0x139: {  	v18 =	vmul.u32 $0xFFFFFFFF, v2;
	_ =	sdelay $0x1  }
0x13a: {  	v18 =	vadd.s32 $0xF, v18  }
0x13b: {  	v20 =	vperm.xlane v19, v18  }
0x13c: {  	v21, _, _ =	vpop (xrf1)  }
0x13d: {  	v20 =	vmax.f32 v21, v20  }
0x13e: {  	(xrf1) =	vsort.dscd.msk.f32 $0xffff, v20, v20;
	_ =	sdelay $0x9  }
0x13f: {  	p3 =	sne.s32 s26, $0x1  }
.Ltmp6:
0x140: {  	_ = 	snop;
	(pc) =	sbr.rel @!p3 .LBB2_13-.Ltmp6, $3  }
0x141: {  	_ =	sdelay $0x1  }
0x142: {  	s25 =	sadd.s32 $0x10, s25;
	v20, _, _ =	vpop (xrf1)  }
0x143: {  	s26 =	sadd.s32 $0xFFFFFFFF, s26;
	p1 =	por $0x1, $0x1;
	v21 =	vld [tilespmem:s25+$0x0];
	v20 =	vperm.xlane v20, v18  }
0x144: {  	_ = 	snop  }
0x145: {  	v22 =	vmin.f32 v19, v20  }
0x146: {  	(xrf1) =	vsort.dscd.msk.f32 $0xffff, v22, v22;
	_ =	sdelay $0x1  }
0x147: {  	(xrf1) =	vsort.dscd.msk.f32 $0xffff, v21, v21;
	_ =	sdelay $0xb  }
0x148: {  	v21, _, _ =	vpop (xrf1)  }
0x149: {  	v21 =	vperm.xlane v21, v18  }
0x14a: {  	v22, _, _ =	vpop (xrf1)  }
0x14b: {  	v21 =	vmax.f32 v22, v21  }
0x14c: {  	(xrf1) =	vsort.dscd.msk.f32 $0xffff, v21, v21;
	_ =	sdelay $0xc  }
0x14d: {  	v20 =	vmax.f32 v19, v20  }
0x14e: {  	v22, _, _ =	vpop (xrf1);
	(xrf1) =	vsort.dscd.msk.f32 $0xffff, v20, v20;
	_ =	sdelay $0x7  }
0x14f: {  	p3 =	sne.s32 s26, $0x1  }
.Ltmp7:
0x150: {  	_ = 	snop;
	(pc) =	sbr.rel @!p3 .LBB2_16-.Ltmp7, $3  }
0x151: {  	_ =	sdelay $0x1  }
0x152: {  	s25 =	sadd.s32 $0x10, s25  }
0x153: {  	s26 =	sadd.s32 $0xFFFFFFFF, s26;
	p2 =	por $0x1, $0x1;
	v21 =	vld [tilespmem:s25+$0x0];
	v20 =	vperm.xlane v22, v18  }
.LBB2_15:
0x154: {  	p3 =	sne.s32 s26, $0x1;
	v22, _, _ =	vpop (xrf1)  }
0x155: {  	v23 =	vmin.f32 v22, v20  }
0x156: {  	(xrf1) =	vsort.dscd.msk.f32 $0xffff, v23, v23;
	_ =	sdelay $0x1  }
0x157: {  	(xrf1) =	vsort.dscd.msk.f32 $0xffff, v21, v21;
	_ =	sdelay $0xb  }
0x158: {  	v21, _, _ =	vpop (xrf1)  }
0x159: {  	v21 =	vperm.xlane v21, v18  }
0x15a: {  	v23, _, _ =	vpop (xrf1)  }
0x15b: {  	v21 =	vmax.f32 v23, v21  }
0x15c: {  	(xrf1) =	vsort.dscd.msk.f32 $0xffff, v21, v21  }
0x15d: {  	v20 =	vmax.f32 v22, v20  }
0x15e: {  	(xrf1) =	vsort.dscd.msk.f32 $0xffff, v20, v20;
	_ =	sdelay $0x8  }
.Ltmp8:
0x15f: {  	(pc) =	sbr.rel @p3 .LBB2_15-.Ltmp8, $3  }
0x160: {  	_ =	sdelay $0x1  }
0x161: {  	s25 =	sadd.s32 $0x10, s25;
	v20, _, _ =	vpop (xrf1)  }
0x162: {  	s26 =	sadd.s32 $0xFFFFFFFF, s26;
	v21 =	vld [tilespmem:s25+$0x0];
	v20 =	vperm.xlane v20, v18  }
.LBB2_16:
0x163: {  	v18, _, _ =	vpop @p2 (xrf1)  }
0x164: {  	v18 =	vpsel p2, v18, v19  }
0x165: {  	v22 =	vmin.f32 @p1 v18, v20  }
0x166: {  	(xrf1) =	vsort.dscd.msk.f32 @p1 $0xffff, v22, v22;
	_ =	sdelay $0x2  }
0x167: {  	(xrf1) =	vsort.dscd.msk.f32 $0xffff, v21, v21;
	_ =	sdelay $0x9  }
0x168: {  	v21 =	vmul.u32 $0xFFFFFFFF, v2  }
0x169: {  	v22, _, _ =	vpop @p1 (xrf1)  }
0x16a: {  	v21 =	vadd.s32 $0xF, v21;
	v22 =	vpsel p1, v22, v19  }
0x16b: {  	v22 =	vperm.xlane v22, v21  }
0x16c: {  	v23, _, _ =	vpop (xrf1)  }
0x16d: {  	v22 =	vmax.f32 v23, v22  }
0x16e: {  	v18 =	vmax.f32 @p1 v18, v20;
	(xrf1) =	vsort.dscd.msk.f32 $0xffff, v22, v22  }
0x16f: {  	(xrf1) =	vsort.dscd.msk.f32 @p1 $0xffff, v18, v18;
	_ =	sdelay $0xc  }
0x170: {  	v18, _, _ =	vpop (xrf1)  }
0x171: {  	v18 =	vperm.xlane v18, v21;
	v20, _, _ =	vpop @p1 (xrf1)  }
0x172: {  	v19 =	vpsel p1, v20, v19  }
0x173: {  	v20 =	vmin.f32 v19, v18  }
0x174: {  	v18 =	vmax.f32 v19, v18;
	(xrf1) =	vsort.dscd.msk.f32 $0xffff, v20, v20  }
0x175: {  	(xrf1) =	vsort.dscd.msk.f32 $0xffff, v18, v18;
	_ =	sdelay $0x9  }
.Ltmp9:
0x176: {  	_ = 	snop;
	(pc) =	sbr.rel .LBB2_17-.Ltmp9, $3  }
0x177: {  	_ =	sdelay $0x1  }
0x178: {  	v21, _, _ =	vpop (xrf1)  }
0x179: {  	v19, _, _ =	vpop (xrf1)  }
.LBB2_9:
0x17a: {  	v21 =	vimm.f32 $-Inf  }
.LBB2_17:
0x17b: {  	s25 =	sshll.u32 s23, $0x4  }
0x17c: {  	v18 =	vld [tilespmem:s25+$0x10000];
	_ =	sdelay $0x1  }
0x17d: {  	s24 =	ssub.s32 s24, s25  }
0x17e: {  	v20 =	vmov s24  }
0x17f: {  	vm1 =	vgt.s32 v20, v2  }
0x180: {  	v20 =	vnsel vm1, $0xFF800000, v18  }
0x181: {  	(xrf1) =	vsort.dscd.msk.f32 $0xffff, v20, v20;
	_ =	sdelay $0x9  }
0x182: {  	v18 =	vmul.u32 $0xFFFFFFFF, v2;
	_ =	sdelay $0x1  }
0x183: {  	v18 =	vadd.s32 $0xF, v18  }
0x184: {  	v21 =	vperm.xlane v21, v18  }
0x185: {  	v22, _, _ =	vpop (xrf1)  }
0x186: {  	v21 =	vmax.f32 v22, v21  }
0x187: {  	(xrf1) =	vsort.dscd.msk.f32 $0xffff, v21, v21;
	_ =	sdelay $0xd  }
0x188: {  	v21, _, _ =	vpop (xrf1)  }
0x189: {  	v21 =	vperm.xlane v21, v18;
	_ =	sdelay $0x1  }
0x18a: {  	v19 =	vmin.f32 v19, v21  }
0x18b: {  	(xrf1) =	vsort.dscd.msk.f32 $0xffff, v19, v19;
	_ =	sdelay $0xd  }
.Ltmp10:
0x18c: {  	v19, _, _ =	vpop (xrf1);
	(pc) =	sbr.rel @p0 .LBB2_21-.Ltmp10, $3  }
0x18d: {  	v19 =	vperm.xlane v19, v0;
	_ =	sdelay $0x1  }
0x18e: {  	v19 =	vadd.f32 $1.000000010e-07, v19  }
0x18f: {  	s24 =	simm.s32 $0x10000;
	v21 =	vimm.f32 $0.0e+00  }
0x190: {  	v22 =	vld [tilespmem:s24+$0x0];
	p0 =	sne.s32 s23, $0x1  }
.Ltmp11:
0x191: {  	_ = 	snop;
	(pc) =	sbr.rel @!p0 .LBB2_20-.Ltmp11, $2  }
0x192: {  	_ =	sdelay $0x2  }
0x193: {  	s23 =	sadd.s32 $0xFFFFFFFF, s23;
	s24 =	sadd.s32 $0x10, s24;
	v22 =	vsub.f32 v22, v19  }
.LBB2_19:
0x194: {  	v23 =	vld [tilespmem:s24+$0x0];
	p0 =	sne.s32 s23, $0x1;
	s23 =	sadd.s32 $0xFFFFFFFF, s23  }
.Ltmp12:
0x195: {  	v22 =	vmax.f32 v22, $0.0e+00;
	(pc) =	sbr.rel @p0 .LBB2_19-.Ltmp12, $2  }
0x196: {  	v21 =	vadd.f32 v22, v21;
	_ =	sdelay $0x2  }
0x197: {  	s24 =	sadd.s32 $0x10, s24;
	v22 =	vsub.f32 v23, v19  }
.LBB2_20:
0x198: {  	_ = 	snop  }
0x199: {  	v22 =	vmax.f32 v22, $0.0e+00  }
0x19a: {  	v21 =	vadd.f32 v22, v21  }
.LBB2_21:
0x19b: {  	v20 =	vsub.f32 v20, v19;
	_ =	sdelay $0x1  }
0x19c: {  	v20 =	vmax.f32 v20, $0.0e+00  }
0x19d: {  	v20 =	vadd.f32 v21, v20;
	_ =	sdelay $0x1  }
0x19e: {  	(xrf2) =	vadd.scan.msk.f32 $0xffff, v20;
	_ =	sdelay $0x9  }
0x19f: {  	v20, _, _ =	vpop (xrf2)  }
0x1a0: {  	v20 =	vperm.xlane v20, v0;
	_ =	sdelay $0x1  }
0x1a1: {  	v20 =	vadd.f32 $1.000000010e-07, v20;
	_ =	sdelay $0x1  }
0x1a2: {  	(erf) = vrcp.f32 v20;
	_ =	sdelay $0x1  }
0x1a3: {  	s23 =	simm.s32 $0x0  }
0x1a4: {  	v21 =	vld [tilespmem:s23+$0x0]  }
0x1a5: {  	v26 =	vld [tilespmem:s23+$0x10]  }
0x1a6: {  	v25 =	vld [tilespmem:s23+$0x20]  }
0x1a7: {  	v24 =	vld [tilespmem:s23+$0x30]  }
0x1a8: {  	v23 =	vld [tilespmem:s23+$0x40]  }
0x1a9: {  	v22 =	vld [tilespmem:s23+$0x50];
	v27 =	vsub.f32 v21, v19  }
0x1aa: {  	s24 =	simm.s32 $0x200;
	v26 =	vsub.f32 v26, v19;
	v21 =	vld [tilespmem:s23+$0x60];
	v20 =	vpop (erf)  }
.LBB2_22:
0x1ab: {  	p0 =	sne.s32 s24, $0x1FE00;
	v27 =	vmax.f32 v27, $0.0e+00;
	v25 =	vsub.f32 v25, v19;
	v28 =	vld [tilespmem:s23+$0x70]  }
0x1ac: {  	v27 =	vmul.f32 v27, v20;
	v26 =	vmax.f32 v26, $0.0e+00;
	v24 =	vsub.f32 v24, v19  }
0x1ad: {  	v26 =	vmul.f32 v26, v20;
	v25 =	vmax.f32 v25, $0.0e+00;
	v23 =	vsub.f32 v23, v19  }
0x1ae: {  	s25 =	sshra.s32 s24, $0x2;
	[tilespmem:s23+$0x0] =	vst v27;
	v25 =	vmul.f32 v25, v20;
	v24 =	vmax.f32 v24, $0.0e+00;
	v22 =	vsub.f32 v22, v19  }
0x1af: {  	v27 =	vld [tilespmem:s25+$0x0];
	[tilespmem:s23+$0x10] =	vst v26;
	v24 =	vmul.f32 v24, v20;
	v23 =	vmax.f32 v23, $0.0e+00;
	v21 =	vsub.f32 v21, v19  }
0x1b0: {  	v26 =	vld [tilespmem:s25+$0x10];
	[tilespmem:s23+$0x20] =	vst v25;
	v23 =	vmul.f32 v23, v20;
	v22 =	vmax.f32 v22, $0.0e+00;
	v28 =	vsub.f32 v28, v19  }
.Ltmp13:
0x1b1: {  	v25 =	vld [tilespmem:s25+$0x20];
	[tilespmem:s23+$0x30] =	vst v24;
	v22 =	vmul.f32 v22, v20;
	v21 =	vmax.f32 v21, $0.0e+00;
	(pc) =	sbr.rel @p0 .LBB2_22-.Ltmp13, $4  }
0x1b2: {  	v24 =	vld [tilespmem:s25+$0x30];
	[tilespmem:s23+$0x40] =	vst v23;
	v21 =	vmul.f32 v21, v20;
	v28 =	vmax.f32 v28, $0.0e+00  }
0x1b3: {  	v23 =	vld [tilespmem:s25+$0x40];
	[tilespmem:s23+$0x50] =	vst v22;
	v28 =	vmul.f32 v28, v20  }
0x1b4: {  	v27 =	vsub.f32 v27, v19;
	v22 =	vld [tilespmem:s25+$0x50];
	[tilespmem:s23+$0x60] =	vst v21  }
0x1b5: {  	s24 =	sadd.s32 $0x200, s24;
	v26 =	vsub.f32 v26, v19;
	v21 =	vld [tilespmem:s25+$0x60];
	[tilespmem:s23+$0x70] =	vst v28;
	s23 =	smov.u32 s25  }
0x1b6: {  	v27 =	vmax.f32 v27, $0.0e+00;
	v25 =	vsub.f32 v25, v19;
	v28 =	vld [tilespmem:s23+$0x70]  }
0x1b7: {  	v27 =	vmul.f32 v27, v20;
	v26 =	vmax.f32 v26, $0.0e+00;
	v24 =	vsub.f32 v24, v19  }
0x1b8: {  	v26 =	vmul.f32 v26, v20;
	v25 =	vmax.f32 v25, $0.0e+00;
	v23 =	vsub.f32 v23, v19  }
0x1b9: {  	[tilespmem:s23+$0x0] =	vst v27;
	v25 =	vmul.f32 v25, v20;
	v24 =	vmax.f32 v24, $0.0e+00;
	v22 =	vsub.f32 v22, v19  }
0x1ba: {  	[tilespmem:s23+$0x10] =	vst v26;
	v24 =	vmul.f32 v24, v20;
	v23 =	vmax.f32 v23, $0.0e+00;
	v21 =	vsub.f32 v21, v19  }
0x1bb: {  	[tilespmem:s23+$0x20] =	vst v25;
	v23 =	vmul.f32 v23, v20;
	v22 =	vmax.f32 v22, $0.0e+00;
	v19 =	vsub.f32 v28, v19  }
0x1bc: {  	[tilespmem:s23+$0x30] =	vst v24;
	v22 =	vmul.f32 v22, v20;
	v21 =	vmax.f32 v21, $0.0e+00  }
0x1bd: {  	[tilespmem:s23+$0x40] =	vst v23;
	v21 =	vmul.f32 v21, v20;
	v19 =	vmax.f32 v19, $0.0e+00  }
0x1be: {  	[tilespmem:s23+$0x50] =	vst v22;
	v19 =	vmul.f32 v19, v20  }
0x1bf: {  	[tilespmem:s23+$0x60] =	vst v21  }
0x1c0: {  	[tilespmem:s23+$0x70] =	vst v19;
	s23 =	simm.s32 $0x0  }
0x1c1: {  	[hbm4b:s5+s12] =	stream.strided.scatter [tilespmem:s23], [sflag:$0x3], $0x8000, s13, s12, $0x38;
	[tilespmem:$0x18380] =	vst v63  }
0x1c2: {  	_ =	swait.ge [sflag:s19], $0x8000  }
0x1c3: {  	[sflag:s19] =	ssyncset.done $0x0  }
0x1c4: {  	[sflag:s19] =	ssyncadd.s32 $0xFFFF8000  }
0x1c5: {  	[tilespmem:s23], [sflag:$0x1] =	stream.strided.gather [hbm4b:s6+s12], $0x8000, s13, s12, $0x38;
	[tilespmem:$0x18380] =	vst v63  }
0x1c6: {  	_ =	swait.ge [sflag:s20], $0x8000  }
0x1c7: {  	[sflag:s20] =	ssyncset.done $0x0  }
0x1c8: {  	s24 =	simm.s32 $0x8040;
	[sflag:s20] =	ssyncadd.s32 $0xFFFF8000  }
0x1c9: {  	v21 =	vld [tilespmem:s24+$0xFFFFFFE0]  }
0x1ca: {  	v22 =	vld [tilespmem:s24+$0xFFFFFFC0]  }
0x1cb: {  	v23 =	vld [tilespmem:s24+$0x0]  }
0x1cc: {  	v24 =	vld [tilespmem:s24+$0x20]  }
0x1cd: {  	v25 =	vld [tilespmem:s24+$0xFFFFFFD0]  }
0x1ce: {  	v26 =	vld [tilespmem:s24+$0xFFFFFFF0]  }
0x1cf: {  	v27 =	vld [tilespmem:s24+$0x10]  }
0x1d0: {  	s25 =	simm.s32 $0x1;
	v20 =	vimm.f32 $-Inf;
	v19 =	vimm.f32 $-Inf;
	v28 =	vld [tilespmem:s24+$0x30]  }
.LBB2_24:
0x1d1: {  	p0 =	sne.s32 s25, $0xFF;
	_ =	sdelay $0x2  }
0x1d2: {  	v21 =	vmax.f32 v22, v21  }
0x1d3: {  	v22 =	vmax.f32 v23, v24;
	v23 =	vmax.f32 v25, v26;
	v24 =	vmax.f32 v27, v28  }
0x1d4: {  	v21 =	vmax.f32 v21, v22;
	v22 =	vmax.f32 v23, v24  }
0x1d5: {  	v19 =	vmax.f32 v19, v21;
	v23 =	vmax.f32 v21, v22;
	v20 =	vmax.f32 v20, v22  }
0x1d6: {  	(xrf0) =	vmax.scan.msk.f32 $0xffff, v23;
	_ =	sdelay $0x1  }
0x1d7: {  	v21 =	vmov s23;
	s23 =	smov.u32 s25;
	_ =	sdelay $0x3  }
0x1d8: {  	v22, _, _ =	vpop (xrf0)  }
0x1d9: {  	s24 =	sadd.s32 $0x80, s24;
	[tilespmem:v21+s16+$0x0] =	vst.idx.msk vm0, v22  }
0x1da: {  	v21 =	vld [tilespmem:s24+$0xFFFFFFE0]  }
0x1db: {  	v22 =	vld [tilespmem:s24+$0xFFFFFFC0]  }
0x1dc: {  	v23 =	vld [tilespmem:s24+$0x0]  }
.Ltmp14:
0x1dd: {  	v24 =	vld [tilespmem:s24+$0x20];
	(pc) =	sbr.rel @p0 .LBB2_24-.Ltmp14, $4  }
0x1de: {  	v25 =	vld [tilespmem:s24+$0xFFFFFFD0]  }
0x1df: {  	v26 =	vld [tilespmem:s24+$0xFFFFFFF0]  }
0x1e0: {  	v27 =	vld [tilespmem:s24+$0x10]  }
0x1e1: {  	s25 =	sadd.s32 $0x1, s25;
	v28 =	vld [tilespmem:s24+$0x30]  }
0x1e2: {  	_ =	sdelay $0x2  }
0x1e3: {  	v21 =	vmax.f32 v22, v21  }
0x1e4: {  	v29 =	vmax.f32 v23, v24;
	v30 =	vmax.f32 v25, v26;
	v31 =	vmax.f32 v27, v28  }
0x1e5: {  	v21 =	vmax.f32 v21, v29;
	v32 =	vmax.f32 v30, v31  }
0x1e6: {  	v19 =	vmax.f32 v19, v21;
	v20 =	vmax.f32 v20, v32  }
0x1e7: {  	v19 =	vmin.f32 v19, v20  }
0x1e8: {  	(xrf1) =	vsort.dscd.msk.f32 $0xffff, v19, v19;
	_ =	sdelay $0x2  }
0x1e9: {  	v19 =	vmax.f32 v21, v32  }
0x1ea: {  	(xrf0) =	vmax.scan.msk.f32 $0xffff, v19;
	_ =	sdelay $0x1  }
0x1eb: {  	v19 =	vmov s23;
	_ =	sdelay $0x3  }
0x1ec: {  	v20, _, _ =	vpop (xrf0)  }
0x1ed: {  	[tilespmem:v19+s16+$0x0] =	vst.idx.msk vm0, v20  }
0x1ee: {  	v20 =	vld [tilespmem:$0x18080];
	_ =	sdelay $0x1  }
0x1ef: {  	v19, _, _ =	vpop (xrf1)  }
0x1f0: {  	v19 =	vperm.xlane v19, v0;
	_ =	sdelay $0x1  }
0x1f1: {  	vm1 =	vge.f32 v20, v19  }
0x1f2: {  	v20 =	vsel vm1, $0x1, v1  }
0x1f3: {  	(xrf0) =	vadd.scan.msk.s32 $0xffff, v20;
	_ =	sdelay $0x5  }
0x1f4: {  	v20, _, _ =	vpop (xrf0)  }
0x1f5: {  	v20 =	vadd.s32 $0xFFFFFFFF, v20;
	_ =	sdelay $0x4  }
0x1f6: {  	[tilespmem:v20+s17+$0x0] =	vst.idx.msk vm1, v2  }
0x1f7: {  	v20 =	vld [tilespmem:$0x18090];
	_ =	sdelay $0x4  }
0x1f8: {  	vm2 =	vge.f32 v20, v19  }
0x1f9: {  	v20 =	vsel vm2, $0x1, v1  }
0x1fa: {  	(xrf0) =	vadd.scan.msk.s32 $0xffff, v20;
	_ =	sdelay $0x4  }
0x1fb: {  	v20 =	vmpcnt.ones.xlane vm1  }
0x1fc: {  	v33, _, _ =	vpop (xrf0)  }
0x1fd: {  	v21 =	vadd.s32 v33, v20  }
0x1fe: {  	v21 =	vadd.s32 $0xFFFFFFFF, v21;
	_ =	sdelay $0x4  }
0x1ff: {  	[tilespmem:v21+s17+$0x0] =	vst.idx.msk vm2, v3  }
0x200: {  	v21 =	vld [tilespmem:$0x180A0];
	_ =	sdelay $0x4  }
0x201: {  	vm1 =	vge.f32 v21, v19  }
0x202: {  	v21 =	vsel vm1, $0x1, v1  }
0x203: {  	(xrf0) =	vadd.scan.msk.s32 $0xffff, v21;
	_ =	sdelay $0x3  }
0x204: {  	v34 =	vmpcnt.ones.xlane vm2;
	_ =	sdelay $0x1  }
0x205: {  	v20 =	vadd.s32 v20, v34;
	v35, _, _ =	vpop (xrf0)  }
0x206: {  	v21 =	vadd.s32 v35, v20  }
0x207: {  	v21 =	vadd.s32 $0xFFFFFFFF, v21;
	_ =	sdelay $0x4  }
0x208: {  	[tilespmem:v21+s17+$0x0] =	vst.idx.msk vm1, v4  }
0x209: {  	v21 =	vld [tilespmem:$0x180B0];
	_ =	sdelay $0x4  }
0x20a: {  	vm2 =	vge.f32 v21, v19  }
0x20b: {  	v21 =	vsel vm2, $0x1, v1  }
0x20c: {  	(xrf0) =	vadd.scan.msk.s32 $0xffff, v21;
	_ =	sdelay $0x3  }
0x20d: {  	v36 =	vmpcnt.ones.xlane vm1;
	_ =	sdelay $0x1  }
0x20e: {  	v20 =	vadd.s32 v20, v36;
	v37, _, _ =	vpop (xrf0)  }
0x20f: {  	v21 =	vadd.s32 v37, v20  }
0x210: {  	v21 =	vadd.s32 $0xFFFFFFFF, v21;
	_ =	sdelay $0x4  }
0x211: {  	[tilespmem:v21+s17+$0x0] =	vst.idx.msk vm2, v5  }
0x212: {  	v21 =	vld [tilespmem:$0x180C0];
	_ =	sdelay $0x4  }
0x213: {  	vm1 =	vge.f32 v21, v19  }
0x214: {  	v21 =	vsel vm1, $0x1, v1  }
0x215: {  	(xrf0) =	vadd.scan.msk.s32 $0xffff, v21;
	_ =	sdelay $0x3  }
0x216: {  	v38 =	vmpcnt.ones.xlane vm2;
	_ =	sdelay $0x1  }
0x217: {  	v20 =	vadd.s32 v20, v38;
	v39, _, _ =	vpop (xrf0)  }
0x218: {  	v21 =	vadd.s32 v39, v20  }
0x219: {  	v21 =	vadd.s32 $0xFFFFFFFF, v21;
	_ =	sdelay $0x4  }
0x21a: {  	[tilespmem:v21+s17+$0x0] =	vst.idx.msk vm1, v6  }
0x21b: {  	v21 =	vld [tilespmem:$0x180D0];
	_ =	sdelay $0x4  }
0x21c: {  	vm2 =	vge.f32 v21, v19  }
0x21d: {  	v21 =	vsel vm2, $0x1, v1  }
0x21e: {  	(xrf0) =	vadd.scan.msk.s32 $0xffff, v21;
	_ =	sdelay $0x3  }
0x21f: {  	v40 =	vmpcnt.ones.xlane vm1;
	_ =	sdelay $0x1  }
0x220: {  	v20 =	vadd.s32 v20, v40;
	v41, _, _ =	vpop (xrf0)  }
0x221: {  	v21 =	vadd.s32 v41, v20  }
0x222: {  	v21 =	vadd.s32 $0xFFFFFFFF, v21;
	_ =	sdelay $0x4  }
0x223: {  	[tilespmem:v21+s17+$0x0] =	vst.idx.msk vm2, v7  }
0x224: {  	v21 =	vld [tilespmem:$0x180E0];
	_ =	sdelay $0x4  }
0x225: {  	vm1 =	vge.f32 v21, v19  }
0x226: {  	v21 =	vsel vm1, $0x1, v1  }
0x227: {  	(xrf0) =	vadd.scan.msk.s32 $0xffff, v21;
	_ =	sdelay $0x3  }
0x228: {  	v42 =	vmpcnt.ones.xlane vm2;
	_ =	sdelay $0x1  }
0x229: {  	v20 =	vadd.s32 v20, v42;
	v43, _, _ =	vpop (xrf0)  }
0x22a: {  	v21 =	vadd.s32 v43, v20  }
0x22b: {  	v21 =	vadd.s32 $0xFFFFFFFF, v21;
	_ =	sdelay $0x4  }
0x22c: {  	[tilespmem:v21+s17+$0x0] =	vst.idx.msk vm1, v8  }
0x22d: {  	v21 =	vld [tilespmem:$0x180F0];
	_ =	sdelay $0x4  }
0x22e: {  	vm2 =	vge.f32 v21, v19  }
0x22f: {  	v21 =	vsel vm2, $0x1, v1  }
0x230: {  	(xrf0) =	vadd.scan.msk.s32 $0xffff, v21;
	_ =	sdelay $0x3  }
0x231: {  	v44 =	vmpcnt.ones.xlane vm1;
	_ =	sdelay $0x1  }
0x232: {  	v20 =	vadd.s32 v20, v44;
	v45, _, _ =	vpop (xrf0)  }
0x233: {  	v21 =	vadd.s32 v45, v20  }
0x234: {  	v21 =	vadd.s32 $0xFFFFFFFF, v21;
	_ =	sdelay $0x4  }
0x235: {  	[tilespmem:v21+s17+$0x0] =	vst.idx.msk vm2, v9  }
0x236: {  	v21 =	vld [tilespmem:$0x18100];
	_ =	sdelay $0x4  }
0x237: {  	vm1 =	vge.f32 v21, v19  }
0x238: {  	v21 =	vsel vm1, $0x1, v1  }
0x239: {  	(xrf0) =	vadd.scan.msk.s32 $0xffff, v21;
	_ =	sdelay $0x3  }
0x23a: {  	v46 =	vmpcnt.ones.xlane vm2;
	_ =	sdelay $0x1  }
0x23b: {  	v20 =	vadd.s32 v20, v46;
	v47, _, _ =	vpop (xrf0)  }
0x23c: {  	v21 =	vadd.s32 v47, v20  }
0x23d: {  	v21 =	vadd.s32 $0xFFFFFFFF, v21;
	_ =	sdelay $0x4  }
0x23e: {  	[tilespmem:v21+s17+$0x0] =	vst.idx.msk vm1, v10  }
0x23f: {  	v21 =	vld [tilespmem:$0x18110];
	_ =	sdelay $0x4  }
0x240: {  	vm2 =	vge.f32 v21, v19  }
0x241: {  	v21 =	vsel vm2, $0x1, v1  }
0x242: {  	(xrf0) =	vadd.scan.msk.s32 $0xffff, v21;
	_ =	sdelay $0x3  }
0x243: {  	v48 =	vmpcnt.ones.xlane vm1;
	_ =	sdelay $0x1  }
0x244: {  	v20 =	vadd.s32 v20, v48;
	v49, _, _ =	vpop (xrf0)  }
0x245: {  	v21 =	vadd.s32 v49, v20  }
0x246: {  	v21 =	vadd.s32 $0xFFFFFFFF, v21;
	_ =	sdelay $0x4  }
0x247: {  	[tilespmem:v21+s17+$0x0] =	vst.idx.msk vm2, v11  }
0x248: {  	v21 =	vld [tilespmem:$0x18120];
	_ =	sdelay $0x4  }
0x249: {  	vm1 =	vge.f32 v21, v19  }
0x24a: {  	v21 =	vsel vm1, $0x1, v1  }
0x24b: {  	(xrf0) =	vadd.scan.msk.s32 $0xffff, v21;
	_ =	sdelay $0x3  }
0x24c: {  	v50 =	vmpcnt.ones.xlane vm2;
	_ =	sdelay $0x1  }
0x24d: {  	v20 =	vadd.s32 v20, v50;
	v51, _, _ =	vpop (xrf0)  }
0x24e: {  	v21 =	vadd.s32 v51, v20  }
0x24f: {  	v21 =	vadd.s32 $0xFFFFFFFF, v21;
	_ =	sdelay $0x4  }
0x250: {  	[tilespmem:v21+s17+$0x0] =	vst.idx.msk vm1, v12  }
0x251: {  	v21 =	vld [tilespmem:$0x18130];
	_ =	sdelay $0x4  }
0x252: {  	vm2 =	vge.f32 v21, v19  }
0x253: {  	v21 =	vsel vm2, $0x1, v1  }
0x254: {  	(xrf0) =	vadd.scan.msk.s32 $0xffff, v21;
	_ =	sdelay $0x3  }
0x255: {  	v52 =	vmpcnt.ones.xlane vm1;
	_ =	sdelay $0x1  }
0x256: {  	v20 =	vadd.s32 v20, v52;
	v53, _, _ =	vpop (xrf0)  }
0x257: {  	v21 =	vadd.s32 v53, v20  }
0x258: {  	v21 =	vadd.s32 $0xFFFFFFFF, v21;
	_ =	sdelay $0x4  }
0x259: {  	[tilespmem:v21+s17+$0x0] =	vst.idx.msk vm2, v13  }
0x25a: {  	v21 =	vld [tilespmem:$0x18140];
	_ =	sdelay $0x4  }
0x25b: {  	vm1 =	vge.f32 v21, v19  }
0x25c: {  	v21 =	vsel vm1, $0x1, v1  }
0x25d: {  	(xrf0) =	vadd.scan.msk.s32 $0xffff, v21;
	_ =	sdelay $0x3  }
0x25e: {  	v54 =	vmpcnt.ones.xlane vm2;
	_ =	sdelay $0x1  }
0x25f: {  	v20 =	vadd.s32 v20, v54;
	v55, _, _ =	vpop (xrf0)  }
0x260: {  	v21 =	vadd.s32 v55, v20  }
0x261: {  	v21 =	vadd.s32 $0xFFFFFFFF, v21;
	_ =	sdelay $0x4  }
0x262: {  	[tilespmem:v21+s17+$0x0] =	vst.idx.msk vm1, v14  }
0x263: {  	v21 =	vld [tilespmem:$0x18150];
	_ =	sdelay $0x4  }
0x264: {  	vm2 =	vge.f32 v21, v19  }
0x265: {  	v21 =	vsel vm2, $0x1, v1  }
0x266: {  	(xrf0) =	vadd.scan.msk.s32 $0xffff, v21;
	_ =	sdelay $0x3  }
0x267: {  	v56 =	vmpcnt.ones.xlane vm1;
	_ =	sdelay $0x1  }
0x268: {  	v20 =	vadd.s32 v20, v56;
	v57, _, _ =	vpop (xrf0)  }
0x269: {  	v21 =	vadd.s32 v57, v20  }
0x26a: {  	v21 =	vadd.s32 $0xFFFFFFFF, v21;
	_ =	sdelay $0x4  }
0x26b: {  	[tilespmem:v21+s17+$0x0] =	vst.idx.msk vm2, v15  }
0x26c: {  	v21 =	vld [tilespmem:$0x18160];
	_ =	sdelay $0x4  }
0x26d: {  	vm1 =	vge.f32 v21, v19  }
0x26e: {  	v21 =	vsel vm1, $0x1, v1  }
0x26f: {  	(xrf0) =	vadd.scan.msk.s32 $0xffff, v21;
	_ =	sdelay $0x3  }
0x270: {  	v58 =	vmpcnt.ones.xlane vm2;
	_ =	sdelay $0x1  }
0x271: {  	v20 =	vadd.s32 v20, v58;
	v59, _, _ =	vpop (xrf0)  }
0x272: {  	v21 =	vadd.s32 v59, v20  }
0x273: {  	v21 =	vadd.s32 $0xFFFFFFFF, v21;
	_ =	sdelay $0x4  }
0x274: {  	[tilespmem:v21+s17+$0x0] =	vst.idx.msk vm1, v16  }
0x275: {  	v21 =	vld [tilespmem:$0x18170];
	_ =	sdelay $0x4  }
0x276: {  	v60 =	vmpcnt.ones.xlane vm1;
	vm1 =	vge.f32 v21, v19  }
0x277: {  	v21 =	vmpcnt.ones.xlane vm1  }
0x278: {  	v20 =	vadd.s32 v20, v60  }
0x279: {  	v61 =	vsel vm1, $0x1, v1;
	v21 =	vadd.s32 v20, v21  }
0x27a: {  	(xrf0) =	vadd.scan.msk.s32 $0xffff, v61;
	v21 =	vxor.u32 $0x80000000, v21  }
0x27b: {  	(xrf0) =	vmax.scan.msk.u32 $0xffff, v21;
	_ =	sdelay $0x4  }
0x27c: {  	v62, _, _ =	vpop (xrf0)  }
0x27d: {  	v63, _, _ =	vpop (xrf0)  }
0x27e: {  	(v2sf) =	vpush v63, $0xF;
	_ =	sdelay $0xe  }
0x27f: {  	s31 =	spop (v2sf)  }
0x280: {  	v20 =	vadd.s32 v62, v20;
	s23 =	sxor.u32 $0x80000000, s31  }
0x281: {  	v20 =	vadd.s32 $0xFFFFFFFF, v20;
	p0 =	slt.s32 s23, $0x1  }
.Ltmp15:
0x282: {  	_ = 	snop;
	(pc) =	sbr.rel @p0 .LBB2_26-.Ltmp15, $2  }
0x283: {  	_ =	sdelay $0x2  }
0x284: {  	[tilespmem:v20+s17+$0x0] =	vst.idx.msk vm1, v17  }
0x285: {  	v20 =	vld [tilespmem:$0x18200];
	_ =	sdelay $0x4  }
0x286: {  	(v2sf) =	vpush v20, $0x0;
	_ =	sdelay $0xe  }
0x287: {  	s24 =	simm.s32 $0x18201;
	v20 =	vimm.s32 $0x0;
	s25 =	spop (v2sf)  }
.LBB2_28:
0x288: {  	s25 =	sshll.u32 s25, $0x9  }
0x289: {  	s25 =	sshra.s32 s25, $0x2  }
0x28a: {  	v21 =	vld [tilespmem:s25+$0x8000];
	_ =	sdelay $0x4  }
0x28b: {  	vm1 =	vge.f32 v21, v19  }
0x28c: {  	v22 =	vsel vm1, $0x1, v1  }
0x28d: {  	(xrf0) =	vadd.scan.msk.s32 $0xffff, v22;
	_ =	sdelay $0x5  }
0x28e: {  	v22, _, _ =	vpop (xrf0)  }
0x28f: {  	v22 =	vadd.s32 v22, v20  }
0x290: {  	v22 =	vadd.s32 $0xFFFFFFFF, v22;
	_ =	sdelay $0x4  }
0x291: {  	v23 =	vld [tilespmem:s24+$0x0];
	[tilespmem:v22+s18+$0x0] =	vst.idx.msk vm1, v21  }
0x292: {  	v21 =	vld [tilespmem:s25+$0x8010];
	_ =	sdelay $0x4  }
0x293: {  	vm2 =	vge.f32 v21, v19  }
0x294: {  	v22 =	vsel vm2, $0x1, v1  }
0x295: {  	(xrf0) =	vadd.scan.msk.s32 $0xffff, v22;
	_ =	sdelay $0x1  }
0x296: {  	v22 =	vmpcnt.ones.xlane vm1;
	_ =	sdelay $0x3  }
0x297: {  	v20 =	vadd.s32 v20, v22;
	v22, _, _ =	vpop (xrf0)  }
0x298: {  	v22 =	vadd.s32 v22, v20  }
0x299: {  	v22 =	vadd.s32 $0xFFFFFFFF, v22;
	_ =	sdelay $0x4  }
0x29a: {  	[tilespmem:v22+s18+$0x0] =	vst.idx.msk vm2, v21  }
0x29b: {  	v21 =	vld [tilespmem:s25+$0x8020];
	_ =	sdelay $0x4  }
0x29c: {  	vm1 =	vge.f32 v21, v19  }
0x29d: {  	v22 =	vsel vm1, $0x1, v1  }
0x29e: {  	(xrf0) =	vadd.scan.msk.s32 $0xffff, v22;
	_ =	sdelay $0x1  }
0x29f: {  	v22 =	vmpcnt.ones.xlane vm2;
	_ =	sdelay $0x3  }
0x2a0: {  	v20 =	vadd.s32 v20, v22;
	v22, _, _ =	vpop (xrf0)  }
0x2a1: {  	v22 =	vadd.s32 v22, v20  }
0x2a2: {  	v22 =	vadd.s32 $0xFFFFFFFF, v22;
	_ =	sdelay $0x4  }
0x2a3: {  	[tilespmem:v22+s18+$0x0] =	vst.idx.msk vm1, v21  }
0x2a4: {  	v21 =	vld [tilespmem:s25+$0x8030];
	_ =	sdelay $0x4  }
0x2a5: {  	vm2 =	vge.f32 v21, v19  }
0x2a6: {  	v22 =	vsel vm2, $0x1, v1  }
0x2a7: {  	(xrf0) =	vadd.scan.msk.s32 $0xffff, v22;
	_ =	sdelay $0x1  }
0x2a8: {  	v22 =	vmpcnt.ones.xlane vm1;
	_ =	sdelay $0x3  }
0x2a9: {  	v20 =	vadd.s32 v20, v22;
	v22, _, _ =	vpop (xrf0)  }
0x2aa: {  	v22 =	vadd.s32 v22, v20  }
0x2ab: {  	v22 =	vadd.s32 $0xFFFFFFFF, v22;
	_ =	sdelay $0x4  }
0x2ac: {  	[tilespmem:v22+s18+$0x0] =	vst.idx.msk vm2, v21  }
0x2ad: {  	v21 =	vld [tilespmem:s25+$0x8040];
	_ =	sdelay $0x4  }
0x2ae: {  	vm1 =	vge.f32 v21, v19  }
0x2af: {  	v22 =	vsel vm1, $0x1, v1  }
0x2b0: {  	(xrf0) =	vadd.scan.msk.s32 $0xffff, v22;
	_ =	sdelay $0x1  }
0x2b1: {  	v22 =	vmpcnt.ones.xlane vm2;
	_ =	sdelay $0x3  }
0x2b2: {  	v20 =	vadd.s32 v20, v22;
	v22, _, _ =	vpop (xrf0)  }
0x2b3: {  	v22 =	vadd.s32 v22, v20  }
0x2b4: {  	v22 =	vadd.s32 $0xFFFFFFFF, v22;
	_ =	sdelay $0x4  }
0x2b5: {  	[tilespmem:v22+s18+$0x0] =	vst.idx.msk vm1, v21  }
0x2b6: {  	v21 =	vld [tilespmem:s25+$0x8050];
	_ =	sdelay $0x4  }
0x2b7: {  	vm2 =	vge.f32 v21, v19  }
0x2b8: {  	v22 =	vsel vm2, $0x1, v1  }
0x2b9: {  	(xrf0) =	vadd.scan.msk.s32 $0xffff, v22;
	_ =	sdelay $0x1  }
0x2ba: {  	v22 =	vmpcnt.ones.xlane vm1;
	_ =	sdelay $0x3  }
0x2bb: {  	v20 =	vadd.s32 v20, v22;
	v22, _, _ =	vpop (xrf0)  }
0x2bc: {  	v22 =	vadd.s32 v22, v20  }
0x2bd: {  	v22 =	vadd.s32 $0xFFFFFFFF, v22;
	_ =	sdelay $0x4  }
0x2be: {  	[tilespmem:v22+s18+$0x0] =	vst.idx.msk vm2, v21  }
0x2bf: {  	v21 =	vld [tilespmem:s25+$0x8060];
	_ =	sdelay $0x4  }
0x2c0: {  	vm1 =	vge.f32 v21, v19  }
0x2c1: {  	v22 =	vsel vm1, $0x1, v1  }
0x2c2: {  	(xrf0) =	vadd.scan.msk.s32 $0xffff, v22;
	_ =	sdelay $0x1  }
0x2c3: {  	v22 =	vmpcnt.ones.xlane vm2;
	_ =	sdelay $0x3  }
0x2c4: {  	v20 =	vadd.s32 v20, v22;
	v22, _, _ =	vpop (xrf0)  }
0x2c5: {  	v22 =	vadd.s32 v22, v20  }
0x2c6: {  	v22 =	vadd.s32 $0xFFFFFFFF, v22;
	_ =	sdelay $0x4  }
0x2c7: {  	[tilespmem:v22+s18+$0x0] =	vst.idx.msk vm1, v21  }
0x2c8: {  	v21 =	vld [tilespmem:s25+$0x8070];
	_ =	sdelay $0x4  }
0x2c9: {  	(v2sf) =	vpush v23, $0x0;
	vm2 =	vge.f32 v21, v19  }
0x2ca: {  	v22 =	vsel vm2, $0x1, v1  }
0x2cb: {  	(xrf0) =	vadd.scan.msk.s32 $0xffff, v22;
	_ =	sdelay $0x1  }
0x2cc: {  	v22 =	vmpcnt.ones.xlane vm1;
	_ =	sdelay $0x3  }
0x2cd: {  	v20 =	vadd.s32 v20, v22;
	v22, _, _ =	vpop (xrf0)  }
0x2ce: {  	v22 =	vadd.s32 v22, v20  }
0x2cf: {  	p0 =	sne.s32 s23, $0x1;
	v22 =	vadd.s32 $0xFFFFFFFF, v22  }
.Ltmp16:
0x2d0: {  	_ = 	snop;
	(pc) =	sbr.rel @p0 .LBB2_28-.Ltmp16, $3  }
0x2d1: {  	_ = 	snop  }
0x2d2: {  	v23 =	vmpcnt.ones.xlane vm2;
	_ =	sdelay $0x1  }
0x2d3: {  	s24 =	sadd.s32 $0x1, s24;
	s23 =	sadd.s32 $0xFFFFFFFF, s23;
	s25 =	spop (v2sf);
	v20 =	vadd.s32 v20, v23;
	[tilespmem:v22+s18+$0x0] =	vst.idx.msk vm2, v21  }
.Ltmp17:
0x2d4: {  	(pc) =	sbr.rel .LBB2_30-.Ltmp17, $2  }
0x2d5: {  	_ =	sdelay $0x2  }
0x2d6: {  	v19 =	vxor.u32 $0x80000000, v20  }
.LBB2_26:
0x2d7: {  	v19 =	vimm.s32 $0x80000000  }
.LBB2_30:
0x2d8: {  	(xrf0) =	vmax.scan.msk.u32 $0xffff, v19;
	_ =	sdelay $0x5  }
0x2d9: {  	v19, _, _ =	vpop (xrf0)  }
0x2da: {  	(v2sf) =	vpush v19, $0xF;
	_ =	sdelay $0xe  }
0x2db: {  	s23 =	spop (v2sf)  }
0x2dc: {  	s24 =	sxor.u32 $0x80000000, s23  }
0x2dd: {  	p1 =	sgt.s32 s23, $0xFFFFFFFF;
	s23 =	sand.u32 $0xF, s23;
	p0 =	slt.s32 s24, $0x1  }
0x2de: {  	s25 =	sshra.s32 s24, $0x1F;
	p6 =	sne.s32 s23, $0x0;
	p0 =	por p1, p0  }
0x2df: {  	s31 =	sshrl.u32 s25, $0x1C;
	p0 =	por !p6, !p0  }
0x2e0: {  	s25 =	simm.s32 $0x1;
	s23 =	sadd.s32 s31, s24;
	p0 =	por !p0, !p0  }
0x2e1: {  	s23 =	sshra.s32 s23, $0x4;
	s25 =	simm.s32 @!p0 $0x0  }
0x2e2: {  	s23 =	ssub.s32 s23, s25  }
0x2e3: {  	p0 =	slt.s32 s23, $0x1  }
.Ltmp18:
0x2e4: {  	_ = 	snop;
	(pc) =	sbr.rel @p0 .LBB2_31-.Ltmp18, $2  }
0x2e5: {  	_ =	sdelay $0x2  }
0x2e6: {  	v19 =	vimm.f32 $-Inf;
	s25 =	simm.s32 $0x10000  }
0x2e7: {  	p3 =	sne.s32 s23, $0x1  }
.Ltmp19:
0x2e8: {  	_ = 	snop;
	(pc) =	sbr.rel @!p3 .LBB2_33-.Ltmp19, $2  }
0x2e9: {  	_ =	sdelay $0x2  }
0x2ea: {  	v21 =	vld [tilespmem:s25+$0x0];
	s26 =	sadd.s32 $0xFFFFFFFF, s23;
	p1 =	por $0x0, $0x0;
	p2 =	por $0x0, $0x0  }
0x2eb: {  	_ =	sdelay $0x3  }
0x2ec: {  	(xrf1) =	vsort.dscd.msk.f32 $0xffff, v21, v21;
	_ =	sdelay $0xc  }
0x2ed: {  	v20 =	vperm.xlane v19, v18  }
0x2ee: {  	v21, _, _ =	vpop (xrf1)  }
0x2ef: {  	v20 =	vmax.f32 v21, v20  }
0x2f0: {  	(xrf1) =	vsort.dscd.msk.f32 $0xffff, v20, v20;
	_ =	sdelay $0x9  }
0x2f1: {  	p3 =	sne.s32 s26, $0x1  }
.Ltmp20:
0x2f2: {  	_ = 	snop;
	(pc) =	sbr.rel @!p3 .LBB2_35-.Ltmp20, $3  }
0x2f3: {  	_ =	sdelay $0x1  }
0x2f4: {  	s25 =	sadd.s32 $0x10, s25;
	v20, _, _ =	vpop (xrf1)  }
0x2f5: {  	s26 =	sadd.s32 $0xFFFFFFFF, s26;
	p1 =	por $0x1, $0x1;
	v21 =	vld [tilespmem:s25+$0x0];
	v20 =	vperm.xlane v20, v18  }
0x2f6: {  	_ = 	snop  }
0x2f7: {  	v22 =	vmin.f32 v19, v20  }
0x2f8: {  	(xrf1) =	vsort.dscd.msk.f32 $0xffff, v22, v22;
	_ =	sdelay $0x1  }
0x2f9: {  	(xrf1) =	vsort.dscd.msk.f32 $0xffff, v21, v21;
	_ =	sdelay $0xb  }
0x2fa: {  	v21, _, _ =	vpop (xrf1)  }
0x2fb: {  	v21 =	vperm.xlane v21, v18  }
0x2fc: {  	v22, _, _ =	vpop (xrf1)  }
0x2fd: {  	v21 =	vmax.f32 v22, v21  }
0x2fe: {  	(xrf1) =	vsort.dscd.msk.f32 $0xffff, v21, v21;
	_ =	sdelay $0xc  }
0x2ff: {  	v20 =	vmax.f32 v19, v20  }
0x300: {  	v22, _, _ =	vpop (xrf1);
	(xrf1) =	vsort.dscd.msk.f32 $0xffff, v20, v20;
	_ =	sdelay $0x7  }
0x301: {  	p3 =	sne.s32 s26, $0x1  }
.Ltmp21:
0x302: {  	_ = 	snop;
	(pc) =	sbr.rel @!p3 .LBB2_38-.Ltmp21, $3  }
0x303: {  	_ =	sdelay $0x1  }
0x304: {  	s25 =	sadd.s32 $0x10, s25  }
0x305: {  	s26 =	sadd.s32 $0xFFFFFFFF, s26;
	p2 =	por $0x1, $0x1;
	v21 =	vld [tilespmem:s25+$0x0];
	v20 =	vperm.xlane v22, v18  }
.LBB2_37:
0x306: {  	p3 =	sne.s32 s26, $0x1;
	v22, _, _ =	vpop (xrf1)  }
0x307: {  	v23 =	vmin.f32 v22, v20  }
0x308: {  	(xrf1) =	vsort.dscd.msk.f32 $0xffff, v23, v23;
	_ =	sdelay $0x1  }
0x309: {  	(xrf1) =	vsort.dscd.msk.f32 $0xffff, v21, v21;
	_ =	sdelay $0xb  }
0x30a: {  	v21, _, _ =	vpop (xrf1)  }
0x30b: {  	v21 =	vperm.xlane v21, v18  }
0x30c: {  	v23, _, _ =	vpop (xrf1)  }
0x30d: {  	v21 =	vmax.f32 v23, v21  }
0x30e: {  	(xrf1) =	vsort.dscd.msk.f32 $0xffff, v21, v21  }
0x30f: {  	v20 =	vmax.f32 v22, v20  }
0x310: {  	(xrf1) =	vsort.dscd.msk.f32 $0xffff, v20, v20;
	_ =	sdelay $0x8  }
.Ltmp22:
0x311: {  	(pc) =	sbr.rel @p3 .LBB2_37-.Ltmp22, $3  }
0x312: {  	_ =	sdelay $0x1  }
0x313: {  	s25 =	sadd.s32 $0x10, s25;
	v20, _, _ =	vpop (xrf1)  }
0x314: {  	s26 =	sadd.s32 $0xFFFFFFFF, s26;
	v21 =	vld [tilespmem:s25+$0x0];
	v20 =	vperm.xlane v20, v18  }
.LBB2_38:
0x315: {  	v22, _, _ =	vpop @p2 (xrf1)  }
0x316: {  	v22 =	vpsel p2, v22, v19  }
0x317: {  	v23 =	vmin.f32 @p1 v22, v20  }
0x318: {  	(xrf1) =	vsort.dscd.msk.f32 @p1 $0xffff, v23, v23;
	_ =	sdelay $0x2  }
0x319: {  	(xrf1) =	vsort.dscd.msk.f32 $0xffff, v21, v21;
	_ =	sdelay $0xa  }
0x31a: {  	v21, _, _ =	vpop @p1 (xrf1)  }
0x31b: {  	v21 =	vpsel p1, v21, v19  }
0x31c: {  	v21 =	vperm.xlane v21, v18  }
0x31d: {  	v23, _, _ =	vpop (xrf1)  }
0x31e: {  	v21 =	vmax.f32 v23, v21  }
0x31f: {  	v20 =	vmax.f32 @p1 v22, v20;
	(xrf1) =	vsort.dscd.msk.f32 $0xffff, v21, v21  }
0x320: {  	(xrf1) =	vsort.dscd.msk.f32 @p1 $0xffff, v20, v20;
	_ =	sdelay $0xc  }
0x321: {  	v20, _, _ =	vpop (xrf1)  }
0x322: {  	v20 =	vperm.xlane v20, v18;
	v21, _, _ =	vpop @p1 (xrf1)  }
0x323: {  	v19 =	vpsel p1, v21, v19  }
0x324: {  	v21 =	vmin.f32 v19, v20  }
0x325: {  	v19 =	vmax.f32 v19, v20;
	(xrf1) =	vsort.dscd.msk.f32 $0xffff, v21, v21  }
0x326: {  	(xrf1) =	vsort.dscd.msk.f32 $0xffff, v19, v19;
	_ =	sdelay $0x9  }
.Ltmp23:
0x327: {  	_ = 	snop;
	(pc) =	sbr.rel .LBB2_39-.Ltmp23, $3  }
0x328: {  	_ =	sdelay $0x1  }
0x329: {  	v21, _, _ =	vpop (xrf1)  }
0x32a: {  	v19, _, _ =	vpop (xrf1)  }
.LBB2_31:
0x32b: {  	v21 =	vimm.f32 $-Inf  }
.LBB2_39:
0x32c: {  	s25 =	sshll.u32 s23, $0x4  }
0x32d: {  	v20 =	vld [tilespmem:s25+$0x10000];
	_ =	sdelay $0x1  }
0x32e: {  	s24 =	ssub.s32 s24, s25  }
0x32f: {  	v22 =	vmov s24  }
0x330: {  	vm1 =	vgt.s32 v22, v2  }
0x331: {  	v20 =	vnsel vm1, $0xFF800000, v20  }
0x332: {  	(xrf1) =	vsort.dscd.msk.f32 $0xffff, v20, v20;
	_ =	sdelay $0xc  }
0x333: {  	v21 =	vperm.xlane v21, v18  }
0x334: {  	v22, _, _ =	vpop (xrf1)  }
0x335: {  	v21 =	vmax.f32 v22, v21  }
0x336: {  	(xrf1) =	vsort.dscd.msk.f32 $0xffff, v21, v21;
	_ =	sdelay $0xd  }
0x337: {  	v21, _, _ =	vpop (xrf1)  }
0x338: {  	v21 =	vperm.xlane v21, v18;
	_ =	sdelay $0x1  }
0x339: {  	v19 =	vmin.f32 v19, v21  }
0x33a: {  	(xrf1) =	vsort.dscd.msk.f32 $0xffff, v19, v19;
	_ =	sdelay $0xd  }
.Ltmp24:
0x33b: {  	v19, _, _ =	vpop (xrf1);
	(pc) =	sbr.rel @p0 .LBB2_43-.Ltmp24, $3  }
0x33c: {  	v19 =	vperm.xlane v19, v0;
	_ =	sdelay $0x1  }
0x33d: {  	v19 =	vadd.f32 $1.000000010e-07, v19  }
0x33e: {  	s24 =	simm.s32 $0x10000;
	v21 =	vimm.f32 $0.0e+00  }
0x33f: {  	v22 =	vld [tilespmem:s24+$0x0];
	p0 =	sne.s32 s23, $0x1  }
.Ltmp25:
0x340: {  	_ = 	snop;
	(pc) =	sbr.rel @!p0 .LBB2_42-.Ltmp25, $2  }
0x341: {  	_ =	sdelay $0x2  }
0x342: {  	s23 =	sadd.s32 $0xFFFFFFFF, s23;
	s24 =	sadd.s32 $0x10, s24;
	v22 =	vsub.f32 v22, v19  }
.LBB2_41:
0x343: {  	v23 =	vld [tilespmem:s24+$0x0];
	p0 =	sne.s32 s23, $0x1;
	s23 =	sadd.s32 $0xFFFFFFFF, s23  }
.Ltmp26:
0x344: {  	v22 =	vmax.f32 v22, $0.0e+00;
	(pc) =	sbr.rel @p0 .LBB2_41-.Ltmp26, $2  }
0x345: {  	v21 =	vadd.f32 v22, v21;
	_ =	sdelay $0x2  }
0x346: {  	s24 =	sadd.s32 $0x10, s24;
	v22 =	vsub.f32 v23, v19  }
.LBB2_42:
0x347: {  	_ = 	snop  }
0x348: {  	v22 =	vmax.f32 v22, $0.0e+00  }
0x349: {  	v21 =	vadd.f32 v22, v21  }
.LBB2_43:
0x34a: {  	v20 =	vsub.f32 v20, v19;
	_ =	sdelay $0x1  }
0x34b: {  	v20 =	vmax.f32 v20, $0.0e+00  }
0x34c: {  	v20 =	vadd.f32 v21, v20;
	_ =	sdelay $0x1  }
0x34d: {  	(xrf2) =	vadd.scan.msk.f32 $0xffff, v20;
	_ =	sdelay $0x9  }
0x34e: {  	v20, _, _ =	vpop (xrf2)  }
0x34f: {  	v20 =	vperm.xlane v20, v0;
	_ =	sdelay $0x1  }
0x350: {  	v20 =	vadd.f32 $1.000000010e-07, v20;
	_ =	sdelay $0x1  }
0x351: {  	(erf) = vrcp.f32 v20;
	_ =	sdelay $0x1  }
0x352: {  	s23 =	simm.s32 $0x0  }
0x353: {  	v21 =	vld [tilespmem:s23+$0x8000]  }
0x354: {  	v26 =	vld [tilespmem:s23+$0x8010]  }
0x355: {  	v25 =	vld [tilespmem:s23+$0x8020]  }
0x356: {  	v24 =	vld [tilespmem:s23+$0x8030]  }
0x357: {  	v23 =	vld [tilespmem:s23+$0x8040]  }
0x358: {  	v22 =	vld [tilespmem:s23+$0x8050];
	v27 =	vsub.f32 v21, v19  }
0x359: {  	s24 =	simm.s32 $0x200;
	v26 =	vsub.f32 v26, v19;
	v21 =	vld [tilespmem:s23+$0x8060];
	v20 =	vpop (erf)  }
.LBB2_44:
0x35a: {  	p0 =	sne.s32 s24, $0x1FE00;
	v27 =	vmax.f32 v27, $0.0e+00;
	v25 =	vsub.f32 v25, v19;
	v28 =	vld [tilespmem:s23+$0x8070]  }
0x35b: {  	v27 =	vmul.f32 v27, v20;
	v26 =	vmax.f32 v26, $0.0e+00;
	v24 =	vsub.f32 v24, v19  }
0x35c: {  	v26 =	vmul.f32 v26, v20;
	v25 =	vmax.f32 v25, $0.0e+00;
	v23 =	vsub.f32 v23, v19  }
0x35d: {  	s25 =	sshra.s32 s24, $0x2;
	[tilespmem:s23+$0x8000] =	vst v27;
	v25 =	vmul.f32 v25, v20;
	v24 =	vmax.f32 v24, $0.0e+00;
	v22 =	vsub.f32 v22, v19  }
0x35e: {  	v27 =	vld [tilespmem:s25+$0x8000];
	[tilespmem:s23+$0x8010] =	vst v26;
	v24 =	vmul.f32 v24, v20;
	v23 =	vmax.f32 v23, $0.0e+00;
	v21 =	vsub.f32 v21, v19  }
0x35f: {  	v26 =	vld [tilespmem:s25+$0x8010];
	[tilespmem:s23+$0x8020] =	vst v25;
	v23 =	vmul.f32 v23, v20;
	v22 =	vmax.f32 v22, $0.0e+00;
	v28 =	vsub.f32 v28, v19  }
.Ltmp27:
0x360: {  	v25 =	vld [tilespmem:s25+$0x8020];
	[tilespmem:s23+$0x8030] =	vst v24;
	v22 =	vmul.f32 v22, v20;
	v21 =	vmax.f32 v21, $0.0e+00;
	(pc) =	sbr.rel @p0 .LBB2_44-.Ltmp27, $4  }
0x361: {  	v24 =	vld [tilespmem:s25+$0x8030];
	[tilespmem:s23+$0x8040] =	vst v23;
	v21 =	vmul.f32 v21, v20;
	v28 =	vmax.f32 v28, $0.0e+00  }
0x362: {  	v23 =	vld [tilespmem:s25+$0x8040];
	[tilespmem:s23+$0x8050] =	vst v22;
	v28 =	vmul.f32 v28, v20  }
0x363: {  	v27 =	vsub.f32 v27, v19;
	v22 =	vld [tilespmem:s25+$0x8050];
	[tilespmem:s23+$0x8060] =	vst v21  }
0x364: {  	s24 =	sadd.s32 $0x200, s24;
	v26 =	vsub.f32 v26, v19;
	v21 =	vld [tilespmem:s25+$0x8060];
	[tilespmem:s23+$0x8070] =	vst v28;
	s23 =	smov.u32 s25  }
0x365: {  	v27 =	vmax.f32 v27, $0.0e+00;
	v25 =	vsub.f32 v25, v19;
	v28 =	vld [tilespmem:s23+$0x8070]  }
0x366: {  	v27 =	vmul.f32 v27, v20;
	v26 =	vmax.f32 v26, $0.0e+00;
	v24 =	vsub.f32 v24, v19  }
0x367: {  	v26 =	vmul.f32 v26, v20;
	v25 =	vmax.f32 v25, $0.0e+00;
	v23 =	vsub.f32 v23, v19  }
0x368: {  	[tilespmem:s23+$0x8000] =	vst v27;
	v25 =	vmul.f32 v25, v20;
	v24 =	vmax.f32 v24, $0.0e+00;
	v22 =	vsub.f32 v22, v19  }
0x369: {  	[tilespmem:s23+$0x8010] =	vst v26;
	v24 =	vmul.f32 v24, v20;
	v23 =	vmax.f32 v23, $0.0e+00;
	v21 =	vsub.f32 v21, v19  }
0x36a: {  	[tilespmem:s23+$0x8020] =	vst v25;
	v23 =	vmul.f32 v23, v20;
	v22 =	vmax.f32 v22, $0.0e+00;
	v19 =	vsub.f32 v28, v19  }
0x36b: {  	[tilespmem:s23+$0x8030] =	vst v24;
	v22 =	vmul.f32 v22, v20;
	v21 =	vmax.f32 v21, $0.0e+00  }
0x36c: {  	[tilespmem:s23+$0x8040] =	vst v23;
	v21 =	vmul.f32 v21, v20;
	v19 =	vmax.f32 v19, $0.0e+00  }
0x36d: {  	[tilespmem:s23+$0x8050] =	vst v22;
	v19 =	vmul.f32 v19, v20  }
0x36e: {  	[tilespmem:s23+$0x8060] =	vst v21  }
0x36f: {  	[tilespmem:s23+$0x8070] =	vst v19  }
0x370: {  	[hbm4b:s7+s12] =	stream.strided.scatter [tilespmem:s14], [sflag:$0x4], $0x8000, s13, s12, $0x38;
	[tilespmem:$0x18380] =	vst v63  }
0x371: {  	_ =	swait.ge [sflag:s21], $0x8000  }
0x372: {  	[sflag:s21] =	ssyncset.done $0x0  }
0x373: {  	[sflag:s21] =	ssyncadd.s32 $0xFFFF8000  }
0x374: {  	[tilespmem:s14], [sflag:$0x2] =	stream.strided.gather [hbm4b:s8+s12], $0x8000, s13, s12, $0x38;
	[tilespmem:$0x18380] =	vst v63  }
0x375: {  	_ =	swait.ge [sflag:s15], $0x8000  }
0x376: {  	[sflag:s15] =	ssyncset.done $0x0  }
0x377: {  	s24 =	simm.s32 $0x40;
	[sflag:s15] =	ssyncadd.s32 $0xFFFF8000  }
0x378: {  	v21 =	vld [tilespmem:s24+$0xFFFFFFE0]  }
0x379: {  	v22 =	vld [tilespmem:s24+$0xFFFFFFC0]  }
0x37a: {  	v23 =	vld [tilespmem:s24+$0x0]  }
0x37b: {  	v24 =	vld [tilespmem:s24+$0x20]  }
0x37c: {  	v25 =	vld [tilespmem:s24+$0xFFFFFFD0]  }
0x37d: {  	v26 =	vld [tilespmem:s24+$0xFFFFFFF0]  }
0x37e: {  	v27 =	vld [tilespmem:s24+$0x10]  }
0x37f: {  	s25 =	simm.s32 $0x1;
	v20 =	vimm.f32 $-Inf;
	s23 =	simm.s32 $0x0;
	v19 =	vimm.f32 $-Inf;
	v28 =	vld [tilespmem:s24+$0x30]  }
.LBB2_46:
0x380: {  	p0 =	sne.s32 s25, $0xFF;
	_ =	sdelay $0x2  }
0x381: {  	v21 =	vmax.f32 v22, v21  }
0x382: {  	v22 =	vmax.f32 v23, v24;
	v23 =	vmax.f32 v25, v26;
	v24 =	vmax.f32 v27, v28  }
0x383: {  	v21 =	vmax.f32 v21, v22;
	v22 =	vmax.f32 v23, v24  }
0x384: {  	v19 =	vmax.f32 v19, v21;
	v23 =	vmax.f32 v21, v22;
	v20 =	vmax.f32 v20, v22  }
0x385: {  	(xrf0) =	vmax.scan.msk.f32 $0xffff, v23;
	_ =	sdelay $0x1  }
0x386: {  	v21 =	vmov s23;
	s23 =	smov.u32 s25;
	_ =	sdelay $0x3  }
0x387: {  	v22, _, _ =	vpop (xrf0)  }
0x388: {  	s24 =	sadd.s32 $0x80, s24;
	[tilespmem:v21+s16+$0x0] =	vst.idx.msk vm0, v22  }
0x389: {  	v21 =	vld [tilespmem:s24+$0xFFFFFFE0]  }
0x38a: {  	v22 =	vld [tilespmem:s24+$0xFFFFFFC0]  }
0x38b: {  	v23 =	vld [tilespmem:s24+$0x0]  }
.Ltmp28:
0x38c: {  	v24 =	vld [tilespmem:s24+$0x20];
	(pc) =	sbr.rel @p0 .LBB2_46-.Ltmp28, $4  }
0x38d: {  	v25 =	vld [tilespmem:s24+$0xFFFFFFD0]  }
0x38e: {  	v26 =	vld [tilespmem:s24+$0xFFFFFFF0]  }
0x38f: {  	v27 =	vld [tilespmem:s24+$0x10]  }
0x390: {  	s25 =	sadd.s32 $0x1, s25;
	v28 =	vld [tilespmem:s24+$0x30]  }
0x391: {  	_ =	sdelay $0x2  }
0x392: {  	v21 =	vmax.f32 v22, v21  }
0x393: {  	v29 =	vmax.f32 v23, v24;
	v30 =	vmax.f32 v25, v26;
	v31 =	vmax.f32 v27, v28  }
0x394: {  	v21 =	vmax.f32 v21, v29;
	v32 =	vmax.f32 v30, v31  }
0x395: {  	v19 =	vmax.f32 v19, v21;
	v20 =	vmax.f32 v20, v32  }
0x396: {  	v19 =	vmin.f32 v19, v20  }
0x397: {  	(xrf1) =	vsort.dscd.msk.f32 $0xffff, v19, v19;
	_ =	sdelay $0x2  }
0x398: {  	v19 =	vmax.f32 v21, v32  }
0x399: {  	(xrf0) =	vmax.scan.msk.f32 $0xffff, v19;
	_ =	sdelay $0x1  }
0x39a: {  	v19 =	vmov s23;
	_ =	sdelay $0x3  }
0x39b: {  	v20, _, _ =	vpop (xrf0)  }
0x39c: {  	[tilespmem:v19+s16+$0x0] =	vst.idx.msk vm0, v20  }
0x39d: {  	v20 =	vld [tilespmem:$0x18080];
	_ =	sdelay $0x1  }
0x39e: {  	v19, _, _ =	vpop (xrf1)  }
0x39f: {  	v19 =	vperm.xlane v19, v0;
	_ =	sdelay $0x1  }
0x3a0: {  	vm1 =	vge.f32 v20, v19  }
0x3a1: {  	v20 =	vsel vm1, $0x1, v1  }
0x3a2: {  	(xrf0) =	vadd.scan.msk.s32 $0xffff, v20;
	_ =	sdelay $0x5  }
0x3a3: {  	v20, _, _ =	vpop (xrf0)  }
0x3a4: {  	v20 =	vadd.s32 $0xFFFFFFFF, v20;
	_ =	sdelay $0x4  }
0x3a5: {  	[tilespmem:v20+s17+$0x0] =	vst.idx.msk vm1, v2  }
0x3a6: {  	v20 =	vld [tilespmem:$0x18090];
	_ =	sdelay $0x4  }
0x3a7: {  	vm2 =	vge.f32 v20, v19  }
0x3a8: {  	v20 =	vsel vm2, $0x1, v1  }
0x3a9: {  	(xrf0) =	vadd.scan.msk.s32 $0xffff, v20;
	_ =	sdelay $0x4  }
0x3aa: {  	v20 =	vmpcnt.ones.xlane vm1  }
0x3ab: {  	v33, _, _ =	vpop (xrf0)  }
0x3ac: {  	v21 =	vadd.s32 v33, v20  }
0x3ad: {  	v21 =	vadd.s32 $0xFFFFFFFF, v21;
	_ =	sdelay $0x4  }
0x3ae: {  	[tilespmem:v21+s17+$0x0] =	vst.idx.msk vm2, v3  }
0x3af: {  	v21 =	vld [tilespmem:$0x180A0];
	_ =	sdelay $0x4  }
0x3b0: {  	vm1 =	vge.f32 v21, v19  }
0x3b1: {  	v21 =	vsel vm1, $0x1, v1  }
0x3b2: {  	(xrf0) =	vadd.scan.msk.s32 $0xffff, v21;
	_ =	sdelay $0x3  }
0x3b3: {  	v34 =	vmpcnt.ones.xlane vm2;
	_ =	sdelay $0x1  }
0x3b4: {  	v20 =	vadd.s32 v20, v34;
	v35, _, _ =	vpop (xrf0)  }
0x3b5: {  	v21 =	vadd.s32 v35, v20  }
0x3b6: {  	v21 =	vadd.s32 $0xFFFFFFFF, v21;
	_ =	sdelay $0x4  }
0x3b7: {  	[tilespmem:v21+s17+$0x0] =	vst.idx.msk vm1, v4  }
0x3b8: {  	v21 =	vld [tilespmem:$0x180B0];
	_ =	sdelay $0x4  }
0x3b9: {  	vm2 =	vge.f32 v21, v19  }
0x3ba: {  	v21 =	vsel vm2, $0x1, v1  }
0x3bb: {  	(xrf0) =	vadd.scan.msk.s32 $0xffff, v21;
	_ =	sdelay $0x3  }
0x3bc: {  	v36 =	vmpcnt.ones.xlane vm1;
	_ =	sdelay $0x1  }
0x3bd: {  	v20 =	vadd.s32 v20, v36;
	v37, _, _ =	vpop (xrf0)  }
0x3be: {  	v21 =	vadd.s32 v37, v20  }
0x3bf: {  	v21 =	vadd.s32 $0xFFFFFFFF, v21;
	_ =	sdelay $0x4  }
0x3c0: {  	[tilespmem:v21+s17+$0x0] =	vst.idx.msk vm2, v5  }
0x3c1: {  	v21 =	vld [tilespmem:$0x180C0];
	_ =	sdelay $0x4  }
0x3c2: {  	vm1 =	vge.f32 v21, v19  }
0x3c3: {  	v21 =	vsel vm1, $0x1, v1  }
0x3c4: {  	(xrf0) =	vadd.scan.msk.s32 $0xffff, v21;
	_ =	sdelay $0x3  }
0x3c5: {  	v38 =	vmpcnt.ones.xlane vm2;
	_ =	sdelay $0x1  }
0x3c6: {  	v20 =	vadd.s32 v20, v38;
	v39, _, _ =	vpop (xrf0)  }
0x3c7: {  	v21 =	vadd.s32 v39, v20  }
0x3c8: {  	v21 =	vadd.s32 $0xFFFFFFFF, v21;
	_ =	sdelay $0x4  }
0x3c9: {  	[tilespmem:v21+s17+$0x0] =	vst.idx.msk vm1, v6  }
0x3ca: {  	v21 =	vld [tilespmem:$0x180D0];
	_ =	sdelay $0x4  }
0x3cb: {  	vm2 =	vge.f32 v21, v19  }
0x3cc: {  	v21 =	vsel vm2, $0x1, v1  }
0x3cd: {  	(xrf0) =	vadd.scan.msk.s32 $0xffff, v21;
	_ =	sdelay $0x3  }
0x3ce: {  	v40 =	vmpcnt.ones.xlane vm1;
	_ =	sdelay $0x1  }
0x3cf: {  	v20 =	vadd.s32 v20, v40;
	v41, _, _ =	vpop (xrf0)  }
0x3d0: {  	v21 =	vadd.s32 v41, v20  }
0x3d1: {  	v21 =	vadd.s32 $0xFFFFFFFF, v21;
	_ =	sdelay $0x4  }
0x3d2: {  	[tilespmem:v21+s17+$0x0] =	vst.idx.msk vm2, v7  }
0x3d3: {  	v21 =	vld [tilespmem:$0x180E0];
	_ =	sdelay $0x4  }
0x3d4: {  	vm1 =	vge.f32 v21, v19  }
0x3d5: {  	v21 =	vsel vm1, $0x1, v1  }
0x3d6: {  	(xrf0) =	vadd.scan.msk.s32 $0xffff, v21;
	_ =	sdelay $0x3  }
0x3d7: {  	v42 =	vmpcnt.ones.xlane vm2;
	_ =	sdelay $0x1  }
0x3d8: {  	v20 =	vadd.s32 v20, v42;
	v43, _, _ =	vpop (xrf0)  }
0x3d9: {  	v21 =	vadd.s32 v43, v20  }
0x3da: {  	v21 =	vadd.s32 $0xFFFFFFFF, v21;
	_ =	sdelay $0x4  }
0x3db: {  	[tilespmem:v21+s17+$0x0] =	vst.idx.msk vm1, v8  }
0x3dc: {  	v21 =	vld [tilespmem:$0x180F0];
	_ =	sdelay $0x4  }
0x3dd: {  	vm2 =	vge.f32 v21, v19  }
0x3de: {  	v21 =	vsel vm2, $0x1, v1  }
0x3df: {  	(xrf0) =	vadd.scan.msk.s32 $0xffff, v21;
	_ =	sdelay $0x3  }
0x3e0: {  	v44 =	vmpcnt.ones.xlane vm1;
	_ =	sdelay $0x1  }
0x3e1: {  	v20 =	vadd.s32 v20, v44;
	v45, _, _ =	vpop (xrf0)  }
0x3e2: {  	v21 =	vadd.s32 v45, v20  }
0x3e3: {  	v21 =	vadd.s32 $0xFFFFFFFF, v21;
	_ =	sdelay $0x4  }
0x3e4: {  	[tilespmem:v21+s17+$0x0] =	vst.idx.msk vm2, v9  }
0x3e5: {  	v21 =	vld [tilespmem:$0x18100];
	_ =	sdelay $0x4  }
0x3e6: {  	vm1 =	vge.f32 v21, v19  }
0x3e7: {  	v21 =	vsel vm1, $0x1, v1  }
0x3e8: {  	(xrf0) =	vadd.scan.msk.s32 $0xffff, v21;
	_ =	sdelay $0x3  }
0x3e9: {  	v46 =	vmpcnt.ones.xlane vm2;
	_ =	sdelay $0x1  }
0x3ea: {  	v20 =	vadd.s32 v20, v46;
	v47, _, _ =	vpop (xrf0)  }
0x3eb: {  	v21 =	vadd.s32 v47, v20  }
0x3ec: {  	v21 =	vadd.s32 $0xFFFFFFFF, v21;
	_ =	sdelay $0x4  }
0x3ed: {  	[tilespmem:v21+s17+$0x0] =	vst.idx.msk vm1, v10  }
0x3ee: {  	v21 =	vld [tilespmem:$0x18110];
	_ =	sdelay $0x4  }
0x3ef: {  	vm2 =	vge.f32 v21, v19  }
0x3f0: {  	v21 =	vsel vm2, $0x1, v1  }
0x3f1: {  	(xrf0) =	vadd.scan.msk.s32 $0xffff, v21;
	_ =	sdelay $0x3  }
0x3f2: {  	v48 =	vmpcnt.ones.xlane vm1;
	_ =	sdelay $0x1  }
0x3f3: {  	v20 =	vadd.s32 v20, v48;
	v49, _, _ =	vpop (xrf0)  }
0x3f4: {  	v21 =	vadd.s32 v49, v20  }
0x3f5: {  	v21 =	vadd.s32 $0xFFFFFFFF, v21;
	_ =	sdelay $0x4  }
0x3f6: {  	[tilespmem:v21+s17+$0x0] =	vst.idx.msk vm2, v11  }
0x3f7: {  	v21 =	vld [tilespmem:$0x18120];
	_ =	sdelay $0x4  }
0x3f8: {  	vm1 =	vge.f32 v21, v19  }
0x3f9: {  	v21 =	vsel vm1, $0x1, v1  }
0x3fa: {  	(xrf0) =	vadd.scan.msk.s32 $0xffff, v21;
	_ =	sdelay $0x3  }
0x3fb: {  	v50 =	vmpcnt.ones.xlane vm2;
	_ =	sdelay $0x1  }
0x3fc: {  	v20 =	vadd.s32 v20, v50;
	v51, _, _ =	vpop (xrf0)  }
0x3fd: {  	v21 =	vadd.s32 v51, v20  }
0x3fe: {  	v21 =	vadd.s32 $0xFFFFFFFF, v21;
	_ =	sdelay $0x4  }
0x3ff: {  	[tilespmem:v21+s17+$0x0] =	vst.idx.msk vm1, v12  }
0x400: {  	v21 =	vld [tilespmem:$0x18130];
	_ =	sdelay $0x4  }
0x401: {  	vm2 =	vge.f32 v21, v19  }
0x402: {  	v21 =	vsel vm2, $0x1, v1  }
0x403: {  	(xrf0) =	vadd.scan.msk.s32 $0xffff, v21;
	_ =	sdelay $0x3  }
0x404: {  	v52 =	vmpcnt.ones.xlane vm1;
	_ =	sdelay $0x1  }
0x405: {  	v20 =	vadd.s32 v20, v52;
	v53, _, _ =	vpop (xrf0)  }
0x406: {  	v21 =	vadd.s32 v53, v20  }
0x407: {  	v21 =	vadd.s32 $0xFFFFFFFF, v21;
	_ =	sdelay $0x4  }
0x408: {  	[tilespmem:v21+s17+$0x0] =	vst.idx.msk vm2, v13  }
0x409: {  	v21 =	vld [tilespmem:$0x18140];
	_ =	sdelay $0x4  }
0x40a: {  	vm1 =	vge.f32 v21, v19  }
0x40b: {  	v21 =	vsel vm1, $0x1, v1  }
0x40c: {  	(xrf0) =	vadd.scan.msk.s32 $0xffff, v21;
	_ =	sdelay $0x3  }
0x40d: {  	v54 =	vmpcnt.ones.xlane vm2;
	_ =	sdelay $0x1  }
0x40e: {  	v20 =	vadd.s32 v20, v54;
	v55, _, _ =	vpop (xrf0)  }
0x40f: {  	v21 =	vadd.s32 v55, v20  }
0x410: {  	v21 =	vadd.s32 $0xFFFFFFFF, v21;
	_ =	sdelay $0x4  }
0x411: {  	[tilespmem:v21+s17+$0x0] =	vst.idx.msk vm1, v14  }
0x412: {  	v21 =	vld [tilespmem:$0x18150];
	_ =	sdelay $0x4  }
0x413: {  	vm2 =	vge.f32 v21, v19  }
0x414: {  	v21 =	vsel vm2, $0x1, v1  }
0x415: {  	(xrf0) =	vadd.scan.msk.s32 $0xffff, v21;
	_ =	sdelay $0x3  }
0x416: {  	v56 =	vmpcnt.ones.xlane vm1;
	_ =	sdelay $0x1  }
0x417: {  	v20 =	vadd.s32 v20, v56;
	v57, _, _ =	vpop (xrf0)  }
0x418: {  	v21 =	vadd.s32 v57, v20  }
0x419: {  	v21 =	vadd.s32 $0xFFFFFFFF, v21;
	_ =	sdelay $0x4  }
0x41a: {  	[tilespmem:v21+s17+$0x0] =	vst.idx.msk vm2, v15  }
0x41b: {  	v21 =	vld [tilespmem:$0x18160];
	_ =	sdelay $0x4  }
0x41c: {  	vm1 =	vge.f32 v21, v19  }
0x41d: {  	v21 =	vsel vm1, $0x1, v1  }
0x41e: {  	(xrf0) =	vadd.scan.msk.s32 $0xffff, v21;
	_ =	sdelay $0x3  }
0x41f: {  	v58 =	vmpcnt.ones.xlane vm2;
	_ =	sdelay $0x1  }
0x420: {  	v20 =	vadd.s32 v20, v58;
	v59, _, _ =	vpop (xrf0)  }
0x421: {  	v21 =	vadd.s32 v59, v20  }
0x422: {  	v21 =	vadd.s32 $0xFFFFFFFF, v21;
	_ =	sdelay $0x4  }
0x423: {  	[tilespmem:v21+s17+$0x0] =	vst.idx.msk vm1, v16  }
0x424: {  	v21 =	vld [tilespmem:$0x18170];
	_ =	sdelay $0x4  }
0x425: {  	v60 =	vmpcnt.ones.xlane vm1;
	vm1 =	vge.f32 v21, v19  }
0x426: {  	v21 =	vmpcnt.ones.xlane vm1  }
0x427: {  	v20 =	vadd.s32 v20, v60  }
0x428: {  	v61 =	vsel vm1, $0x1, v1;
	v21 =	vadd.s32 v20, v21  }
0x429: {  	(xrf0) =	vadd.scan.msk.s32 $0xffff, v61;
	v21 =	vxor.u32 $0x80000000, v21  }
0x42a: {  	(xrf0) =	vmax.scan.msk.u32 $0xffff, v21;
	_ =	sdelay $0x4  }
0x42b: {  	v62, _, _ =	vpop (xrf0)  }
0x42c: {  	v63, _, _ =	vpop (xrf0)  }
0x42d: {  	(v2sf) =	vpush v63, $0xF;
	_ =	sdelay $0xe  }
0x42e: {  	s31 =	spop (v2sf)  }
0x42f: {  	v20 =	vadd.s32 v62, v20;
	s23 =	sxor.u32 $0x80000000, s31  }
0x430: {  	v20 =	vadd.s32 $0xFFFFFFFF, v20;
	p0 =	slt.s32 s23, $0x1  }
.Ltmp29:
0x431: {  	_ = 	snop;
	(pc) =	sbr.rel @p0 .LBB2_48-.Ltmp29, $2  }
0x432: {  	_ =	sdelay $0x2  }
0x433: {  	[tilespmem:v20+s17+$0x0] =	vst.idx.msk vm1, v17  }
0x434: {  	v20 =	vld [tilespmem:$0x18200];
	_ =	sdelay $0x4  }
0x435: {  	(v2sf) =	vpush v20, $0x0;
	_ =	sdelay $0xe  }
0x436: {  	s24 =	simm.s32 $0x18201;
	v20 =	vimm.s32 $0x0;
	s25 =	spop (v2sf)  }
.LBB2_50:
0x437: {  	s25 =	sshll.u32 s25, $0x9  }
0x438: {  	s25 =	sshra.s32 s25, $0x2  }
0x439: {  	v21 =	vld [tilespmem:s25+$0x0];
	_ =	sdelay $0x4  }
0x43a: {  	vm1 =	vge.f32 v21, v19  }
0x43b: {  	v22 =	vsel vm1, $0x1, v1  }
0x43c: {  	(xrf0) =	vadd.scan.msk.s32 $0xffff, v22;
	_ =	sdelay $0x5  }
0x43d: {  	v22, _, _ =	vpop (xrf0)  }
0x43e: {  	v22 =	vadd.s32 v22, v20  }
0x43f: {  	v22 =	vadd.s32 $0xFFFFFFFF, v22;
	_ =	sdelay $0x4  }
0x440: {  	v23 =	vld [tilespmem:s24+$0x0];
	[tilespmem:v22+s18+$0x0] =	vst.idx.msk vm1, v21  }
0x441: {  	v21 =	vld [tilespmem:s25+$0x10];
	_ =	sdelay $0x4  }
0x442: {  	vm2 =	vge.f32 v21, v19  }
0x443: {  	v22 =	vsel vm2, $0x1, v1  }
0x444: {  	(xrf0) =	vadd.scan.msk.s32 $0xffff, v22;
	_ =	sdelay $0x1  }
0x445: {  	v22 =	vmpcnt.ones.xlane vm1;
	_ =	sdelay $0x3  }
0x446: {  	v20 =	vadd.s32 v20, v22;
	v22, _, _ =	vpop (xrf0)  }
0x447: {  	v22 =	vadd.s32 v22, v20  }
0x448: {  	v22 =	vadd.s32 $0xFFFFFFFF, v22;
	_ =	sdelay $0x4  }
0x449: {  	[tilespmem:v22+s18+$0x0] =	vst.idx.msk vm2, v21  }
0x44a: {  	v21 =	vld [tilespmem:s25+$0x20];
	_ =	sdelay $0x4  }
0x44b: {  	vm1 =	vge.f32 v21, v19  }
0x44c: {  	v22 =	vsel vm1, $0x1, v1  }
0x44d: {  	(xrf0) =	vadd.scan.msk.s32 $0xffff, v22;
	_ =	sdelay $0x1  }
0x44e: {  	v22 =	vmpcnt.ones.xlane vm2;
	_ =	sdelay $0x3  }
0x44f: {  	v20 =	vadd.s32 v20, v22;
	v22, _, _ =	vpop (xrf0)  }
0x450: {  	v22 =	vadd.s32 v22, v20  }
0x451: {  	v22 =	vadd.s32 $0xFFFFFFFF, v22;
	_ =	sdelay $0x4  }
0x452: {  	[tilespmem:v22+s18+$0x0] =	vst.idx.msk vm1, v21  }
0x453: {  	v21 =	vld [tilespmem:s25+$0x30];
	_ =	sdelay $0x4  }
0x454: {  	vm2 =	vge.f32 v21, v19  }
0x455: {  	v22 =	vsel vm2, $0x1, v1  }
0x456: {  	(xrf0) =	vadd.scan.msk.s32 $0xffff, v22;
	_ =	sdelay $0x1  }
0x457: {  	v22 =	vmpcnt.ones.xlane vm1;
	_ =	sdelay $0x3  }
0x458: {  	v20 =	vadd.s32 v20, v22;
	v22, _, _ =	vpop (xrf0)  }
0x459: {  	v22 =	vadd.s32 v22, v20  }
0x45a: {  	v22 =	vadd.s32 $0xFFFFFFFF, v22;
	_ =	sdelay $0x4  }
0x45b: {  	[tilespmem:v22+s18+$0x0] =	vst.idx.msk vm2, v21  }
0x45c: {  	v21 =	vld [tilespmem:s25+$0x40];
	_ =	sdelay $0x4  }
0x45d: {  	vm1 =	vge.f32 v21, v19  }
0x45e: {  	v22 =	vsel vm1, $0x1, v1  }
0x45f: {  	(xrf0) =	vadd.scan.msk.s32 $0xffff, v22;
	_ =	sdelay $0x1  }
0x460: {  	v22 =	vmpcnt.ones.xlane vm2;
	_ =	sdelay $0x3  }
0x461: {  	v20 =	vadd.s32 v20, v22;
	v22, _, _ =	vpop (xrf0)  }
0x462: {  	v22 =	vadd.s32 v22, v20  }
0x463: {  	v22 =	vadd.s32 $0xFFFFFFFF, v22;
	_ =	sdelay $0x4  }
0x464: {  	[tilespmem:v22+s18+$0x0] =	vst.idx.msk vm1, v21  }
0x465: {  	v21 =	vld [tilespmem:s25+$0x50];
	_ =	sdelay $0x4  }
0x466: {  	vm2 =	vge.f32 v21, v19  }
0x467: {  	v22 =	vsel vm2, $0x1, v1  }
0x468: {  	(xrf0) =	vadd.scan.msk.s32 $0xffff, v22;
	_ =	sdelay $0x1  }
0x469: {  	v22 =	vmpcnt.ones.xlane vm1;
	_ =	sdelay $0x3  }
0x46a: {  	v20 =	vadd.s32 v20, v22;
	v22, _, _ =	vpop (xrf0)  }
0x46b: {  	v22 =	vadd.s32 v22, v20  }
0x46c: {  	v22 =	vadd.s32 $0xFFFFFFFF, v22;
	_ =	sdelay $0x4  }
0x46d: {  	[tilespmem:v22+s18+$0x0] =	vst.idx.msk vm2, v21  }
0x46e: {  	v21 =	vld [tilespmem:s25+$0x60];
	_ =	sdelay $0x4  }
0x46f: {  	vm1 =	vge.f32 v21, v19  }
0x470: {  	v22 =	vsel vm1, $0x1, v1  }
0x471: {  	(xrf0) =	vadd.scan.msk.s32 $0xffff, v22;
	_ =	sdelay $0x1  }
0x472: {  	v22 =	vmpcnt.ones.xlane vm2;
	_ =	sdelay $0x3  }
0x473: {  	v20 =	vadd.s32 v20, v22;
	v22, _, _ =	vpop (xrf0)  }
0x474: {  	v22 =	vadd.s32 v22, v20  }
0x475: {  	v22 =	vadd.s32 $0xFFFFFFFF, v22;
	_ =	sdelay $0x4  }
0x476: {  	[tilespmem:v22+s18+$0x0] =	vst.idx.msk vm1, v21  }
0x477: {  	v21 =	vld [tilespmem:s25+$0x70];
	_ =	sdelay $0x4  }
0x478: {  	(v2sf) =	vpush v23, $0x0;
	vm2 =	vge.f32 v21, v19  }
0x479: {  	v22 =	vsel vm2, $0x1, v1  }
0x47a: {  	(xrf0) =	vadd.scan.msk.s32 $0xffff, v22;
	_ =	sdelay $0x1  }
0x47b: {  	v22 =	vmpcnt.ones.xlane vm1;
	_ =	sdelay $0x3  }
0x47c: {  	v20 =	vadd.s32 v20, v22;
	v22, _, _ =	vpop (xrf0)  }
0x47d: {  	v22 =	vadd.s32 v22, v20  }
0x47e: {  	p0 =	sne.s32 s23, $0x1;
	v22 =	vadd.s32 $0xFFFFFFFF, v22  }
.Ltmp30:
0x47f: {  	_ = 	snop;
	(pc) =	sbr.rel @p0 .LBB2_50-.Ltmp30, $3  }
0x480: {  	_ = 	snop  }
0x481: {  	v23 =	vmpcnt.ones.xlane vm2;
	_ =	sdelay $0x1  }
0x482: {  	s24 =	sadd.s32 $0x1, s24;
	s23 =	sadd.s32 $0xFFFFFFFF, s23;
	s25 =	spop (v2sf);
	v20 =	vadd.s32 v20, v23;
	[tilespmem:v22+s18+$0x0] =	vst.idx.msk vm2, v21  }
.Ltmp31:
0x483: {  	(pc) =	sbr.rel .LBB2_52-.Ltmp31, $2  }
0x484: {  	_ =	sdelay $0x2  }
0x485: {  	v19 =	vxor.u32 $0x80000000, v20  }
.LBB2_48:
0x486: {  	v19 =	vimm.s32 $0x80000000  }
.LBB2_52:
0x487: {  	(xrf0) =	vmax.scan.msk.u32 $0xffff, v19;
	_ =	sdelay $0x5  }
0x488: {  	v19, _, _ =	vpop (xrf0)  }
0x489: {  	(v2sf) =	vpush v19, $0xF;
	_ =	sdelay $0xe  }
0x48a: {  	s23 =	spop (v2sf)  }
0x48b: {  	s24 =	sxor.u32 $0x80000000, s23  }
0x48c: {  	p1 =	sgt.s32 s23, $0xFFFFFFFF;
	s23 =	sand.u32 $0xF, s23;
	p0 =	slt.s32 s24, $0x1  }
0x48d: {  	s25 =	sshra.s32 s24, $0x1F;
	p6 =	sne.s32 s23, $0x0;
	p0 =	por p1, p0  }
0x48e: {  	s31 =	sshrl.u32 s25, $0x1C;
	p0 =	por !p6, !p0  }
0x48f: {  	s25 =	simm.s32 $0x1;
	s23 =	sadd.s32 s31, s24;
	p0 =	por !p0, !p0  }
0x490: {  	s23 =	sshra.s32 s23, $0x4;
	s25 =	simm.s32 @!p0 $0x0  }
0x491: {  	s23 =	ssub.s32 s23, s25  }
0x492: {  	p0 =	slt.s32 s23, $0x1  }
.Ltmp32:
0x493: {  	_ = 	snop;
	(pc) =	sbr.rel @p0 .LBB2_53-.Ltmp32, $2  }
0x494: {  	_ =	sdelay $0x2  }
0x495: {  	v19 =	vimm.f32 $-Inf;
	s25 =	simm.s32 $0x10000  }
0x496: {  	p3 =	sne.s32 s23, $0x1  }
.Ltmp33:
0x497: {  	_ = 	snop;
	(pc) =	sbr.rel @!p3 .LBB2_55-.Ltmp33, $2  }
0x498: {  	_ =	sdelay $0x2  }
0x499: {  	v21 =	vld [tilespmem:s25+$0x0];
	s26 =	sadd.s32 $0xFFFFFFFF, s23;
	p1 =	por $0x0, $0x0;
	p2 =	por $0x0, $0x0  }
0x49a: {  	_ =	sdelay $0x3  }
0x49b: {  	(xrf1) =	vsort.dscd.msk.f32 $0xffff, v21, v21;
	_ =	sdelay $0xc  }
0x49c: {  	v20 =	vperm.xlane v19, v18  }
0x49d: {  	v21, _, _ =	vpop (xrf1)  }
0x49e: {  	v20 =	vmax.f32 v21, v20  }
0x49f: {  	(xrf1) =	vsort.dscd.msk.f32 $0xffff, v20, v20;
	_ =	sdelay $0x9  }
0x4a0: {  	p3 =	sne.s32 s26, $0x1  }
.Ltmp34:
0x4a1: {  	_ = 	snop;
	(pc) =	sbr.rel @!p3 .LBB2_57-.Ltmp34, $3  }
0x4a2: {  	_ =	sdelay $0x1  }
0x4a3: {  	s25 =	sadd.s32 $0x10, s25;
	v20, _, _ =	vpop (xrf1)  }
0x4a4: {  	s26 =	sadd.s32 $0xFFFFFFFF, s26;
	p1 =	por $0x1, $0x1;
	v21 =	vld [tilespmem:s25+$0x0];
	v20 =	vperm.xlane v20, v18  }
0x4a5: {  	_ = 	snop  }
0x4a6: {  	v22 =	vmin.f32 v19, v20  }
0x4a7: {  	(xrf1) =	vsort.dscd.msk.f32 $0xffff, v22, v22;
	_ =	sdelay $0x1  }
0x4a8: {  	(xrf1) =	vsort.dscd.msk.f32 $0xffff, v21, v21;
	_ =	sdelay $0xb  }
0x4a9: {  	v21, _, _ =	vpop (xrf1)  }
0x4aa: {  	v21 =	vperm.xlane v21, v18  }
0x4ab: {  	v22, _, _ =	vpop (xrf1)  }
0x4ac: {  	v21 =	vmax.f32 v22, v21  }
0x4ad: {  	(xrf1) =	vsort.dscd.msk.f32 $0xffff, v21, v21;
	_ =	sdelay $0xc  }
0x4ae: {  	v20 =	vmax.f32 v19, v20  }
0x4af: {  	v22, _, _ =	vpop (xrf1);
	(xrf1) =	vsort.dscd.msk.f32 $0xffff, v20, v20;
	_ =	sdelay $0x7  }
0x4b0: {  	p3 =	sne.s32 s26, $0x1  }
.Ltmp35:
0x4b1: {  	_ = 	snop;
	(pc) =	sbr.rel @!p3 .LBB2_60-.Ltmp35, $3  }
0x4b2: {  	_ =	sdelay $0x1  }
0x4b3: {  	s25 =	sadd.s32 $0x10, s25  }
0x4b4: {  	s26 =	sadd.s32 $0xFFFFFFFF, s26;
	p2 =	por $0x1, $0x1;
	v21 =	vld [tilespmem:s25+$0x0];
	v20 =	vperm.xlane v22, v18  }
.LBB2_59:
0x4b5: {  	p3 =	sne.s32 s26, $0x1;
	v22, _, _ =	vpop (xrf1)  }
0x4b6: {  	v23 =	vmin.f32 v22, v20  }
0x4b7: {  	(xrf1) =	vsort.dscd.msk.f32 $0xffff, v23, v23;
	_ =	sdelay $0x1  }
0x4b8: {  	(xrf1) =	vsort.dscd.msk.f32 $0xffff, v21, v21;
	_ =	sdelay $0xb  }
0x4b9: {  	v21, _, _ =	vpop (xrf1)  }
0x4ba: {  	v21 =	vperm.xlane v21, v18  }
0x4bb: {  	v23, _, _ =	vpop (xrf1)  }
0x4bc: {  	v21 =	vmax.f32 v23, v21  }
0x4bd: {  	(xrf1) =	vsort.dscd.msk.f32 $0xffff, v21, v21  }
0x4be: {  	v20 =	vmax.f32 v22, v20  }
0x4bf: {  	(xrf1) =	vsort.dscd.msk.f32 $0xffff, v20, v20;
	_ =	sdelay $0x8  }
.Ltmp36:
0x4c0: {  	(pc) =	sbr.rel @p3 .LBB2_59-.Ltmp36, $3  }
0x4c1: {  	_ =	sdelay $0x1  }
0x4c2: {  	s25 =	sadd.s32 $0x10, s25;
	v20, _, _ =	vpop (xrf1)  }
0x4c3: {  	s26 =	sadd.s32 $0xFFFFFFFF, s26;
	v21 =	vld [tilespmem:s25+$0x0];
	v20 =	vperm.xlane v20, v18  }
.LBB2_60:
0x4c4: {  	v22, _, _ =	vpop @p2 (xrf1)  }
0x4c5: {  	v22 =	vpsel p2, v22, v19  }
0x4c6: {  	v23 =	vmin.f32 @p1 v22, v20  }
0x4c7: {  	(xrf1) =	vsort.dscd.msk.f32 @p1 $0xffff, v23, v23;
	_ =	sdelay $0x2  }
0x4c8: {  	(xrf1) =	vsort.dscd.msk.f32 $0xffff, v21, v21;
	_ =	sdelay $0xa  }
0x4c9: {  	v21, _, _ =	vpop @p1 (xrf1)  }
0x4ca: {  	v21 =	vpsel p1, v21, v19  }
0x4cb: {  	v21 =	vperm.xlane v21, v18  }
0x4cc: {  	v23, _, _ =	vpop (xrf1)  }
0x4cd: {  	v21 =	vmax.f32 v23, v21  }
0x4ce: {  	v20 =	vmax.f32 @p1 v22, v20;
	(xrf1) =	vsort.dscd.msk.f32 $0xffff, v21, v21  }
0x4cf: {  	(xrf1) =	vsort.dscd.msk.f32 @p1 $0xffff, v20, v20;
	_ =	sdelay $0xc  }
0x4d0: {  	v20, _, _ =	vpop (xrf1)  }
0x4d1: {  	v20 =	vperm.xlane v20, v18;
	v21, _, _ =	vpop @p1 (xrf1)  }
0x4d2: {  	v19 =	vpsel p1, v21, v19  }
0x4d3: {  	v21 =	vmin.f32 v19, v20  }
0x4d4: {  	v19 =	vmax.f32 v19, v20;
	(xrf1) =	vsort.dscd.msk.f32 $0xffff, v21, v21  }
0x4d5: {  	(xrf1) =	vsort.dscd.msk.f32 $0xffff, v19, v19;
	_ =	sdelay $0x9  }
.Ltmp37:
0x4d6: {  	_ = 	snop;
	(pc) =	sbr.rel .LBB2_61-.Ltmp37, $3  }
0x4d7: {  	_ =	sdelay $0x1  }
0x4d8: {  	v21, _, _ =	vpop (xrf1)  }
0x4d9: {  	v19, _, _ =	vpop (xrf1)  }
.LBB2_53:
0x4da: {  	v21 =	vimm.f32 $-Inf  }
.LBB2_61:
0x4db: {  	s25 =	sshll.u32 s23, $0x4  }
0x4dc: {  	v20 =	vld [tilespmem:s25+$0x10000];
	_ =	sdelay $0x1  }
0x4dd: {  	s24 =	ssub.s32 s24, s25  }
0x4de: {  	v22 =	vmov s24  }
0x4df: {  	vm1 =	vgt.s32 v22, v2  }
0x4e0: {  	v20 =	vnsel vm1, $0xFF800000, v20  }
0x4e1: {  	(xrf1) =	vsort.dscd.msk.f32 $0xffff, v20, v20;
	_ =	sdelay $0xc  }
0x4e2: {  	v21 =	vperm.xlane v21, v18  }
0x4e3: {  	v22, _, _ =	vpop (xrf1)  }
0x4e4: {  	v21 =	vmax.f32 v22, v21  }
0x4e5: {  	(xrf1) =	vsort.dscd.msk.f32 $0xffff, v21, v21;
	_ =	sdelay $0xd  }
0x4e6: {  	v21, _, _ =	vpop (xrf1)  }
0x4e7: {  	v21 =	vperm.xlane v21, v18;
	_ =	sdelay $0x1  }
0x4e8: {  	v19 =	vmin.f32 v19, v21  }
0x4e9: {  	(xrf1) =	vsort.dscd.msk.f32 $0xffff, v19, v19;
	_ =	sdelay $0xd  }
.Ltmp38:
0x4ea: {  	v19, _, _ =	vpop (xrf1);
	(pc) =	sbr.rel @p0 .LBB2_65-.Ltmp38, $3  }
0x4eb: {  	v19 =	vperm.xlane v19, v0;
	_ =	sdelay $0x1  }
0x4ec: {  	v19 =	vadd.f32 $1.000000010e-07, v19  }
0x4ed: {  	s24 =	simm.s32 $0x10000;
	v21 =	vimm.f32 $0.0e+00  }
0x4ee: {  	v22 =	vld [tilespmem:s24+$0x0];
	p0 =	sne.s32 s23, $0x1  }
.Ltmp39:
0x4ef: {  	_ = 	snop;
	(pc) =	sbr.rel @!p0 .LBB2_64-.Ltmp39, $2  }
0x4f0: {  	_ =	sdelay $0x2  }
0x4f1: {  	s23 =	sadd.s32 $0xFFFFFFFF, s23;
	s24 =	sadd.s32 $0x10, s24;
	v22 =	vsub.f32 v22, v19  }
.LBB2_63:
0x4f2: {  	v23 =	vld [tilespmem:s24+$0x0];
	p0 =	sne.s32 s23, $0x1;
	s23 =	sadd.s32 $0xFFFFFFFF, s23  }
.Ltmp40:
0x4f3: {  	v22 =	vmax.f32 v22, $0.0e+00;
	(pc) =	sbr.rel @p0 .LBB2_63-.Ltmp40, $2  }
0x4f4: {  	v21 =	vadd.f32 v22, v21;
	_ =	sdelay $0x2  }
0x4f5: {  	s24 =	sadd.s32 $0x10, s24;
	v22 =	vsub.f32 v23, v19  }
.LBB2_64:
0x4f6: {  	_ = 	snop  }
0x4f7: {  	v22 =	vmax.f32 v22, $0.0e+00  }
0x4f8: {  	v21 =	vadd.f32 v22, v21  }
.LBB2_65:
0x4f9: {  	v20 =	vsub.f32 v20, v19;
	_ =	sdelay $0x1  }
0x4fa: {  	v20 =	vmax.f32 v20, $0.0e+00  }
0x4fb: {  	v20 =	vadd.f32 v21, v20;
	_ =	sdelay $0x1  }
0x4fc: {  	(xrf2) =	vadd.scan.msk.f32 $0xffff, v20;
	_ =	sdelay $0x9  }
0x4fd: {  	v20, _, _ =	vpop (xrf2)  }
0x4fe: {  	v20 =	vperm.xlane v20, v0;
	_ =	sdelay $0x1  }
0x4ff: {  	v20 =	vadd.f32 $1.000000010e-07, v20;
	_ =	sdelay $0x1  }
0x500: {  	(erf) = vrcp.f32 v20;
	_ =	sdelay $0x1  }
0x501: {  	s23 =	simm.s32 $0x0  }
0x502: {  	v21 =	vld [tilespmem:s23+$0x0]  }
0x503: {  	v26 =	vld [tilespmem:s23+$0x10]  }
0x504: {  	v25 =	vld [tilespmem:s23+$0x20]  }
0x505: {  	v24 =	vld [tilespmem:s23+$0x30]  }
0x506: {  	v23 =	vld [tilespmem:s23+$0x40]  }
0x507: {  	v22 =	vld [tilespmem:s23+$0x50];
	v27 =	vsub.f32 v21, v19  }
0x508: {  	s24 =	simm.s32 $0x200;
	v26 =	vsub.f32 v26, v19;
	v21 =	vld [tilespmem:s23+$0x60];
	v20 =	vpop (erf)  }
.LBB2_66:
0x509: {  	p0 =	sne.s32 s24, $0x1FE00;
	v27 =	vmax.f32 v27, $0.0e+00;
	v25 =	vsub.f32 v25, v19;
	v28 =	vld [tilespmem:s23+$0x70]  }
0x50a: {  	v27 =	vmul.f32 v27, v20;
	v26 =	vmax.f32 v26, $0.0e+00;
	v24 =	vsub.f32 v24, v19  }
0x50b: {  	v26 =	vmul.f32 v26, v20;
	v25 =	vmax.f32 v25, $0.0e+00;
	v23 =	vsub.f32 v23, v19  }
0x50c: {  	s25 =	sshra.s32 s24, $0x2;
	[tilespmem:s23+$0x0] =	vst v27;
	v25 =	vmul.f32 v25, v20;
	v24 =	vmax.f32 v24, $0.0e+00;
	v22 =	vsub.f32 v22, v19  }
0x50d: {  	v27 =	vld [tilespmem:s25+$0x0];
	[tilespmem:s23+$0x10] =	vst v26;
	v24 =	vmul.f32 v24, v20;
	v23 =	vmax.f32 v23, $0.0e+00;
	v21 =	vsub.f32 v21, v19  }
0x50e: {  	v26 =	vld [tilespmem:s25+$0x10];
	[tilespmem:s23+$0x20] =	vst v25;
	v23 =	vmul.f32 v23, v20;
	v22 =	vmax.f32 v22, $0.0e+00;
	v28 =	vsub.f32 v28, v19  }
.Ltmp41:
0x50f: {  	v25 =	vld [tilespmem:s25+$0x20];
	[tilespmem:s23+$0x30] =	vst v24;
	v22 =	vmul.f32 v22, v20;
	v21 =	vmax.f32 v21, $0.0e+00;
	(pc) =	sbr.rel @p0 .LBB2_66-.Ltmp41, $4  }
0x510: {  	v24 =	vld [tilespmem:s25+$0x30];
	[tilespmem:s23+$0x40] =	vst v23;
	v21 =	vmul.f32 v21, v20;
	v28 =	vmax.f32 v28, $0.0e+00  }
0x511: {  	v23 =	vld [tilespmem:s25+$0x40];
	[tilespmem:s23+$0x50] =	vst v22;
	v28 =	vmul.f32 v28, v20  }
0x512: {  	v27 =	vsub.f32 v27, v19;
	v22 =	vld [tilespmem:s25+$0x50];
	[tilespmem:s23+$0x60] =	vst v21  }
0x513: {  	s24 =	sadd.s32 $0x200, s24;
	v26 =	vsub.f32 v26, v19;
	v21 =	vld [tilespmem:s25+$0x60];
	[tilespmem:s23+$0x70] =	vst v28;
	s23 =	smov.u32 s25  }
0x514: {  	v27 =	vmax.f32 v27, $0.0e+00;
	v25 =	vsub.f32 v25, v19;
	v28 =	vld [tilespmem:s23+$0x70]  }
0x515: {  	v27 =	vmul.f32 v27, v20;
	v26 =	vmax.f32 v26, $0.0e+00;
	v24 =	vsub.f32 v24, v19  }
0x516: {  	v26 =	vmul.f32 v26, v20;
	v25 =	vmax.f32 v25, $0.0e+00;
	v23 =	vsub.f32 v23, v19  }
0x517: {  	[tilespmem:s23+$0x0] =	vst v27;
	v25 =	vmul.f32 v25, v20;
	v24 =	vmax.f32 v24, $0.0e+00;
	v22 =	vsub.f32 v22, v19  }
0x518: {  	[tilespmem:s23+$0x10] =	vst v26;
	v24 =	vmul.f32 v24, v20;
	v23 =	vmax.f32 v23, $0.0e+00;
	v21 =	vsub.f32 v21, v19  }
0x519: {  	[tilespmem:s23+$0x20] =	vst v25;
	v23 =	vmul.f32 v23, v20;
	v22 =	vmax.f32 v22, $0.0e+00;
	v19 =	vsub.f32 v28, v19  }
0x51a: {  	[tilespmem:s23+$0x30] =	vst v24;
	v22 =	vmul.f32 v22, v20;
	v21 =	vmax.f32 v21, $0.0e+00  }
0x51b: {  	[tilespmem:s23+$0x40] =	vst v23;
	v21 =	vmul.f32 v21, v20;
	v19 =	vmax.f32 v19, $0.0e+00  }
0x51c: {  	[tilespmem:s23+$0x50] =	vst v22;
	v19 =	vmul.f32 v19, v20  }
0x51d: {  	[tilespmem:s23+$0x60] =	vst v21  }
0x51e: {  	[tilespmem:s23+$0x70] =	vst v19;
	s23 =	simm.s32 $0x0  }
0x51f: {  	[hbm4b:s9+s12] =	stream.strided.scatter [tilespmem:s23], [sflag:$0x3], $0x8000, s13, s12, $0x38;
	[tilespmem:$0x18380] =	vst v63  }
0x520: {  	_ =	swait.ge [sflag:s20], $0x8000  }
0x521: {  	[sflag:s20] =	ssyncset.done $0x0  }
0x522: {  	s24 =	simm.s32 $0x8040;
	[sflag:s20] =	ssyncadd.s32 $0xFFFF8000  }
0x523: {  	v21 =	vld [tilespmem:s24+$0xFFFFFFE0]  }
0x524: {  	v22 =	vld [tilespmem:s24+$0xFFFFFFC0]  }
0x525: {  	v23 =	vld [tilespmem:s24+$0x0]  }
0x526: {  	v24 =	vld [tilespmem:s24+$0x20]  }
0x527: {  	v25 =	vld [tilespmem:s24+$0xFFFFFFD0]  }
0x528: {  	v26 =	vld [tilespmem:s24+$0xFFFFFFF0]  }
0x529: {  	v27 =	vld [tilespmem:s24+$0x10]  }
0x52a: {  	s25 =	simm.s32 $0x1;
	v20 =	vimm.f32 $-Inf;
	v19 =	vimm.f32 $-Inf;
	v28 =	vld [tilespmem:s24+$0x30]  }
.LBB2_68:
0x52b: {  	p0 =	sne.s32 s25, $0xFF;
	_ =	sdelay $0x2  }
0x52c: {  	v21 =	vmax.f32 v22, v21  }
0x52d: {  	v22 =	vmax.f32 v23, v24;
	v23 =	vmax.f32 v25, v26;
	v24 =	vmax.f32 v27, v28  }
0x52e: {  	v21 =	vmax.f32 v21, v22;
	v22 =	vmax.f32 v23, v24  }
0x52f: {  	v19 =	vmax.f32 v19, v21;
	v23 =	vmax.f32 v21, v22;
	v20 =	vmax.f32 v20, v22  }
0x530: {  	(xrf0) =	vmax.scan.msk.f32 $0xffff, v23;
	_ =	sdelay $0x1  }
0x531: {  	v21 =	vmov s23;
	s23 =	smov.u32 s25;
	_ =	sdelay $0x3  }
0x532: {  	v22, _, _ =	vpop (xrf0)  }
0x533: {  	s24 =	sadd.s32 $0x80, s24;
	[tilespmem:v21+s16+$0x0] =	vst.idx.msk vm0, v22  }
0x534: {  	v21 =	vld [tilespmem:s24+$0xFFFFFFE0]  }
0x535: {  	v22 =	vld [tilespmem:s24+$0xFFFFFFC0]  }
0x536: {  	v23 =	vld [tilespmem:s24+$0x0]  }
.Ltmp42:
0x537: {  	v24 =	vld [tilespmem:s24+$0x20];
	(pc) =	sbr.rel @p0 .LBB2_68-.Ltmp42, $4  }
0x538: {  	v25 =	vld [tilespmem:s24+$0xFFFFFFD0]  }
0x539: {  	v26 =	vld [tilespmem:s24+$0xFFFFFFF0]  }
0x53a: {  	v27 =	vld [tilespmem:s24+$0x10]  }
0x53b: {  	s25 =	sadd.s32 $0x1, s25;
	v28 =	vld [tilespmem:s24+$0x30]  }
0x53c: {  	_ =	sdelay $0x2  }
0x53d: {  	v21 =	vmax.f32 v22, v21  }
0x53e: {  	v29 =	vmax.f32 v23, v24;
	v30 =	vmax.f32 v25, v26;
	v31 =	vmax.f32 v27, v28  }
0x53f: {  	v21 =	vmax.f32 v21, v29;
	v32 =	vmax.f32 v30, v31  }
0x540: {  	v19 =	vmax.f32 v19, v21;
	v20 =	vmax.f32 v20, v32  }
0x541: {  	v19 =	vmin.f32 v19, v20  }
0x542: {  	(xrf1) =	vsort.dscd.msk.f32 $0xffff, v19, v19;
	_ =	sdelay $0x2  }
0x543: {  	v19 =	vmax.f32 v21, v32  }
0x544: {  	(xrf0) =	vmax.scan.msk.f32 $0xffff, v19;
	_ =	sdelay $0x1  }
0x545: {  	v19 =	vmov s23;
	_ =	sdelay $0x3  }
0x546: {  	v20, _, _ =	vpop (xrf0)  }
0x547: {  	[tilespmem:v19+s16+$0x0] =	vst.idx.msk vm0, v20  }
0x548: {  	v20 =	vld [tilespmem:$0x18080];
	_ =	sdelay $0x1  }
0x549: {  	v19, _, _ =	vpop (xrf1)  }
0x54a: {  	v19 =	vperm.xlane v19, v0;
	_ =	sdelay $0x1  }
0x54b: {  	vm1 =	vge.f32 v20, v19  }
0x54c: {  	v20 =	vsel vm1, $0x1, v1  }
0x54d: {  	(xrf0) =	vadd.scan.msk.s32 $0xffff, v20;
	_ =	sdelay $0x5  }
0x54e: {  	v20, _, _ =	vpop (xrf0)  }
0x54f: {  	v20 =	vadd.s32 $0xFFFFFFFF, v20;
	_ =	sdelay $0x4  }
0x550: {  	[tilespmem:v20+s17+$0x0] =	vst.idx.msk vm1, v2  }
0x551: {  	v20 =	vld [tilespmem:$0x18090];
	_ =	sdelay $0x4  }
0x552: {  	vm2 =	vge.f32 v20, v19  }
0x553: {  	v20 =	vsel vm2, $0x1, v1  }
0x554: {  	(xrf0) =	vadd.scan.msk.s32 $0xffff, v20;
	_ =	sdelay $0x4  }
0x555: {  	v20 =	vmpcnt.ones.xlane vm1  }
0x556: {  	v33, _, _ =	vpop (xrf0)  }
0x557: {  	v21 =	vadd.s32 v33, v20  }
0x558: {  	v21 =	vadd.s32 $0xFFFFFFFF, v21;
	_ =	sdelay $0x4  }
0x559: {  	[tilespmem:v21+s17+$0x0] =	vst.idx.msk vm2, v3  }
0x55a: {  	v21 =	vld [tilespmem:$0x180A0];
	_ =	sdelay $0x4  }
0x55b: {  	vm1 =	vge.f32 v21, v19  }
0x55c: {  	v21 =	vsel vm1, $0x1, v1  }
0x55d: {  	(xrf0) =	vadd.scan.msk.s32 $0xffff, v21;
	_ =	sdelay $0x3  }
0x55e: {  	v34 =	vmpcnt.ones.xlane vm2;
	_ =	sdelay $0x1  }
0x55f: {  	v20 =	vadd.s32 v20, v34;
	v35, _, _ =	vpop (xrf0)  }
0x560: {  	v21 =	vadd.s32 v35, v20  }
0x561: {  	v21 =	vadd.s32 $0xFFFFFFFF, v21;
	_ =	sdelay $0x4  }
0x562: {  	[tilespmem:v21+s17+$0x0] =	vst.idx.msk vm1, v4  }
0x563: {  	v21 =	vld [tilespmem:$0x180B0];
	_ =	sdelay $0x4  }
0x564: {  	vm2 =	vge.f32 v21, v19  }
0x565: {  	v21 =	vsel vm2, $0x1, v1  }
0x566: {  	(xrf0) =	vadd.scan.msk.s32 $0xffff, v21;
	_ =	sdelay $0x3  }
0x567: {  	v36 =	vmpcnt.ones.xlane vm1;
	_ =	sdelay $0x1  }
0x568: {  	v20 =	vadd.s32 v20, v36;
	v37, _, _ =	vpop (xrf0)  }
0x569: {  	v21 =	vadd.s32 v37, v20  }
0x56a: {  	v21 =	vadd.s32 $0xFFFFFFFF, v21;
	_ =	sdelay $0x4  }
0x56b: {  	[tilespmem:v21+s17+$0x0] =	vst.idx.msk vm2, v5  }
0x56c: {  	v21 =	vld [tilespmem:$0x180C0];
	_ =	sdelay $0x4  }
0x56d: {  	vm1 =	vge.f32 v21, v19  }
0x56e: {  	v21 =	vsel vm1, $0x1, v1  }
0x56f: {  	(xrf0) =	vadd.scan.msk.s32 $0xffff, v21;
	_ =	sdelay $0x3  }
0x570: {  	v38 =	vmpcnt.ones.xlane vm2;
	_ =	sdelay $0x1  }
0x571: {  	v20 =	vadd.s32 v20, v38;
	v39, _, _ =	vpop (xrf0)  }
0x572: {  	v21 =	vadd.s32 v39, v20  }
0x573: {  	v21 =	vadd.s32 $0xFFFFFFFF, v21;
	_ =	sdelay $0x4  }
0x574: {  	[tilespmem:v21+s17+$0x0] =	vst.idx.msk vm1, v6  }
0x575: {  	v21 =	vld [tilespmem:$0x180D0];
	_ =	sdelay $0x4  }
0x576: {  	vm2 =	vge.f32 v21, v19  }
0x577: {  	v21 =	vsel vm2, $0x1, v1  }
0x578: {  	(xrf0) =	vadd.scan.msk.s32 $0xffff, v21;
	_ =	sdelay $0x3  }
0x579: {  	v40 =	vmpcnt.ones.xlane vm1;
	_ =	sdelay $0x1  }
0x57a: {  	v20 =	vadd.s32 v20, v40;
	v41, _, _ =	vpop (xrf0)  }
0x57b: {  	v21 =	vadd.s32 v41, v20  }
0x57c: {  	v21 =	vadd.s32 $0xFFFFFFFF, v21;
	_ =	sdelay $0x4  }
0x57d: {  	[tilespmem:v21+s17+$0x0] =	vst.idx.msk vm2, v7  }
0x57e: {  	v21 =	vld [tilespmem:$0x180E0];
	_ =	sdelay $0x4  }
0x57f: {  	vm1 =	vge.f32 v21, v19  }
0x580: {  	v21 =	vsel vm1, $0x1, v1  }
0x581: {  	(xrf0) =	vadd.scan.msk.s32 $0xffff, v21;
	_ =	sdelay $0x3  }
0x582: {  	v42 =	vmpcnt.ones.xlane vm2;
	_ =	sdelay $0x1  }
0x583: {  	v20 =	vadd.s32 v20, v42;
	v43, _, _ =	vpop (xrf0)  }
0x584: {  	v21 =	vadd.s32 v43, v20  }
0x585: {  	v21 =	vadd.s32 $0xFFFFFFFF, v21;
	_ =	sdelay $0x4  }
0x586: {  	[tilespmem:v21+s17+$0x0] =	vst.idx.msk vm1, v8  }
0x587: {  	v21 =	vld [tilespmem:$0x180F0];
	_ =	sdelay $0x4  }
0x588: {  	vm2 =	vge.f32 v21, v19  }
0x589: {  	v21 =	vsel vm2, $0x1, v1  }
0x58a: {  	(xrf0) =	vadd.scan.msk.s32 $0xffff, v21;
	_ =	sdelay $0x3  }
0x58b: {  	v44 =	vmpcnt.ones.xlane vm1;
	_ =	sdelay $0x1  }
0x58c: {  	v20 =	vadd.s32 v20, v44;
	v45, _, _ =	vpop (xrf0)  }
0x58d: {  	v21 =	vadd.s32 v45, v20  }
0x58e: {  	v21 =	vadd.s32 $0xFFFFFFFF, v21;
	_ =	sdelay $0x4  }
0x58f: {  	[tilespmem:v21+s17+$0x0] =	vst.idx.msk vm2, v9  }
0x590: {  	v21 =	vld [tilespmem:$0x18100];
	_ =	sdelay $0x4  }
0x591: {  	vm1 =	vge.f32 v21, v19  }
0x592: {  	v21 =	vsel vm1, $0x1, v1  }
0x593: {  	(xrf0) =	vadd.scan.msk.s32 $0xffff, v21;
	_ =	sdelay $0x3  }
0x594: {  	v46 =	vmpcnt.ones.xlane vm2;
	_ =	sdelay $0x1  }
0x595: {  	v20 =	vadd.s32 v20, v46;
	v47, _, _ =	vpop (xrf0)  }
0x596: {  	v21 =	vadd.s32 v47, v20  }
0x597: {  	v21 =	vadd.s32 $0xFFFFFFFF, v21;
	_ =	sdelay $0x4  }
0x598: {  	[tilespmem:v21+s17+$0x0] =	vst.idx.msk vm1, v10  }
0x599: {  	v21 =	vld [tilespmem:$0x18110];
	_ =	sdelay $0x4  }
0x59a: {  	vm2 =	vge.f32 v21, v19  }
0x59b: {  	v21 =	vsel vm2, $0x1, v1  }
0x59c: {  	(xrf0) =	vadd.scan.msk.s32 $0xffff, v21;
	_ =	sdelay $0x3  }
0x59d: {  	v48 =	vmpcnt.ones.xlane vm1;
	_ =	sdelay $0x1  }
0x59e: {  	v20 =	vadd.s32 v20, v48;
	v49, _, _ =	vpop (xrf0)  }
0x59f: {  	v21 =	vadd.s32 v49, v20  }
0x5a0: {  	v21 =	vadd.s32 $0xFFFFFFFF, v21;
	_ =	sdelay $0x4  }
0x5a1: {  	[tilespmem:v21+s17+$0x0] =	vst.idx.msk vm2, v11  }
0x5a2: {  	v21 =	vld [tilespmem:$0x18120];
	_ =	sdelay $0x4  }
0x5a3: {  	vm1 =	vge.f32 v21, v19  }
0x5a4: {  	v21 =	vsel vm1, $0x1, v1  }
0x5a5: {  	(xrf0) =	vadd.scan.msk.s32 $0xffff, v21;
	_ =	sdelay $0x3  }
0x5a6: {  	v50 =	vmpcnt.ones.xlane vm2;
	_ =	sdelay $0x1  }
0x5a7: {  	v20 =	vadd.s32 v20, v50;
	v51, _, _ =	vpop (xrf0)  }
0x5a8: {  	v21 =	vadd.s32 v51, v20  }
0x5a9: {  	v21 =	vadd.s32 $0xFFFFFFFF, v21;
	_ =	sdelay $0x4  }
0x5aa: {  	[tilespmem:v21+s17+$0x0] =	vst.idx.msk vm1, v12  }
0x5ab: {  	v21 =	vld [tilespmem:$0x18130];
	_ =	sdelay $0x4  }
0x5ac: {  	vm2 =	vge.f32 v21, v19  }
0x5ad: {  	v21 =	vsel vm2, $0x1, v1  }
0x5ae: {  	(xrf0) =	vadd.scan.msk.s32 $0xffff, v21;
	_ =	sdelay $0x3  }
0x5af: {  	v52 =	vmpcnt.ones.xlane vm1;
	_ =	sdelay $0x1  }
0x5b0: {  	v20 =	vadd.s32 v20, v52;
	v53, _, _ =	vpop (xrf0)  }
0x5b1: {  	v21 =	vadd.s32 v53, v20  }
0x5b2: {  	v21 =	vadd.s32 $0xFFFFFFFF, v21;
	_ =	sdelay $0x4  }
0x5b3: {  	[tilespmem:v21+s17+$0x0] =	vst.idx.msk vm2, v13  }
0x5b4: {  	v21 =	vld [tilespmem:$0x18140];
	_ =	sdelay $0x4  }
0x5b5: {  	vm1 =	vge.f32 v21, v19  }
0x5b6: {  	v21 =	vsel vm1, $0x1, v1  }
0x5b7: {  	(xrf0) =	vadd.scan.msk.s32 $0xffff, v21;
	_ =	sdelay $0x3  }
0x5b8: {  	v54 =	vmpcnt.ones.xlane vm2;
	_ =	sdelay $0x1  }
0x5b9: {  	v20 =	vadd.s32 v20, v54;
	v55, _, _ =	vpop (xrf0)  }
0x5ba: {  	v21 =	vadd.s32 v55, v20  }
0x5bb: {  	v21 =	vadd.s32 $0xFFFFFFFF, v21;
	_ =	sdelay $0x4  }
0x5bc: {  	[tilespmem:v21+s17+$0x0] =	vst.idx.msk vm1, v14  }
0x5bd: {  	v21 =	vld [tilespmem:$0x18150];
	_ =	sdelay $0x4  }
0x5be: {  	vm2 =	vge.f32 v21, v19  }
0x5bf: {  	v21 =	vsel vm2, $0x1, v1  }
0x5c0: {  	(xrf0) =	vadd.scan.msk.s32 $0xffff, v21;
	_ =	sdelay $0x3  }
0x5c1: {  	v56 =	vmpcnt.ones.xlane vm1;
	_ =	sdelay $0x1  }
0x5c2: {  	v20 =	vadd.s32 v20, v56;
	v57, _, _ =	vpop (xrf0)  }
0x5c3: {  	v21 =	vadd.s32 v57, v20  }
0x5c4: {  	v21 =	vadd.s32 $0xFFFFFFFF, v21;
	_ =	sdelay $0x4  }
0x5c5: {  	[tilespmem:v21+s17+$0x0] =	vst.idx.msk vm2, v15  }
0x5c6: {  	v21 =	vld [tilespmem:$0x18160];
	_ =	sdelay $0x4  }
0x5c7: {  	vm1 =	vge.f32 v21, v19  }
0x5c8: {  	v21 =	vsel vm1, $0x1, v1  }
0x5c9: {  	(xrf0) =	vadd.scan.msk.s32 $0xffff, v21;
	_ =	sdelay $0x3  }
0x5ca: {  	v58 =	vmpcnt.ones.xlane vm2;
	_ =	sdelay $0x1  }
0x5cb: {  	v20 =	vadd.s32 v20, v58;
	v59, _, _ =	vpop (xrf0)  }
0x5cc: {  	v21 =	vadd.s32 v59, v20  }
0x5cd: {  	v21 =	vadd.s32 $0xFFFFFFFF, v21;
	_ =	sdelay $0x4  }
0x5ce: {  	[tilespmem:v21+s17+$0x0] =	vst.idx.msk vm1, v16  }
0x5cf: {  	v21 =	vld [tilespmem:$0x18170];
	_ =	sdelay $0x4  }
0x5d0: {  	v60 =	vmpcnt.ones.xlane vm1;
	vm1 =	vge.f32 v21, v19  }
0x5d1: {  	v21 =	vmpcnt.ones.xlane vm1  }
0x5d2: {  	v20 =	vadd.s32 v20, v60  }
0x5d3: {  	v61 =	vsel vm1, $0x1, v1;
	v21 =	vadd.s32 v20, v21  }
0x5d4: {  	(xrf0) =	vadd.scan.msk.s32 $0xffff, v61;
	v21 =	vxor.u32 $0x80000000, v21  }
0x5d5: {  	(xrf0) =	vmax.scan.msk.u32 $0xffff, v21;
	_ =	sdelay $0x4  }
0x5d6: {  	v62, _, _ =	vpop (xrf0)  }
0x5d7: {  	v63, _, _ =	vpop (xrf0)  }
0x5d8: {  	(v2sf) =	vpush v63, $0xF;
	_ =	sdelay $0xe  }
0x5d9: {  	s31 =	spop (v2sf)  }
0x5da: {  	v20 =	vadd.s32 v62, v20;
	s23 =	sxor.u32 $0x80000000, s31  }
0x5db: {  	v20 =	vadd.s32 $0xFFFFFFFF, v20;
	p0 =	slt.s32 s23, $0x1  }
.Ltmp43:
0x5dc: {  	_ = 	snop;
	(pc) =	sbr.rel @p0 .LBB2_70-.Ltmp43, $2  }
0x5dd: {  	_ =	sdelay $0x2  }
0x5de: {  	[tilespmem:v20+s17+$0x0] =	vst.idx.msk vm1, v17  }
0x5df: {  	v20 =	vld [tilespmem:$0x18200];
	_ =	sdelay $0x4  }
0x5e0: {  	(v2sf) =	vpush v20, $0x0;
	_ =	sdelay $0xe  }
0x5e1: {  	s24 =	simm.s32 $0x18201;
	v20 =	vimm.s32 $0x0;
	s25 =	spop (v2sf)  }
.LBB2_72:
0x5e2: {  	s25 =	sshll.u32 s25, $0x9  }
0x5e3: {  	s25 =	sshra.s32 s25, $0x2  }
0x5e4: {  	v21 =	vld [tilespmem:s25+$0x8000];
	_ =	sdelay $0x4  }
0x5e5: {  	vm1 =	vge.f32 v21, v19  }
0x5e6: {  	v22 =	vsel vm1, $0x1, v1  }
0x5e7: {  	(xrf0) =	vadd.scan.msk.s32 $0xffff, v22;
	_ =	sdelay $0x5  }
0x5e8: {  	v22, _, _ =	vpop (xrf0)  }
0x5e9: {  	v22 =	vadd.s32 v22, v20  }
0x5ea: {  	v22 =	vadd.s32 $0xFFFFFFFF, v22;
	_ =	sdelay $0x4  }
0x5eb: {  	v23 =	vld [tilespmem:s24+$0x0];
	[tilespmem:v22+s18+$0x0] =	vst.idx.msk vm1, v21  }
0x5ec: {  	v21 =	vld [tilespmem:s25+$0x8010];
	_ =	sdelay $0x4  }
0x5ed: {  	vm2 =	vge.f32 v21, v19  }
0x5ee: {  	v22 =	vsel vm2, $0x1, v1  }
0x5ef: {  	(xrf0) =	vadd.scan.msk.s32 $0xffff, v22;
	_ =	sdelay $0x1  }
0x5f0: {  	v22 =	vmpcnt.ones.xlane vm1;
	_ =	sdelay $0x3  }
0x5f1: {  	v20 =	vadd.s32 v20, v22;
	v22, _, _ =	vpop (xrf0)  }
0x5f2: {  	v22 =	vadd.s32 v22, v20  }
0x5f3: {  	v22 =	vadd.s32 $0xFFFFFFFF, v22;
	_ =	sdelay $0x4  }
0x5f4: {  	[tilespmem:v22+s18+$0x0] =	vst.idx.msk vm2, v21  }
0x5f5: {  	v21 =	vld [tilespmem:s25+$0x8020];
	_ =	sdelay $0x4  }
0x5f6: {  	vm1 =	vge.f32 v21, v19  }
0x5f7: {  	v22 =	vsel vm1, $0x1, v1  }
0x5f8: {  	(xrf0) =	vadd.scan.msk.s32 $0xffff, v22;
	_ =	sdelay $0x1  }
0x5f9: {  	v22 =	vmpcnt.ones.xlane vm2;
	_ =	sdelay $0x3  }
0x5fa: {  	v20 =	vadd.s32 v20, v22;
	v22, _, _ =	vpop (xrf0)  }
0x5fb: {  	v22 =	vadd.s32 v22, v20  }
0x5fc: {  	v22 =	vadd.s32 $0xFFFFFFFF, v22;
	_ =	sdelay $0x4  }
0x5fd: {  	[tilespmem:v22+s18+$0x0] =	vst.idx.msk vm1, v21  }
0x5fe: {  	v21 =	vld [tilespmem:s25+$0x8030];
	_ =	sdelay $0x4  }
0x5ff: {  	vm2 =	vge.f32 v21, v19  }
0x600: {  	v22 =	vsel vm2, $0x1, v1  }
0x601: {  	(xrf0) =	vadd.scan.msk.s32 $0xffff, v22;
	_ =	sdelay $0x1  }
0x602: {  	v22 =	vmpcnt.ones.xlane vm1;
	_ =	sdelay $0x3  }
0x603: {  	v20 =	vadd.s32 v20, v22;
	v22, _, _ =	vpop (xrf0)  }
0x604: {  	v22 =	vadd.s32 v22, v20  }
0x605: {  	v22 =	vadd.s32 $0xFFFFFFFF, v22;
	_ =	sdelay $0x4  }
0x606: {  	[tilespmem:v22+s18+$0x0] =	vst.idx.msk vm2, v21  }
0x607: {  	v21 =	vld [tilespmem:s25+$0x8040];
	_ =	sdelay $0x4  }
0x608: {  	vm1 =	vge.f32 v21, v19  }
0x609: {  	v22 =	vsel vm1, $0x1, v1  }
0x60a: {  	(xrf0) =	vadd.scan.msk.s32 $0xffff, v22;
	_ =	sdelay $0x1  }
0x60b: {  	v22 =	vmpcnt.ones.xlane vm2;
	_ =	sdelay $0x3  }
0x60c: {  	v20 =	vadd.s32 v20, v22;
	v22, _, _ =	vpop (xrf0)  }
0x60d: {  	v22 =	vadd.s32 v22, v20  }
0x60e: {  	v22 =	vadd.s32 $0xFFFFFFFF, v22;
	_ =	sdelay $0x4  }
0x60f: {  	[tilespmem:v22+s18+$0x0] =	vst.idx.msk vm1, v21  }
0x610: {  	v21 =	vld [tilespmem:s25+$0x8050];
	_ =	sdelay $0x4  }
0x611: {  	vm2 =	vge.f32 v21, v19  }
0x612: {  	v22 =	vsel vm2, $0x1, v1  }
0x613: {  	(xrf0) =	vadd.scan.msk.s32 $0xffff, v22;
	_ =	sdelay $0x1  }
0x614: {  	v22 =	vmpcnt.ones.xlane vm1;
	_ =	sdelay $0x3  }
0x615: {  	v20 =	vadd.s32 v20, v22;
	v22, _, _ =	vpop (xrf0)  }
0x616: {  	v22 =	vadd.s32 v22, v20  }
0x617: {  	v22 =	vadd.s32 $0xFFFFFFFF, v22;
	_ =	sdelay $0x4  }
0x618: {  	[tilespmem:v22+s18+$0x0] =	vst.idx.msk vm2, v21  }
0x619: {  	v21 =	vld [tilespmem:s25+$0x8060];
	_ =	sdelay $0x4  }
0x61a: {  	vm1 =	vge.f32 v21, v19  }
0x61b: {  	v22 =	vsel vm1, $0x1, v1  }
0x61c: {  	(xrf0) =	vadd.scan.msk.s32 $0xffff, v22;
	_ =	sdelay $0x1  }
0x61d: {  	v22 =	vmpcnt.ones.xlane vm2;
	_ =	sdelay $0x3  }
0x61e: {  	v20 =	vadd.s32 v20, v22;
	v22, _, _ =	vpop (xrf0)  }
0x61f: {  	v22 =	vadd.s32 v22, v20  }
0x620: {  	v22 =	vadd.s32 $0xFFFFFFFF, v22;
	_ =	sdelay $0x4  }
0x621: {  	[tilespmem:v22+s18+$0x0] =	vst.idx.msk vm1, v21  }
0x622: {  	v21 =	vld [tilespmem:s25+$0x8070];
	_ =	sdelay $0x4  }
0x623: {  	(v2sf) =	vpush v23, $0x0;
	vm2 =	vge.f32 v21, v19  }
0x624: {  	v22 =	vsel vm2, $0x1, v1  }
0x625: {  	(xrf0) =	vadd.scan.msk.s32 $0xffff, v22;
	_ =	sdelay $0x1  }
0x626: {  	v22 =	vmpcnt.ones.xlane vm1;
	_ =	sdelay $0x3  }
0x627: {  	v20 =	vadd.s32 v20, v22;
	v22, _, _ =	vpop (xrf0)  }
0x628: {  	v22 =	vadd.s32 v22, v20  }
0x629: {  	p0 =	sne.s32 s23, $0x1;
	v22 =	vadd.s32 $0xFFFFFFFF, v22  }
.Ltmp44:
0x62a: {  	_ = 	snop;
	(pc) =	sbr.rel @p0 .LBB2_72-.Ltmp44, $3  }
0x62b: {  	_ = 	snop  }
0x62c: {  	v23 =	vmpcnt.ones.xlane vm2;
	_ =	sdelay $0x1  }
0x62d: {  	s24 =	sadd.s32 $0x1, s24;
	s23 =	sadd.s32 $0xFFFFFFFF, s23;
	s25 =	spop (v2sf);
	v20 =	vadd.s32 v20, v23;
	[tilespmem:v22+s18+$0x0] =	vst.idx.msk vm2, v21  }
.Ltmp45:
0x62e: {  	(pc) =	sbr.rel .LBB2_74-.Ltmp45, $2  }
0x62f: {  	_ =	sdelay $0x2  }
0x630: {  	v19 =	vxor.u32 $0x80000000, v20  }
.LBB2_70:
0x631: {  	v19 =	vimm.s32 $0x80000000  }
.LBB2_74:
0x632: {  	(xrf0) =	vmax.scan.msk.u32 $0xffff, v19;
	_ =	sdelay $0x5  }
0x633: {  	v19, _, _ =	vpop (xrf0)  }
0x634: {  	(v2sf) =	vpush v19, $0xF;
	_ =	sdelay $0xe  }
0x635: {  	s23 =	spop (v2sf)  }
0x636: {  	s24 =	sxor.u32 $0x80000000, s23  }
0x637: {  	p1 =	sgt.s32 s23, $0xFFFFFFFF;
	s23 =	sand.u32 $0xF, s23;
	p0 =	slt.s32 s24, $0x1  }
0x638: {  	s25 =	sshra.s32 s24, $0x1F;
	p6 =	sne.s32 s23, $0x0;
	p0 =	por p1, p0  }
0x639: {  	s31 =	sshrl.u32 s25, $0x1C;
	p0 =	por !p6, !p0  }
0x63a: {  	s25 =	simm.s32 $0x1;
	s23 =	sadd.s32 s31, s24;
	p0 =	por !p0, !p0  }
0x63b: {  	s23 =	sshra.s32 s23, $0x4;
	s25 =	simm.s32 @!p0 $0x0  }
0x63c: {  	s23 =	ssub.s32 s23, s25  }
0x63d: {  	p0 =	slt.s32 s23, $0x1  }
.Ltmp46:
0x63e: {  	_ = 	snop;
	(pc) =	sbr.rel @p0 .LBB2_75-.Ltmp46, $2  }
0x63f: {  	_ =	sdelay $0x2  }
0x640: {  	v19 =	vimm.f32 $-Inf;
	s25 =	simm.s32 $0x10000  }
0x641: {  	p3 =	sne.s32 s23, $0x1  }
.Ltmp47:
0x642: {  	_ = 	snop;
	(pc) =	sbr.rel @!p3 .LBB2_77-.Ltmp47, $2  }
0x643: {  	_ =	sdelay $0x2  }
0x644: {  	v21 =	vld [tilespmem:s25+$0x0];
	s26 =	sadd.s32 $0xFFFFFFFF, s23;
	p1 =	por $0x0, $0x0;
	p2 =	por $0x0, $0x0  }
0x645: {  	_ =	sdelay $0x3  }
0x646: {  	(xrf1) =	vsort.dscd.msk.f32 $0xffff, v21, v21;
	_ =	sdelay $0xc  }
0x647: {  	v20 =	vperm.xlane v19, v18  }
0x648: {  	v21, _, _ =	vpop (xrf1)  }
0x649: {  	v20 =	vmax.f32 v21, v20  }
0x64a: {  	(xrf1) =	vsort.dscd.msk.f32 $0xffff, v20, v20;
	_ =	sdelay $0x9  }
0x64b: {  	p3 =	sne.s32 s26, $0x1  }
.Ltmp48:
0x64c: {  	_ = 	snop;
	(pc) =	sbr.rel @!p3 .LBB2_79-.Ltmp48, $3  }
0x64d: {  	_ =	sdelay $0x1  }
0x64e: {  	s25 =	sadd.s32 $0x10, s25;
	v20, _, _ =	vpop (xrf1)  }
0x64f: {  	s26 =	sadd.s32 $0xFFFFFFFF, s26;
	p1 =	por $0x1, $0x1;
	v21 =	vld [tilespmem:s25+$0x0];
	v20 =	vperm.xlane v20, v18  }
0x650: {  	_ = 	snop  }
0x651: {  	v22 =	vmin.f32 v19, v20  }
0x652: {  	(xrf1) =	vsort.dscd.msk.f32 $0xffff, v22, v22;
	_ =	sdelay $0x1  }
0x653: {  	(xrf1) =	vsort.dscd.msk.f32 $0xffff, v21, v21;
	_ =	sdelay $0xb  }
0x654: {  	v21, _, _ =	vpop (xrf1)  }
0x655: {  	v21 =	vperm.xlane v21, v18  }
0x656: {  	v22, _, _ =	vpop (xrf1)  }
0x657: {  	v21 =	vmax.f32 v22, v21  }
0x658: {  	(xrf1) =	vsort.dscd.msk.f32 $0xffff, v21, v21;
	_ =	sdelay $0xc  }
0x659: {  	v20 =	vmax.f32 v19, v20  }
0x65a: {  	v22, _, _ =	vpop (xrf1);
	(xrf1) =	vsort.dscd.msk.f32 $0xffff, v20, v20;
	_ =	sdelay $0x7  }
0x65b: {  	p3 =	sne.s32 s26, $0x1  }
.Ltmp49:
0x65c: {  	_ = 	snop;
	(pc) =	sbr.rel @!p3 .LBB2_82-.Ltmp49, $3  }
0x65d: {  	_ =	sdelay $0x1  }
0x65e: {  	s25 =	sadd.s32 $0x10, s25  }
0x65f: {  	s26 =	sadd.s32 $0xFFFFFFFF, s26;
	p2 =	por $0x1, $0x1;
	v21 =	vld [tilespmem:s25+$0x0];
	v20 =	vperm.xlane v22, v18  }
.LBB2_81:
0x660: {  	p3 =	sne.s32 s26, $0x1;
	v22, _, _ =	vpop (xrf1)  }
0x661: {  	v23 =	vmin.f32 v22, v20  }
0x662: {  	(xrf1) =	vsort.dscd.msk.f32 $0xffff, v23, v23;
	_ =	sdelay $0x1  }
0x663: {  	(xrf1) =	vsort.dscd.msk.f32 $0xffff, v21, v21;
	_ =	sdelay $0xb  }
0x664: {  	v21, _, _ =	vpop (xrf1)  }
0x665: {  	v21 =	vperm.xlane v21, v18  }
0x666: {  	v23, _, _ =	vpop (xrf1)  }
0x667: {  	v21 =	vmax.f32 v23, v21  }
0x668: {  	(xrf1) =	vsort.dscd.msk.f32 $0xffff, v21, v21  }
0x669: {  	v20 =	vmax.f32 v22, v20  }
0x66a: {  	(xrf1) =	vsort.dscd.msk.f32 $0xffff, v20, v20;
	_ =	sdelay $0x8  }
.Ltmp50:
0x66b: {  	(pc) =	sbr.rel @p3 .LBB2_81-.Ltmp50, $3  }
0x66c: {  	_ =	sdelay $0x1  }
0x66d: {  	s25 =	sadd.s32 $0x10, s25;
	v20, _, _ =	vpop (xrf1)  }
0x66e: {  	s26 =	sadd.s32 $0xFFFFFFFF, s26;
	v21 =	vld [tilespmem:s25+$0x0];
	v20 =	vperm.xlane v20, v18  }
.LBB2_82:
0x66f: {  	v22, _, _ =	vpop @p2 (xrf1)  }
0x670: {  	v22 =	vpsel p2, v22, v19  }
0x671: {  	v23 =	vmin.f32 @p1 v22, v20  }
0x672: {  	(xrf1) =	vsort.dscd.msk.f32 @p1 $0xffff, v23, v23;
	_ =	sdelay $0x2  }
0x673: {  	(xrf1) =	vsort.dscd.msk.f32 $0xffff, v21, v21;
	_ =	sdelay $0xa  }
0x674: {  	v21, _, _ =	vpop @p1 (xrf1)  }
0x675: {  	v21 =	vpsel p1, v21, v19  }
0x676: {  	v21 =	vperm.xlane v21, v18  }
0x677: {  	v23, _, _ =	vpop (xrf1)  }
0x678: {  	v21 =	vmax.f32 v23, v21  }
0x679: {  	v20 =	vmax.f32 @p1 v22, v20;
	(xrf1) =	vsort.dscd.msk.f32 $0xffff, v21, v21  }
0x67a: {  	(xrf1) =	vsort.dscd.msk.f32 @p1 $0xffff, v20, v20;
	_ =	sdelay $0xc  }
0x67b: {  	v20, _, _ =	vpop (xrf1)  }
0x67c: {  	v20 =	vperm.xlane v20, v18;
	v21, _, _ =	vpop @p1 (xrf1)  }
0x67d: {  	v19 =	vpsel p1, v21, v19  }
0x67e: {  	v21 =	vmin.f32 v19, v20  }
0x67f: {  	v19 =	vmax.f32 v19, v20;
	(xrf1) =	vsort.dscd.msk.f32 $0xffff, v21, v21  }
0x680: {  	(xrf1) =	vsort.dscd.msk.f32 $0xffff, v19, v19;
	_ =	sdelay $0x9  }
.Ltmp51:
0x681: {  	_ = 	snop;
	(pc) =	sbr.rel .LBB2_83-.Ltmp51, $3  }
0x682: {  	_ =	sdelay $0x1  }
0x683: {  	v21, _, _ =	vpop (xrf1)  }
0x684: {  	v19, _, _ =	vpop (xrf1)  }
.LBB2_75:
0x685: {  	v21 =	vimm.f32 $-Inf  }
.LBB2_83:
0x686: {  	s25 =	sshll.u32 s23, $0x4  }
0x687: {  	v20 =	vld [tilespmem:s25+$0x10000];
	_ =	sdelay $0x1  }
0x688: {  	s24 =	ssub.s32 s24, s25  }
0x689: {  	v22 =	vmov s24  }
0x68a: {  	vm1 =	vgt.s32 v22, v2  }
0x68b: {  	v20 =	vnsel vm1, $0xFF800000, v20  }
0x68c: {  	(xrf1) =	vsort.dscd.msk.f32 $0xffff, v20, v20;
	_ =	sdelay $0xc  }
0x68d: {  	v21 =	vperm.xlane v21, v18  }
0x68e: {  	v22, _, _ =	vpop (xrf1)  }
0x68f: {  	v21 =	vmax.f32 v22, v21  }
0x690: {  	(xrf1) =	vsort.dscd.msk.f32 $0xffff, v21, v21;
	_ =	sdelay $0xd  }
0x691: {  	v21, _, _ =	vpop (xrf1)  }
0x692: {  	v18 =	vperm.xlane v21, v18;
	_ =	sdelay $0x1  }
0x693: {  	v18 =	vmin.f32 v19, v18  }
0x694: {  	(xrf1) =	vsort.dscd.msk.f32 $0xffff, v18, v18;
	_ =	sdelay $0xd  }
.Ltmp52:
0x695: {  	v18, _, _ =	vpop (xrf1);
	(pc) =	sbr.rel @p0 .LBB2_87-.Ltmp52, $3  }
0x696: {  	v18 =	vperm.xlane v18, v0;
	_ =	sdelay $0x1  }
0x697: {  	v18 =	vadd.f32 $1.000000010e-07, v18  }
0x698: {  	s24 =	simm.s32 $0x10000;
	v19 =	vimm.f32 $0.0e+00  }
0x699: {  	v21 =	vld [tilespmem:s24+$0x0];
	p0 =	sne.s32 s23, $0x1  }
.Ltmp53:
0x69a: {  	_ = 	snop;
	(pc) =	sbr.rel @!p0 .LBB2_86-.Ltmp53, $2  }
0x69b: {  	_ =	sdelay $0x2  }
0x69c: {  	s23 =	sadd.s32 $0xFFFFFFFF, s23;
	s24 =	sadd.s32 $0x10, s24;
	v21 =	vsub.f32 v21, v18  }
.LBB2_85:
0x69d: {  	v22 =	vld [tilespmem:s24+$0x0];
	p0 =	sne.s32 s23, $0x1;
	s23 =	sadd.s32 $0xFFFFFFFF, s23  }
.Ltmp54:
0x69e: {  	v21 =	vmax.f32 v21, $0.0e+00;
	(pc) =	sbr.rel @p0 .LBB2_85-.Ltmp54, $2  }
0x69f: {  	v19 =	vadd.f32 v21, v19;
	_ =	sdelay $0x2  }
0x6a0: {  	s24 =	sadd.s32 $0x10, s24;
	v21 =	vsub.f32 v22, v18  }
.LBB2_86:
0x6a1: {  	_ = 	snop  }
0x6a2: {  	v21 =	vmax.f32 v21, $0.0e+00  }
0x6a3: {  	v19 =	vadd.f32 v21, v19  }
.LBB2_87:
0x6a4: {  	v20 =	vsub.f32 v20, v18;
	_ =	sdelay $0x1  }
0x6a5: {  	v20 =	vmax.f32 v20, $0.0e+00  }
0x6a6: {  	v19 =	vadd.f32 v19, v20;
	_ =	sdelay $0x1  }
0x6a7: {  	(xrf2) =	vadd.scan.msk.f32 $0xffff, v19;
	_ =	sdelay $0x9  }
0x6a8: {  	v19, _, _ =	vpop (xrf2)  }
0x6a9: {  	v19 =	vperm.xlane v19, v0;
	_ =	sdelay $0x1  }
0x6aa: {  	v19 =	vadd.f32 $1.000000010e-07, v19;
	_ =	sdelay $0x1  }
0x6ab: {  	(erf) = vrcp.f32 v19;
	_ =	sdelay $0x1  }
0x6ac: {  	s23 =	simm.s32 $0x0  }
0x6ad: {  	v20 =	vld [tilespmem:s23+$0x8000]  }
0x6ae: {  	v25 =	vld [tilespmem:s23+$0x8010]  }
0x6af: {  	v24 =	vld [tilespmem:s23+$0x8020]  }
0x6b0: {  	v23 =	vld [tilespmem:s23+$0x8030]  }
0x6b1: {  	v22 =	vld [tilespmem:s23+$0x8040]  }
0x6b2: {  	v21 =	vld [tilespmem:s23+$0x8050];
	v26 =	vsub.f32 v20, v18  }
0x6b3: {  	s24 =	simm.s32 $0x200;
	v25 =	vsub.f32 v25, v18;
	v20 =	vld [tilespmem:s23+$0x8060];
	v19 =	vpop (erf)  }
.LBB2_88:
0x6b4: {  	p0 =	sne.s32 s24, $0x1FE00;
	v26 =	vmax.f32 v26, $0.0e+00;
	v24 =	vsub.f32 v24, v18;
	v27 =	vld [tilespmem:s23+$0x8070]  }
0x6b5: {  	v26 =	vmul.f32 v26, v19;
	v25 =	vmax.f32 v25, $0.0e+00;
	v23 =	vsub.f32 v23, v18  }
0x6b6: {  	v25 =	vmul.f32 v25, v19;
	v24 =	vmax.f32 v24, $0.0e+00;
	v22 =	vsub.f32 v22, v18  }
0x6b7: {  	s25 =	sshra.s32 s24, $0x2;
	[tilespmem:s23+$0x8000] =	vst v26;
	v24 =	vmul.f32 v24, v19;
	v23 =	vmax.f32 v23, $0.0e+00;
	v21 =	vsub.f32 v21, v18  }
0x6b8: {  	v26 =	vld [tilespmem:s25+$0x8000];
	[tilespmem:s23+$0x8010] =	vst v25;
	v23 =	vmul.f32 v23, v19;
	v22 =	vmax.f32 v22, $0.0e+00;
	v20 =	vsub.f32 v20, v18  }
0x6b9: {  	v25 =	vld [tilespmem:s25+$0x8010];
	[tilespmem:s23+$0x8020] =	vst v24;
	v22 =	vmul.f32 v22, v19;
	v21 =	vmax.f32 v21, $0.0e+00;
	v27 =	vsub.f32 v27, v18  }
.Ltmp55:
0x6ba: {  	v24 =	vld [tilespmem:s25+$0x8020];
	[tilespmem:s23+$0x8030] =	vst v23;
	v21 =	vmul.f32 v21, v19;
	v20 =	vmax.f32 v20, $0.0e+00;
	(pc) =	sbr.rel @p0 .LBB2_88-.Ltmp55, $4  }
0x6bb: {  	v23 =	vld [tilespmem:s25+$0x8030];
	[tilespmem:s23+$0x8040] =	vst v22;
	v20 =	vmul.f32 v20, v19;
	v27 =	vmax.f32 v27, $0.0e+00  }
0x6bc: {  	v22 =	vld [tilespmem:s25+$0x8040];
	[tilespmem:s23+$0x8050] =	vst v21;
	v27 =	vmul.f32 v27, v19  }
0x6bd: {  	v26 =	vsub.f32 v26, v18;
	v21 =	vld [tilespmem:s25+$0x8050];
	[tilespmem:s23+$0x8060] =	vst v20  }
0x6be: {  	s24 =	sadd.s32 $0x200, s24;
	v25 =	vsub.f32 v25, v18;
	v20 =	vld [tilespmem:s25+$0x8060];
	[tilespmem:s23+$0x8070] =	vst v27;
	s23 =	smov.u32 s25  }
0x6bf: {  	v26 =	vmax.f32 v26, $0.0e+00;
	v24 =	vsub.f32 v24, v18;
	v27 =	vld [tilespmem:s23+$0x8070]  }
0x6c0: {  	v26 =	vmul.f32 v26, v19;
	v25 =	vmax.f32 v25, $0.0e+00;
	v23 =	vsub.f32 v23, v18  }
0x6c1: {  	v25 =	vmul.f32 v25, v19;
	v24 =	vmax.f32 v24, $0.0e+00;
	v22 =	vsub.f32 v22, v18  }
0x6c2: {  	[tilespmem:s23+$0x8000] =	vst v26;
	v24 =	vmul.f32 v24, v19;
	v23 =	vmax.f32 v23, $0.0e+00;
	v21 =	vsub.f32 v21, v18  }
0x6c3: {  	[tilespmem:s23+$0x8010] =	vst v25;
	v23 =	vmul.f32 v23, v19;
	v22 =	vmax.f32 v22, $0.0e+00;
	v20 =	vsub.f32 v20, v18  }
0x6c4: {  	[tilespmem:s23+$0x8020] =	vst v24;
	v22 =	vmul.f32 v22, v19;
	v21 =	vmax.f32 v21, $0.0e+00;
	v18 =	vsub.f32 v27, v18  }
0x6c5: {  	[tilespmem:s23+$0x8030] =	vst v23;
	v21 =	vmul.f32 v21, v19;
	v20 =	vmax.f32 v20, $0.0e+00  }
0x6c6: {  	[tilespmem:s23+$0x8040] =	vst v22;
	v20 =	vmul.f32 v20, v19;
	v18 =	vmax.f32 v18, $0.0e+00  }
0x6c7: {  	[tilespmem:s23+$0x8050] =	vst v21;
	v18 =	vmul.f32 v18, v19  }
0x6c8: {  	[tilespmem:s23+$0x8060] =	vst v20  }
0x6c9: {  	s22 =	sadd.s32 $0x1, s22;
	[tilespmem:s23+$0x8070] =	vst v18  }
0x6ca: {  	[hbm4b:s10+s12] =	stream.strided.scatter [tilespmem:s14], [sflag:$0x4], $0x8000, s13, s12, $0x38;
	[tilespmem:$0x18380] =	vst v63  }
0x6cb: {  	p0 =	sne.s32 s22, s11;
	_ =	swait.ge [sflag:s19], $0x8000  }
.Ltmp56:
0x6cc: {  	[sflag:s19] =	ssyncset.done $0x0;
	(pc) =	sbr.rel @p0 .LBB2_1-.Ltmp56, $4  }
.Ltmp57:
0x6cd: {  	[sflag:s19] =	ssyncadd.s32 $0xFFFF8000;
	(pc) =	sbr.rel @!p0 .LBB2_90-.Ltmp57, $4  }
0x6ce: {  	_ =	swait.ge [sflag:s21], $0x8000  }
0x6cf: {  	[sflag:s21] =	ssyncset.done $0x0  }
0x6d0: {  	[sflag:s21] =	ssyncadd.s32 $0xFFFF8000  }
0x6d1: {  	_ = 	snop  }
.LBB2_11:
.Ltmp58:
0x6d2: {  	(pc) =	sbr.rel .LBB2_16-.Ltmp58, $2  }
0x6d3: {  	_ =	sdelay $0x2  }
0x6d4: {  	_ = 	snop  }
.LBB2_33:
.Ltmp59:
0x6d5: {  	(pc) =	sbr.rel .LBB2_38-.Ltmp59, $2  }
0x6d6: {  	_ =	sdelay $0x2  }
0x6d7: {  	_ = 	snop  }
.LBB2_55:
.Ltmp60:
0x6d8: {  	(pc) =	sbr.rel .LBB2_60-.Ltmp60, $2  }
0x6d9: {  	_ =	sdelay $0x2  }
0x6da: {  	_ = 	snop  }
.LBB2_77:
.Ltmp61:
0x6db: {  	(pc) =	sbr.rel .LBB2_82-.Ltmp61, $2  }
0x6dc: {  	_ =	sdelay $0x2  }
0x6dd: {  	_ = 	snop  }
.LBB2_13:
.Ltmp62:
0x6de: {  	(pc) =	sbr.rel .LBB2_16-.Ltmp62, $2  }
0x6df: {  	_ =	sdelay $0x2  }
0x6e0: {  	_ = 	snop  }
.LBB2_35:
.Ltmp63:
0x6e1: {  	(pc) =	sbr.rel .LBB2_38-.Ltmp63, $2  }
0x6e2: {  	_ =	sdelay $0x2  }
0x6e3: {  	_ = 	snop  }
.LBB2_57:
.Ltmp64:
0x6e4: {  	(pc) =	sbr.rel .LBB2_60-.Ltmp64, $2  }
0x6e5: {  	_ =	sdelay $0x2  }
0x6e6: {  	_ = 	snop  }
.LBB2_79:
.Ltmp65:
0x6e7: {  	(pc) =	sbr.rel .LBB2_82-.Ltmp65, $2  }
0x6e8: {  	_ =	sdelay $0x2  }
0x6e9: {  	_ = 	snop  }
.LBB2_90:
0x6ea: {  	_ =	sfence.sel $0x180000  }
0x6eb: {  	[bflag:$0x0] =	sbarrier.arrive $0xFFFF  }
0x6ec: {  	p0 =	sne.s32 s1, $0x0;
	_ =	strace $0x90000047  }
0x6ed: {  	s0 =	sadd.s32 @!p0 $0x100000, s0;
	[bflag:$0x2] =	sbarrier.arrive $0xFFFF  }
0x6ee: {  	[sflag:s0] =	ssyncadd.tile.s32 @!p0 $0x1;
	_ =	shalt  }
.Lfunc_end2:
_tile_overlayer_lowered:
.L_overlay_start_2:
0x6ef: {  	(tag) =	ssettag $0x2  }
0x6f0: {  	s0 =	rddreg [dreg:$0x0];
	s2 =	stileid.u32  }
0x6f1: {  	s1 =	rddreg [dreg:$0x1];
	p0 =	sne.s32 s2, $0x0  }
0x6f2: {  	s3 =	rddreg [dreg:$0x2];
	[bflag:$0x3] =	sbarrier.arrive $0xFFFF;
	s2 =	simm.s32 @!p0 $0x1C05  }
0x6f3: {  	[timem:s3], [sflag:s2] =	dma.local @!p0 [hbm:s0], s1  }
0x6f4: {  	s0 =	simm.s32 @!p0 $0x5  }
0x6f5: {  	_ =	swait.ge @!p0 [sflag:s0], s1  }
0x6f6: {  	s1 =	ssub.s32 @!p0 $0x0, s1;
	[sflag:s0] =	ssyncset.done @!p0 $0x0  }
0x6f7: {  	[sflag:s0] =	ssyncadd.s32 @!p0 s1  }
0x6f8: {  	[bflag:$0x3] =	sbarrier.arrive $0xFFFF  }
0x6f9: {  	_ =	shalt  }

</sc_bundles>
